<compile_context>
chip_gen: v7x
topology: tpu7x:2x2x1
jax: 0.10.2.dev20260603
libtpu: 0.0.44.dev20260713+nightly
codegen_flags: <defaults>
</compile_context>

<pallas_src>
import functools

import jax
import jax.numpy as jnp
from jax import lax
from jax.experimental import pallas as pl
from jax.experimental.pallas import tpu as pltpu
from jax.experimental.pallas import tpu_sc as plsc

N = 256
KDEG = 4
NCOMB = 4
NT = 3
NCI = 10
B2 = 2
EPS = 1e-16
F32 = jnp.float32
I32 = jnp.int32



def _tc_body(x_ref, c_ref, d_ref, s_ref, m_ref, scal_ref, kap_ref, b_ref,
             xx_out, tmp0_out, base_out, maskb_out, elbd_out, exps_out,
             pf_out, pi_out):
    X = x_ref[...]
    b0 = scal_ref[0:1, 0:1]
    b1 = scal_ref[0:1, 1:2]
    b2s = scal_ref[0:1, 2:3]
    lam = scal_ref[0:1, 3:4]
    eta = scal_ref[0:1, 4:5]
    nu = scal_ref[0:1, 5:6]
    mu = scal_ref[0:1, 6:7]
    Ts = scal_ref[0:1, 7:8]
    bb = b_ref[...]

    hp = lax.Precision.HIGHEST
    sel1 = (bb == 1)
    C_b = jnp.where(sel1, c_ref[:, 1, :], c_ref[:, 0, :])
    D_b = jnp.where(sel1, d_ref[:, 1, :], d_ref[:, 0, :])
    S_b = jnp.where(sel1, s_ref[:, 1, :], s_ref[:, 0, :])
    M_b = jnp.where(sel1, m_ref[:, 1, :], m_ref[:, 0, :])

    r_i = lax.broadcasted_iota(I32, (N, N), 0)
    c_i = lax.broadcasted_iota(I32, (N, N), 1)
    eye = (r_i == c_i).astype(F32)
    XT = lax.dot_general(X, eye, (((0,), (0,)), ((), ())),
                         preferred_element_type=F32, precision=hp)

    X_ = 1.0 - X + EPS
    lX_ = jnp.log(X_)
    srow = jnp.sum(lX_, axis=1, keepdims=True)
    tmp0 = jnp.exp(srow - lX_)
    XX_ = X / X_
    exps = jnp.exp(srow)

    coup = lam + eta * D_b + nu * C_b + mu * S_b
    base = (4.0 * XT - 2.0) * coup + 100.0 * (M_b - 1.0)

    e1a = jnp.sum((b0 + jnp.sum(XX_, axis=1, keepdims=True) * b1) * exps)
    e2 = jnp.sum(coup * (1.0 + 4.0 * X * XT - 2.0 * (X + XT)) * M_b)
    e4 = -jnp.sum(Ts) * jnp.sum((X * jnp.log(X + EPS) + X_ * lX_) * M_b)

    xx_out[...] = XX_
    tmp0_out[...] = tmp0
    base_out[...] = base
    maskb_out[...] = M_b
    elbd_out[...] = jnp.reshape(e1a + e2 + e4, (1, 1))
    exps_out[...] = jnp.reshape(exps, (1, N))
    kapr = kap_ref[...]
    pf_out[...] = jnp.concatenate(
        [b1 - b0, b2s - b1, b2s, kapr,
         jnp.sum(kapr, axis=1, keepdims=True), 1.0 / Ts, b2s,
         jnp.zeros((1, 6), F32)], axis=1)
    pi_out[...] = jnp.broadcast_to(bb, (1, 16))


def _tc_prep(X, C2, D2, S2, M2, scal, kap, b2d):
    return pl.pallas_call(
        _tc_body,
        out_shape=[
            jax.ShapeDtypeStruct((N, N), F32),
            jax.ShapeDtypeStruct((N, N), F32),
            jax.ShapeDtypeStruct((N, N), F32),
            jax.ShapeDtypeStruct((N, N), F32),
            jax.ShapeDtypeStruct((1, 1), F32),
            jax.ShapeDtypeStruct((1, N), F32),
            jax.ShapeDtypeStruct((1, 16), F32),
            jax.ShapeDtypeStruct((1, 16), I32),
        ],
    )(X, C2, D2, S2, M2, scal, kap, b2d)



def _splat(v):
    return jnp.broadcast_to(jnp.asarray(v, I32), (16,))


def _sc_make(nc, nw, rpw):
    mesh = plsc.VectorSubcoreMesh(core_axis_name="c", subcore_axis_name="s")

    @functools.partial(
        pl.kernel,
        out_type=[
            jax.ShapeDtypeStruct((N, N), F32),
            jax.ShapeDtypeStruct((nw, 2, 16), F32),
        ],
        mesh=mesh,
        compiler_params=pltpu.CompilerParams(needs_layout_passes=False,
                                             use_tc_tiling_on_sc=True,
                                             disable_bounds_checks=True),
        scratch_types=[
            pltpu.VMEM((rpw, N), F32),
            pltpu.VMEM((rpw, N), F32),
            pltpu.VMEM((rpw, N), F32),
            pltpu.VMEM((rpw, N), F32),
            pltpu.VMEM((rpw, N), F32),
            pltpu.VMEM((rpw,), F32),
            pltpu.VMEM((1, 16), F32),
            pltpu.VMEM((1, 16), I32),
            pltpu.VMEM((rpw, KDEG, B2, N), I32),
            pltpu.VMEM((rpw, NCOMB, B2, N), I32),
            pltpu.VMEM((rpw, NCOMB, NT, B2, N), I32),
            pltpu.VMEM((rpw, NCI * 2 * B2), I32),
            pltpu.VMEM((rpw, N), F32),
            pltpu.VMEM((2, 16), F32),
            pltpu.SemaphoreType.DMA,
        ],
    )
    def sc_kernel(xx_hbm, tmp0_hbm, base_hbm, maskb_hbm, x_hbm, exps_hbm,
                  pf_hbm, pi_hbm, ij_hbm, ijF_hbm, ijT_hbm, iT_hbm,
                  sig_out, part_out,
                  xx_s, tmp0_s, base_s, mask_s, x_s, exps_s, pf_s, pi_s,
                  ij_s, ijF_s, ijT_s, iT_s, out_s, part_s, sem):
        wid = lax.axis_index("s") * nc + lax.axis_index("c")
        base_row = wid * rpw

        rsl = pl.ds(base_row, rpw)
        descs = [
            pltpu.async_copy(pi_hbm, pi_s, sem),
            pltpu.async_copy(pf_hbm, pf_s, sem),
            pltpu.async_copy(ij_hbm.at[rsl], ij_s, sem),
            pltpu.async_copy(ijF_hbm.at[rsl], ijF_s, sem),
            pltpu.async_copy(ijT_hbm.at[rsl], ijT_s, sem),
            pltpu.async_copy(iT_hbm.at[rsl], iT_s, sem),
            pltpu.async_copy(xx_hbm.at[rsl], xx_s, sem),
            pltpu.async_copy(tmp0_hbm.at[rsl], tmp0_s, sem),
            pltpu.async_copy(base_hbm.at[rsl], base_s, sem),
            pltpu.async_copy(maskb_hbm.at[rsl], mask_s, sem),
            pltpu.async_copy(x_hbm.at[rsl], x_s, sem),
            pltpu.async_copy(exps_hbm.at[0, rsl], exps_s, sem),
        ]
        for d in descs:
            d.wait()

        zero16 = _splat(0)
        lane = lax.broadcasted_iota(I32, (16,), 0)
        bvec = pi_s[0, :]
        bsc = bvec[0]
        bN = bsc * N
        vij = ij_s.reshape(rpw * KDEG * B2, N)
        vijF = ijF_s.reshape(rpw * NCOMB * B2, N)
        vijT = ijT_s.reshape(rpw * NCOMB * NT * B2, N)
        P0 = plsc.load_gather(pf_s, [zero16, zero16])
        P1 = plsc.load_gather(pf_s, [zero16, _splat(1)])
        P2 = plsc.load_gather(pf_s, [zero16, _splat(2)])
        kapv = [plsc.load_gather(pf_s, [zero16, _splat(3 + k)])
                for k in range(KDEG)]
        Kv = plsc.load_gather(pf_s, [zero16, _splat(7)])
        invTs = plsc.load_gather(pf_s, [zero16, _splat(8)])
        b2v = plsc.load_gather(pf_s, [zero16, _splat(9)])
        K2 = Kv + Kv

        e3 = jnp.zeros((16,), F32)
        for r in range(rpw):
            rsp = jnp.broadcast_to(jnp.asarray(r, I32), (16,))

            def chunk_body(t, e3acc, r=r, rsp=rsp):
                a0 = t * 16

                skx = jnp.zeros((16,), F32)
                s0 = jnp.zeros((16,), F32)
                for k in range(KDEG):
                    colv = vij[(r * KDEG + k) * B2 + bsc, pl.ds(a0, 16)]
                    s0 = s0 + plsc.load_gather(xx_s, [rsp, colv])
                    gx = plsc.load_gather(x_s, [rsp, colv])
                    skx = skx + gx * kapv[k]
                s2 = 4.0 * skx - K2

                s1 = jnp.zeros((16,), F32)
                for c in range(NCOMB):
                    colF = vijF[(r * NCOMB + c) * B2 + bsc, pl.ds(a0, 16)]
                    gF = plsc.load_gather(xx_s, [rsp, colF])
                    tsum = jnp.zeros((16,), F32)
                    for t_ in range(NT):
                        colT = vijT[((r * NCOMB + c) * NT + t_) * B2 + bsc,
                                    pl.ds(a0, 16)]
                        tsum = tsum + plsc.load_gather(xx_s, [rsp, colT])
                    s1 = s1 + gF * tsum

                tmp0v = tmp0_s[r, pl.ds(a0, 16)]
                basev = base_s[r, pl.ds(a0, 16)]
                maskv = mask_s[r, pl.ds(a0, 16)]
                hv = x_s[r, pl.ds(a0, 16)]

                gamma = (P0 + P1 * s0 - P2 * s1) * tmp0v + basev + s2
                out_s[r, pl.ds(a0, 16)] = 1.0 / (1.0 + jnp.exp(-gamma * invTs))

                return e3acc + maskv * ((1.0 - 2.0 * hv) * Kv
                                        + (hv - 0.5) * (s2 + K2))

            e3 = lax.fori_loop(0, N // 16, chunk_body, e3)

        lanec = jnp.minimum(lane, NCI - 1)

        def row_body(r, e1bacc):
            rsplat = jnp.broadcast_to(r, (16,))
            lTB = lanec * (2 * B2) + bvec
            c0 = plsc.load_gather(iT_s, [rsplat, lTB])
            c1 = plsc.load_gather(iT_s, [rsplat, lTB + B2])
            g0 = plsc.load_gather(xx_s, [rsplat, c0])
            g1 = plsc.load_gather(xx_s, [rsplat, c1])
            w = jnp.where(lane < NCI, g0 * g1, 0.0)
            ev = plsc.load_gather(exps_s, [rsplat])
            return e1bacc + w * ev

        e1b = lax.fori_loop(0, rpw, row_body, jnp.zeros((16,), F32))

        part_s[0, :] = e3
        part_s[1, :] = e1b * b2v
        pltpu.sync_copy(out_s, sig_out.at[pl.ds(base_row, rpw)])
        pltpu.sync_copy(part_s, part_out.at[wid])

    return sc_kernel



def kernel(X, T, C, D, S, mask, idx_ij, idx_ijF, idx_ijT, idx_iT,
           b0, b1, b2, lam, eta, nu, mu, kap, b):
    info = plsc.get_sparse_core_info()
    nw = info.num_cores * info.num_subcores
    rpw = N // nw

    scal = jnp.concatenate([b0, b1, b2, lam, eta, nu, mu, T]).reshape(1, 8)
    b2d = jnp.asarray(b, I32).reshape(1, 1)

    C3 = jnp.transpose(C, (0, 2, 1))
    D3 = jnp.transpose(D, (0, 2, 1))
    S3 = jnp.transpose(S, (0, 2, 1))
    M3 = jnp.transpose(mask, (0, 2, 1))
    XX_, tmp0, base, maskb, elbd, exps, pf, pi = _tc_prep(
        X, C3, D3, S3, M3, scal, kap, b2d)

    ij2 = jnp.transpose(idx_ij, (0, 2, 3, 1))
    ijF2 = jnp.transpose(idx_ijF, (0, 2, 3, 1))
    ijT2 = jnp.transpose(idx_ijT, (0, 2, 3, 4, 1))
    iT2 = idx_iT.reshape(N, NCI * 2 * B2)

    sc = _sc_make(info.num_cores, nw, rpw)
    sig, partials = sc(XX_, tmp0, base, maskb, X, exps, pf, pi,
                       ij2, ijF2, ijT2, iT2)
    elb = elbd[0, 0] + jnp.sum(partials)
    return (elb, sig)

# --- scband reference (transcript-rebuilt; emitter-appended) ---
"""Pipeline reference for scband-mfa-layer-53008486367980 (READ-ONLY COPY).

The authoritative reference and input builder live on the scoring server;
editing this copy changes nothing except your own understanding.
"""

import jax, jax.numpy as jnp
import numpy as np

N = 256
DEG = 6
NUM_COMB = 4       # comb(DEG-2, DEG-3)
NUM_COMB_I = 10    # comb(DEG-1, 2)
B = 2
EPS = 1e-16


def setup_inputs(seed: int = 0) -> dict:
    key = jax.random.key(seed)
    ks = jax.random.split(key, 20)
    X = jax.random.uniform(ks[0], (N, N), dtype=jnp.float32)
    T = jnp.ones((1,), dtype=jnp.float32)
    C = jax.random.uniform(ks[1], (N, N, B), dtype=jnp.float32)
    D = jax.random.uniform(ks[2], (N, N, B), dtype=jnp.float32)
    S = jax.random.uniform(ks[3], (N, N, B), dtype=jnp.float32)
    mask = jax.random.uniform(ks[4], (N, N, B), dtype=jnp.float32)
    idx_ij = jax.random.randint(ks[5], (N, N, DEG - 2, B), 0, N)
    idx_ijF = jax.random.randint(ks[6], (N, N, NUM_COMB, B), 0, N)
    idx_ijT = jax.random.randint(ks[7], (N, N, NUM_COMB, DEG - 3, B), 0, N)
    idx_iT = jax.random.randint(ks[8], (N, NUM_COMB_I, 2, B), 0, N)
    b0 = jax.random.uniform(ks[9], (1,), dtype=jnp.float32)
    b1 = jax.random.uniform(ks[10], (1,), dtype=jnp.float32)
    b2 = jax.random.uniform(ks[11], (1,), dtype=jnp.float32)
    lam = jax.random.uniform(ks[12], (1,), dtype=jnp.float32)
    eta = jax.random.uniform(ks[13], (1,), dtype=jnp.float32)
    nu = jax.random.uniform(ks[14], (1,), dtype=jnp.float32)
    mu = jax.random.uniform(ks[15], (1,), dtype=jnp.float32)
    kap = jax.random.uniform(ks[16], (1, DEG - 2), dtype=jnp.float32)
    return {"X": X, "T": T, "C": C, "D": D, "S": S, "mask": mask,
            "idx_ij": idx_ij, "idx_ijF": idx_ijF, "idx_ijT": idx_ijT, "idx_iT": idx_iT,
            "b0": b0, "b1": b1, "b2": b2, "lam": lam, "eta": eta, "nu": nu, "mu": mu,
            "kap": kap, "b": 1}


def reference(X, T, C, D, S, mask, idx_ij, idx_ijF, idx_ijT, idx_iT,
              b0, b1, b2, lam, eta, nu, mu, kap, b):
    Ts = jnp.squeeze(T)
    idx_ij_b = idx_ij[:, :, :, b]
    idx_ijF_b = idx_ijF[:, :, :, b]
    idx_ijT_b = idx_ijT[:, :, :, :, b]
    idx_iT_b = idx_iT[:, :, :, b]
    C_b, D_b, S_b, mask_b = C[:, :, b], D[:, :, b], S[:, :, b], mask[:, :, b]

    X_ = 1.0 - X + EPS
    XT = X.T
    lX_ = jnp.log(X_)
    tmp0 = jnp.sum(lX_, axis=1)
    tmp0 = jnp.exp(tmp0[:, None] - lX_)
    XX_ = X / X_

    row3 = jnp.arange(N)[:, None, None]
    row4 = jnp.arange(N)[:, None, None, None]

    # torch: XX_3D[i,a,j] == XX_[i,j]; gather along dim 2 => XX_[i, idx[i,a,k]]
    locUp0 = jnp.sum(XX_[row3, idx_ij_b], axis=2)                     # (N,N)
    gF = XX_[row3, idx_ijF_b]                                          # (N,N,NUM_COMB)
    gT4 = XX_[row4, idx_ijT_b]                                         # (N,N,NUM_COMB,DEG-3)
    locUp1 = jnp.sum(gF * jnp.sum(gT4, axis=3), axis=2)               # (N,N)

    gamma = (b1 - b0 + (b2 - b1) * locUp0 - b2 * locUp1) * tmp0
    coup = lam + eta * D_b + nu * C_b + mu * S_b                       # (N,N)
    gX3 = X[row3, idx_ij_b]                                            # (N,N,DEG-2)
    gamma = gamma + (4.0 * XT - 2.0) * coup + 100.0 * (mask_b - 1.0) \
            + jnp.sum((4.0 * gX3 - 2.0) * kap, axis=2)

    # elbo terms
    g_iT = XX_[row3, idx_iT_b]                                         # (N,NUM_COMB_I,2)
    elb = b0 + jnp.sum(XX_, axis=1) * b1                               # (N,)
    elb = elb + jnp.sum(jnp.prod(g_iT, axis=2), axis=1) * b2
    elb = jnp.sum(elb * jnp.exp(jnp.sum(lX_, axis=1)))
    elb = elb + jnp.sum(coup * (1.0 + 4.0 * X * XT - 2.0 * (X + XT)) * mask_b)
    # torch: X3D[:, 0:DEG-2, :].transpose(1,2)[i,j,a] == X[i,j]
    h = X[:, :, None]
    pair = 1.0 - 2.0 * (gX3 + h) + 4.0 * (gX3 * h)
    elb = elb + jnp.sum(jnp.sum(pair * kap, axis=2) * mask_b)
    elb = elb - Ts * jnp.sum((X * jnp.log(X + EPS) + X_ * lX_) * mask_b)

    return (elb, jax.nn.sigmoid(gamma / Ts))

if __name__ == "__main__":
    import jax
    _d = setup_inputs()
    print(jax.jit(kernel)(*tuple(_d.values())))

</pallas_src>

<mosaic_0001>
#map = affine_map<(d0, d1) -> (0, 0)>
#map1 = affine_map<(d0, d1) -> (0, 0, 0, 0)>
#map2 = affine_map<(d0, d1) -> (0, 0, 0, 0, 0)>
#map3 = affine_map<(d0, d1) -> (0, 0, 0)>
module attributes {stable_mosaic.version = 14 : i64} {
  func.func @sc_kernel(%arg0: i32, %arg1: i32, %arg2: memref<256x256xf32, #tpu.memory_space<hbm>>, %arg3: memref<256x256xf32, #tpu.memory_space<hbm>>, %arg4: memref<256x256xf32, #tpu.memory_space<hbm>>, %arg5: memref<256x256xf32, #tpu.memory_space<hbm>>, %arg6: memref<256x256xf32, #tpu.memory_space<hbm>>, %arg7: memref<1x256xf32, #tpu.memory_space<hbm>>, %arg8: memref<1x16xf32, #tpu.memory_space<hbm>>, %arg9: memref<1x16xi32, #tpu.memory_space<hbm>>, %arg10: memref<256x4x2x256xi32, #tpu.memory_space<hbm>>, %arg11: memref<256x4x2x256xi32, #tpu.memory_space<hbm>>, %arg12: memref<256x4x3x2x256xi32, #tpu.memory_space<hbm>>, %arg13: memref<256x40xi32, #tpu.memory_space<hbm>>, %arg14: memref<256x256xf32, #tpu.memory_space<hbm>>, %arg15: memref<32x2x16xf32, #tpu.memory_space<hbm>>, %arg16: memref<8x256xf32, #tpu.memory_space<vmem>>, %arg17: memref<8x256xf32, #tpu.memory_space<vmem>>, %arg18: memref<8x256xf32, #tpu.memory_space<vmem>>, %arg19: memref<8x256xf32, #tpu.memory_space<vmem>>, %arg20: memref<8x256xf32, #tpu.memory_space<vmem>>, %arg21: memref<8xf32, #tpu.memory_space<vmem>>, %arg22: memref<1x16xf32, #tpu.memory_space<vmem>>, %arg23: memref<1x16xi32, #tpu.memory_space<vmem>>, %arg24: memref<8x4x2x256xi32, #tpu.memory_space<vmem>>, %arg25: memref<8x4x2x256xi32, #tpu.memory_space<vmem>>, %arg26: memref<8x4x3x2x256xi32, #tpu.memory_space<vmem>>, %arg27: memref<8x40xi32, #tpu.memory_space<vmem>>, %arg28: memref<8x256xf32, #tpu.memory_space<vmem>>, %arg29: memref<2x16xf32, #tpu.memory_space<vmem>>, %arg30: memref<!tpu.dma_semaphore, #tpu.memory_space<semaphore_mem>>) attributes {dimension_semantics = [#tpu.dimension_semantics<core_parallel>, #tpu.dimension_semantics<subcore_parallel>], iteration_bounds = array<i64: 2, 16>, scalar_prefetch = 0 : i64, scratch_operands = 15 : i64, tpu.core_type = #tpu.core_type<sc_vector_subcore>, window_params = [{transform_indices = #map}, {transform_indices = #map}, {transform_indices = #map}, {transform_indices = #map}, {transform_indices = #map}, {transform_indices = #map}, {transform_indices = #map}, {transform_indices = #map}, {transform_indices = #map1}, {transform_indices = #map1}, {transform_indices = #map2}, {transform_indices = #map}, {transform_indices = #map}, {transform_indices = #map3}]} {
    %mul3A = arith.constant 2 : i32
    %mul3A_0 = arith.muli %arg1, %mul3A : i32
    %add3A = arith.addi %mul3A_0, %arg0 : i32
    %mul3A_1 = arith.constant 8 : i32
    %mul3A_2 = arith.muli %add3A, %mul3A_1 : i32
    tpu.enqueue_dma source(%arg9 : memref<1x16xi32, #tpu.memory_space<hbm>>) target(%arg23 : memref<1x16xi32, #tpu.memory_space<vmem>>) target_semaphore(%arg30 : memref<!tpu.dma_semaphore, #tpu.memory_space<semaphore_mem>>)
    tpu.enqueue_dma source(%arg8 : memref<1x16xf32, #tpu.memory_space<hbm>>) target(%arg22 : memref<1x16xf32, #tpu.memory_space<vmem>>) target_semaphore(%arg30 : memref<!tpu.dma_semaphore, #tpu.memory_space<semaphore_mem>>)
    %dma_start3A = arith.constant 0 : i32
    %dma_start3A_3 = arith.constant 0 : i32
    %dma_start3A_4 = arith.constant 0 : i32
    %dma_start3A_5 = tpu.memref_slice %arg10[%mul3A_2, %dma_start3A, %dma_start3A_3, %dma_start3A_4] : memref<256x4x2x256xi32, #tpu.memory_space<hbm>> -> memref<8x4x2x256xi32, #tpu.memory_space<hbm>>
    %dma_start3A_6 = arith.constant 0 : i32
    %dma_start3A_7 = arith.constant 0 : i32
    %dma_start3A_8 = arith.constant 0 : i32
    %dma_start3A_9 = tpu.memref_slice %arg10[%mul3A_2, %dma_start3A_6, %dma_start3A_7, %dma_start3A_8] : memref<256x4x2x256xi32, #tpu.memory_space<hbm>> -> memref<8x4x2x256xi32, #tpu.memory_space<hbm>>
    tpu.enqueue_dma source(%dma_start3A_9 : memref<8x4x2x256xi32, #tpu.memory_space<hbm>>) target(%arg24 : memref<8x4x2x256xi32, #tpu.memory_space<vmem>>) target_semaphore(%arg30 : memref<!tpu.dma_semaphore, #tpu.memory_space<semaphore_mem>>)
    %dma_start3A_10 = arith.constant 0 : i32
    %dma_start3A_11 = arith.constant 0 : i32
    %dma_start3A_12 = arith.constant 0 : i32
    %dma_start3A_13 = tpu.memref_slice %arg11[%mul3A_2, %dma_start3A_10, %dma_start3A_11, %dma_start3A_12] : memref<256x4x2x256xi32, #tpu.memory_space<hbm>> -> memref<8x4x2x256xi32, #tpu.memory_space<hbm>>
    %dma_start3A_14 = arith.constant 0 : i32
    %dma_start3A_15 = arith.constant 0 : i32
    %dma_start3A_16 = arith.constant 0 : i32
    %dma_start3A_17 = tpu.memref_slice %arg11[%mul3A_2, %dma_start3A_14, %dma_start3A_15, %dma_start3A_16] : memref<256x4x2x256xi32, #tpu.memory_space<hbm>> -> memref<8x4x2x256xi32, #tpu.memory_space<hbm>>
    tpu.enqueue_dma source(%dma_start3A_17 : memref<8x4x2x256xi32, #tpu.memory_space<hbm>>) target(%arg25 : memref<8x4x2x256xi32, #tpu.memory_space<vmem>>) target_semaphore(%arg30 : memref<!tpu.dma_semaphore, #tpu.memory_space<semaphore_mem>>)
    %dma_start3A_18 = arith.constant 0 : i32
    %dma_start3A_19 = arith.constant 0 : i32
    %dma_start3A_20 = arith.constant 0 : i32
    %dma_start3A_21 = arith.constant 0 : i32
    %dma_start3A_22 = tpu.memref_slice %arg12[%mul3A_2, %dma_start3A_18, %dma_start3A_19, %dma_start3A_20, %dma_start3A_21] : memref<256x4x3x2x256xi32, #tpu.memory_space<hbm>> -> memref<8x4x3x2x256xi32, #tpu.memory_space<hbm>>
    %dma_start3A_23 = arith.constant 0 : i32
    %dma_start3A_24 = arith.constant 0 : i32
    %dma_start3A_25 = arith.constant 0 : i32
    %dma_start3A_26 = arith.constant 0 : i32
    %dma_start3A_27 = tpu.memref_slice %arg12[%mul3A_2, %dma_start3A_23, %dma_start3A_24, %dma_start3A_25, %dma_start3A_26] : memref<256x4x3x2x256xi32, #tpu.memory_space<hbm>> -> memref<8x4x3x2x256xi32, #tpu.memory_space<hbm>>
    tpu.enqueue_dma source(%dma_start3A_27 : memref<8x4x3x2x256xi32, #tpu.memory_space<hbm>>) target(%arg26 : memref<8x4x3x2x256xi32, #tpu.memory_space<vmem>>) target_semaphore(%arg30 : memref<!tpu.dma_semaphore, #tpu.memory_space<semaphore_mem>>)
    %dma_start3A_28 = arith.constant 0 : i32
    %dma_start3A_29 = tpu.memref_slice %arg13[%mul3A_2, %dma_start3A_28] : memref<256x40xi32, #tpu.memory_space<hbm>> -> memref<8x40xi32, #tpu.memory_space<hbm>>
    %dma_start3A_30 = arith.constant 0 : i32
    %dma_start3A_31 = tpu.memref_slice %arg13[%mul3A_2, %dma_start3A_30] : memref<256x40xi32, #tpu.memory_space<hbm>> -> memref<8x40xi32, #tpu.memory_space<hbm>>
    tpu.enqueue_dma source(%dma_start3A_31 : memref<8x40xi32, #tpu.memory_space<hbm>>) target(%arg27 : memref<8x40xi32, #tpu.memory_space<vmem>>) target_semaphore(%arg30 : memref<!tpu.dma_semaphore, #tpu.memory_space<semaphore_mem>>)
    %dma_start3A_32 = arith.constant 0 : i32
    %dma_start3A_33 = tpu.memref_slice %arg2[%mul3A_2, %dma_start3A_32] : memref<256x256xf32, #tpu.memory_space<hbm>> -> memref<8x256xf32, #tpu.memory_space<hbm>>
    %dma_start3A_34 = arith.constant 0 : i32
    %dma_start3A_35 = tpu.memref_slice %arg2[%mul3A_2, %dma_start3A_34] : memref<256x256xf32, #tpu.memory_space<hbm>> -> memref<8x256xf32, #tpu.memory_space<hbm>>
    tpu.enqueue_dma source(%dma_start3A_35 : memref<8x256xf32, #tpu.memory_space<hbm>>) target(%arg16 : memref<8x256xf32, #tpu.memory_space<vmem>>) target_semaphore(%arg30 : memref<!tpu.dma_semaphore, #tpu.memory_space<semaphore_mem>>)
    %dma_start3A_36 = arith.constant 0 : i32
    %dma_start3A_37 = tpu.memref_slice %arg3[%mul3A_2, %dma_start3A_36] : memref<256x256xf32, #tpu.memory_space<hbm>> -> memref<8x256xf32, #tpu.memory_space<hbm>>
    %dma_start3A_38 = arith.constant 0 : i32
    %dma_start3A_39 = tpu.memref_slice %arg3[%mul3A_2, %dma_start3A_38] : memref<256x256xf32, #tpu.memory_space<hbm>> -> memref<8x256xf32, #tpu.memory_space<hbm>>
    tpu.enqueue_dma source(%dma_start3A_39 : memref<8x256xf32, #tpu.memory_space<hbm>>) target(%arg17 : memref<8x256xf32, #tpu.memory_space<vmem>>) target_semaphore(%arg30 : memref<!tpu.dma_semaphore, #tpu.memory_space<semaphore_mem>>)
    %dma_start3A_40 = arith.constant 0 : i32
    %dma_start3A_41 = tpu.memref_slice %arg4[%mul3A_2, %dma_start3A_40] : memref<256x256xf32, #tpu.memory_space<hbm>> -> memref<8x256xf32, #tpu.memory_space<hbm>>
    %dma_start3A_42 = arith.constant 0 : i32
    %dma_start3A_43 = tpu.memref_slice %arg4[%mul3A_2, %dma_start3A_42] : memref<256x256xf32, #tpu.memory_space<hbm>> -> memref<8x256xf32, #tpu.memory_space<hbm>>
    tpu.enqueue_dma source(%dma_start3A_43 : memref<8x256xf32, #tpu.memory_space<hbm>>) target(%arg18 : memref<8x256xf32, #tpu.memory_space<vmem>>) target_semaphore(%arg30 : memref<!tpu.dma_semaphore, #tpu.memory_space<semaphore_mem>>)
    %dma_start3A_44 = arith.constant 0 : i32
    %dma_start3A_45 = tpu.memref_slice %arg5[%mul3A_2, %dma_start3A_44] : memref<256x256xf32, #tpu.memory_space<hbm>> -> memref<8x256xf32, #tpu.memory_space<hbm>>
    %dma_start3A_46 = arith.constant 0 : i32
    %dma_start3A_47 = tpu.memref_slice %arg5[%mul3A_2, %dma_start3A_46] : memref<256x256xf32, #tpu.memory_space<hbm>> -> memref<8x256xf32, #tpu.memory_space<hbm>>
    tpu.enqueue_dma source(%dma_start3A_47 : memref<8x256xf32, #tpu.memory_space<hbm>>) target(%arg19 : memref<8x256xf32, #tpu.memory_space<vmem>>) target_semaphore(%arg30 : memref<!tpu.dma_semaphore, #tpu.memory_space<semaphore_mem>>)
    %dma_start3A_48 = arith.constant 0 : i32
    %dma_start3A_49 = tpu.memref_slice %arg6[%mul3A_2, %dma_start3A_48] : memref<256x256xf32, #tpu.memory_space<hbm>> -> memref<8x256xf32, #tpu.memory_space<hbm>>
    %dma_start3A_50 = arith.constant 0 : i32
    %dma_start3A_51 = tpu.memref_slice %arg6[%mul3A_2, %dma_start3A_50] : memref<256x256xf32, #tpu.memory_space<hbm>> -> memref<8x256xf32, #tpu.memory_space<hbm>>
    tpu.enqueue_dma source(%dma_start3A_51 : memref<8x256xf32, #tpu.memory_space<hbm>>) target(%arg20 : memref<8x256xf32, #tpu.memory_space<vmem>>) target_semaphore(%arg30 : memref<!tpu.dma_semaphore, #tpu.memory_space<semaphore_mem>>)
    %dma_start3A_52 = arith.constant 0 : i32
    %dma_start3A_53 = tpu.memref_slice %arg7[%dma_start3A_52, %mul3A_2] : memref<1x256xf32, #tpu.memory_space<hbm>> -> memref<1x8xf32, #tpu.memory_space<hbm>>
    %dma_start3A_54 = tpu.memref_squeeze %dma_start3A_53 : memref<1x8xf32, #tpu.memory_space<hbm>> -> memref<8xf32, #tpu.memory_space<hbm>>
    %dma_start3A_55 = tpu.memref_slice %arg7[%dma_start3A_52, %mul3A_2] : memref<1x256xf32, #tpu.memory_space<hbm>> -> memref<1x8xf32, #tpu.memory_space<hbm>>
    %dma_start3A_56 = tpu.memref_squeeze %dma_start3A_55 : memref<1x8xf32, #tpu.memory_space<hbm>> -> memref<8xf32, #tpu.memory_space<hbm>>
    tpu.enqueue_dma source(%dma_start3A_56 : memref<8xf32, #tpu.memory_space<hbm>>) target(%arg21 : memref<8xf32, #tpu.memory_space<vmem>>) target_semaphore(%arg30 : memref<!tpu.dma_semaphore, #tpu.memory_space<semaphore_mem>>)
    tpu.wait_dma2 semaphore(%arg30 : memref<!tpu.dma_semaphore, #tpu.memory_space<semaphore_mem>>) src(%arg9 : memref<1x16xi32, #tpu.memory_space<hbm>>) dst(%arg23 : memref<1x16xi32, #tpu.memory_space<vmem>>)
    tpu.wait_dma2 semaphore(%arg30 : memref<!tpu.dma_semaphore, #tpu.memory_space<semaphore_mem>>) src(%arg8 : memref<1x16xf32, #tpu.memory_space<hbm>>) dst(%arg22 : memref<1x16xf32, #tpu.memory_space<vmem>>)
    %dma_wait3A = arith.constant 0 : i32
    %dma_wait3A_57 = arith.constant 0 : i32
    %dma_wait3A_58 = arith.constant 0 : i32
    %dma_wait3A_59 = tpu.memref_slice %arg10[%mul3A_2, %dma_wait3A, %dma_wait3A_57, %dma_wait3A_58] : memref<256x4x2x256xi32, #tpu.memory_space<hbm>> -> memref<8x4x2x256xi32, #tpu.memory_space<hbm>>
    %dma_wait3A_60 = arith.constant 0 : i32
    %dma_wait3A_61 = arith.constant 0 : i32
    %dma_wait3A_62 = arith.constant 0 : i32
    %dma_wait3A_63 = tpu.memref_slice %arg10[%mul3A_2, %dma_wait3A_60, %dma_wait3A_61, %dma_wait3A_62] : memref<256x4x2x256xi32, #tpu.memory_space<hbm>> -> memref<8x4x2x256xi32, #tpu.memory_space<hbm>>
    tpu.wait_dma2 semaphore(%arg30 : memref<!tpu.dma_semaphore, #tpu.memory_space<semaphore_mem>>) src(%dma_wait3A_63 : memref<8x4x2x256xi32, #tpu.memory_space<hbm>>) dst(%arg24 : memref<8x4x2x256xi32, #tpu.memory_space<vmem>>)
    %dma_wait3A_64 = arith.constant 0 : i32
    %dma_wait3A_65 = arith.constant 0 : i32
    %dma_wait3A_66 = arith.constant 0 : i32
    %dma_wait3A_67 = tpu.memref_slice %arg11[%mul3A_2, %dma_wait3A_64, %dma_wait3A_65, %dma_wait3A_66] : memref<256x4x2x256xi32, #tpu.memory_space<hbm>> -> memref<8x4x2x256xi32, #tpu.memory_space<hbm>>
    %dma_wait3A_68 = arith.constant 0 : i32
    %dma_wait3A_69 = arith.constant 0 : i32
    %dma_wait3A_70 = arith.constant 0 : i32
    %dma_wait3A_71 = tpu.memref_slice %arg11[%mul3A_2, %dma_wait3A_68, %dma_wait3A_69, %dma_wait3A_70] : memref<256x4x2x256xi32, #tpu.memory_space<hbm>> -> memref<8x4x2x256xi32, #tpu.memory_space<hbm>>
    tpu.wait_dma2 semaphore(%arg30 : memref<!tpu.dma_semaphore, #tpu.memory_space<semaphore_mem>>) src(%dma_wait3A_71 : memref<8x4x2x256xi32, #tpu.memory_space<hbm>>) dst(%arg25 : memref<8x4x2x256xi32, #tpu.memory_space<vmem>>)
    %dma_wait3A_72 = arith.constant 0 : i32
    %dma_wait3A_73 = arith.constant 0 : i32
    %dma_wait3A_74 = arith.constant 0 : i32
    %dma_wait3A_75 = arith.constant 0 : i32
    %dma_wait3A_76 = tpu.memref_slice %arg12[%mul3A_2, %dma_wait3A_72, %dma_wait3A_73, %dma_wait3A_74, %dma_wait3A_75] : memref<256x4x3x2x256xi32, #tpu.memory_space<hbm>> -> memref<8x4x3x2x256xi32, #tpu.memory_space<hbm>>
    %dma_wait3A_77 = arith.constant 0 : i32
    %dma_wait3A_78 = arith.constant 0 : i32
    %dma_wait3A_79 = arith.constant 0 : i32
    %dma_wait3A_80 = arith.constant 0 : i32
    %dma_wait3A_81 = tpu.memref_slice %arg12[%mul3A_2, %dma_wait3A_77, %dma_wait3A_78, %dma_wait3A_79, %dma_wait3A_80] : memref<256x4x3x2x256xi32, #tpu.memory_space<hbm>> -> memref<8x4x3x2x256xi32, #tpu.memory_space<hbm>>
    tpu.wait_dma2 semaphore(%arg30 : memref<!tpu.dma_semaphore, #tpu.memory_space<semaphore_mem>>) src(%dma_wait3A_81 : memref<8x4x3x2x256xi32, #tpu.memory_space<hbm>>) dst(%arg26 : memref<8x4x3x2x256xi32, #tpu.memory_space<vmem>>)
    %dma_wait3A_82 = arith.constant 0 : i32
    %dma_wait3A_83 = tpu.memref_slice %arg13[%mul3A_2, %dma_wait3A_82] : memref<256x40xi32, #tpu.memory_space<hbm>> -> memref<8x40xi32, #tpu.memory_space<hbm>>
    %dma_wait3A_84 = arith.constant 0 : i32
    %dma_wait3A_85 = tpu.memref_slice %arg13[%mul3A_2, %dma_wait3A_84] : memref<256x40xi32, #tpu.memory_space<hbm>> -> memref<8x40xi32, #tpu.memory_space<hbm>>
    tpu.wait_dma2 semaphore(%arg30 : memref<!tpu.dma_semaphore, #tpu.memory_space<semaphore_mem>>) src(%dma_wait3A_85 : memref<8x40xi32, #tpu.memory_space<hbm>>) dst(%arg27 : memref<8x40xi32, #tpu.memory_space<vmem>>)
    %dma_wait3A_86 = arith.constant 0 : i32
    %dma_wait3A_87 = tpu.memref_slice %arg2[%mul3A_2, %dma_wait3A_86] : memref<256x256xf32, #tpu.memory_space<hbm>> -> memref<8x256xf32, #tpu.memory_space<hbm>>
    %dma_wait3A_88 = arith.constant 0 : i32
    %dma_wait3A_89 = tpu.memref_slice %arg2[%mul3A_2, %dma_wait3A_88] : memref<256x256xf32, #tpu.memory_space<hbm>> -> memref<8x256xf32, #tpu.memory_space<hbm>>
    tpu.wait_dma2 semaphore(%arg30 : memref<!tpu.dma_semaphore, #tpu.memory_space<semaphore_mem>>) src(%dma_wait3A_89 : memref<8x256xf32, #tpu.memory_space<hbm>>) dst(%arg16 : memref<8x256xf32, #tpu.memory_space<vmem>>)
    %dma_wait3A_90 = arith.constant 0 : i32
    %dma_wait3A_91 = tpu.memref_slice %arg3[%mul3A_2, %dma_wait3A_90] : memref<256x256xf32, #tpu.memory_space<hbm>> -> memref<8x256xf32, #tpu.memory_space<hbm>>
    %dma_wait3A_92 = arith.constant 0 : i32
    %dma_wait3A_93 = tpu.memref_slice %arg3[%mul3A_2, %dma_wait3A_92] : memref<256x256xf32, #tpu.memory_space<hbm>> -> memref<8x256xf32, #tpu.memory_space<hbm>>
    tpu.wait_dma2 semaphore(%arg30 : memref<!tpu.dma_semaphore, #tpu.memory_space<semaphore_mem>>) src(%dma_wait3A_93 : memref<8x256xf32, #tpu.memory_space<hbm>>) dst(%arg17 : memref<8x256xf32, #tpu.memory_space<vmem>>)
    %dma_wait3A_94 = arith.constant 0 : i32
    %dma_wait3A_95 = tpu.memref_slice %arg4[%mul3A_2, %dma_wait3A_94] : memref<256x256xf32, #tpu.memory_space<hbm>> -> memref<8x256xf32, #tpu.memory_space<hbm>>
    %dma_wait3A_96 = arith.constant 0 : i32
    %dma_wait3A_97 = tpu.memref_slice %arg4[%mul3A_2, %dma_wait3A_96] : memref<256x256xf32, #tpu.memory_space<hbm>> -> memref<8x256xf32, #tpu.memory_space<hbm>>
    tpu.wait_dma2 semaphore(%arg30 : memref<!tpu.dma_semaphore, #tpu.memory_space<semaphore_mem>>) src(%dma_wait3A_97 : memref<8x256xf32, #tpu.memory_space<hbm>>) dst(%arg18 : memref<8x256xf32, #tpu.memory_space<vmem>>)
    %dma_wait3A_98 = arith.constant 0 : i32
    %dma_wait3A_99 = tpu.memref_slice %arg5[%mul3A_2, %dma_wait3A_98] : memref<256x256xf32, #tpu.memory_space<hbm>> -> memref<8x256xf32, #tpu.memory_space<hbm>>
    %dma_wait3A_100 = arith.constant 0 : i32
    %dma_wait3A_101 = tpu.memref_slice %arg5[%mul3A_2, %dma_wait3A_100] : memref<256x256xf32, #tpu.memory_space<hbm>> -> memref<8x256xf32, #tpu.memory_space<hbm>>
    tpu.wait_dma2 semaphore(%arg30 : memref<!tpu.dma_semaphore, #tpu.memory_space<semaphore_mem>>) src(%dma_wait3A_101 : memref<8x256xf32, #tpu.memory_space<hbm>>) dst(%arg19 : memref<8x256xf32, #tpu.memory_space<vmem>>)
    %dma_wait3A_102 = arith.constant 0 : i32
    %dma_wait3A_103 = tpu.memref_slice %arg6[%mul3A_2, %dma_wait3A_102] : memref<256x256xf32, #tpu.memory_space<hbm>> -> memref<8x256xf32, #tpu.memory_space<hbm>>
    %dma_wait3A_104 = arith.constant 0 : i32
    %dma_wait3A_105 = tpu.memref_slice %arg6[%mul3A_2, %dma_wait3A_104] : memref<256x256xf32, #tpu.memory_space<hbm>> -> memref<8x256xf32, #tpu.memory_space<hbm>>
    tpu.wait_dma2 semaphore(%arg30 : memref<!tpu.dma_semaphore, #tpu.memory_space<semaphore_mem>>) src(%dma_wait3A_105 : memref<8x256xf32, #tpu.memory_space<hbm>>) dst(%arg20 : memref<8x256xf32, #tpu.memory_space<vmem>>)
    %dma_wait3A_106 = arith.constant 0 : i32
    %dma_wait3A_107 = tpu.memref_slice %arg7[%dma_wait3A_106, %mul3A_2] : memref<1x256xf32, #tpu.memory_space<hbm>> -> memref<1x8xf32, #tpu.memory_space<hbm>>
    %dma_wait3A_108 = tpu.memref_squeeze %dma_wait3A_107 : memref<1x8xf32, #tpu.memory_space<hbm>> -> memref<8xf32, #tpu.memory_space<hbm>>
    %dma_wait3A_109 = tpu.memref_slice %arg7[%dma_wait3A_106, %mul3A_2] : memref<1x256xf32, #tpu.memory_space<hbm>> -> memref<1x8xf32, #tpu.memory_space<hbm>>
    %dma_wait3A_110 = tpu.memref_squeeze %dma_wait3A_109 : memref<1x8xf32, #tpu.memory_space<hbm>> -> memref<8xf32, #tpu.memory_space<hbm>>
    tpu.wait_dma2 semaphore(%arg30 : memref<!tpu.dma_semaphore, #tpu.memory_space<semaphore_mem>>) src(%dma_wait3A_110 : memref<8xf32, #tpu.memory_space<hbm>>) dst(%arg21 : memref<8xf32, #tpu.memory_space<vmem>>)
    %broadcast_in_dim3A = arith.constant 0 : i32
    %broadcast_in_dim3A_111 = vector.broadcast %broadcast_in_dim3A : i32 to vector<16xi32>
    %iota3A = tpu.iota {dimensions = array<i32: 0>} : vector<16xi32>
    %get3A = arith.constant 0 : i32
    %get3A_112 = arith.index_cast %get3A : i32 to index
    %get3A_113 = arith.constant 0 : index
    %get3A_114 = tpu.vector_load %arg23[%get3A_112, %get3A_113] {strides = array<i32>} : memref<1x16xi32, #tpu.memory_space<vmem>>, vector<16xi32>,
    %slice3A = vector.extract_strided_slice %get3A_114 {offsets = [0], sizes = [1], strides = [1]} : vector<16xi32> to vector<1xi32>
    %squeeze3A = vector.extract %slice3A[0] : i32 from vector<1xi32>
    %mul3A_115 = arith.constant 256 : i32
    %mul3A_116 = arith.muli %squeeze3A, %mul3A_115 : i32
    %gather3A = tpu.vector_load_idx %arg22[%broadcast_in_dim3A_111, %broadcast_in_dim3A_111] : memref<1x16xf32, #tpu.memory_space<vmem>>[vector<16xi32>, vector<16xi32>], vector<16xf32>,
    %broadcast_in_dim3A_117 = arith.constant 1 : i32
    %broadcast_in_dim3A_118 = vector.broadcast %broadcast_in_dim3A_117 : i32 to vector<16xi32>
    %gather3A_119 = tpu.vector_load_idx %arg22[%broadcast_in_dim3A_111, %broadcast_in_dim3A_118] : memref<1x16xf32, #tpu.memory_space<vmem>>[vector<16xi32>, vector<16xi32>], vector<16xf32>,
    %broadcast_in_dim3A_120 = arith.constant 2 : i32
    %broadcast_in_dim3A_121 = vector.broadcast %broadcast_in_dim3A_120 : i32 to vector<16xi32>
    %gather3A_122 = tpu.vector_load_idx %arg22[%broadcast_in_dim3A_111, %broadcast_in_dim3A_121] : memref<1x16xf32, #tpu.memory_space<vmem>>[vector<16xi32>, vector<16xi32>], vector<16xf32>,
    %broadcast_in_dim3A_123 = arith.constant 3 : i32
    %broadcast_in_dim3A_124 = vector.broadcast %broadcast_in_dim3A_123 : i32 to vector<16xi32>
    %gather3A_125 = tpu.vector_load_idx %arg22[%broadcast_in_dim3A_111, %broadcast_in_dim3A_124] : memref<1x16xf32, #tpu.memory_space<vmem>>[vector<16xi32>, vector<16xi32>], vector<16xf32>,
    %broadcast_in_dim3A_126 = arith.constant 4 : i32
    %broadcast_in_dim3A_127 = vector.broadcast %broadcast_in_dim3A_126 : i32 to vector<16xi32>
    %gather3A_128 = tpu.vector_load_idx %arg22[%broadcast_in_dim3A_111, %broadcast_in_dim3A_127] : memref<1x16xf32, #tpu.memory_space<vmem>>[vector<16xi32>, vector<16xi32>], vector<16xf32>,
    %broadcast_in_dim3A_129 = arith.constant 5 : i32
    %broadcast_in_dim3A_130 = vector.broadcast %broadcast_in_dim3A_129 : i32 to vector<16xi32>
    %gather3A_131 = tpu.vector_load_idx %arg22[%broadcast_in_dim3A_111, %broadcast_in_dim3A_130] : memref<1x16xf32, #tpu.memory_space<vmem>>[vector<16xi32>, vector<16xi32>], vector<16xf32>,
    %broadcast_in_dim3A_132 = arith.constant 6 : i32
    %broadcast_in_dim3A_133 = vector.broadcast %broadcast_in_dim3A_132 : i32 to vector<16xi32>
    %gather3A_134 = tpu.vector_load_idx %arg22[%broadcast_in_dim3A_111, %broadcast_in_dim3A_133] : memref<1x16xf32, #tpu.memory_space<vmem>>[vector<16xi32>, vector<16xi32>], vector<16xf32>,
    %broadcast_in_dim3A_135 = arith.constant 7 : i32
    %broadcast_in_dim3A_136 = vector.broadcast %broadcast_in_dim3A_135 : i32 to vector<16xi32>
    %gather3A_137 = tpu.vector_load_idx %arg22[%broadcast_in_dim3A_111, %broadcast_in_dim3A_136] : memref<1x16xf32, #tpu.memory_space<vmem>>[vector<16xi32>, vector<16xi32>], vector<16xf32>,
    %broadcast_in_dim3A_138 = arith.constant 8 : i32
    %broadcast_in_dim3A_139 = vector.broadcast %broadcast_in_dim3A_138 : i32 to vector<16xi32>
    %gather3A_140 = tpu.vector_load_idx %arg22[%broadcast_in_dim3A_111, %broadcast_in_dim3A_139] : memref<1x16xf32, #tpu.memory_space<vmem>>[vector<16xi32>, vector<16xi32>], vector<16xf32>,
    %broadcast_in_dim3A_141 = arith.constant 9 : i32
    %broadcast_in_dim3A_142 = vector.broadcast %broadcast_in_dim3A_141 : i32 to vector<16xi32>
    %gather3A_143 = tpu.vector_load_idx %arg22[%broadcast_in_dim3A_111, %broadcast_in_dim3A_142] : memref<1x16xf32, #tpu.memory_space<vmem>>[vector<16xi32>, vector<16xi32>], vector<16xf32>,
    %add3A_144 = arith.addf %gather3A_137, %gather3A_137 : vector<16xf32>
    %broadcast_in_dim3A_145 = arith.constant 0.000000e+00 : f32
    %broadcast_in_dim3A_146 = vector.broadcast %broadcast_in_dim3A_145 : f32 to vector<16xf32>
    %broadcast_in_dim3A_147 = arith.constant 0 : i32
    %broadcast_in_dim3A_148 = vector.broadcast %broadcast_in_dim3A_147 : i32 to vector<16xi32>
    %scan3A = arith.constant 0 : i32
    %scan3A_149 = arith.constant 16 : i32
    %scan3A_150 = arith.addi %scan3A, %scan3A_149 : i32
    %scan3A_151 = arith.constant 1 : i32
    %scan3A_152 = scf.for %scan3A_228 = %scan3A to %scan3A_150 step %scan3A_151 iter_args(%scan3A_229 = %broadcast_in_dim3A_146) -> (vector<16xf32>)  : i32 {
      %mul3A_230 = arith.constant 16 : i32
      %mul3A_231 = arith.muli %scan3A_228, %mul3A_230 : i32
      %broadcast_in_dim3A_232 = arith.constant 0.000000e+00 : f32
      %broadcast_in_dim3A_233 = vector.broadcast %broadcast_in_dim3A_232 : f32 to vector<16xf32>
      %broadcast_in_dim3A_234 = arith.constant 0.000000e+00 : f32
      %broadcast_in_dim3A_235 = vector.broadcast %broadcast_in_dim3A_234 : f32 to vector<16xf32>
      %add3A_236 = arith.constant 0 : i32
      %add3A_237 = arith.addi %add3A_236, %squeeze3A : i32
      %get3A_238 = tpu.memref_reshape %arg24 : memref<8x4x2x256xi32, #tpu.memory_space<vmem>> -> memref<64x256xi32, #tpu.memory_space<vmem>>
      %get3A_239 = arith.index_cast %add3A_237 : i32 to index
      %get3A_240 = arith.index_cast %mul3A_231 : i32 to index
      %get3A_241 = tpu.vector_load %get3A_238[%get3A_239, %get3A_240] {strides = array<i32>} : memref<64x256xi32, #tpu.memory_space<vmem>>, vector<16xi32>,
      %gather3A_242 = tpu.vector_load_idx %arg16[%broadcast_in_dim3A_148, %get3A_241] : memref<8x256xf32, #tpu.memory_space<vmem>>[vector<16xi32>, vector<16xi32>], vector<16xf32>,
      %add3A_243 = arith.addf %broadcast_in_dim3A_235, %gather3A_242 : vector<16xf32>
      %gather3A_244 = tpu.vector_load_idx %arg20[%broadcast_in_dim3A_148, %get3A_241] : memref<8x256xf32, #tpu.memory_space<vmem>>[vector<16xi32>, vector<16xi32>], vector<16xf32>,
      %mul3A_245 = arith.mulf %gather3A_244, %gather3A_125 : vector<16xf32>
      %add3A_246 = arith.addf %broadcast_in_dim3A_233, %mul3A_245 : vector<16xf32>
      %add3A_247 = arith.constant 2 : i32
      %add3A_248 = arith.addi %add3A_247, %squeeze3A : i32
      %get3A_249 = tpu.memref_reshape %arg24 : memref<8x4x2x256xi32, #tpu.memory_space<vmem>> -> memref<64x256xi32, #tpu.memory_space<vmem>>
      %get3A_250 = arith.index_cast %add3A_248 : i32 to index
      %get3A_251 = arith.index_cast %mul3A_231 : i32 to index
      %get3A_252 = tpu.vector_load %get3A_249[%get3A_250, %get3A_251] {strides = array<i32>} : memref<64x256xi32, #tpu.memory_space<vmem>>, vector<16xi32>,
      %gather3A_253 = tpu.vector_load_idx %arg16[%broadcast_in_dim3A_148, %get3A_252] : memref<8x256xf32, #tpu.memory_space<vmem>>[vector<16xi32>, vector<16xi32>], vector<16xf32>,
      %add3A_254 = arith.addf %add3A_243, %gather3A_253 : vector<16xf32>
      %gather3A_255 = tpu.vector_load_idx %arg20[%broadcast_in_dim3A_148, %get3A_252] : memref<8x256xf32, #tpu.memory_space<vmem>>[vector<16xi32>, vector<16xi32>], vector<16xf32>,
      %mul3A_256 = arith.mulf %gather3A_255, %gather3A_128 : vector<16xf32>
      %add3A_257 = arith.addf %add3A_246, %mul3A_256 : vector<16xf32>
      %add3A_258 = arith.constant 4 : i32
      %add3A_259 = arith.addi %add3A_258, %squeeze3A : i32
      %get3A_260 = tpu.memref_reshape %arg24 : memref<8x4x2x256xi32, #tpu.memory_space<vmem>> -> memref<64x256xi32, #tpu.memory_space<vmem>>
      %get3A_261 = arith.index_cast %add3A_259 : i32 to index
      %get3A_262 = arith.index_cast %mul3A_231 : i32 to index
      %get3A_263 = tpu.vector_load %get3A_260[%get3A_261, %get3A_262] {strides = array<i32>} : memref<64x256xi32, #tpu.memory_space<vmem>>, vector<16xi32>,
      %gather3A_264 = tpu.vector_load_idx %arg16[%broadcast_in_dim3A_148, %get3A_263] : memref<8x256xf32, #tpu.memory_space<vmem>>[vector<16xi32>, vector<16xi32>], vector<16xf32>,
      %add3A_265 = arith.addf %add3A_254, %gather3A_264 : vector<16xf32>
      %gather3A_266 = tpu.vector_load_idx %arg20[%broadcast_in_dim3A_148, %get3A_263] : memref<8x256xf32, #tpu.memory_space<vmem>>[vector<16xi32>, vector<16xi32>], vector<16xf32>,
      %mul3A_267 = arith.mulf %gather3A_266, %gather3A_131 : vector<16xf32>
      %add3A_268 = arith.addf %add3A_257, %mul3A_267 : vector<16xf32>
      %add3A_269 = arith.constant 6 : i32
      %add3A_270 = arith.addi %add3A_269, %squeeze3A : i32
      %get3A_271 = tpu.memref_reshape %arg24 : memref<8x4x2x256xi32, #tpu.memory_space<vmem>> -> memref<64x256xi32, #tpu.memory_space<vmem>>
      %get3A_272 = arith.index_cast %add3A_270 : i32 to index
      %get3A_273 = arith.index_cast %mul3A_231 : i32 to index
      %get3A_274 = tpu.vector_load %get3A_271[%get3A_272, %get3A_273] {strides = array<i32>} : memref<64x256xi32, #tpu.memory_space<vmem>>, vector<16xi32>,
      %gather3A_275 = tpu.vector_load_idx %arg16[%broadcast_in_dim3A_148, %get3A_274] : memref<8x256xf32, #tpu.memory_space<vmem>>[vector<16xi32>, vector<16xi32>], vector<16xf32>,
      %add3A_276 = arith.addf %add3A_265, %gather3A_275 : vector<16xf32>
      %gather3A_277 = tpu.vector_load_idx %arg20[%broadcast_in_dim3A_148, %get3A_274] : memref<8x256xf32, #tpu.memory_space<vmem>>[vector<16xi32>, vector<16xi32>], vector<16xf32>,
      %mul3A_278 = arith.mulf %gather3A_277, %gather3A_134 : vector<16xf32>
      %add3A_279 = arith.addf %add3A_268, %mul3A_278 : vector<16xf32>
      %mul3A_280 = arith.constant 4.000000e+00 : f32
      %mul3A_281 = vector.broadcast %mul3A_280 : f32 to vector<16xf32>
      %mul3A_282 = arith.mulf %mul3A_281, %add3A_279 : vector<16xf32>
      %sub3A = arith.subf %mul3A_282, %add3A_144 : vector<16xf32>
      %broadcast_in_dim3A_283 = arith.constant 0.000000e+00 : f32
      %broadcast_in_dim3A_284 = vector.broadcast %broadcast_in_dim3A_283 : f32 to vector<16xf32>
      %add3A_285 = arith.constant 0 : i32
      %add3A_286 = arith.addi %add3A_285, %squeeze3A : i32
      %get3A_287 = tpu.memref_reshape %arg25 : memref<8x4x2x256xi32, #tpu.memory_space<vmem>> -> memref<64x256xi32, #tpu.memory_space<vmem>>
      %get3A_288 = arith.index_cast %add3A_286 : i32 to index
      %get3A_289 = arith.index_cast %mul3A_231 : i32 to index
      %get3A_290 = tpu.vector_load %get3A_287[%get3A_288, %get3A_289] {strides = array<i32>} : memref<64x256xi32, #tpu.memory_space<vmem>>, vector<16xi32>,
      %gather3A_291 = tpu.vector_load_idx %arg16[%broadcast_in_dim3A_148, %get3A_290] : memref<8x256xf32, #tpu.memory_space<vmem>>[vector<16xi32>, vector<16xi32>], vector<16xf32>,
      %broadcast_in_dim3A_292 = arith.constant 0.000000e+00 : f32
      %broadcast_in_dim3A_293 = vector.broadcast %broadcast_in_dim3A_292 : f32 to vector<16xf32>
      %add3A_294 = arith.constant 0 : i32
      %add3A_295 = arith.addi %add3A_294, %squeeze3A : i32
      %get3A_296 = tpu.memref_reshape %arg26 : memref<8x4x3x2x256xi32, #tpu.memory_space<vmem>> -> memref<192x256xi32, #tpu.memory_space<vmem>>
      %get3A_297 = arith.index_cast %add3A_295 : i32 to index
      %get3A_298 = arith.index_cast %mul3A_231 : i32 to index
      %get3A_299 = tpu.vector_load %get3A_296[%get3A_297, %get3A_298] {strides = array<i32>} : memref<192x256xi32, #tpu.memory_space<vmem>>, vector<16xi32>,
      %gather3A_300 = tpu.vector_load_idx %arg16[%broadcast_in_dim3A_148, %get3A_299] : memref<8x256xf32, #tpu.memory_space<vmem>>[vector<16xi32>, vector<16xi32>], vector<16xf32>,
      %add3A_301 = arith.addf %broadcast_in_dim3A_293, %gather3A_300 : vector<16xf32>
      %add3A_302 = arith.constant 2 : i32
      %add3A_303 = arith.addi %add3A_302, %squeeze3A : i32
      %get3A_304 = tpu.memref_reshape %arg26 : memref<8x4x3x2x256xi32, #tpu.memory_space<vmem>> -> memref<192x256xi32, #tpu.memory_space<vmem>>
      %get3A_305 = arith.index_cast %add3A_303 : i32 to index
      %get3A_306 = arith.index_cast %mul3A_231 : i32 to index
      %get3A_307 = tpu.vector_load %get3A_304[%get3A_305, %get3A_306] {strides = array<i32>} : memref<192x256xi32, #tpu.memory_space<vmem>>, vector<16xi32>,
      %gather3A_308 = tpu.vector_load_idx %arg16[%broadcast_in_dim3A_148, %get3A_307] : memref<8x256xf32, #tpu.memory_space<vmem>>[vector<16xi32>, vector<16xi32>], vector<16xf32>,
      %add3A_309 = arith.addf %add3A_301, %gather3A_308 : vector<16xf32>
      %add3A_310 = arith.constant 4 : i32
      %add3A_311 = arith.addi %add3A_310, %squeeze3A : i32
      %get3A_312 = tpu.memref_reshape %arg26 : memref<8x4x3x2x256xi32, #tpu.memory_space<vmem>> -> memref<192x256xi32, #tpu.memory_space<vmem>>
      %get3A_313 = arith.index_cast %add3A_311 : i32 to index
      %get3A_314 = arith.index_cast %mul3A_231 : i32 to index
      %get3A_315 = tpu.vector_load %get3A_312[%get3A_313, %get3A_314] {strides = array<i32>} : memref<192x256xi32, #tpu.memory_space<vmem>>, vector<16xi32>,
      %gather3A_316 = tpu.vector_load_idx %arg16[%broadcast_in_dim3A_148, %get3A_315] : memref<8x256xf32, #tpu.memory_space<vmem>>[vector<16xi32>, vector<16xi32>], vector<16xf32>,
      %add3A_317 = arith.addf %add3A_309, %gather3A_316 : vector<16xf32>
      %mul3A_318 = arith.mulf %gather3A_291, %add3A_317 : vector<16xf32>
      %add3A_319 = arith.addf %broadcast_in_dim3A_284, %mul3A_318 : vector<16xf32>
      %add3A_320 = arith.constant 2 : i32
      %add3A_321 = arith.addi %add3A_320, %squeeze3A : i32
      %get3A_322 = tpu.memref_reshape %arg25 : memref<8x4x2x256xi32, #tpu.memory_space<vmem>> -> memref<64x256xi32, #tpu.memory_space<vmem>>
      %get3A_323 = arith.index_cast %add3A_321 : i32 to index
      %get3A_324 = arith.index_cast %mul3A_231 : i32 to index
      %get3A_325 = tpu.vector_load %get3A_322[%get3A_323, %get3A_324] {strides = array<i32>} : memref<64x256xi32, #tpu.memory_space<vmem>>, vector<16xi32>,
      %gather3A_326 = tpu.vector_load_idx %arg16[%broadcast_in_dim3A_148, %get3A_325] : memref<8x256xf32, #tpu.memory_space<vmem>>[vector<16xi32>, vector<16xi32>], vector<16xf32>,
      %broadcast_in_dim3A_327 = arith.constant 0.000000e+00 : f32
      %broadcast_in_dim3A_328 = vector.broadcast %broadcast_in_dim3A_327 : f32 to vector<16xf32>
      %add3A_329 = arith.constant 6 : i32
      %add3A_330 = arith.addi %add3A_329, %squeeze3A : i32
      %get3A_331 = tpu.memref_reshape %arg26 : memref<8x4x3x2x256xi32, #tpu.memory_space<vmem>> -> memref<192x256xi32, #tpu.memory_space<vmem>>
      %get3A_332 = arith.index_cast %add3A_330 : i32 to index
      %get3A_333 = arith.index_cast %mul3A_231 : i32 to index
      %get3A_334 = tpu.vector_load %get3A_331[%get3A_332, %get3A_333] {strides = array<i32>} : memref<192x256xi32, #tpu.memory_space<vmem>>, vector<16xi32>,
      %gather3A_335 = tpu.vector_load_idx %arg16[%broadcast_in_dim3A_148, %get3A_334] : memref<8x256xf32, #tpu.memory_space<vmem>>[vector<16xi32>, vector<16xi32>], vector<16xf32>,
      %add3A_336 = arith.addf %broadcast_in_dim3A_328, %gather3A_335 : vector<16xf32>
      %add3A_337 = arith.constant 8 : i32
      %add3A_338 = arith.addi %add3A_337, %squeeze3A : i32
      %get3A_339 = tpu.memref_reshape %arg26 : memref<8x4x3x2x256xi32, #tpu.memory_space<vmem>> -> memref<192x256xi32, #tpu.memory_space<vmem>>
      %get3A_340 = arith.index_cast %add3A_338 : i32 to index
      %get3A_341 = arith.index_cast %mul3A_231 : i32 to index
      %get3A_342 = tpu.vector_load %get3A_339[%get3A_340, %get3A_341] {strides = array<i32>} : memref<192x256xi32, #tpu.memory_space<vmem>>, vector<16xi32>,
      %gather3A_343 = tpu.vector_load_idx %arg16[%broadcast_in_dim3A_148, %get3A_342] : memref<8x256xf32, #tpu.memory_space<vmem>>[vector<16xi32>, vector<16xi32>], vector<16xf32>,
      %add3A_344 = arith.addf %add3A_336, %gather3A_343 : vector<16xf32>
      %add3A_345 = arith.constant 10 : i32
      %add3A_346 = arith.addi %add3A_345, %squeeze3A : i32
      %get3A_347 = tpu.memref_reshape %arg26 : memref<8x4x3x2x256xi32, #tpu.memory_space<vmem>> -> memref<192x256xi32, #tpu.memory_space<vmem>>
      %get3A_348 = arith.index_cast %add3A_346 : i32 to index
      %get3A_349 = arith.index_cast %mul3A_231 : i32 to index
      %get3A_350 = tpu.vector_load %get3A_347[%get3A_348, %get3A_349] {strides = array<i32>} : memref<192x256xi32, #tpu.memory_space<vmem>>, vector<16xi32>,
      %gather3A_351 = tpu.vector_load_idx %arg16[%broadcast_in_dim3A_148, %get3A_350] : memref<8x256xf32, #tpu.memory_space<vmem>>[vector<16xi32>, vector<16xi32>], vector<16xf32>,
      %add3A_352 = arith.addf %add3A_344, %gather3A_351 : vector<16xf32>
      %mul3A_353 = arith.mulf %gather3A_326, %add3A_352 : vector<16xf32>
      %add3A_354 = arith.addf %add3A_319, %mul3A_353 : vector<16xf32>
      %add3A_355 = arith.constant 4 : i32
      %add3A_356 = arith.addi %add3A_355, %squeeze3A : i32
      %get3A_357 = tpu.memref_reshape %arg25 : memref<8x4x2x256xi32, #tpu.memory_space<vmem>> -> memref<64x256xi32, #tpu.memory_space<vmem>>
      %get3A_358 = arith.index_cast %add3A_356 : i32 to index
      %get3A_359 = arith.index_cast %mul3A_231 : i32 to index
      %get3A_360 = tpu.vector_load %get3A_357[%get3A_358, %get3A_359] {strides = array<i32>} : memref<64x256xi32, #tpu.memory_space<vmem>>, vector<16xi32>,
      %gather3A_361 = tpu.vector_load_idx %arg16[%broadcast_in_dim3A_148, %get3A_360] : memref<8x256xf32, #tpu.memory_space<vmem>>[vector<16xi32>, vector<16xi32>], vector<16xf32>,
      %broadcast_in_dim3A_362 = arith.constant 0.000000e+00 : f32
      %broadcast_in_dim3A_363 = vector.broadcast %broadcast_in_dim3A_362 : f32 to vector<16xf32>
      %add3A_364 = arith.constant 12 : i32
      %add3A_365 = arith.addi %add3A_364, %squeeze3A : i32
      %get3A_366 = tpu.memref_reshape %arg26 : memref<8x4x3x2x256xi32, #tpu.memory_space<vmem>> -> memref<192x256xi32, #tpu.memory_space<vmem>>
      %get3A_367 = arith.index_cast %add3A_365 : i32 to index
      %get3A_368 = arith.index_cast %mul3A_231 : i32 to index
      %get3A_369 = tpu.vector_load %get3A_366[%get3A_367, %get3A_368] {strides = array<i32>} : memref<192x256xi32, #tpu.memory_space<vmem>>, vector<16xi32>,
      %gather3A_370 = tpu.vector_load_idx %arg16[%broadcast_in_dim3A_148, %get3A_369] : memref<8x256xf32, #tpu.memory_space<vmem>>[vector<16xi32>, vector<16xi32>], vector<16xf32>,
      %add3A_371 = arith.addf %broadcast_in_dim3A_363, %gather3A_370 : vector<16xf32>
      %add3A_372 = arith.constant 14 : i32
      %add3A_373 = arith.addi %add3A_372, %squeeze3A : i32
      %get3A_374 = tpu.memref_reshape %arg26 : memref<8x4x3x2x256xi32, #tpu.memory_space<vmem>> -> memref<192x256xi32, #tpu.memory_space<vmem>>
      %get3A_375 = arith.index_cast %add3A_373 : i32 to index
      %get3A_376 = arith.index_cast %mul3A_231 : i32 to index
      %get3A_377 = tpu.vector_load %get3A_374[%get3A_375, %get3A_376] {strides = array<i32>} : memref<192x256xi32, #tpu.memory_space<vmem>>, vector<16xi32>,
      %gather3A_378 = tpu.vector_load_idx %arg16[%broadcast_in_dim3A_148, %get3A_377] : memref<8x256xf32, #tpu.memory_space<vmem>>[vector<16xi32>, vector<16xi32>], vector<16xf32>,
      %add3A_379 = arith.addf %add3A_371, %gather3A_378 : vector<16xf32>
      %add3A_380 = arith.constant 16 : i32
      %add3A_381 = arith.addi %add3A_380, %squeeze3A : i32
      %get3A_382 = tpu.memref_reshape %arg26 : memref<8x4x3x2x256xi32, #tpu.memory_space<vmem>> -> memref<192x256xi32, #tpu.memory_space<vmem>>
      %get3A_383 = arith.index_cast %add3A_381 : i32 to index
      %get3A_384 = arith.index_cast %mul3A_231 : i32 to index
      %get3A_385 = tpu.vector_load %get3A_382[%get3A_383, %get3A_384] {strides = array<i32>} : memref<192x256xi32, #tpu.memory_space<vmem>>, vector<16xi32>,
      %gather3A_386 = tpu.vector_load_idx %arg16[%broadcast_in_dim3A_148, %get3A_385] : memref<8x256xf32, #tpu.memory_space<vmem>>[vector<16xi32>, vector<16xi32>], vector<16xf32>,
      %add3A_387 = arith.addf %add3A_379, %gather3A_386 : vector<16xf32>
      %mul3A_388 = arith.mulf %gather3A_361, %add3A_387 : vector<16xf32>
      %add3A_389 = arith.addf %add3A_354, %mul3A_388 : vector<16xf32>
      %add3A_390 = arith.constant 6 : i32
      %add3A_391 = arith.addi %add3A_390, %squeeze3A : i32
      %get3A_392 = tpu.memref_reshape %arg25 : memref<8x4x2x256xi32, #tpu.memory_space<vmem>> -> memref<64x256xi32, #tpu.memory_space<vmem>>
      %get3A_393 = arith.index_cast %add3A_391 : i32 to index
      %get3A_394 = arith.index_cast %mul3A_231 : i32 to index
      %get3A_395 = tpu.vector_load %get3A_392[%get3A_393, %get3A_394] {strides = array<i32>} : memref<64x256xi32, #tpu.memory_space<vmem>>, vector<16xi32>,
      %gather3A_396 = tpu.vector_load_idx %arg16[%broadcast_in_dim3A_148, %get3A_395] : memref<8x256xf32, #tpu.memory_space<vmem>>[vector<16xi32>, vector<16xi32>], vector<16xf32>,
      %broadcast_in_dim3A_397 = arith.constant 0.000000e+00 : f32
      %broadcast_in_dim3A_398 = vector.broadcast %broadcast_in_dim3A_397 : f32 to vector<16xf32>
      %add3A_399 = arith.constant 18 : i32
      %add3A_400 = arith.addi %add3A_399, %squeeze3A : i32
      %get3A_401 = tpu.memref_reshape %arg26 : memref<8x4x3x2x256xi32, #tpu.memory_space<vmem>> -> memref<192x256xi32, #tpu.memory_space<vmem>>
      %get3A_402 = arith.index_cast %add3A_400 : i32 to index
      %get3A_403 = arith.index_cast %mul3A_231 : i32 to index
      %get3A_404 = tpu.vector_load %get3A_401[%get3A_402, %get3A_403] {strides = array<i32>} : memref<192x256xi32, #tpu.memory_space<vmem>>, vector<16xi32>,
      %gather3A_405 = tpu.vector_load_idx %arg16[%broadcast_in_dim3A_148, %get3A_404] : memref<8x256xf32, #tpu.memory_space<vmem>>[vector<16xi32>, vector<16xi32>], vector<16xf32>,
      %add3A_406 = arith.addf %broadcast_in_dim3A_398, %gather3A_405 : vector<16xf32>
      %add3A_407 = arith.constant 20 : i32
      %add3A_408 = arith.addi %add3A_407, %squeeze3A : i32
      %get3A_409 = tpu.memref_reshape %arg26 : memref<8x4x3x2x256xi32, #tpu.memory_space<vmem>> -> memref<192x256xi32, #tpu.memory_space<vmem>>
      %get3A_410 = arith.index_cast %add3A_408 : i32 to index
      %get3A_411 = arith.index_cast %mul3A_231 : i32 to index
      %get3A_412 = tpu.vector_load %get3A_409[%get3A_410, %get3A_411] {strides = array<i32>} : memref<192x256xi32, #tpu.memory_space<vmem>>, vector<16xi32>,
      %gather3A_413 = tpu.vector_load_idx %arg16[%broadcast_in_dim3A_148, %get3A_412] : memref<8x256xf32, #tpu.memory_space<vmem>>[vector<16xi32>, vector<16xi32>], vector<16xf32>,
      %add3A_414 = arith.addf %add3A_406, %gather3A_413 : vector<16xf32>
      %add3A_415 = arith.constant 22 : i32
      %add3A_416 = arith.addi %add3A_415, %squeeze3A : i32
      %get3A_417 = tpu.memref_reshape %arg26 : memref<8x4x3x2x256xi32, #tpu.memory_space<vmem>> -> memref<192x256xi32, #tpu.memory_space<vmem>>
      %get3A_418 = arith.index_cast %add3A_416 : i32 to index
      %get3A_419 = arith.index_cast %mul3A_231 : i32 to index
      %get3A_420 = tpu.vector_load %get3A_417[%get3A_418, %get3A_419] {strides = array<i32>} : memref<192x256xi32, #tpu.memory_space<vmem>>, vector<16xi32>,
      %gather3A_421 = tpu.vector_load_idx %arg16[%broadcast_in_dim3A_148, %get3A_420] : memref<8x256xf32, #tpu.memory_space<vmem>>[vector<16xi32>, vector<16xi32>], vector<16xf32>,
      %add3A_422 = arith.addf %add3A_414, %gather3A_421 : vector<16xf32>
      %mul3A_423 = arith.mulf %gather3A_396, %add3A_422 : vector<16xf32>
      %add3A_424 = arith.addf %add3A_389, %mul3A_423 : vector<16xf32>
      %get3A_425 = arith.constant 0 : i32
      %get3A_426 = arith.index_cast %get3A_425 : i32 to index
      %get3A_427 = arith.index_cast %mul3A_231 : i32 to index
      %get3A_428 = tpu.vector_load %arg17[%get3A_426, %get3A_427] {strides = array<i32>} : memref<8x256xf32, #tpu.memory_space<vmem>>, vector<16xf32>,
      %get3A_429 = arith.constant 0 : i32
      %get3A_430 = arith.index_cast %get3A_429 : i32 to index
      %get3A_431 = arith.index_cast %mul3A_231 : i32 to index
      %get3A_432 = tpu.vector_load %arg18[%get3A_430, %get3A_431] {strides = array<i32>} : memref<8x256xf32, #tpu.memory_space<vmem>>, vector<16xf32>,
      %get3A_433 = arith.constant 0 : i32
      %get3A_434 = arith.index_cast %get3A_433 : i32 to index
      %get3A_435 = arith.index_cast %mul3A_231 : i32 to index
      %get3A_436 = tpu.vector_load %arg19[%get3A_434, %get3A_435] {strides = array<i32>} : memref<8x256xf32, #tpu.memory_space<vmem>>, vector<16xf32>,
      %get3A_437 = arith.constant 0 : i32
      %get3A_438 = arith.index_cast %get3A_437 : i32 to index
      %get3A_439 = arith.index_cast %mul3A_231 : i32 to index
      %get3A_440 = tpu.vector_load %arg20[%get3A_438, %get3A_439] {strides = array<i32>} : memref<8x256xf32, #tpu.memory_space<vmem>>, vector<16xf32>,
      %mul3A_441 = arith.mulf %gather3A_119, %add3A_276 : vector<16xf32>
      %add3A_442 = arith.addf %gather3A, %mul3A_441 : vector<16xf32>
      %mul3A_443 = arith.mulf %gather3A_122, %add3A_424 : vector<16xf32>
      %sub3A_444 = arith.subf %add3A_442, %mul3A_443 : vector<16xf32>
      %mul3A_445 = arith.mulf %sub3A_444, %get3A_428 : vector<16xf32>
      %add3A_446 = arith.addf %mul3A_445, %get3A_432 : vector<16xf32>
      %add3A_447 = arith.addf %add3A_446, %sub3A : vector<16xf32>
      %neg3A = arith.constant 0.000000e+00 : f32
      %neg3A_448 = vector.broadcast %neg3A : f32 to vector<16xf32>
      %neg3A_449 = arith.subf %neg3A_448, %add3A_447 : vector<16xf32>
      %mul3A_450 = arith.mulf %neg3A_449, %gather3A_140 : vector<16xf32>
      %exp3A = math.exp %mul3A_450 : vector<16xf32>
      %add3A_451 = arith.constant 1.000000e+00 : f32
      %add3A_452 = vector.broadcast %add3A_451 : f32 to vector<16xf32>
      %add3A_453 = arith.addf %add3A_452, %exp3A : vector<16xf32>
      %div3A = arith.constant 1.000000e+00 : f32
      %div3A_454 = vector.broadcast %div3A : f32 to vector<16xf32>
      %div3A_455 = arith.divf %div3A_454, %add3A_453 : vector<16xf32>
      %swap3A_456 = arith.constant 0 : i32
      %swap3A_457 = arith.index_cast %swap3A_456 : i32 to index
      %swap3A_458 = arith.index_cast %mul3A_231 : i32 to index
      %swap3A_459 = tpu.vector_load %arg28[%swap3A_457, %swap3A_458] {strides = array<i32>} : memref<8x256xf32, #tpu.memory_space<vmem>>, vector<16xf32>,
      tpu.vector_store %arg28[%swap3A_457, %swap3A_458], %div3A_455 {strides = array<i32>} : memref<8x256xf32, #tpu.memory_space<vmem>>, vector<16xf32>,
      %mul3A_460 = arith.constant 2.000000e+00 : f32
      %mul3A_461 = vector.broadcast %mul3A_460 : f32 to vector<16xf32>
      %mul3A_462 = arith.mulf %mul3A_461, %get3A_440 : vector<16xf32>
      %sub3A_463 = arith.constant 1.000000e+00 : f32
      %sub3A_464 = vector.broadcast %sub3A_463 : f32 to vector<16xf32>
      %sub3A_465 = arith.subf %sub3A_464, %mul3A_462 : vector<16xf32>
      %mul3A_466 = arith.mulf %sub3A_465, %gather3A_137 : vector<16xf32>
      %sub3A_467 = arith.constant 5.000000e-01 : f32
      %sub3A_468 = vector.broadcast %sub3A_467 : f32 to vector<16xf32>
      %sub3A_469 = arith.subf %get3A_440, %sub3A_468 : vector<16xf32>
      %add3A_470 = arith.addf %sub3A, %add3A_144 : vector<16xf32>
      %mul3A_471 = arith.mulf %sub3A_469, %add3A_470 : vector<16xf32>
      %add3A_472 = arith.addf %mul3A_466, %mul3A_471 : vector<16xf32>
      %mul3A_473 = arith.mulf %get3A_436, %add3A_472 : vector<16xf32>
      %add3A_474 = arith.addf %scan3A_229, %mul3A_473 : vector<16xf32>
      scf.yield %add3A_474 : vector<16xf32>
    }
    %scan3A_153 = arith.constant 16 : i32
    %broadcast_in_dim3A_154 = arith.constant 1 : i32
    %broadcast_in_dim3A_155 = vector.broadcast %broadcast_in_dim3A_154 : i32 to vector<16xi32>
    %scan3A_156 = arith.constant 0 : i32
    %scan3A_157 = arith.constant 16 : i32
    %scan3A_158 = arith.addi %scan3A_156, %scan3A_157 : i32
    %scan3A_159 = arith.constant 1 : i32
    %scan3A_160 = scf.for %scan3A_228 = %scan3A_156 to %scan3A_158 step %scan3A_159 iter_args(%scan3A_229 = %scan3A_152) -> (vector<16xf32>)  : i32 {
      %mul3A_230 = arith.constant 16 : i32
      %mul3A_231 = arith.muli %scan3A_228, %mul3A_230 : i32
      %broadcast_in_dim3A_232 = arith.constant 0.000000e+00 : f32
      %broadcast_in_dim3A_233 = vector.broadcast %broadcast_in_dim3A_232 : f32 to vector<16xf32>
      %broadcast_in_dim3A_234 = arith.constant 0.000000e+00 : f32
      %broadcast_in_dim3A_235 = vector.broadcast %broadcast_in_dim3A_234 : f32 to vector<16xf32>
      %add3A_236 = arith.constant 8 : i32
      %add3A_237 = arith.addi %add3A_236, %squeeze3A : i32
      %get3A_238 = tpu.memref_reshape %arg24 : memref<8x4x2x256xi32, #tpu.memory_space<vmem>> -> memref<64x256xi32, #tpu.memory_space<vmem>>
      %get3A_239 = arith.index_cast %add3A_237 : i32 to index
      %get3A_240 = arith.index_cast %mul3A_231 : i32 to index
      %get3A_241 = tpu.vector_load %get3A_238[%get3A_239, %get3A_240] {strides = array<i32>} : memref<64x256xi32, #tpu.memory_space<vmem>>, vector<16xi32>,
      %gather3A_242 = tpu.vector_load_idx %arg16[%broadcast_in_dim3A_155, %get3A_241] : memref<8x256xf32, #tpu.memory_space<vmem>>[vector<16xi32>, vector<16xi32>], vector<16xf32>,
      %add3A_243 = arith.addf %broadcast_in_dim3A_235, %gather3A_242 : vector<16xf32>
      %gather3A_244 = tpu.vector_load_idx %arg20[%broadcast_in_dim3A_155, %get3A_241] : memref<8x256xf32, #tpu.memory_space<vmem>>[vector<16xi32>, vector<16xi32>], vector<16xf32>,
      %mul3A_245 = arith.mulf %gather3A_244, %gather3A_125 : vector<16xf32>
      %add3A_246 = arith.addf %broadcast_in_dim3A_233, %mul3A_245 : vector<16xf32>
      %add3A_247 = arith.constant 10 : i32
      %add3A_248 = arith.addi %add3A_247, %squeeze3A : i32
      %get3A_249 = tpu.memref_reshape %arg24 : memref<8x4x2x256xi32, #tpu.memory_space<vmem>> -> memref<64x256xi32, #tpu.memory_space<vmem>>
      %get3A_250 = arith.index_cast %add3A_248 : i32 to index
      %get3A_251 = arith.index_cast %mul3A_231 : i32 to index
      %get3A_252 = tpu.vector_load %get3A_249[%get3A_250, %get3A_251] {strides = array<i32>} : memref<64x256xi32, #tpu.memory_space<vmem>>, vector<16xi32>,
      %gather3A_253 = tpu.vector_load_idx %arg16[%broadcast_in_dim3A_155, %get3A_252] : memref<8x256xf32, #tpu.memory_space<vmem>>[vector<16xi32>, vector<16xi32>], vector<16xf32>,
      %add3A_254 = arith.addf %add3A_243, %gather3A_253 : vector<16xf32>
      %gather3A_255 = tpu.vector_load_idx %arg20[%broadcast_in_dim3A_155, %get3A_252] : memref<8x256xf32, #tpu.memory_space<vmem>>[vector<16xi32>, vector<16xi32>], vector<16xf32>,
      %mul3A_256 = arith.mulf %gather3A_255, %gather3A_128 : vector<16xf32>
      %add3A_257 = arith.addf %add3A_246, %mul3A_256 : vector<16xf32>
      %add3A_258 = arith.constant 12 : i32
      %add3A_259 = arith.addi %add3A_258, %squeeze3A : i32
      %get3A_260 = tpu.memref_reshape %arg24 : memref<8x4x2x256xi32, #tpu.memory_space<vmem>> -> memref<64x256xi32, #tpu.memory_space<vmem>>
      %get3A_261 = arith.index_cast %add3A_259 : i32 to index
      %get3A_262 = arith.index_cast %mul3A_231 : i32 to index
      %get3A_263 = tpu.vector_load %get3A_260[%get3A_261, %get3A_262] {strides = array<i32>} : memref<64x256xi32, #tpu.memory_space<vmem>>, vector<16xi32>,
      %gather3A_264 = tpu.vector_load_idx %arg16[%broadcast_in_dim3A_155, %get3A_263] : memref<8x256xf32, #tpu.memory_space<vmem>>[vector<16xi32>, vector<16xi32>], vector<16xf32>,
      %add3A_265 = arith.addf %add3A_254, %gather3A_264 : vector<16xf32>
      %gather3A_266 = tpu.vector_load_idx %arg20[%broadcast_in_dim3A_155, %get3A_263] : memref<8x256xf32, #tpu.memory_space<vmem>>[vector<16xi32>, vector<16xi32>], vector<16xf32>,
      %mul3A_267 = arith.mulf %gather3A_266, %gather3A_131 : vector<16xf32>
      %add3A_268 = arith.addf %add3A_257, %mul3A_267 : vector<16xf32>
      %add3A_269 = arith.constant 14 : i32
      %add3A_270 = arith.addi %add3A_269, %squeeze3A : i32
      %get3A_271 = tpu.memref_reshape %arg24 : memref<8x4x2x256xi32, #tpu.memory_space<vmem>> -> memref<64x256xi32, #tpu.memory_space<vmem>>
      %get3A_272 = arith.index_cast %add3A_270 : i32 to index
      %get3A_273 = arith.index_cast %mul3A_231 : i32 to index
      %get3A_274 = tpu.vector_load %get3A_271[%get3A_272, %get3A_273] {strides = array<i32>} : memref<64x256xi32, #tpu.memory_space<vmem>>, vector<16xi32>,
      %gather3A_275 = tpu.vector_load_idx %arg16[%broadcast_in_dim3A_155, %get3A_274] : memref<8x256xf32, #tpu.memory_space<vmem>>[vector<16xi32>, vector<16xi32>], vector<16xf32>,
      %add3A_276 = arith.addf %add3A_265, %gather3A_275 : vector<16xf32>
      %gather3A_277 = tpu.vector_load_idx %arg20[%broadcast_in_dim3A_155, %get3A_274] : memref<8x256xf32, #tpu.memory_space<vmem>>[vector<16xi32>, vector<16xi32>], vector<16xf32>,
      %mul3A_278 = arith.mulf %gather3A_277, %gather3A_134 : vector<16xf32>
      %add3A_279 = arith.addf %add3A_268, %mul3A_278 : vector<16xf32>
      %mul3A_280 = arith.constant 4.000000e+00 : f32
      %mul3A_281 = vector.broadcast %mul3A_280 : f32 to vector<16xf32>
      %mul3A_282 = arith.mulf %mul3A_281, %add3A_279 : vector<16xf32>
      %sub3A = arith.subf %mul3A_282, %add3A_144 : vector<16xf32>
      %broadcast_in_dim3A_283 = arith.constant 0.000000e+00 : f32
      %broadcast_in_dim3A_284 = vector.broadcast %broadcast_in_dim3A_283 : f32 to vector<16xf32>
      %add3A_285 = arith.constant 8 : i32
      %add3A_286 = arith.addi %add3A_285, %squeeze3A : i32
      %get3A_287 = tpu.memref_reshape %arg25 : memref<8x4x2x256xi32, #tpu.memory_space<vmem>> -> memref<64x256xi32, #tpu.memory_space<vmem>>
      %get3A_288 = arith.index_cast %add3A_286 : i32 to index
      %get3A_289 = arith.index_cast %mul3A_231 : i32 to index
      %get3A_290 = tpu.vector_load %get3A_287[%get3A_288, %get3A_289] {strides = array<i32>} : memref<64x256xi32, #tpu.memory_space<vmem>>, vector<16xi32>,
      %gather3A_291 = tpu.vector_load_idx %arg16[%broadcast_in_dim3A_155, %get3A_290] : memref<8x256xf32, #tpu.memory_space<vmem>>[vector<16xi32>, vector<16xi32>], vector<16xf32>,
      %broadcast_in_dim3A_292 = arith.constant 0.000000e+00 : f32
      %broadcast_in_dim3A_293 = vector.broadcast %broadcast_in_dim3A_292 : f32 to vector<16xf32>
      %add3A_294 = arith.constant 24 : i32
      %add3A_295 = arith.addi %add3A_294, %squeeze3A : i32
      %get3A_296 = tpu.memref_reshape %arg26 : memref<8x4x3x2x256xi32, #tpu.memory_space<vmem>> -> memref<192x256xi32, #tpu.memory_space<vmem>>
      %get3A_297 = arith.index_cast %add3A_295 : i32 to index
      %get3A_298 = arith.index_cast %mul3A_231 : i32 to index
      %get3A_299 = tpu.vector_load %get3A_296[%get3A_297, %get3A_298] {strides = array<i32>} : memref<192x256xi32, #tpu.memory_space<vmem>>, vector<16xi32>,
      %gather3A_300 = tpu.vector_load_idx %arg16[%broadcast_in_dim3A_155, %get3A_299] : memref<8x256xf32, #tpu.memory_space<vmem>>[vector<16xi32>, vector<16xi32>], vector<16xf32>,
      %add3A_301 = arith.addf %broadcast_in_dim3A_293, %gather3A_300 : vector<16xf32>
      %add3A_302 = arith.constant 26 : i32
      %add3A_303 = arith.addi %add3A_302, %squeeze3A : i32
      %get3A_304 = tpu.memref_reshape %arg26 : memref<8x4x3x2x256xi32, #tpu.memory_space<vmem>> -> memref<192x256xi32, #tpu.memory_space<vmem>>
      %get3A_305 = arith.index_cast %add3A_303 : i32 to index
      %get3A_306 = arith.index_cast %mul3A_231 : i32 to index
      %get3A_307 = tpu.vector_load %get3A_304[%get3A_305, %get3A_306] {strides = array<i32>} : memref<192x256xi32, #tpu.memory_space<vmem>>, vector<16xi32>,
      %gather3A_308 = tpu.vector_load_idx %arg16[%broadcast_in_dim3A_155, %get3A_307] : memref<8x256xf32, #tpu.memory_space<vmem>>[vector<16xi32>, vector<16xi32>], vector<16xf32>,
      %add3A_309 = arith.addf %add3A_301, %gather3A_308 : vector<16xf32>
      %add3A_310 = arith.constant 28 : i32
      %add3A_311 = arith.addi %add3A_310, %squeeze3A : i32
      %get3A_312 = tpu.memref_reshape %arg26 : memref<8x4x3x2x256xi32, #tpu.memory_space<vmem>> -> memref<192x256xi32, #tpu.memory_space<vmem>>
      %get3A_313 = arith.index_cast %add3A_311 : i32 to index
      %get3A_314 = arith.index_cast %mul3A_231 : i32 to index
      %get3A_315 = tpu.vector_load %get3A_312[%get3A_313, %get3A_314] {strides = array<i32>} : memref<192x256xi32, #tpu.memory_space<vmem>>, vector<16xi32>,
      %gather3A_316 = tpu.vector_load_idx %arg16[%broadcast_in_dim3A_155, %get3A_315] : memref<8x256xf32, #tpu.memory_space<vmem>>[vector<16xi32>, vector<16xi32>], vector<16xf32>,
      %add3A_317 = arith.addf %add3A_309, %gather3A_316 : vector<16xf32>
      %mul3A_318 = arith.mulf %gather3A_291, %add3A_317 : vector<16xf32>
      %add3A_319 = arith.addf %broadcast_in_dim3A_284, %mul3A_318 : vector<16xf32>
      %add3A_320 = arith.constant 10 : i32
      %add3A_321 = arith.addi %add3A_320, %squeeze3A : i32
      %get3A_322 = tpu.memref_reshape %arg25 : memref<8x4x2x256xi32, #tpu.memory_space<vmem>> -> memref<64x256xi32, #tpu.memory_space<vmem>>
      %get3A_323 = arith.index_cast %add3A_321 : i32 to index
      %get3A_324 = arith.index_cast %mul3A_231 : i32 to index
      %get3A_325 = tpu.vector_load %get3A_322[%get3A_323, %get3A_324] {strides = array<i32>} : memref<64x256xi32, #tpu.memory_space<vmem>>, vector<16xi32>,
      %gather3A_326 = tpu.vector_load_idx %arg16[%broadcast_in_dim3A_155, %get3A_325] : memref<8x256xf32, #tpu.memory_space<vmem>>[vector<16xi32>, vector<16xi32>], vector<16xf32>,
      %broadcast_in_dim3A_327 = arith.constant 0.000000e+00 : f32
      %broadcast_in_dim3A_328 = vector.broadcast %broadcast_in_dim3A_327 : f32 to vector<16xf32>
      %add3A_329 = arith.constant 30 : i32
      %add3A_330 = arith.addi %add3A_329, %squeeze3A : i32
      %get3A_331 = tpu.memref_reshape %arg26 : memref<8x4x3x2x256xi32, #tpu.memory_space<vmem>> -> memref<192x256xi32, #tpu.memory_space<vmem>>
      %get3A_332 = arith.index_cast %add3A_330 : i32 to index
      %get3A_333 = arith.index_cast %mul3A_231 : i32 to index
      %get3A_334 = tpu.vector_load %get3A_331[%get3A_332, %get3A_333] {strides = array<i32>} : memref<192x256xi32, #tpu.memory_space<vmem>>, vector<16xi32>,
      %gather3A_335 = tpu.vector_load_idx %arg16[%broadcast_in_dim3A_155, %get3A_334] : memref<8x256xf32, #tpu.memory_space<vmem>>[vector<16xi32>, vector<16xi32>], vector<16xf32>,
      %add3A_336 = arith.addf %broadcast_in_dim3A_328, %gather3A_335 : vector<16xf32>
      %add3A_337 = arith.constant 32 : i32
      %add3A_338 = arith.addi %add3A_337, %squeeze3A : i32
      %get3A_339 = tpu.memref_reshape %arg26 : memref<8x4x3x2x256xi32, #tpu.memory_space<vmem>> -> memref<192x256xi32, #tpu.memory_space<vmem>>
      %get3A_340 = arith.index_cast %add3A_338 : i32 to index
      %get3A_341 = arith.index_cast %mul3A_231 : i32 to index
      %get3A_342 = tpu.vector_load %get3A_339[%get3A_340, %get3A_341] {strides = array<i32>} : memref<192x256xi32, #tpu.memory_space<vmem>>, vector<16xi32>,
      %gather3A_343 = tpu.vector_load_idx %arg16[%broadcast_in_dim3A_155, %get3A_342] : memref<8x256xf32, #tpu.memory_space<vmem>>[vector<16xi32>, vector<16xi32>], vector<16xf32>,
      %add3A_344 = arith.addf %add3A_336, %gather3A_343 : vector<16xf32>
      %add3A_345 = arith.constant 34 : i32
      %add3A_346 = arith.addi %add3A_345, %squeeze3A : i32
      %get3A_347 = tpu.memref_reshape %arg26 : memref<8x4x3x2x256xi32, #tpu.memory_space<vmem>> -> memref<192x256xi32, #tpu.memory_space<vmem>>
      %get3A_348 = arith.index_cast %add3A_346 : i32 to index
      %get3A_349 = arith.index_cast %mul3A_231 : i32 to index
      %get3A_350 = tpu.vector_load %get3A_347[%get3A_348, %get3A_349] {strides = array<i32>} : memref<192x256xi32, #tpu.memory_space<vmem>>, vector<16xi32>,
      %gather3A_351 = tpu.vector_load_idx %arg16[%broadcast_in_dim3A_155, %get3A_350] : memref<8x256xf32, #tpu.memory_space<vmem>>[vector<16xi32>, vector<16xi32>], vector<16xf32>,
      %add3A_352 = arith.addf %add3A_344, %gather3A_351 : vector<16xf32>
      %mul3A_353 = arith.mulf %gather3A_326, %add3A_352 : vector<16xf32>
      %add3A_354 = arith.addf %add3A_319, %mul3A_353 : vector<16xf32>
      %add3A_355 = arith.constant 12 : i32
      %add3A_356 = arith.addi %add3A_355, %squeeze3A : i32
      %get3A_357 = tpu.memref_reshape %arg25 : memref<8x4x2x256xi32, #tpu.memory_space<vmem>> -> memref<64x256xi32, #tpu.memory_space<vmem>>
      %get3A_358 = arith.index_cast %add3A_356 : i32 to index
      %get3A_359 = arith.index_cast %mul3A_231 : i32 to index
      %get3A_360 = tpu.vector_load %get3A_357[%get3A_358, %get3A_359] {strides = array<i32>} : memref<64x256xi32, #tpu.memory_space<vmem>>, vector<16xi32>,
      %gather3A_361 = tpu.vector_load_idx %arg16[%broadcast_in_dim3A_155, %get3A_360] : memref<8x256xf32, #tpu.memory_space<vmem>>[vector<16xi32>, vector<16xi32>], vector<16xf32>,
      %broadcast_in_dim3A_362 = arith.constant 0.000000e+00 : f32
      %broadcast_in_dim3A_363 = vector.broadcast %broadcast_in_dim3A_362 : f32 to vector<16xf32>
      %add3A_364 = arith.constant 36 : i32
      %add3A_365 = arith.addi %add3A_364, %squeeze3A : i32
      %get3A_366 = tpu.memref_reshape %arg26 : memref<8x4x3x2x256xi32, #tpu.memory_space<vmem>> -> memref<192x256xi32, #tpu.memory_space<vmem>>
      %get3A_367 = arith.index_cast %add3A_365 : i32 to index
      %get3A_368 = arith.index_cast %mul3A_231 : i32 to index
      %get3A_369 = tpu.vector_load %get3A_366[%get3A_367, %get3A_368] {strides = array<i32>} : memref<192x256xi32, #tpu.memory_space<vmem>>, vector<16xi32>,
      %gather3A_370 = tpu.vector_load_idx %arg16[%broadcast_in_dim3A_155, %get3A_369] : memref<8x256xf32, #tpu.memory_space<vmem>>[vector<16xi32>, vector<16xi32>], vector<16xf32>,
      %add3A_371 = arith.addf %broadcast_in_dim3A_363, %gather3A_370 : vector<16xf32>
      %add3A_372 = arith.constant 38 : i32
      %add3A_373 = arith.addi %add3A_372, %squeeze3A : i32
      %get3A_374 = tpu.memref_reshape %arg26 : memref<8x4x3x2x256xi32, #tpu.memory_space<vmem>> -> memref<192x256xi32, #tpu.memory_space<vmem>>
      %get3A_375 = arith.index_cast %add3A_373 : i32 to index
      %get3A_376 = arith.index_cast %mul3A_231 : i32 to index
      %get3A_377 = tpu.vector_load %get3A_374[%get3A_375, %get3A_376] {strides = array<i32>} : memref<192x256xi32, #tpu.memory_space<vmem>>, vector<16xi32>,
      %gather3A_378 = tpu.vector_load_idx %arg16[%broadcast_in_dim3A_155, %get3A_377] : memref<8x256xf32, #tpu.memory_space<vmem>>[vector<16xi32>, vector<16xi32>], vector<16xf32>,
      %add3A_379 = arith.addf %add3A_371, %gather3A_378 : vector<16xf32>
      %add3A_380 = arith.constant 40 : i32
      %add3A_381 = arith.addi %add3A_380, %squeeze3A : i32
      %get3A_382 = tpu.memref_reshape %arg26 : memref<8x4x3x2x256xi32, #tpu.memory_space<vmem>> -> memref<192x256xi32, #tpu.memory_space<vmem>>
      %get3A_383 = arith.index_cast %add3A_381 : i32 to index
      %get3A_384 = arith.index_cast %mul3A_231 : i32 to index
      %get3A_385 = tpu.vector_load %get3A_382[%get3A_383, %get3A_384] {strides = array<i32>} : memref<192x256xi32, #tpu.memory_space<vmem>>, vector<16xi32>,
      %gather3A_386 = tpu.vector_load_idx %arg16[%broadcast_in_dim3A_155, %get3A_385] : memref<8x256xf32, #tpu.memory_space<vmem>>[vector<16xi32>, vector<16xi32>], vector<16xf32>,
      %add3A_387 = arith.addf %add3A_379, %gather3A_386 : vector<16xf32>
      %mul3A_388 = arith.mulf %gather3A_361, %add3A_387 : vector<16xf32>
      %add3A_389 = arith.addf %add3A_354, %mul3A_388 : vector<16xf32>
      %add3A_390 = arith.constant 14 : i32
      %add3A_391 = arith.addi %add3A_390, %squeeze3A : i32
      %get3A_392 = tpu.memref_reshape %arg25 : memref<8x4x2x256xi32, #tpu.memory_space<vmem>> -> memref<64x256xi32, #tpu.memory_space<vmem>>
      %get3A_393 = arith.index_cast %add3A_391 : i32 to index
      %get3A_394 = arith.index_cast %mul3A_231 : i32 to index
      %get3A_395 = tpu.vector_load %get3A_392[%get3A_393, %get3A_394] {strides = array<i32>} : memref<64x256xi32, #tpu.memory_space<vmem>>, vector<16xi32>,
      %gather3A_396 = tpu.vector_load_idx %arg16[%broadcast_in_dim3A_155, %get3A_395] : memref<8x256xf32, #tpu.memory_space<vmem>>[vector<16xi32>, vector<16xi32>], vector<16xf32>,
      %broadcast_in_dim3A_397 = arith.constant 0.000000e+00 : f32
      %broadcast_in_dim3A_398 = vector.broadcast %broadcast_in_dim3A_397 : f32 to vector<16xf32>
      %add3A_399 = arith.constant 42 : i32
      %add3A_400 = arith.addi %add3A_399, %squeeze3A : i32
      %get3A_401 = tpu.memref_reshape %arg26 : memref<8x4x3x2x256xi32, #tpu.memory_space<vmem>> -> memref<192x256xi32, #tpu.memory_space<vmem>>
      %get3A_402 = arith.index_cast %add3A_400 : i32 to index
      %get3A_403 = arith.index_cast %mul3A_231 : i32 to index
      %get3A_404 = tpu.vector_load %get3A_401[%get3A_402, %get3A_403] {strides = array<i32>} : memref<192x256xi32, #tpu.memory_space<vmem>>, vector<16xi32>,
      %gather3A_405 = tpu.vector_load_idx %arg16[%broadcast_in_dim3A_155, %get3A_404] : memref<8x256xf32, #tpu.memory_space<vmem>>[vector<16xi32>, vector<16xi32>], vector<16xf32>,
      %add3A_406 = arith.addf %broadcast_in_dim3A_398, %gather3A_405 : vector<16xf32>
      %add3A_407 = arith.constant 44 : i32
      %add3A_408 = arith.addi %add3A_407, %squeeze3A : i32
      %get3A_409 = tpu.memref_reshape %arg26 : memref<8x4x3x2x256xi32, #tpu.memory_space<vmem>> -> memref<192x256xi32, #tpu.memory_space<vmem>>
      %get3A_410 = arith.index_cast %add3A_408 : i32 to index
      %get3A_411 = arith.index_cast %mul3A_231 : i32 to index
      %get3A_412 = tpu.vector_load %get3A_409[%get3A_410, %get3A_411] {strides = array<i32>} : memref<192x256xi32, #tpu.memory_space<vmem>>, vector<16xi32>,
      %gather3A_413 = tpu.vector_load_idx %arg16[%broadcast_in_dim3A_155, %get3A_412] : memref<8x256xf32, #tpu.memory_space<vmem>>[vector<16xi32>, vector<16xi32>], vector<16xf32>,
      %add3A_414 = arith.addf %add3A_406, %gather3A_413 : vector<16xf32>
      %add3A_415 = arith.constant 46 : i32
      %add3A_416 = arith.addi %add3A_415, %squeeze3A : i32
      %get3A_417 = tpu.memref_reshape %arg26 : memref<8x4x3x2x256xi32, #tpu.memory_space<vmem>> -> memref<192x256xi32, #tpu.memory_space<vmem>>
      %get3A_418 = arith.index_cast %add3A_416 : i32 to index
      %get3A_419 = arith.index_cast %mul3A_231 : i32 to index
      %get3A_420 = tpu.vector_load %get3A_417[%get3A_418, %get3A_419] {strides = array<i32>} : memref<192x256xi32, #tpu.memory_space<vmem>>, vector<16xi32>,
      %gather3A_421 = tpu.vector_load_idx %arg16[%broadcast_in_dim3A_155, %get3A_420] : memref<8x256xf32, #tpu.memory_space<vmem>>[vector<16xi32>, vector<16xi32>], vector<16xf32>,
      %add3A_422 = arith.addf %add3A_414, %gather3A_421 : vector<16xf32>
      %mul3A_423 = arith.mulf %gather3A_396, %add3A_422 : vector<16xf32>
      %add3A_424 = arith.addf %add3A_389, %mul3A_423 : vector<16xf32>
      %get3A_425 = arith.constant 1 : i32
      %get3A_426 = arith.index_cast %get3A_425 : i32 to index
      %get3A_427 = arith.index_cast %mul3A_231 : i32 to index
      %get3A_428 = tpu.vector_load %arg17[%get3A_426, %get3A_427] {strides = array<i32>} : memref<8x256xf32, #tpu.memory_space<vmem>>, vector<16xf32>,
      %get3A_429 = arith.constant 1 : i32
      %get3A_430 = arith.index_cast %get3A_429 : i32 to index
      %get3A_431 = arith.index_cast %mul3A_231 : i32 to index
      %get3A_432 = tpu.vector_load %arg18[%get3A_430, %get3A_431] {strides = array<i32>} : memref<8x256xf32, #tpu.memory_space<vmem>>, vector<16xf32>,
      %get3A_433 = arith.constant 1 : i32
      %get3A_434 = arith.index_cast %get3A_433 : i32 to index
      %get3A_435 = arith.index_cast %mul3A_231 : i32 to index
      %get3A_436 = tpu.vector_load %arg19[%get3A_434, %get3A_435] {strides = array<i32>} : memref<8x256xf32, #tpu.memory_space<vmem>>, vector<16xf32>,
      %get3A_437 = arith.constant 1 : i32
      %get3A_438 = arith.index_cast %get3A_437 : i32 to index
      %get3A_439 = arith.index_cast %mul3A_231 : i32 to index
      %get3A_440 = tpu.vector_load %arg20[%get3A_438, %get3A_439] {strides = array<i32>} : memref<8x256xf32, #tpu.memory_space<vmem>>, vector<16xf32>,
      %mul3A_441 = arith.mulf %gather3A_119, %add3A_276 : vector<16xf32>
      %add3A_442 = arith.addf %gather3A, %mul3A_441 : vector<16xf32>
      %mul3A_443 = arith.mulf %gather3A_122, %add3A_424 : vector<16xf32>
      %sub3A_444 = arith.subf %add3A_442, %mul3A_443 : vector<16xf32>
      %mul3A_445 = arith.mulf %sub3A_444, %get3A_428 : vector<16xf32>
      %add3A_446 = arith.addf %mul3A_445, %get3A_432 : vector<16xf32>
      %add3A_447 = arith.addf %add3A_446, %sub3A : vector<16xf32>
      %neg3A = arith.constant 0.000000e+00 : f32
      %neg3A_448 = vector.broadcast %neg3A : f32 to vector<16xf32>
      %neg3A_449 = arith.subf %neg3A_448, %add3A_447 : vector<16xf32>
      %mul3A_450 = arith.mulf %neg3A_449, %gather3A_140 : vector<16xf32>
      %exp3A = math.exp %mul3A_450 : vector<16xf32>
      %add3A_451 = arith.constant 1.000000e+00 : f32
      %add3A_452 = vector.broadcast %add3A_451 : f32 to vector<16xf32>
      %add3A_453 = arith.addf %add3A_452, %exp3A : vector<16xf32>
      %div3A = arith.constant 1.000000e+00 : f32
      %div3A_454 = vector.broadcast %div3A : f32 to vector<16xf32>
      %div3A_455 = arith.divf %div3A_454, %add3A_453 : vector<16xf32>
      %swap3A_456 = arith.constant 1 : i32
      %swap3A_457 = arith.index_cast %swap3A_456 : i32 to index
      %swap3A_458 = arith.index_cast %mul3A_231 : i32 to index
      %swap3A_459 = tpu.vector_load %arg28[%swap3A_457, %swap3A_458] {strides = array<i32>} : memref<8x256xf32, #tpu.memory_space<vmem>>, vector<16xf32>,
      tpu.vector_store %arg28[%swap3A_457, %swap3A_458], %div3A_455 {strides = array<i32>} : memref<8x256xf32, #tpu.memory_space<vmem>>, vector<16xf32>,
      %mul3A_460 = arith.constant 2.000000e+00 : f32
      %mul3A_461 = vector.broadcast %mul3A_460 : f32 to vector<16xf32>
      %mul3A_462 = arith.mulf %mul3A_461, %get3A_440 : vector<16xf32>
      %sub3A_463 = arith.constant 1.000000e+00 : f32
      %sub3A_464 = vector.broadcast %sub3A_463 : f32 to vector<16xf32>
      %sub3A_465 = arith.subf %sub3A_464, %mul3A_462 : vector<16xf32>
      %mul3A_466 = arith.mulf %sub3A_465, %gather3A_137 : vector<16xf32>
      %sub3A_467 = arith.constant 5.000000e-01 : f32
      %sub3A_468 = vector.broadcast %sub3A_467 : f32 to vector<16xf32>
      %sub3A_469 = arith.subf %get3A_440, %sub3A_468 : vector<16xf32>
      %add3A_470 = arith.addf %sub3A, %add3A_144 : vector<16xf32>
      %mul3A_471 = arith.mulf %sub3A_469, %add3A_470 : vector<16xf32>
      %add3A_472 = arith.addf %mul3A_466, %mul3A_471 : vector<16xf32>
      %mul3A_473 = arith.mulf %get3A_436, %add3A_472 : vector<16xf32>
      %add3A_474 = arith.addf %scan3A_229, %mul3A_473 : vector<16xf32>
      scf.yield %add3A_474 : vector<16xf32>
    }
    %scan3A_161 = arith.constant 16 : i32
    %broadcast_in_dim3A_162 = arith.constant 2 : i32
    %broadcast_in_dim3A_163 = vector.broadcast %broadcast_in_dim3A_162 : i32 to vector<16xi32>
    %scan3A_164 = arith.constant 0 : i32
    %scan3A_165 = arith.constant 16 : i32
    %scan3A_166 = arith.addi %scan3A_164, %scan3A_165 : i32
    %scan3A_167 = arith.constant 1 : i32
    %scan3A_168 = scf.for %scan3A_228 = %scan3A_164 to %scan3A_166 step %scan3A_167 iter_args(%scan3A_229 = %scan3A_160) -> (vector<16xf32>)  : i32 {
      %mul3A_230 = arith.constant 16 : i32
      %mul3A_231 = arith.muli %scan3A_228, %mul3A_230 : i32
      %broadcast_in_dim3A_232 = arith.constant 0.000000e+00 : f32
      %broadcast_in_dim3A_233 = vector.broadcast %broadcast_in_dim3A_232 : f32 to vector<16xf32>
      %broadcast_in_dim3A_234 = arith.constant 0.000000e+00 : f32
      %broadcast_in_dim3A_235 = vector.broadcast %broadcast_in_dim3A_234 : f32 to vector<16xf32>
      %add3A_236 = arith.constant 16 : i32
      %add3A_237 = arith.addi %add3A_236, %squeeze3A : i32
      %get3A_238 = tpu.memref_reshape %arg24 : memref<8x4x2x256xi32, #tpu.memory_space<vmem>> -> memref<64x256xi32, #tpu.memory_space<vmem>>
      %get3A_239 = arith.index_cast %add3A_237 : i32 to index
      %get3A_240 = arith.index_cast %mul3A_231 : i32 to index
      %get3A_241 = tpu.vector_load %get3A_238[%get3A_239, %get3A_240] {strides = array<i32>} : memref<64x256xi32, #tpu.memory_space<vmem>>, vector<16xi32>,
      %gather3A_242 = tpu.vector_load_idx %arg16[%broadcast_in_dim3A_163, %get3A_241] : memref<8x256xf32, #tpu.memory_space<vmem>>[vector<16xi32>, vector<16xi32>], vector<16xf32>,
      %add3A_243 = arith.addf %broadcast_in_dim3A_235, %gather3A_242 : vector<16xf32>
      %gather3A_244 = tpu.vector_load_idx %arg20[%broadcast_in_dim3A_163, %get3A_241] : memref<8x256xf32, #tpu.memory_space<vmem>>[vector<16xi32>, vector<16xi32>], vector<16xf32>,
      %mul3A_245 = arith.mulf %gather3A_244, %gather3A_125 : vector<16xf32>
      %add3A_246 = arith.addf %broadcast_in_dim3A_233, %mul3A_245 : vector<16xf32>
      %add3A_247 = arith.constant 18 : i32
      %add3A_248 = arith.addi %add3A_247, %squeeze3A : i32
      %get3A_249 = tpu.memref_reshape %arg24 : memref<8x4x2x256xi32, #tpu.memory_space<vmem>> -> memref<64x256xi32, #tpu.memory_space<vmem>>
      %get3A_250 = arith.index_cast %add3A_248 : i32 to index
      %get3A_251 = arith.index_cast %mul3A_231 : i32 to index
      %get3A_252 = tpu.vector_load %get3A_249[%get3A_250, %get3A_251] {strides = array<i32>} : memref<64x256xi32, #tpu.memory_space<vmem>>, vector<16xi32>,
      %gather3A_253 = tpu.vector_load_idx %arg16[%broadcast_in_dim3A_163, %get3A_252] : memref<8x256xf32, #tpu.memory_space<vmem>>[vector<16xi32>, vector<16xi32>], vector<16xf32>,
      %add3A_254 = arith.addf %add3A_243, %gather3A_253 : vector<16xf32>
      %gather3A_255 = tpu.vector_load_idx %arg20[%broadcast_in_dim3A_163, %get3A_252] : memref<8x256xf32, #tpu.memory_space<vmem>>[vector<16xi32>, vector<16xi32>], vector<16xf32>,
      %mul3A_256 = arith.mulf %gather3A_255, %gather3A_128 : vector<16xf32>
      %add3A_257 = arith.addf %add3A_246, %mul3A_256 : vector<16xf32>
      %add3A_258 = arith.constant 20 : i32
      %add3A_259 = arith.addi %add3A_258, %squeeze3A : i32
      %get3A_260 = tpu.memref_reshape %arg24 : memref<8x4x2x256xi32, #tpu.memory_space<vmem>> -> memref<64x256xi32, #tpu.memory_space<vmem>>
      %get3A_261 = arith.index_cast %add3A_259 : i32 to index
      %get3A_262 = arith.index_cast %mul3A_231 : i32 to index
      %get3A_263 = tpu.vector_load %get3A_260[%get3A_261, %get3A_262] {strides = array<i32>} : memref<64x256xi32, #tpu.memory_space<vmem>>, vector<16xi32>,
      %gather3A_264 = tpu.vector_load_idx %arg16[%broadcast_in_dim3A_163, %get3A_263] : memref<8x256xf32, #tpu.memory_space<vmem>>[vector<16xi32>, vector<16xi32>], vector<16xf32>,
      %add3A_265 = arith.addf %add3A_254, %gather3A_264 : vector<16xf32>
      %gather3A_266 = tpu.vector_load_idx %arg20[%broadcast_in_dim3A_163, %get3A_263] : memref<8x256xf32, #tpu.memory_space<vmem>>[vector<16xi32>, vector<16xi32>], vector<16xf32>,
      %mul3A_267 = arith.mulf %gather3A_266, %gather3A_131 : vector<16xf32>
      %add3A_268 = arith.addf %add3A_257, %mul3A_267 : vector<16xf32>
      %add3A_269 = arith.constant 22 : i32
      %add3A_270 = arith.addi %add3A_269, %squeeze3A : i32
      %get3A_271 = tpu.memref_reshape %arg24 : memref<8x4x2x256xi32, #tpu.memory_space<vmem>> -> memref<64x256xi32, #tpu.memory_space<vmem>>
      %get3A_272 = arith.index_cast %add3A_270 : i32 to index
      %get3A_273 = arith.index_cast %mul3A_231 : i32 to index
      %get3A_274 = tpu.vector_load %get3A_271[%get3A_272, %get3A_273] {strides = array<i32>} : memref<64x256xi32, #tpu.memory_space<vmem>>, vector<16xi32>,
      %gather3A_275 = tpu.vector_load_idx %arg16[%broadcast_in_dim3A_163, %get3A_274] : memref<8x256xf32, #tpu.memory_space<vmem>>[vector<16xi32>, vector<16xi32>], vector<16xf32>,
      %add3A_276 = arith.addf %add3A_265, %gather3A_275 : vector<16xf32>
      %gather3A_277 = tpu.vector_load_idx %arg20[%broadcast_in_dim3A_163, %get3A_274] : memref<8x256xf32, #tpu.memory_space<vmem>>[vector<16xi32>, vector<16xi32>], vector<16xf32>,
      %mul3A_278 = arith.mulf %gather3A_277, %gather3A_134 : vector<16xf32>
      %add3A_279 = arith.addf %add3A_268, %mul3A_278 : vector<16xf32>
      %mul3A_280 = arith.constant 4.000000e+00 : f32
      %mul3A_281 = vector.broadcast %mul3A_280 : f32 to vector<16xf32>
      %mul3A_282 = arith.mulf %mul3A_281, %add3A_279 : vector<16xf32>
      %sub3A = arith.subf %mul3A_282, %add3A_144 : vector<16xf32>
      %broadcast_in_dim3A_283 = arith.constant 0.000000e+00 : f32
      %broadcast_in_dim3A_284 = vector.broadcast %broadcast_in_dim3A_283 : f32 to vector<16xf32>
      %add3A_285 = arith.constant 16 : i32
      %add3A_286 = arith.addi %add3A_285, %squeeze3A : i32
      %get3A_287 = tpu.memref_reshape %arg25 : memref<8x4x2x256xi32, #tpu.memory_space<vmem>> -> memref<64x256xi32, #tpu.memory_space<vmem>>
      %get3A_288 = arith.index_cast %add3A_286 : i32 to index
      %get3A_289 = arith.index_cast %mul3A_231 : i32 to index
      %get3A_290 = tpu.vector_load %get3A_287[%get3A_288, %get3A_289] {strides = array<i32>} : memref<64x256xi32, #tpu.memory_space<vmem>>, vector<16xi32>,
      %gather3A_291 = tpu.vector_load_idx %arg16[%broadcast_in_dim3A_163, %get3A_290] : memref<8x256xf32, #tpu.memory_space<vmem>>[vector<16xi32>, vector<16xi32>], vector<16xf32>,
      %broadcast_in_dim3A_292 = arith.constant 0.000000e+00 : f32
      %broadcast_in_dim3A_293 = vector.broadcast %broadcast_in_dim3A_292 : f32 to vector<16xf32>
      %add3A_294 = arith.constant 48 : i32
      %add3A_295 = arith.addi %add3A_294, %squeeze3A : i32
      %get3A_296 = tpu.memref_reshape %arg26 : memref<8x4x3x2x256xi32, #tpu.memory_space<vmem>> -> memref<192x256xi32, #tpu.memory_space<vmem>>
      %get3A_297 = arith.index_cast %add3A_295 : i32 to index
      %get3A_298 = arith.index_cast %mul3A_231 : i32 to index
      %get3A_299 = tpu.vector_load %get3A_296[%get3A_297, %get3A_298] {strides = array<i32>} : memref<192x256xi32, #tpu.memory_space<vmem>>, vector<16xi32>,
      %gather3A_300 = tpu.vector_load_idx %arg16[%broadcast_in_dim3A_163, %get3A_299] : memref<8x256xf32, #tpu.memory_space<vmem>>[vector<16xi32>, vector<16xi32>], vector<16xf32>,
      %add3A_301 = arith.addf %broadcast_in_dim3A_293, %gather3A_300 : vector<16xf32>
      %add3A_302 = arith.constant 50 : i32
      %add3A_303 = arith.addi %add3A_302, %squeeze3A : i32
      %get3A_304 = tpu.memref_reshape %arg26 : memref<8x4x3x2x256xi32, #tpu.memory_space<vmem>> -> memref<192x256xi32, #tpu.memory_space<vmem>>
      %get3A_305 = arith.index_cast %add3A_303 : i32 to index
      %get3A_306 = arith.index_cast %mul3A_231 : i32 to index
      %get3A_307 = tpu.vector_load %get3A_304[%get3A_305, %get3A_306] {strides = array<i32>} : memref<192x256xi32, #tpu.memory_space<vmem>>, vector<16xi32>,
      %gather3A_308 = tpu.vector_load_idx %arg16[%broadcast_in_dim3A_163, %get3A_307] : memref<8x256xf32, #tpu.memory_space<vmem>>[vector<16xi32>, vector<16xi32>], vector<16xf32>,
      %add3A_309 = arith.addf %add3A_301, %gather3A_308 : vector<16xf32>
      %add3A_310 = arith.constant 52 : i32
      %add3A_311 = arith.addi %add3A_310, %squeeze3A : i32
      %get3A_312 = tpu.memref_reshape %arg26 : memref<8x4x3x2x256xi32, #tpu.memory_space<vmem>> -> memref<192x256xi32, #tpu.memory_space<vmem>>
      %get3A_313 = arith.index_cast %add3A_311 : i32 to index
      %get3A_314 = arith.index_cast %mul3A_231 : i32 to index
      %get3A_315 = tpu.vector_load %get3A_312[%get3A_313, %get3A_314] {strides = array<i32>} : memref<192x256xi32, #tpu.memory_space<vmem>>, vector<16xi32>,
      %gather3A_316 = tpu.vector_load_idx %arg16[%broadcast_in_dim3A_163, %get3A_315] : memref<8x256xf32, #tpu.memory_space<vmem>>[vector<16xi32>, vector<16xi32>], vector<16xf32>,
      %add3A_317 = arith.addf %add3A_309, %gather3A_316 : vector<16xf32>
      %mul3A_318 = arith.mulf %gather3A_291, %add3A_317 : vector<16xf32>
      %add3A_319 = arith.addf %broadcast_in_dim3A_284, %mul3A_318 : vector<16xf32>
      %add3A_320 = arith.constant 18 : i32
      %add3A_321 = arith.addi %add3A_320, %squeeze3A : i32
      %get3A_322 = tpu.memref_reshape %arg25 : memref<8x4x2x256xi32, #tpu.memory_space<vmem>> -> memref<64x256xi32, #tpu.memory_space<vmem>>
      %get3A_323 = arith.index_cast %add3A_321 : i32 to index
      %get3A_324 = arith.index_cast %mul3A_231 : i32 to index
      %get3A_325 = tpu.vector_load %get3A_322[%get3A_323, %get3A_324] {strides = array<i32>} : memref<64x256xi32, #tpu.memory_space<vmem>>, vector<16xi32>,
      %gather3A_326 = tpu.vector_load_idx %arg16[%broadcast_in_dim3A_163, %get3A_325] : memref<8x256xf32, #tpu.memory_space<vmem>>[vector<16xi32>, vector<16xi32>], vector<16xf32>,
      %broadcast_in_dim3A_327 = arith.constant 0.000000e+00 : f32
      %broadcast_in_dim3A_328 = vector.broadcast %broadcast_in_dim3A_327 : f32 to vector<16xf32>
      %add3A_329 = arith.constant 54 : i32
      %add3A_330 = arith.addi %add3A_329, %squeeze3A : i32
      %get3A_331 = tpu.memref_reshape %arg26 : memref<8x4x3x2x256xi32, #tpu.memory_space<vmem>> -> memref<192x256xi32, #tpu.memory_space<vmem>>
      %get3A_332 = arith.index_cast %add3A_330 : i32 to index
      %get3A_333 = arith.index_cast %mul3A_231 : i32 to index
      %get3A_334 = tpu.vector_load %get3A_331[%get3A_332, %get3A_333] {strides = array<i32>} : memref<192x256xi32, #tpu.memory_space<vmem>>, vector<16xi32>,
      %gather3A_335 = tpu.vector_load_idx %arg16[%broadcast_in_dim3A_163, %get3A_334] : memref<8x256xf32, #tpu.memory_space<vmem>>[vector<16xi32>, vector<16xi32>], vector<16xf32>,
      %add3A_336 = arith.addf %broadcast_in_dim3A_328, %gather3A_335 : vector<16xf32>
      %add3A_337 = arith.constant 56 : i32
      %add3A_338 = arith.addi %add3A_337, %squeeze3A : i32
      %get3A_339 = tpu.memref_reshape %arg26 : memref<8x4x3x2x256xi32, #tpu.memory_space<vmem>> -> memref<192x256xi32, #tpu.memory_space<vmem>>
      %get3A_340 = arith.index_cast %add3A_338 : i32 to index
      %get3A_341 = arith.index_cast %mul3A_231 : i32 to index
      %get3A_342 = tpu.vector_load %get3A_339[%get3A_340, %get3A_341] {strides = array<i32>} : memref<192x256xi32, #tpu.memory_space<vmem>>, vector<16xi32>,
      %gather3A_343 = tpu.vector_load_idx %arg16[%broadcast_in_dim3A_163, %get3A_342] : memref<8x256xf32, #tpu.memory_space<vmem>>[vector<16xi32>, vector<16xi32>], vector<16xf32>,
      %add3A_344 = arith.addf %add3A_336, %gather3A_343 : vector<16xf32>
      %add3A_345 = arith.constant 58 : i32
      %add3A_346 = arith.addi %add3A_345, %squeeze3A : i32
      %get3A_347 = tpu.memref_reshape %arg26 : memref<8x4x3x2x256xi32, #tpu.memory_space<vmem>> -> memref<192x256xi32, #tpu.memory_space<vmem>>
      %get3A_348 = arith.index_cast %add3A_346 : i32 to index
      %get3A_349 = arith.index_cast %mul3A_231 : i32 to index
      %get3A_350 = tpu.vector_load %get3A_347[%get3A_348, %get3A_349] {strides = array<i32>} : memref<192x256xi32, #tpu.memory_space<vmem>>, vector<16xi32>,
      %gather3A_351 = tpu.vector_load_idx %arg16[%broadcast_in_dim3A_163, %get3A_350] : memref<8x256xf32, #tpu.memory_space<vmem>>[vector<16xi32>, vector<16xi32>], vector<16xf32>,
      %add3A_352 = arith.addf %add3A_344, %gather3A_351 : vector<16xf32>
      %mul3A_353 = arith.mulf %gather3A_326, %add3A_352 : vector<16xf32>
      %add3A_354 = arith.addf %add3A_319, %mul3A_353 : vector<16xf32>
      %add3A_355 = arith.constant 20 : i32
      %add3A_356 = arith.addi %add3A_355, %squeeze3A : i32
      %get3A_357 = tpu.memref_reshape %arg25 : memref<8x4x2x256xi32, #tpu.memory_space<vmem>> -> memref<64x256xi32, #tpu.memory_space<vmem>>
      %get3A_358 = arith.index_cast %add3A_356 : i32 to index
      %get3A_359 = arith.index_cast %mul3A_231 : i32 to index
      %get3A_360 = tpu.vector_load %get3A_357[%get3A_358, %get3A_359] {strides = array<i32>} : memref<64x256xi32, #tpu.memory_space<vmem>>, vector<16xi32>,
      %gather3A_361 = tpu.vector_load_idx %arg16[%broadcast_in_dim3A_163, %get3A_360] : memref<8x256xf32, #tpu.memory_space<vmem>>[vector<16xi32>, vector<16xi32>], vector<16xf32>,
      %broadcast_in_dim3A_362 = arith.constant 0.000000e+00 : f32
      %broadcast_in_dim3A_363 = vector.broadcast %broadcast_in_dim3A_362 : f32 to vector<16xf32>
      %add3A_364 = arith.constant 60 : i32
      %add3A_365 = arith.addi %add3A_364, %squeeze3A : i32
      %get3A_366 = tpu.memref_reshape %arg26 : memref<8x4x3x2x256xi32, #tpu.memory_space<vmem>> -> memref<192x256xi32, #tpu.memory_space<vmem>>
      %get3A_367 = arith.index_cast %add3A_365 : i32 to index
      %get3A_368 = arith.index_cast %mul3A_231 : i32 to index
      %get3A_369 = tpu.vector_load %get3A_366[%get3A_367, %get3A_368] {strides = array<i32>} : memref<192x256xi32, #tpu.memory_space<vmem>>, vector<16xi32>,
      %gather3A_370 = tpu.vector_load_idx %arg16[%broadcast_in_dim3A_163, %get3A_369] : memref<8x256xf32, #tpu.memory_space<vmem>>[vector<16xi32>, vector<16xi32>], vector<16xf32>,
      %add3A_371 = arith.addf %broadcast_in_dim3A_363, %gather3A_370 : vector<16xf32>
      %add3A_372 = arith.constant 62 : i32
      %add3A_373 = arith.addi %add3A_372, %squeeze3A : i32
      %get3A_374 = tpu.memref_reshape %arg26 : memref<8x4x3x2x256xi32, #tpu.memory_space<vmem>> -> memref<192x256xi32, #tpu.memory_space<vmem>>
      %get3A_375 = arith.index_cast %add3A_373 : i32 to index
      %get3A_376 = arith.index_cast %mul3A_231 : i32 to index
      %get3A_377 = tpu.vector_load %get3A_374[%get3A_375, %get3A_376] {strides = array<i32>} : memref<192x256xi32, #tpu.memory_space<vmem>>, vector<16xi32>,
      %gather3A_378 = tpu.vector_load_idx %arg16[%broadcast_in_dim3A_163, %get3A_377] : memref<8x256xf32, #tpu.memory_space<vmem>>[vector<16xi32>, vector<16xi32>], vector<16xf32>,
      %add3A_379 = arith.addf %add3A_371, %gather3A_378 : vector<16xf32>
      %add3A_380 = arith.constant 64 : i32
      %add3A_381 = arith.addi %add3A_380, %squeeze3A : i32
      %get3A_382 = tpu.memref_reshape %arg26 : memref<8x4x3x2x256xi32, #tpu.memory_space<vmem>> -> memref<192x256xi32, #tpu.memory_space<vmem>>
      %get3A_383 = arith.index_cast %add3A_381 : i32 to index
      %get3A_384 = arith.index_cast %mul3A_231 : i32 to index
      %get3A_385 = tpu.vector_load %get3A_382[%get3A_383, %get3A_384] {strides = array<i32>} : memref<192x256xi32, #tpu.memory_space<vmem>>, vector<16xi32>,
      %gather3A_386 = tpu.vector_load_idx %arg16[%broadcast_in_dim3A_163, %get3A_385] : memref<8x256xf32, #tpu.memory_space<vmem>>[vector<16xi32>, vector<16xi32>], vector<16xf32>,
      %add3A_387 = arith.addf %add3A_379, %gather3A_386 : vector<16xf32>
      %mul3A_388 = arith.mulf %gather3A_361, %add3A_387 : vector<16xf32>
      %add3A_389 = arith.addf %add3A_354, %mul3A_388 : vector<16xf32>
      %add3A_390 = arith.constant 22 : i32
      %add3A_391 = arith.addi %add3A_390, %squeeze3A : i32
      %get3A_392 = tpu.memref_reshape %arg25 : memref<8x4x2x256xi32, #tpu.memory_space<vmem>> -> memref<64x256xi32, #tpu.memory_space<vmem>>
      %get3A_393 = arith.index_cast %add3A_391 : i32 to index
      %get3A_394 = arith.index_cast %mul3A_231 : i32 to index
      %get3A_395 = tpu.vector_load %get3A_392[%get3A_393, %get3A_394] {strides = array<i32>} : memref<64x256xi32, #tpu.memory_space<vmem>>, vector<16xi32>,
      %gather3A_396 = tpu.vector_load_idx %arg16[%broadcast_in_dim3A_163, %get3A_395] : memref<8x256xf32, #tpu.memory_space<vmem>>[vector<16xi32>, vector<16xi32>], vector<16xf32>,
      %broadcast_in_dim3A_397 = arith.constant 0.000000e+00 : f32
      %broadcast_in_dim3A_398 = vector.broadcast %broadcast_in_dim3A_397 : f32 to vector<16xf32>
      %add3A_399 = arith.constant 66 : i32
      %add3A_400 = arith.addi %add3A_399, %squeeze3A : i32
      %get3A_401 = tpu.memref_reshape %arg26 : memref<8x4x3x2x256xi32, #tpu.memory_space<vmem>> -> memref<192x256xi32, #tpu.memory_space<vmem>>
      %get3A_402 = arith.index_cast %add3A_400 : i32 to index
      %get3A_403 = arith.index_cast %mul3A_231 : i32 to index
      %get3A_404 = tpu.vector_load %get3A_401[%get3A_402, %get3A_403] {strides = array<i32>} : memref<192x256xi32, #tpu.memory_space<vmem>>, vector<16xi32>,
      %gather3A_405 = tpu.vector_load_idx %arg16[%broadcast_in_dim3A_163, %get3A_404] : memref<8x256xf32, #tpu.memory_space<vmem>>[vector<16xi32>, vector<16xi32>], vector<16xf32>,
      %add3A_406 = arith.addf %broadcast_in_dim3A_398, %gather3A_405 : vector<16xf32>
      %add3A_407 = arith.constant 68 : i32
      %add3A_408 = arith.addi %add3A_407, %squeeze3A : i32
      %get3A_409 = tpu.memref_reshape %arg26 : memref<8x4x3x2x256xi32, #tpu.memory_space<vmem>> -> memref<192x256xi32, #tpu.memory_space<vmem>>
      %get3A_410 = arith.index_cast %add3A_408 : i32 to index
      %get3A_411 = arith.index_cast %mul3A_231 : i32 to index
      %get3A_412 = tpu.vector_load %get3A_409[%get3A_410, %get3A_411] {strides = array<i32>} : memref<192x256xi32, #tpu.memory_space<vmem>>, vector<16xi32>,
      %gather3A_413 = tpu.vector_load_idx %arg16[%broadcast_in_dim3A_163, %get3A_412] : memref<8x256xf32, #tpu.memory_space<vmem>>[vector<16xi32>, vector<16xi32>], vector<16xf32>,
      %add3A_414 = arith.addf %add3A_406, %gather3A_413 : vector<16xf32>
      %add3A_415 = arith.constant 70 : i32
      %add3A_416 = arith.addi %add3A_415, %squeeze3A : i32
      %get3A_417 = tpu.memref_reshape %arg26 : memref<8x4x3x2x256xi32, #tpu.memory_space<vmem>> -> memref<192x256xi32, #tpu.memory_space<vmem>>
      %get3A_418 = arith.index_cast %add3A_416 : i32 to index
      %get3A_419 = arith.index_cast %mul3A_231 : i32 to index
      %get3A_420 = tpu.vector_load %get3A_417[%get3A_418, %get3A_419] {strides = array<i32>} : memref<192x256xi32, #tpu.memory_space<vmem>>, vector<16xi32>,
      %gather3A_421 = tpu.vector_load_idx %arg16[%broadcast_in_dim3A_163, %get3A_420] : memref<8x256xf32, #tpu.memory_space<vmem>>[vector<16xi32>, vector<16xi32>], vector<16xf32>,
      %add3A_422 = arith.addf %add3A_414, %gather3A_421 : vector<16xf32>
      %mul3A_423 = arith.mulf %gather3A_396, %add3A_422 : vector<16xf32>
      %add3A_424 = arith.addf %add3A_389, %mul3A_423 : vector<16xf32>
      %get3A_425 = arith.constant 2 : i32
      %get3A_426 = arith.index_cast %get3A_425 : i32 to index
      %get3A_427 = arith.index_cast %mul3A_231 : i32 to index
      %get3A_428 = tpu.vector_load %arg17[%get3A_426, %get3A_427] {strides = array<i32>} : memref<8x256xf32, #tpu.memory_space<vmem>>, vector<16xf32>,
      %get3A_429 = arith.constant 2 : i32
      %get3A_430 = arith.index_cast %get3A_429 : i32 to index
      %get3A_431 = arith.index_cast %mul3A_231 : i32 to index
      %get3A_432 = tpu.vector_load %arg18[%get3A_430, %get3A_431] {strides = array<i32>} : memref<8x256xf32, #tpu.memory_space<vmem>>, vector<16xf32>,
      %get3A_433 = arith.constant 2 : i32
      %get3A_434 = arith.index_cast %get3A_433 : i32 to index
      %get3A_435 = arith.index_cast %mul3A_231 : i32 to index
      %get3A_436 = tpu.vector_load %arg19[%get3A_434, %get3A_435] {strides = array<i32>} : memref<8x256xf32, #tpu.memory_space<vmem>>, vector<16xf32>,
      %get3A_437 = arith.constant 2 : i32
      %get3A_438 = arith.index_cast %get3A_437 : i32 to index
      %get3A_439 = arith.index_cast %mul3A_231 : i32 to index
      %get3A_440 = tpu.vector_load %arg20[%get3A_438, %get3A_439] {strides = array<i32>} : memref<8x256xf32, #tpu.memory_space<vmem>>, vector<16xf32>,
      %mul3A_441 = arith.mulf %gather3A_119, %add3A_276 : vector<16xf32>
      %add3A_442 = arith.addf %gather3A, %mul3A_441 : vector<16xf32>
      %mul3A_443 = arith.mulf %gather3A_122, %add3A_424 : vector<16xf32>
      %sub3A_444 = arith.subf %add3A_442, %mul3A_443 : vector<16xf32>
      %mul3A_445 = arith.mulf %sub3A_444, %get3A_428 : vector<16xf32>
      %add3A_446 = arith.addf %mul3A_445, %get3A_432 : vector<16xf32>
      %add3A_447 = arith.addf %add3A_446, %sub3A : vector<16xf32>
      %neg3A = arith.constant 0.000000e+00 : f32
      %neg3A_448 = vector.broadcast %neg3A : f32 to vector<16xf32>
      %neg3A_449 = arith.subf %neg3A_448, %add3A_447 : vector<16xf32>
      %mul3A_450 = arith.mulf %neg3A_449, %gather3A_140 : vector<16xf32>
      %exp3A = math.exp %mul3A_450 : vector<16xf32>
      %add3A_451 = arith.constant 1.000000e+00 : f32
      %add3A_452 = vector.broadcast %add3A_451 : f32 to vector<16xf32>
      %add3A_453 = arith.addf %add3A_452, %exp3A : vector<16xf32>
      %div3A = arith.constant 1.000000e+00 : f32
      %div3A_454 = vector.broadcast %div3A : f32 to vector<16xf32>
      %div3A_455 = arith.divf %div3A_454, %add3A_453 : vector<16xf32>
      %swap3A_456 = arith.constant 2 : i32
      %swap3A_457 = arith.index_cast %swap3A_456 : i32 to index
      %swap3A_458 = arith.index_cast %mul3A_231 : i32 to index
      %swap3A_459 = tpu.vector_load %arg28[%swap3A_457, %swap3A_458] {strides = array<i32>} : memref<8x256xf32, #tpu.memory_space<vmem>>, vector<16xf32>,
      tpu.vector_store %arg28[%swap3A_457, %swap3A_458], %div3A_455 {strides = array<i32>} : memref<8x256xf32, #tpu.memory_space<vmem>>, vector<16xf32>,
      %mul3A_460 = arith.constant 2.000000e+00 : f32
      %mul3A_461 = vector.broadcast %mul3A_460 : f32 to vector<16xf32>
      %mul3A_462 = arith.mulf %mul3A_461, %get3A_440 : vector<16xf32>
      %sub3A_463 = arith.constant 1.000000e+00 : f32
      %sub3A_464 = vector.broadcast %sub3A_463 : f32 to vector<16xf32>
      %sub3A_465 = arith.subf %sub3A_464, %mul3A_462 : vector<16xf32>
      %mul3A_466 = arith.mulf %sub3A_465, %gather3A_137 : vector<16xf32>
      %sub3A_467 = arith.constant 5.000000e-01 : f32
      %sub3A_468 = vector.broadcast %sub3A_467 : f32 to vector<16xf32>
      %sub3A_469 = arith.subf %get3A_440, %sub3A_468 : vector<16xf32>
      %add3A_470 = arith.addf %sub3A, %add3A_144 : vector<16xf32>
      %mul3A_471 = arith.mulf %sub3A_469, %add3A_470 : vector<16xf32>
      %add3A_472 = arith.addf %mul3A_466, %mul3A_471 : vector<16xf32>
      %mul3A_473 = arith.mulf %get3A_436, %add3A_472 : vector<16xf32>
      %add3A_474 = arith.addf %scan3A_229, %mul3A_473 : vector<16xf32>
      scf.yield %add3A_474 : vector<16xf32>
    }
    %scan3A_169 = arith.constant 16 : i32
    %broadcast_in_dim3A_170 = arith.constant 3 : i32
    %broadcast_in_dim3A_171 = vector.broadcast %broadcast_in_dim3A_170 : i32 to vector<16xi32>
    %scan3A_172 = arith.constant 0 : i32
    %scan3A_173 = arith.constant 16 : i32
    %scan3A_174 = arith.addi %scan3A_172, %scan3A_173 : i32
    %scan3A_175 = arith.constant 1 : i32
    %scan3A_176 = scf.for %scan3A_228 = %scan3A_172 to %scan3A_174 step %scan3A_175 iter_args(%scan3A_229 = %scan3A_168) -> (vector<16xf32>)  : i32 {
      %mul3A_230 = arith.constant 16 : i32
      %mul3A_231 = arith.muli %scan3A_228, %mul3A_230 : i32
      %broadcast_in_dim3A_232 = arith.constant 0.000000e+00 : f32
      %broadcast_in_dim3A_233 = vector.broadcast %broadcast_in_dim3A_232 : f32 to vector<16xf32>
      %broadcast_in_dim3A_234 = arith.constant 0.000000e+00 : f32
      %broadcast_in_dim3A_235 = vector.broadcast %broadcast_in_dim3A_234 : f32 to vector<16xf32>
      %add3A_236 = arith.constant 24 : i32
      %add3A_237 = arith.addi %add3A_236, %squeeze3A : i32
      %get3A_238 = tpu.memref_reshape %arg24 : memref<8x4x2x256xi32, #tpu.memory_space<vmem>> -> memref<64x256xi32, #tpu.memory_space<vmem>>
      %get3A_239 = arith.index_cast %add3A_237 : i32 to index
      %get3A_240 = arith.index_cast %mul3A_231 : i32 to index
      %get3A_241 = tpu.vector_load %get3A_238[%get3A_239, %get3A_240] {strides = array<i32>} : memref<64x256xi32, #tpu.memory_space<vmem>>, vector<16xi32>,
      %gather3A_242 = tpu.vector_load_idx %arg16[%broadcast_in_dim3A_171, %get3A_241] : memref<8x256xf32, #tpu.memory_space<vmem>>[vector<16xi32>, vector<16xi32>], vector<16xf32>,
      %add3A_243 = arith.addf %broadcast_in_dim3A_235, %gather3A_242 : vector<16xf32>
      %gather3A_244 = tpu.vector_load_idx %arg20[%broadcast_in_dim3A_171, %get3A_241] : memref<8x256xf32, #tpu.memory_space<vmem>>[vector<16xi32>, vector<16xi32>], vector<16xf32>,
      %mul3A_245 = arith.mulf %gather3A_244, %gather3A_125 : vector<16xf32>
      %add3A_246 = arith.addf %broadcast_in_dim3A_233, %mul3A_245 : vector<16xf32>
      %add3A_247 = arith.constant 26 : i32
      %add3A_248 = arith.addi %add3A_247, %squeeze3A : i32
      %get3A_249 = tpu.memref_reshape %arg24 : memref<8x4x2x256xi32, #tpu.memory_space<vmem>> -> memref<64x256xi32, #tpu.memory_space<vmem>>
      %get3A_250 = arith.index_cast %add3A_248 : i32 to index
      %get3A_251 = arith.index_cast %mul3A_231 : i32 to index
      %get3A_252 = tpu.vector_load %get3A_249[%get3A_250, %get3A_251] {strides = array<i32>} : memref<64x256xi32, #tpu.memory_space<vmem>>, vector<16xi32>,
      %gather3A_253 = tpu.vector_load_idx %arg16[%broadcast_in_dim3A_171, %get3A_252] : memref<8x256xf32, #tpu.memory_space<vmem>>[vector<16xi32>, vector<16xi32>], vector<16xf32>,
      %add3A_254 = arith.addf %add3A_243, %gather3A_253 : vector<16xf32>
      %gather3A_255 = tpu.vector_load_idx %arg20[%broadcast_in_dim3A_171, %get3A_252] : memref<8x256xf32, #tpu.memory_space<vmem>>[vector<16xi32>, vector<16xi32>], vector<16xf32>,
      %mul3A_256 = arith.mulf %gather3A_255, %gather3A_128 : vector<16xf32>
      %add3A_257 = arith.addf %add3A_246, %mul3A_256 : vector<16xf32>
      %add3A_258 = arith.constant 28 : i32
      %add3A_259 = arith.addi %add3A_258, %squeeze3A : i32
      %get3A_260 = tpu.memref_reshape %arg24 : memref<8x4x2x256xi32, #tpu.memory_space<vmem>> -> memref<64x256xi32, #tpu.memory_space<vmem>>
      %get3A_261 = arith.index_cast %add3A_259 : i32 to index
      %get3A_262 = arith.index_cast %mul3A_231 : i32 to index
      %get3A_263 = tpu.vector_load %get3A_260[%get3A_261, %get3A_262] {strides = array<i32>} : memref<64x256xi32, #tpu.memory_space<vmem>>, vector<16xi32>,
      %gather3A_264 = tpu.vector_load_idx %arg16[%broadcast_in_dim3A_171, %get3A_263] : memref<8x256xf32, #tpu.memory_space<vmem>>[vector<16xi32>, vector<16xi32>], vector<16xf32>,
      %add3A_265 = arith.addf %add3A_254, %gather3A_264 : vector<16xf32>
      %gather3A_266 = tpu.vector_load_idx %arg20[%broadcast_in_dim3A_171, %get3A_263] : memref<8x256xf32, #tpu.memory_space<vmem>>[vector<16xi32>, vector<16xi32>], vector<16xf32>,
      %mul3A_267 = arith.mulf %gather3A_266, %gather3A_131 : vector<16xf32>
      %add3A_268 = arith.addf %add3A_257, %mul3A_267 : vector<16xf32>
      %add3A_269 = arith.constant 30 : i32
      %add3A_270 = arith.addi %add3A_269, %squeeze3A : i32
      %get3A_271 = tpu.memref_reshape %arg24 : memref<8x4x2x256xi32, #tpu.memory_space<vmem>> -> memref<64x256xi32, #tpu.memory_space<vmem>>
      %get3A_272 = arith.index_cast %add3A_270 : i32 to index
      %get3A_273 = arith.index_cast %mul3A_231 : i32 to index
      %get3A_274 = tpu.vector_load %get3A_271[%get3A_272, %get3A_273] {strides = array<i32>} : memref<64x256xi32, #tpu.memory_space<vmem>>, vector<16xi32>,
      %gather3A_275 = tpu.vector_load_idx %arg16[%broadcast_in_dim3A_171, %get3A_274] : memref<8x256xf32, #tpu.memory_space<vmem>>[vector<16xi32>, vector<16xi32>], vector<16xf32>,
      %add3A_276 = arith.addf %add3A_265, %gather3A_275 : vector<16xf32>
      %gather3A_277 = tpu.vector_load_idx %arg20[%broadcast_in_dim3A_171, %get3A_274] : memref<8x256xf32, #tpu.memory_space<vmem>>[vector<16xi32>, vector<16xi32>], vector<16xf32>,
      %mul3A_278 = arith.mulf %gather3A_277, %gather3A_134 : vector<16xf32>
      %add3A_279 = arith.addf %add3A_268, %mul3A_278 : vector<16xf32>
      %mul3A_280 = arith.constant 4.000000e+00 : f32
      %mul3A_281 = vector.broadcast %mul3A_280 : f32 to vector<16xf32>
      %mul3A_282 = arith.mulf %mul3A_281, %add3A_279 : vector<16xf32>
      %sub3A = arith.subf %mul3A_282, %add3A_144 : vector<16xf32>
      %broadcast_in_dim3A_283 = arith.constant 0.000000e+00 : f32
      %broadcast_in_dim3A_284 = vector.broadcast %broadcast_in_dim3A_283 : f32 to vector<16xf32>
      %add3A_285 = arith.constant 24 : i32
      %add3A_286 = arith.addi %add3A_285, %squeeze3A : i32
      %get3A_287 = tpu.memref_reshape %arg25 : memref<8x4x2x256xi32, #tpu.memory_space<vmem>> -> memref<64x256xi32, #tpu.memory_space<vmem>>
      %get3A_288 = arith.index_cast %add3A_286 : i32 to index
      %get3A_289 = arith.index_cast %mul3A_231 : i32 to index
      %get3A_290 = tpu.vector_load %get3A_287[%get3A_288, %get3A_289] {strides = array<i32>} : memref<64x256xi32, #tpu.memory_space<vmem>>, vector<16xi32>,
      %gather3A_291 = tpu.vector_load_idx %arg16[%broadcast_in_dim3A_171, %get3A_290] : memref<8x256xf32, #tpu.memory_space<vmem>>[vector<16xi32>, vector<16xi32>], vector<16xf32>,
      %broadcast_in_dim3A_292 = arith.constant 0.000000e+00 : f32
      %broadcast_in_dim3A_293 = vector.broadcast %broadcast_in_dim3A_292 : f32 to vector<16xf32>
      %add3A_294 = arith.constant 72 : i32
      %add3A_295 = arith.addi %add3A_294, %squeeze3A : i32
      %get3A_296 = tpu.memref_reshape %arg26 : memref<8x4x3x2x256xi32, #tpu.memory_space<vmem>> -> memref<192x256xi32, #tpu.memory_space<vmem>>
      %get3A_297 = arith.index_cast %add3A_295 : i32 to index
      %get3A_298 = arith.index_cast %mul3A_231 : i32 to index
      %get3A_299 = tpu.vector_load %get3A_296[%get3A_297, %get3A_298] {strides = array<i32>} : memref<192x256xi32, #tpu.memory_space<vmem>>, vector<16xi32>,
      %gather3A_300 = tpu.vector_load_idx %arg16[%broadcast_in_dim3A_171, %get3A_299] : memref<8x256xf32, #tpu.memory_space<vmem>>[vector<16xi32>, vector<16xi32>], vector<16xf32>,
      %add3A_301 = arith.addf %broadcast_in_dim3A_293, %gather3A_300 : vector<16xf32>
      %add3A_302 = arith.constant 74 : i32
      %add3A_303 = arith.addi %add3A_302, %squeeze3A : i32
      %get3A_304 = tpu.memref_reshape %arg26 : memref<8x4x3x2x256xi32, #tpu.memory_space<vmem>> -> memref<192x256xi32, #tpu.memory_space<vmem>>
      %get3A_305 = arith.index_cast %add3A_303 : i32 to index
      %get3A_306 = arith.index_cast %mul3A_231 : i32 to index
      %get3A_307 = tpu.vector_load %get3A_304[%get3A_305, %get3A_306] {strides = array<i32>} : memref<192x256xi32, #tpu.memory_space<vmem>>, vector<16xi32>,
      %gather3A_308 = tpu.vector_load_idx %arg16[%broadcast_in_dim3A_171, %get3A_307] : memref<8x256xf32, #tpu.memory_space<vmem>>[vector<16xi32>, vector<16xi32>], vector<16xf32>,
      %add3A_309 = arith.addf %add3A_301, %gather3A_308 : vector<16xf32>
      %add3A_310 = arith.constant 76 : i32
      %add3A_311 = arith.addi %add3A_310, %squeeze3A : i32
      %get3A_312 = tpu.memref_reshape %arg26 : memref<8x4x3x2x256xi32, #tpu.memory_space<vmem>> -> memref<192x256xi32, #tpu.memory_space<vmem>>
      %get3A_313 = arith.index_cast %add3A_311 : i32 to index
      %get3A_314 = arith.index_cast %mul3A_231 : i32 to index
      %get3A_315 = tpu.vector_load %get3A_312[%get3A_313, %get3A_314] {strides = array<i32>} : memref<192x256xi32, #tpu.memory_space<vmem>>, vector<16xi32>,
      %gather3A_316 = tpu.vector_load_idx %arg16[%broadcast_in_dim3A_171, %get3A_315] : memref<8x256xf32, #tpu.memory_space<vmem>>[vector<16xi32>, vector<16xi32>], vector<16xf32>,
      %add3A_317 = arith.addf %add3A_309, %gather3A_316 : vector<16xf32>
      %mul3A_318 = arith.mulf %gather3A_291, %add3A_317 : vector<16xf32>
      %add3A_319 = arith.addf %broadcast_in_dim3A_284, %mul3A_318 : vector<16xf32>
      %add3A_320 = arith.constant 26 : i32
      %add3A_321 = arith.addi %add3A_320, %squeeze3A : i32
      %get3A_322 = tpu.memref_reshape %arg25 : memref<8x4x2x256xi32, #tpu.memory_space<vmem>> -> memref<64x256xi32, #tpu.memory_space<vmem>>
      %get3A_323 = arith.index_cast %add3A_321 : i32 to index
      %get3A_324 = arith.index_cast %mul3A_231 : i32 to index
      %get3A_325 = tpu.vector_load %get3A_322[%get3A_323, %get3A_324] {strides = array<i32>} : memref<64x256xi32, #tpu.memory_space<vmem>>, vector<16xi32>,
      %gather3A_326 = tpu.vector_load_idx %arg16[%broadcast_in_dim3A_171, %get3A_325] : memref<8x256xf32, #tpu.memory_space<vmem>>[vector<16xi32>, vector<16xi32>], vector<16xf32>,
      %broadcast_in_dim3A_327 = arith.constant 0.000000e+00 : f32
      %broadcast_in_dim3A_328 = vector.broadcast %broadcast_in_dim3A_327 : f32 to vector<16xf32>
      %add3A_329 = arith.constant 78 : i32
      %add3A_330 = arith.addi %add3A_329, %squeeze3A : i32
      %get3A_331 = tpu.memref_reshape %arg26 : memref<8x4x3x2x256xi32, #tpu.memory_space<vmem>> -> memref<192x256xi32, #tpu.memory_space<vmem>>
      %get3A_332 = arith.index_cast %add3A_330 : i32 to index
      %get3A_333 = arith.index_cast %mul3A_231 : i32 to index
      %get3A_334 = tpu.vector_load %get3A_331[%get3A_332, %get3A_333] {strides = array<i32>} : memref<192x256xi32, #tpu.memory_space<vmem>>, vector<16xi32>,
      %gather3A_335 = tpu.vector_load_idx %arg16[%broadcast_in_dim3A_171, %get3A_334] : memref<8x256xf32, #tpu.memory_space<vmem>>[vector<16xi32>, vector<16xi32>], vector<16xf32>,
      %add3A_336 = arith.addf %broadcast_in_dim3A_328, %gather3A_335 : vector<16xf32>
      %add3A_337 = arith.constant 80 : i32
      %add3A_338 = arith.addi %add3A_337, %squeeze3A : i32
      %get3A_339 = tpu.memref_reshape %arg26 : memref<8x4x3x2x256xi32, #tpu.memory_space<vmem>> -> memref<192x256xi32, #tpu.memory_space<vmem>>
      %get3A_340 = arith.index_cast %add3A_338 : i32 to index
      %get3A_341 = arith.index_cast %mul3A_231 : i32 to index
      %get3A_342 = tpu.vector_load %get3A_339[%get3A_340, %get3A_341] {strides = array<i32>} : memref<192x256xi32, #tpu.memory_space<vmem>>, vector<16xi32>,
      %gather3A_343 = tpu.vector_load_idx %arg16[%broadcast_in_dim3A_171, %get3A_342] : memref<8x256xf32, #tpu.memory_space<vmem>>[vector<16xi32>, vector<16xi32>], vector<16xf32>,
      %add3A_344 = arith.addf %add3A_336, %gather3A_343 : vector<16xf32>
      %add3A_345 = arith.constant 82 : i32
      %add3A_346 = arith.addi %add3A_345, %squeeze3A : i32
      %get3A_347 = tpu.memref_reshape %arg26 : memref<8x4x3x2x256xi32, #tpu.memory_space<vmem>> -> memref<192x256xi32, #tpu.memory_space<vmem>>
      %get3A_348 = arith.index_cast %add3A_346 : i32 to index
      %get3A_349 = arith.index_cast %mul3A_231 : i32 to index
      %get3A_350 = tpu.vector_load %get3A_347[%get3A_348, %get3A_349] {strides = array<i32>} : memref<192x256xi32, #tpu.memory_space<vmem>>, vector<16xi32>,
      %gather3A_351 = tpu.vector_load_idx %arg16[%broadcast_in_dim3A_171, %get3A_350] : memref<8x256xf32, #tpu.memory_space<vmem>>[vector<16xi32>, vector<16xi32>], vector<16xf32>,
      %add3A_352 = arith.addf %add3A_344, %gather3A_351 : vector<16xf32>
      %mul3A_353 = arith.mulf %gather3A_326, %add3A_352 : vector<16xf32>
      %add3A_354 = arith.addf %add3A_319, %mul3A_353 : vector<16xf32>
      %add3A_355 = arith.constant 28 : i32
      %add3A_356 = arith.addi %add3A_355, %squeeze3A : i32
      %get3A_357 = tpu.memref_reshape %arg25 : memref<8x4x2x256xi32, #tpu.memory_space<vmem>> -> memref<64x256xi32, #tpu.memory_space<vmem>>
      %get3A_358 = arith.index_cast %add3A_356 : i32 to index
      %get3A_359 = arith.index_cast %mul3A_231 : i32 to index
      %get3A_360 = tpu.vector_load %get3A_357[%get3A_358, %get3A_359] {strides = array<i32>} : memref<64x256xi32, #tpu.memory_space<vmem>>, vector<16xi32>,
      %gather3A_361 = tpu.vector_load_idx %arg16[%broadcast_in_dim3A_171, %get3A_360] : memref<8x256xf32, #tpu.memory_space<vmem>>[vector<16xi32>, vector<16xi32>], vector<16xf32>,
      %broadcast_in_dim3A_362 = arith.constant 0.000000e+00 : f32
      %broadcast_in_dim3A_363 = vector.broadcast %broadcast_in_dim3A_362 : f32 to vector<16xf32>
      %add3A_364 = arith.constant 84 : i32
      %add3A_365 = arith.addi %add3A_364, %squeeze3A : i32
      %get3A_366 = tpu.memref_reshape %arg26 : memref<8x4x3x2x256xi32, #tpu.memory_space<vmem>> -> memref<192x256xi32, #tpu.memory_space<vmem>>
      %get3A_367 = arith.index_cast %add3A_365 : i32 to index
      %get3A_368 = arith.index_cast %mul3A_231 : i32 to index
      %get3A_369 = tpu.vector_load %get3A_366[%get3A_367, %get3A_368] {strides = array<i32>} : memref<192x256xi32, #tpu.memory_space<vmem>>, vector<16xi32>,
      %gather3A_370 = tpu.vector_load_idx %arg16[%broadcast_in_dim3A_171, %get3A_369] : memref<8x256xf32, #tpu.memory_space<vmem>>[vector<16xi32>, vector<16xi32>], vector<16xf32>,
      %add3A_371 = arith.addf %broadcast_in_dim3A_363, %gather3A_370 : vector<16xf32>
      %add3A_372 = arith.constant 86 : i32
      %add3A_373 = arith.addi %add3A_372, %squeeze3A : i32
      %get3A_374 = tpu.memref_reshape %arg26 : memref<8x4x3x2x256xi32, #tpu.memory_space<vmem>> -> memref<192x256xi32, #tpu.memory_space<vmem>>
      %get3A_375 = arith.index_cast %add3A_373 : i32 to index
      %get3A_376 = arith.index_cast %mul3A_231 : i32 to index
      %get3A_377 = tpu.vector_load %get3A_374[%get3A_375, %get3A_376] {strides = array<i32>} : memref<192x256xi32, #tpu.memory_space<vmem>>, vector<16xi32>,
      %gather3A_378 = tpu.vector_load_idx %arg16[%broadcast_in_dim3A_171, %get3A_377] : memref<8x256xf32, #tpu.memory_space<vmem>>[vector<16xi32>, vector<16xi32>], vector<16xf32>,
      %add3A_379 = arith.addf %add3A_371, %gather3A_378 : vector<16xf32>
      %add3A_380 = arith.constant 88 : i32
      %add3A_381 = arith.addi %add3A_380, %squeeze3A : i32
      %get3A_382 = tpu.memref_reshape %arg26 : memref<8x4x3x2x256xi32, #tpu.memory_space<vmem>> -> memref<192x256xi32, #tpu.memory_space<vmem>>
      %get3A_383 = arith.index_cast %add3A_381 : i32 to index
      %get3A_384 = arith.index_cast %mul3A_231 : i32 to index
      %get3A_385 = tpu.vector_load %get3A_382[%get3A_383, %get3A_384] {strides = array<i32>} : memref<192x256xi32, #tpu.memory_space<vmem>>, vector<16xi32>,
      %gather3A_386 = tpu.vector_load_idx %arg16[%broadcast_in_dim3A_171, %get3A_385] : memref<8x256xf32, #tpu.memory_space<vmem>>[vector<16xi32>, vector<16xi32>], vector<16xf32>,
      %add3A_387 = arith.addf %add3A_379, %gather3A_386 : vector<16xf32>
      %mul3A_388 = arith.mulf %gather3A_361, %add3A_387 : vector<16xf32>
      %add3A_389 = arith.addf %add3A_354, %mul3A_388 : vector<16xf32>
      %add3A_390 = arith.constant 30 : i32
      %add3A_391 = arith.addi %add3A_390, %squeeze3A : i32
      %get3A_392 = tpu.memref_reshape %arg25 : memref<8x4x2x256xi32, #tpu.memory_space<vmem>> -> memref<64x256xi32, #tpu.memory_space<vmem>>
      %get3A_393 = arith.index_cast %add3A_391 : i32 to index
      %get3A_394 = arith.index_cast %mul3A_231 : i32 to index
      %get3A_395 = tpu.vector_load %get3A_392[%get3A_393, %get3A_394] {strides = array<i32>} : memref<64x256xi32, #tpu.memory_space<vmem>>, vector<16xi32>,
      %gather3A_396 = tpu.vector_load_idx %arg16[%broadcast_in_dim3A_171, %get3A_395] : memref<8x256xf32, #tpu.memory_space<vmem>>[vector<16xi32>, vector<16xi32>], vector<16xf32>,
      %broadcast_in_dim3A_397 = arith.constant 0.000000e+00 : f32
      %broadcast_in_dim3A_398 = vector.broadcast %broadcast_in_dim3A_397 : f32 to vector<16xf32>
      %add3A_399 = arith.constant 90 : i32
      %add3A_400 = arith.addi %add3A_399, %squeeze3A : i32
      %get3A_401 = tpu.memref_reshape %arg26 : memref<8x4x3x2x256xi32, #tpu.memory_space<vmem>> -> memref<192x256xi32, #tpu.memory_space<vmem>>
      %get3A_402 = arith.index_cast %add3A_400 : i32 to index
      %get3A_403 = arith.index_cast %mul3A_231 : i32 to index
      %get3A_404 = tpu.vector_load %get3A_401[%get3A_402, %get3A_403] {strides = array<i32>} : memref<192x256xi32, #tpu.memory_space<vmem>>, vector<16xi32>,
      %gather3A_405 = tpu.vector_load_idx %arg16[%broadcast_in_dim3A_171, %get3A_404] : memref<8x256xf32, #tpu.memory_space<vmem>>[vector<16xi32>, vector<16xi32>], vector<16xf32>,
      %add3A_406 = arith.addf %broadcast_in_dim3A_398, %gather3A_405 : vector<16xf32>
      %add3A_407 = arith.constant 92 : i32
      %add3A_408 = arith.addi %add3A_407, %squeeze3A : i32
      %get3A_409 = tpu.memref_reshape %arg26 : memref<8x4x3x2x256xi32, #tpu.memory_space<vmem>> -> memref<192x256xi32, #tpu.memory_space<vmem>>
      %get3A_410 = arith.index_cast %add3A_408 : i32 to index
      %get3A_411 = arith.index_cast %mul3A_231 : i32 to index
      %get3A_412 = tpu.vector_load %get3A_409[%get3A_410, %get3A_411] {strides = array<i32>} : memref<192x256xi32, #tpu.memory_space<vmem>>, vector<16xi32>,
      %gather3A_413 = tpu.vector_load_idx %arg16[%broadcast_in_dim3A_171, %get3A_412] : memref<8x256xf32, #tpu.memory_space<vmem>>[vector<16xi32>, vector<16xi32>], vector<16xf32>,
      %add3A_414 = arith.addf %add3A_406, %gather3A_413 : vector<16xf32>
      %add3A_415 = arith.constant 94 : i32
      %add3A_416 = arith.addi %add3A_415, %squeeze3A : i32
      %get3A_417 = tpu.memref_reshape %arg26 : memref<8x4x3x2x256xi32, #tpu.memory_space<vmem>> -> memref<192x256xi32, #tpu.memory_space<vmem>>
      %get3A_418 = arith.index_cast %add3A_416 : i32 to index
      %get3A_419 = arith.index_cast %mul3A_231 : i32 to index
      %get3A_420 = tpu.vector_load %get3A_417[%get3A_418, %get3A_419] {strides = array<i32>} : memref<192x256xi32, #tpu.memory_space<vmem>>, vector<16xi32>,
      %gather3A_421 = tpu.vector_load_idx %arg16[%broadcast_in_dim3A_171, %get3A_420] : memref<8x256xf32, #tpu.memory_space<vmem>>[vector<16xi32>, vector<16xi32>], vector<16xf32>,
      %add3A_422 = arith.addf %add3A_414, %gather3A_421 : vector<16xf32>
      %mul3A_423 = arith.mulf %gather3A_396, %add3A_422 : vector<16xf32>
      %add3A_424 = arith.addf %add3A_389, %mul3A_423 : vector<16xf32>
      %get3A_425 = arith.constant 3 : i32
      %get3A_426 = arith.index_cast %get3A_425 : i32 to index
      %get3A_427 = arith.index_cast %mul3A_231 : i32 to index
      %get3A_428 = tpu.vector_load %arg17[%get3A_426, %get3A_427] {strides = array<i32>} : memref<8x256xf32, #tpu.memory_space<vmem>>, vector<16xf32>,
      %get3A_429 = arith.constant 3 : i32
      %get3A_430 = arith.index_cast %get3A_429 : i32 to index
      %get3A_431 = arith.index_cast %mul3A_231 : i32 to index
      %get3A_432 = tpu.vector_load %arg18[%get3A_430, %get3A_431] {strides = array<i32>} : memref<8x256xf32, #tpu.memory_space<vmem>>, vector<16xf32>,
      %get3A_433 = arith.constant 3 : i32
      %get3A_434 = arith.index_cast %get3A_433 : i32 to index
      %get3A_435 = arith.index_cast %mul3A_231 : i32 to index
      %get3A_436 = tpu.vector_load %arg19[%get3A_434, %get3A_435] {strides = array<i32>} : memref<8x256xf32, #tpu.memory_space<vmem>>, vector<16xf32>,
      %get3A_437 = arith.constant 3 : i32
      %get3A_438 = arith.index_cast %get3A_437 : i32 to index
      %get3A_439 = arith.index_cast %mul3A_231 : i32 to index
      %get3A_440 = tpu.vector_load %arg20[%get3A_438, %get3A_439] {strides = array<i32>} : memref<8x256xf32, #tpu.memory_space<vmem>>, vector<16xf32>,
      %mul3A_441 = arith.mulf %gather3A_119, %add3A_276 : vector<16xf32>
      %add3A_442 = arith.addf %gather3A, %mul3A_441 : vector<16xf32>
      %mul3A_443 = arith.mulf %gather3A_122, %add3A_424 : vector<16xf32>
      %sub3A_444 = arith.subf %add3A_442, %mul3A_443 : vector<16xf32>
      %mul3A_445 = arith.mulf %sub3A_444, %get3A_428 : vector<16xf32>
      %add3A_446 = arith.addf %mul3A_445, %get3A_432 : vector<16xf32>
      %add3A_447 = arith.addf %add3A_446, %sub3A : vector<16xf32>
      %neg3A = arith.constant 0.000000e+00 : f32
      %neg3A_448 = vector.broadcast %neg3A : f32 to vector<16xf32>
      %neg3A_449 = arith.subf %neg3A_448, %add3A_447 : vector<16xf32>
      %mul3A_450 = arith.mulf %neg3A_449, %gather3A_140 : vector<16xf32>
      %exp3A = math.exp %mul3A_450 : vector<16xf32>
      %add3A_451 = arith.constant 1.000000e+00 : f32
      %add3A_452 = vector.broadcast %add3A_451 : f32 to vector<16xf32>
      %add3A_453 = arith.addf %add3A_452, %exp3A : vector<16xf32>
      %div3A = arith.constant 1.000000e+00 : f32
      %div3A_454 = vector.broadcast %div3A : f32 to vector<16xf32>
      %div3A_455 = arith.divf %div3A_454, %add3A_453 : vector<16xf32>
      %swap3A_456 = arith.constant 3 : i32
      %swap3A_457 = arith.index_cast %swap3A_456 : i32 to index
      %swap3A_458 = arith.index_cast %mul3A_231 : i32 to index
      %swap3A_459 = tpu.vector_load %arg28[%swap3A_457, %swap3A_458] {strides = array<i32>} : memref<8x256xf32, #tpu.memory_space<vmem>>, vector<16xf32>,
      tpu.vector_store %arg28[%swap3A_457, %swap3A_458], %div3A_455 {strides = array<i32>} : memref<8x256xf32, #tpu.memory_space<vmem>>, vector<16xf32>,
      %mul3A_460 = arith.constant 2.000000e+00 : f32
      %mul3A_461 = vector.broadcast %mul3A_460 : f32 to vector<16xf32>
      %mul3A_462 = arith.mulf %mul3A_461, %get3A_440 : vector<16xf32>
      %sub3A_463 = arith.constant 1.000000e+00 : f32
      %sub3A_464 = vector.broadcast %sub3A_463 : f32 to vector<16xf32>
      %sub3A_465 = arith.subf %sub3A_464, %mul3A_462 : vector<16xf32>
      %mul3A_466 = arith.mulf %sub3A_465, %gather3A_137 : vector<16xf32>
      %sub3A_467 = arith.constant 5.000000e-01 : f32
      %sub3A_468 = vector.broadcast %sub3A_467 : f32 to vector<16xf32>
      %sub3A_469 = arith.subf %get3A_440, %sub3A_468 : vector<16xf32>
      %add3A_470 = arith.addf %sub3A, %add3A_144 : vector<16xf32>
      %mul3A_471 = arith.mulf %sub3A_469, %add3A_470 : vector<16xf32>
      %add3A_472 = arith.addf %mul3A_466, %mul3A_471 : vector<16xf32>
      %mul3A_473 = arith.mulf %get3A_436, %add3A_472 : vector<16xf32>
      %add3A_474 = arith.addf %scan3A_229, %mul3A_473 : vector<16xf32>
      scf.yield %add3A_474 : vector<16xf32>
    }
    %scan3A_177 = arith.constant 16 : i32
    %broadcast_in_dim3A_178 = arith.constant 4 : i32
    %broadcast_in_dim3A_179 = vector.broadcast %broadcast_in_dim3A_178 : i32 to vector<16xi32>
    %scan3A_180 = arith.constant 0 : i32
    %scan3A_181 = arith.constant 16 : i32
    %scan3A_182 = arith.addi %scan3A_180, %scan3A_181 : i32
    %scan3A_183 = arith.constant 1 : i32
    %scan3A_184 = scf.for %scan3A_228 = %scan3A_180 to %scan3A_182 step %scan3A_183 iter_args(%scan3A_229 = %scan3A_176) -> (vector<16xf32>)  : i32 {
      %mul3A_230 = arith.constant 16 : i32
      %mul3A_231 = arith.muli %scan3A_228, %mul3A_230 : i32
      %broadcast_in_dim3A_232 = arith.constant 0.000000e+00 : f32
      %broadcast_in_dim3A_233 = vector.broadcast %broadcast_in_dim3A_232 : f32 to vector<16xf32>
      %broadcast_in_dim3A_234 = arith.constant 0.000000e+00 : f32
      %broadcast_in_dim3A_235 = vector.broadcast %broadcast_in_dim3A_234 : f32 to vector<16xf32>
      %add3A_236 = arith.constant 32 : i32
      %add3A_237 = arith.addi %add3A_236, %squeeze3A : i32
      %get3A_238 = tpu.memref_reshape %arg24 : memref<8x4x2x256xi32, #tpu.memory_space<vmem>> -> memref<64x256xi32, #tpu.memory_space<vmem>>
      %get3A_239 = arith.index_cast %add3A_237 : i32 to index
      %get3A_240 = arith.index_cast %mul3A_231 : i32 to index
      %get3A_241 = tpu.vector_load %get3A_238[%get3A_239, %get3A_240] {strides = array<i32>} : memref<64x256xi32, #tpu.memory_space<vmem>>, vector<16xi32>,
      %gather3A_242 = tpu.vector_load_idx %arg16[%broadcast_in_dim3A_179, %get3A_241] : memref<8x256xf32, #tpu.memory_space<vmem>>[vector<16xi32>, vector<16xi32>], vector<16xf32>,
      %add3A_243 = arith.addf %broadcast_in_dim3A_235, %gather3A_242 : vector<16xf32>
      %gather3A_244 = tpu.vector_load_idx %arg20[%broadcast_in_dim3A_179, %get3A_241] : memref<8x256xf32, #tpu.memory_space<vmem>>[vector<16xi32>, vector<16xi32>], vector<16xf32>,
      %mul3A_245 = arith.mulf %gather3A_244, %gather3A_125 : vector<16xf32>
      %add3A_246 = arith.addf %broadcast_in_dim3A_233, %mul3A_245 : vector<16xf32>
      %add3A_247 = arith.constant 34 : i32
      %add3A_248 = arith.addi %add3A_247, %squeeze3A : i32
      %get3A_249 = tpu.memref_reshape %arg24 : memref<8x4x2x256xi32, #tpu.memory_space<vmem>> -> memref<64x256xi32, #tpu.memory_space<vmem>>
      %get3A_250 = arith.index_cast %add3A_248 : i32 to index
      %get3A_251 = arith.index_cast %mul3A_231 : i32 to index
      %get3A_252 = tpu.vector_load %get3A_249[%get3A_250, %get3A_251] {strides = array<i32>} : memref<64x256xi32, #tpu.memory_space<vmem>>, vector<16xi32>,
      %gather3A_253 = tpu.vector_load_idx %arg16[%broadcast_in_dim3A_179, %get3A_252] : memref<8x256xf32, #tpu.memory_space<vmem>>[vector<16xi32>, vector<16xi32>], vector<16xf32>,
      %add3A_254 = arith.addf %add3A_243, %gather3A_253 : vector<16xf32>
      %gather3A_255 = tpu.vector_load_idx %arg20[%broadcast_in_dim3A_179, %get3A_252] : memref<8x256xf32, #tpu.memory_space<vmem>>[vector<16xi32>, vector<16xi32>], vector<16xf32>,
      %mul3A_256 = arith.mulf %gather3A_255, %gather3A_128 : vector<16xf32>
      %add3A_257 = arith.addf %add3A_246, %mul3A_256 : vector<16xf32>
      %add3A_258 = arith.constant 36 : i32
      %add3A_259 = arith.addi %add3A_258, %squeeze3A : i32
      %get3A_260 = tpu.memref_reshape %arg24 : memref<8x4x2x256xi32, #tpu.memory_space<vmem>> -> memref<64x256xi32, #tpu.memory_space<vmem>>
      %get3A_261 = arith.index_cast %add3A_259 : i32 to index
      %get3A_262 = arith.index_cast %mul3A_231 : i32 to index
      %get3A_263 = tpu.vector_load %get3A_260[%get3A_261, %get3A_262] {strides = array<i32>} : memref<64x256xi32, #tpu.memory_space<vmem>>, vector<16xi32>,
      %gather3A_264 = tpu.vector_load_idx %arg16[%broadcast_in_dim3A_179, %get3A_263] : memref<8x256xf32, #tpu.memory_space<vmem>>[vector<16xi32>, vector<16xi32>], vector<16xf32>,
      %add3A_265 = arith.addf %add3A_254, %gather3A_264 : vector<16xf32>
      %gather3A_266 = tpu.vector_load_idx %arg20[%broadcast_in_dim3A_179, %get3A_263] : memref<8x256xf32, #tpu.memory_space<vmem>>[vector<16xi32>, vector<16xi32>], vector<16xf32>,
      %mul3A_267 = arith.mulf %gather3A_266, %gather3A_131 : vector<16xf32>
      %add3A_268 = arith.addf %add3A_257, %mul3A_267 : vector<16xf32>
      %add3A_269 = arith.constant 38 : i32
      %add3A_270 = arith.addi %add3A_269, %squeeze3A : i32
      %get3A_271 = tpu.memref_reshape %arg24 : memref<8x4x2x256xi32, #tpu.memory_space<vmem>> -> memref<64x256xi32, #tpu.memory_space<vmem>>
      %get3A_272 = arith.index_cast %add3A_270 : i32 to index
      %get3A_273 = arith.index_cast %mul3A_231 : i32 to index
      %get3A_274 = tpu.vector_load %get3A_271[%get3A_272, %get3A_273] {strides = array<i32>} : memref<64x256xi32, #tpu.memory_space<vmem>>, vector<16xi32>,
      %gather3A_275 = tpu.vector_load_idx %arg16[%broadcast_in_dim3A_179, %get3A_274] : memref<8x256xf32, #tpu.memory_space<vmem>>[vector<16xi32>, vector<16xi32>], vector<16xf32>,
      %add3A_276 = arith.addf %add3A_265, %gather3A_275 : vector<16xf32>
      %gather3A_277 = tpu.vector_load_idx %arg20[%broadcast_in_dim3A_179, %get3A_274] : memref<8x256xf32, #tpu.memory_space<vmem>>[vector<16xi32>, vector<16xi32>], vector<16xf32>,
      %mul3A_278 = arith.mulf %gather3A_277, %gather3A_134 : vector<16xf32>
      %add3A_279 = arith.addf %add3A_268, %mul3A_278 : vector<16xf32>
      %mul3A_280 = arith.constant 4.000000e+00 : f32
      %mul3A_281 = vector.broadcast %mul3A_280 : f32 to vector<16xf32>
      %mul3A_282 = arith.mulf %mul3A_281, %add3A_279 : vector<16xf32>
      %sub3A = arith.subf %mul3A_282, %add3A_144 : vector<16xf32>
      %broadcast_in_dim3A_283 = arith.constant 0.000000e+00 : f32
      %broadcast_in_dim3A_284 = vector.broadcast %broadcast_in_dim3A_283 : f32 to vector<16xf32>
      %add3A_285 = arith.constant 32 : i32
      %add3A_286 = arith.addi %add3A_285, %squeeze3A : i32
      %get3A_287 = tpu.memref_reshape %arg25 : memref<8x4x2x256xi32, #tpu.memory_space<vmem>> -> memref<64x256xi32, #tpu.memory_space<vmem>>
      %get3A_288 = arith.index_cast %add3A_286 : i32 to index
      %get3A_289 = arith.index_cast %mul3A_231 : i32 to index
      %get3A_290 = tpu.vector_load %get3A_287[%get3A_288, %get3A_289] {strides = array<i32>} : memref<64x256xi32, #tpu.memory_space<vmem>>, vector<16xi32>,
      %gather3A_291 = tpu.vector_load_idx %arg16[%broadcast_in_dim3A_179, %get3A_290] : memref<8x256xf32, #tpu.memory_space<vmem>>[vector<16xi32>, vector<16xi32>], vector<16xf32>,
      %broadcast_in_dim3A_292 = arith.constant 0.000000e+00 : f32
      %broadcast_in_dim3A_293 = vector.broadcast %broadcast_in_dim3A_292 : f32 to vector<16xf32>
      %add3A_294 = arith.constant 96 : i32
      %add3A_295 = arith.addi %add3A_294, %squeeze3A : i32
      %get3A_296 = tpu.memref_reshape %arg26 : memref<8x4x3x2x256xi32, #tpu.memory_space<vmem>> -> memref<192x256xi32, #tpu.memory_space<vmem>>
      %get3A_297 = arith.index_cast %add3A_295 : i32 to index
      %get3A_298 = arith.index_cast %mul3A_231 : i32 to index
      %get3A_299 = tpu.vector_load %get3A_296[%get3A_297, %get3A_298] {strides = array<i32>} : memref<192x256xi32, #tpu.memory_space<vmem>>, vector<16xi32>,
      %gather3A_300 = tpu.vector_load_idx %arg16[%broadcast_in_dim3A_179, %get3A_299] : memref<8x256xf32, #tpu.memory_space<vmem>>[vector<16xi32>, vector<16xi32>], vector<16xf32>,
      %add3A_301 = arith.addf %broadcast_in_dim3A_293, %gather3A_300 : vector<16xf32>
      %add3A_302 = arith.constant 98 : i32
      %add3A_303 = arith.addi %add3A_302, %squeeze3A : i32
      %get3A_304 = tpu.memref_reshape %arg26 : memref<8x4x3x2x256xi32, #tpu.memory_space<vmem>> -> memref<192x256xi32, #tpu.memory_space<vmem>>
      %get3A_305 = arith.index_cast %add3A_303 : i32 to index
      %get3A_306 = arith.index_cast %mul3A_231 : i32 to index
      %get3A_307 = tpu.vector_load %get3A_304[%get3A_305, %get3A_306] {strides = array<i32>} : memref<192x256xi32, #tpu.memory_space<vmem>>, vector<16xi32>,
      %gather3A_308 = tpu.vector_load_idx %arg16[%broadcast_in_dim3A_179, %get3A_307] : memref<8x256xf32, #tpu.memory_space<vmem>>[vector<16xi32>, vector<16xi32>], vector<16xf32>,
      %add3A_309 = arith.addf %add3A_301, %gather3A_308 : vector<16xf32>
      %add3A_310 = arith.constant 100 : i32
      %add3A_311 = arith.addi %add3A_310, %squeeze3A : i32
      %get3A_312 = tpu.memref_reshape %arg26 : memref<8x4x3x2x256xi32, #tpu.memory_space<vmem>> -> memref<192x256xi32, #tpu.memory_space<vmem>>
      %get3A_313 = arith.index_cast %add3A_311 : i32 to index
      %get3A_314 = arith.index_cast %mul3A_231 : i32 to index
      %get3A_315 = tpu.vector_load %get3A_312[%get3A_313, %get3A_314] {strides = array<i32>} : memref<192x256xi32, #tpu.memory_space<vmem>>, vector<16xi32>,
      %gather3A_316 = tpu.vector_load_idx %arg16[%broadcast_in_dim3A_179, %get3A_315] : memref<8x256xf32, #tpu.memory_space<vmem>>[vector<16xi32>, vector<16xi32>], vector<16xf32>,
      %add3A_317 = arith.addf %add3A_309, %gather3A_316 : vector<16xf32>
      %mul3A_318 = arith.mulf %gather3A_291, %add3A_317 : vector<16xf32>
      %add3A_319 = arith.addf %broadcast_in_dim3A_284, %mul3A_318 : vector<16xf32>
      %add3A_320 = arith.constant 34 : i32
      %add3A_321 = arith.addi %add3A_320, %squeeze3A : i32
      %get3A_322 = tpu.memref_reshape %arg25 : memref<8x4x2x256xi32, #tpu.memory_space<vmem>> -> memref<64x256xi32, #tpu.memory_space<vmem>>
      %get3A_323 = arith.index_cast %add3A_321 : i32 to index
      %get3A_324 = arith.index_cast %mul3A_231 : i32 to index
      %get3A_325 = tpu.vector_load %get3A_322[%get3A_323, %get3A_324] {strides = array<i32>} : memref<64x256xi32, #tpu.memory_space<vmem>>, vector<16xi32>,
      %gather3A_326 = tpu.vector_load_idx %arg16[%broadcast_in_dim3A_179, %get3A_325] : memref<8x256xf32, #tpu.memory_space<vmem>>[vector<16xi32>, vector<16xi32>], vector<16xf32>,
      %broadcast_in_dim3A_327 = arith.constant 0.000000e+00 : f32
      %broadcast_in_dim3A_328 = vector.broadcast %broadcast_in_dim3A_327 : f32 to vector<16xf32>
      %add3A_329 = arith.constant 102 : i32
      %add3A_330 = arith.addi %add3A_329, %squeeze3A : i32
      %get3A_331 = tpu.memref_reshape %arg26 : memref<8x4x3x2x256xi32, #tpu.memory_space<vmem>> -> memref<192x256xi32, #tpu.memory_space<vmem>>
      %get3A_332 = arith.index_cast %add3A_330 : i32 to index
      %get3A_333 = arith.index_cast %mul3A_231 : i32 to index
      %get3A_334 = tpu.vector_load %get3A_331[%get3A_332, %get3A_333] {strides = array<i32>} : memref<192x256xi32, #tpu.memory_space<vmem>>, vector<16xi32>,
      %gather3A_335 = tpu.vector_load_idx %arg16[%broadcast_in_dim3A_179, %get3A_334] : memref<8x256xf32, #tpu.memory_space<vmem>>[vector<16xi32>, vector<16xi32>], vector<16xf32>,
      %add3A_336 = arith.addf %broadcast_in_dim3A_328, %gather3A_335 : vector<16xf32>
      %add3A_337 = arith.constant 104 : i32
      %add3A_338 = arith.addi %add3A_337, %squeeze3A : i32
      %get3A_339 = tpu.memref_reshape %arg26 : memref<8x4x3x2x256xi32, #tpu.memory_space<vmem>> -> memref<192x256xi32, #tpu.memory_space<vmem>>
      %get3A_340 = arith.index_cast %add3A_338 : i32 to index
      %get3A_341 = arith.index_cast %mul3A_231 : i32 to index
      %get3A_342 = tpu.vector_load %get3A_339[%get3A_340, %get3A_341] {strides = array<i32>} : memref<192x256xi32, #tpu.memory_space<vmem>>, vector<16xi32>,
      %gather3A_343 = tpu.vector_load_idx %arg16[%broadcast_in_dim3A_179, %get3A_342] : memref<8x256xf32, #tpu.memory_space<vmem>>[vector<16xi32>, vector<16xi32>], vector<16xf32>,
      %add3A_344 = arith.addf %add3A_336, %gather3A_343 : vector<16xf32>
      %add3A_345 = arith.constant 106 : i32
      %add3A_346 = arith.addi %add3A_345, %squeeze3A : i32
      %get3A_347 = tpu.memref_reshape %arg26 : memref<8x4x3x2x256xi32, #tpu.memory_space<vmem>> -> memref<192x256xi32, #tpu.memory_space<vmem>>
      %get3A_348 = arith.index_cast %add3A_346 : i32 to index
      %get3A_349 = arith.index_cast %mul3A_231 : i32 to index
      %get3A_350 = tpu.vector_load %get3A_347[%get3A_348, %get3A_349] {strides = array<i32>} : memref<192x256xi32, #tpu.memory_space<vmem>>, vector<16xi32>,
      %gather3A_351 = tpu.vector_load_idx %arg16[%broadcast_in_dim3A_179, %get3A_350] : memref<8x256xf32, #tpu.memory_space<vmem>>[vector<16xi32>, vector<16xi32>], vector<16xf32>,
      %add3A_352 = arith.addf %add3A_344, %gather3A_351 : vector<16xf32>
      %mul3A_353 = arith.mulf %gather3A_326, %add3A_352 : vector<16xf32>
      %add3A_354 = arith.addf %add3A_319, %mul3A_353 : vector<16xf32>
      %add3A_355 = arith.constant 36 : i32
      %add3A_356 = arith.addi %add3A_355, %squeeze3A : i32
      %get3A_357 = tpu.memref_reshape %arg25 : memref<8x4x2x256xi32, #tpu.memory_space<vmem>> -> memref<64x256xi32, #tpu.memory_space<vmem>>
      %get3A_358 = arith.index_cast %add3A_356 : i32 to index
      %get3A_359 = arith.index_cast %mul3A_231 : i32 to index
      %get3A_360 = tpu.vector_load %get3A_357[%get3A_358, %get3A_359] {strides = array<i32>} : memref<64x256xi32, #tpu.memory_space<vmem>>, vector<16xi32>,
      %gather3A_361 = tpu.vector_load_idx %arg16[%broadcast_in_dim3A_179, %get3A_360] : memref<8x256xf32, #tpu.memory_space<vmem>>[vector<16xi32>, vector<16xi32>], vector<16xf32>,
      %broadcast_in_dim3A_362 = arith.constant 0.000000e+00 : f32
      %broadcast_in_dim3A_363 = vector.broadcast %broadcast_in_dim3A_362 : f32 to vector<16xf32>
      %add3A_364 = arith.constant 108 : i32
      %add3A_365 = arith.addi %add3A_364, %squeeze3A : i32
      %get3A_366 = tpu.memref_reshape %arg26 : memref<8x4x3x2x256xi32, #tpu.memory_space<vmem>> -> memref<192x256xi32, #tpu.memory_space<vmem>>
      %get3A_367 = arith.index_cast %add3A_365 : i32 to index
      %get3A_368 = arith.index_cast %mul3A_231 : i32 to index
      %get3A_369 = tpu.vector_load %get3A_366[%get3A_367, %get3A_368] {strides = array<i32>} : memref<192x256xi32, #tpu.memory_space<vmem>>, vector<16xi32>,
      %gather3A_370 = tpu.vector_load_idx %arg16[%broadcast_in_dim3A_179, %get3A_369] : memref<8x256xf32, #tpu.memory_space<vmem>>[vector<16xi32>, vector<16xi32>], vector<16xf32>,
      %add3A_371 = arith.addf %broadcast_in_dim3A_363, %gather3A_370 : vector<16xf32>
      %add3A_372 = arith.constant 110 : i32
      %add3A_373 = arith.addi %add3A_372, %squeeze3A : i32
      %get3A_374 = tpu.memref_reshape %arg26 : memref<8x4x3x2x256xi32, #tpu.memory_space<vmem>> -> memref<192x256xi32, #tpu.memory_space<vmem>>
      %get3A_375 = arith.index_cast %add3A_373 : i32 to index
      %get3A_376 = arith.index_cast %mul3A_231 : i32 to index
      %get3A_377 = tpu.vector_load %get3A_374[%get3A_375, %get3A_376] {strides = array<i32>} : memref<192x256xi32, #tpu.memory_space<vmem>>, vector<16xi32>,
      %gather3A_378 = tpu.vector_load_idx %arg16[%broadcast_in_dim3A_179, %get3A_377] : memref<8x256xf32, #tpu.memory_space<vmem>>[vector<16xi32>, vector<16xi32>], vector<16xf32>,
      %add3A_379 = arith.addf %add3A_371, %gather3A_378 : vector<16xf32>
      %add3A_380 = arith.constant 112 : i32
      %add3A_381 = arith.addi %add3A_380, %squeeze3A : i32
      %get3A_382 = tpu.memref_reshape %arg26 : memref<8x4x3x2x256xi32, #tpu.memory_space<vmem>> -> memref<192x256xi32, #tpu.memory_space<vmem>>
      %get3A_383 = arith.index_cast %add3A_381 : i32 to index
      %get3A_384 = arith.index_cast %mul3A_231 : i32 to index
      %get3A_385 = tpu.vector_load %get3A_382[%get3A_383, %get3A_384] {strides = array<i32>} : memref<192x256xi32, #tpu.memory_space<vmem>>, vector<16xi32>,
      %gather3A_386 = tpu.vector_load_idx %arg16[%broadcast_in_dim3A_179, %get3A_385] : memref<8x256xf32, #tpu.memory_space<vmem>>[vector<16xi32>, vector<16xi32>], vector<16xf32>,
      %add3A_387 = arith.addf %add3A_379, %gather3A_386 : vector<16xf32>
      %mul3A_388 = arith.mulf %gather3A_361, %add3A_387 : vector<16xf32>
      %add3A_389 = arith.addf %add3A_354, %mul3A_388 : vector<16xf32>
      %add3A_390 = arith.constant 38 : i32
      %add3A_391 = arith.addi %add3A_390, %squeeze3A : i32
      %get3A_392 = tpu.memref_reshape %arg25 : memref<8x4x2x256xi32, #tpu.memory_space<vmem>> -> memref<64x256xi32, #tpu.memory_space<vmem>>
      %get3A_393 = arith.index_cast %add3A_391 : i32 to index
      %get3A_394 = arith.index_cast %mul3A_231 : i32 to index
      %get3A_395 = tpu.vector_load %get3A_392[%get3A_393, %get3A_394] {strides = array<i32>} : memref<64x256xi32, #tpu.memory_space<vmem>>, vector<16xi32>,
      %gather3A_396 = tpu.vector_load_idx %arg16[%broadcast_in_dim3A_179, %get3A_395] : memref<8x256xf32, #tpu.memory_space<vmem>>[vector<16xi32>, vector<16xi32>], vector<16xf32>,
      %broadcast_in_dim3A_397 = arith.constant 0.000000e+00 : f32
      %broadcast_in_dim3A_398 = vector.broadcast %broadcast_in_dim3A_397 : f32 to vector<16xf32>
      %add3A_399 = arith.constant 114 : i32
      %add3A_400 = arith.addi %add3A_399, %squeeze3A : i32
      %get3A_401 = tpu.memref_reshape %arg26 : memref<8x4x3x2x256xi32, #tpu.memory_space<vmem>> -> memref<192x256xi32, #tpu.memory_space<vmem>>
      %get3A_402 = arith.index_cast %add3A_400 : i32 to index
      %get3A_403 = arith.index_cast %mul3A_231 : i32 to index
      %get3A_404 = tpu.vector_load %get3A_401[%get3A_402, %get3A_403] {strides = array<i32>} : memref<192x256xi32, #tpu.memory_space<vmem>>, vector<16xi32>,
      %gather3A_405 = tpu.vector_load_idx %arg16[%broadcast_in_dim3A_179, %get3A_404] : memref<8x256xf32, #tpu.memory_space<vmem>>[vector<16xi32>, vector<16xi32>], vector<16xf32>,
      %add3A_406 = arith.addf %broadcast_in_dim3A_398, %gather3A_405 : vector<16xf32>
      %add3A_407 = arith.constant 116 : i32
      %add3A_408 = arith.addi %add3A_407, %squeeze3A : i32
      %get3A_409 = tpu.memref_reshape %arg26 : memref<8x4x3x2x256xi32, #tpu.memory_space<vmem>> -> memref<192x256xi32, #tpu.memory_space<vmem>>
      %get3A_410 = arith.index_cast %add3A_408 : i32 to index
      %get3A_411 = arith.index_cast %mul3A_231 : i32 to index
      %get3A_412 = tpu.vector_load %get3A_409[%get3A_410, %get3A_411] {strides = array<i32>} : memref<192x256xi32, #tpu.memory_space<vmem>>, vector<16xi32>,
      %gather3A_413 = tpu.vector_load_idx %arg16[%broadcast_in_dim3A_179, %get3A_412] : memref<8x256xf32, #tpu.memory_space<vmem>>[vector<16xi32>, vector<16xi32>], vector<16xf32>,
      %add3A_414 = arith.addf %add3A_406, %gather3A_413 : vector<16xf32>
      %add3A_415 = arith.constant 118 : i32
      %add3A_416 = arith.addi %add3A_415, %squeeze3A : i32
      %get3A_417 = tpu.memref_reshape %arg26 : memref<8x4x3x2x256xi32, #tpu.memory_space<vmem>> -> memref<192x256xi32, #tpu.memory_space<vmem>>
      %get3A_418 = arith.index_cast %add3A_416 : i32 to index
      %get3A_419 = arith.index_cast %mul3A_231 : i32 to index
      %get3A_420 = tpu.vector_load %get3A_417[%get3A_418, %get3A_419] {strides = array<i32>} : memref<192x256xi32, #tpu.memory_space<vmem>>, vector<16xi32>,
      %gather3A_421 = tpu.vector_load_idx %arg16[%broadcast_in_dim3A_179, %get3A_420] : memref<8x256xf32, #tpu.memory_space<vmem>>[vector<16xi32>, vector<16xi32>], vector<16xf32>,
      %add3A_422 = arith.addf %add3A_414, %gather3A_421 : vector<16xf32>
      %mul3A_423 = arith.mulf %gather3A_396, %add3A_422 : vector<16xf32>
      %add3A_424 = arith.addf %add3A_389, %mul3A_423 : vector<16xf32>
      %get3A_425 = arith.constant 4 : i32
      %get3A_426 = arith.index_cast %get3A_425 : i32 to index
      %get3A_427 = arith.index_cast %mul3A_231 : i32 to index
      %get3A_428 = tpu.vector_load %arg17[%get3A_426, %get3A_427] {strides = array<i32>} : memref<8x256xf32, #tpu.memory_space<vmem>>, vector<16xf32>,
      %get3A_429 = arith.constant 4 : i32
      %get3A_430 = arith.index_cast %get3A_429 : i32 to index
      %get3A_431 = arith.index_cast %mul3A_231 : i32 to index
      %get3A_432 = tpu.vector_load %arg18[%get3A_430, %get3A_431] {strides = array<i32>} : memref<8x256xf32, #tpu.memory_space<vmem>>, vector<16xf32>,
      %get3A_433 = arith.constant 4 : i32
      %get3A_434 = arith.index_cast %get3A_433 : i32 to index
      %get3A_435 = arith.index_cast %mul3A_231 : i32 to index
      %get3A_436 = tpu.vector_load %arg19[%get3A_434, %get3A_435] {strides = array<i32>} : memref<8x256xf32, #tpu.memory_space<vmem>>, vector<16xf32>,
      %get3A_437 = arith.constant 4 : i32
      %get3A_438 = arith.index_cast %get3A_437 : i32 to index
      %get3A_439 = arith.index_cast %mul3A_231 : i32 to index
      %get3A_440 = tpu.vector_load %arg20[%get3A_438, %get3A_439] {strides = array<i32>} : memref<8x256xf32, #tpu.memory_space<vmem>>, vector<16xf32>,
      %mul3A_441 = arith.mulf %gather3A_119, %add3A_276 : vector<16xf32>
      %add3A_442 = arith.addf %gather3A, %mul3A_441 : vector<16xf32>
      %mul3A_443 = arith.mulf %gather3A_122, %add3A_424 : vector<16xf32>
      %sub3A_444 = arith.subf %add3A_442, %mul3A_443 : vector<16xf32>
      %mul3A_445 = arith.mulf %sub3A_444, %get3A_428 : vector<16xf32>
      %add3A_446 = arith.addf %mul3A_445, %get3A_432 : vector<16xf32>
      %add3A_447 = arith.addf %add3A_446, %sub3A : vector<16xf32>
      %neg3A = arith.constant 0.000000e+00 : f32
      %neg3A_448 = vector.broadcast %neg3A : f32 to vector<16xf32>
      %neg3A_449 = arith.subf %neg3A_448, %add3A_447 : vector<16xf32>
      %mul3A_450 = arith.mulf %neg3A_449, %gather3A_140 : vector<16xf32>
      %exp3A = math.exp %mul3A_450 : vector<16xf32>
      %add3A_451 = arith.constant 1.000000e+00 : f32
      %add3A_452 = vector.broadcast %add3A_451 : f32 to vector<16xf32>
      %add3A_453 = arith.addf %add3A_452, %exp3A : vector<16xf32>
      %div3A = arith.constant 1.000000e+00 : f32
      %div3A_454 = vector.broadcast %div3A : f32 to vector<16xf32>
      %div3A_455 = arith.divf %div3A_454, %add3A_453 : vector<16xf32>
      %swap3A_456 = arith.constant 4 : i32
      %swap3A_457 = arith.index_cast %swap3A_456 : i32 to index
      %swap3A_458 = arith.index_cast %mul3A_231 : i32 to index
      %swap3A_459 = tpu.vector_load %arg28[%swap3A_457, %swap3A_458] {strides = array<i32>} : memref<8x256xf32, #tpu.memory_space<vmem>>, vector<16xf32>,
      tpu.vector_store %arg28[%swap3A_457, %swap3A_458], %div3A_455 {strides = array<i32>} : memref<8x256xf32, #tpu.memory_space<vmem>>, vector<16xf32>,
      %mul3A_460 = arith.constant 2.000000e+00 : f32
      %mul3A_461 = vector.broadcast %mul3A_460 : f32 to vector<16xf32>
      %mul3A_462 = arith.mulf %mul3A_461, %get3A_440 : vector<16xf32>
      %sub3A_463 = arith.constant 1.000000e+00 : f32
      %sub3A_464 = vector.broadcast %sub3A_463 : f32 to vector<16xf32>
      %sub3A_465 = arith.subf %sub3A_464, %mul3A_462 : vector<16xf32>
      %mul3A_466 = arith.mulf %sub3A_465, %gather3A_137 : vector<16xf32>
      %sub3A_467 = arith.constant 5.000000e-01 : f32
      %sub3A_468 = vector.broadcast %sub3A_467 : f32 to vector<16xf32>
      %sub3A_469 = arith.subf %get3A_440, %sub3A_468 : vector<16xf32>
      %add3A_470 = arith.addf %sub3A, %add3A_144 : vector<16xf32>
      %mul3A_471 = arith.mulf %sub3A_469, %add3A_470 : vector<16xf32>
      %add3A_472 = arith.addf %mul3A_466, %mul3A_471 : vector<16xf32>
      %mul3A_473 = arith.mulf %get3A_436, %add3A_472 : vector<16xf32>
      %add3A_474 = arith.addf %scan3A_229, %mul3A_473 : vector<16xf32>
      scf.yield %add3A_474 : vector<16xf32>
    }
    %scan3A_185 = arith.constant 16 : i32
    %broadcast_in_dim3A_186 = arith.constant 5 : i32
    %broadcast_in_dim3A_187 = vector.broadcast %broadcast_in_dim3A_186 : i32 to vector<16xi32>
    %scan3A_188 = arith.constant 0 : i32
    %scan3A_189 = arith.constant 16 : i32
    %scan3A_190 = arith.addi %scan3A_188, %scan3A_189 : i32
    %scan3A_191 = arith.constant 1 : i32
    %scan3A_192 = scf.for %scan3A_228 = %scan3A_188 to %scan3A_190 step %scan3A_191 iter_args(%scan3A_229 = %scan3A_184) -> (vector<16xf32>)  : i32 {
      %mul3A_230 = arith.constant 16 : i32
      %mul3A_231 = arith.muli %scan3A_228, %mul3A_230 : i32
      %broadcast_in_dim3A_232 = arith.constant 0.000000e+00 : f32
      %broadcast_in_dim3A_233 = vector.broadcast %broadcast_in_dim3A_232 : f32 to vector<16xf32>
      %broadcast_in_dim3A_234 = arith.constant 0.000000e+00 : f32
      %broadcast_in_dim3A_235 = vector.broadcast %broadcast_in_dim3A_234 : f32 to vector<16xf32>
      %add3A_236 = arith.constant 40 : i32
      %add3A_237 = arith.addi %add3A_236, %squeeze3A : i32
      %get3A_238 = tpu.memref_reshape %arg24 : memref<8x4x2x256xi32, #tpu.memory_space<vmem>> -> memref<64x256xi32, #tpu.memory_space<vmem>>
      %get3A_239 = arith.index_cast %add3A_237 : i32 to index
      %get3A_240 = arith.index_cast %mul3A_231 : i32 to index
      %get3A_241 = tpu.vector_load %get3A_238[%get3A_239, %get3A_240] {strides = array<i32>} : memref<64x256xi32, #tpu.memory_space<vmem>>, vector<16xi32>,
      %gather3A_242 = tpu.vector_load_idx %arg16[%broadcast_in_dim3A_187, %get3A_241] : memref<8x256xf32, #tpu.memory_space<vmem>>[vector<16xi32>, vector<16xi32>], vector<16xf32>,
      %add3A_243 = arith.addf %broadcast_in_dim3A_235, %gather3A_242 : vector<16xf32>
      %gather3A_244 = tpu.vector_load_idx %arg20[%broadcast_in_dim3A_187, %get3A_241] : memref<8x256xf32, #tpu.memory_space<vmem>>[vector<16xi32>, vector<16xi32>], vector<16xf32>,
      %mul3A_245 = arith.mulf %gather3A_244, %gather3A_125 : vector<16xf32>
      %add3A_246 = arith.addf %broadcast_in_dim3A_233, %mul3A_245 : vector<16xf32>
      %add3A_247 = arith.constant 42 : i32
      %add3A_248 = arith.addi %add3A_247, %squeeze3A : i32
      %get3A_249 = tpu.memref_reshape %arg24 : memref<8x4x2x256xi32, #tpu.memory_space<vmem>> -> memref<64x256xi32, #tpu.memory_space<vmem>>
      %get3A_250 = arith.index_cast %add3A_248 : i32 to index
      %get3A_251 = arith.index_cast %mul3A_231 : i32 to index
      %get3A_252 = tpu.vector_load %get3A_249[%get3A_250, %get3A_251] {strides = array<i32>} : memref<64x256xi32, #tpu.memory_space<vmem>>, vector<16xi32>,
      %gather3A_253 = tpu.vector_load_idx %arg16[%broadcast_in_dim3A_187, %get3A_252] : memref<8x256xf32, #tpu.memory_space<vmem>>[vector<16xi32>, vector<16xi32>], vector<16xf32>,
      %add3A_254 = arith.addf %add3A_243, %gather3A_253 : vector<16xf32>
      %gather3A_255 = tpu.vector_load_idx %arg20[%broadcast_in_dim3A_187, %get3A_252] : memref<8x256xf32, #tpu.memory_space<vmem>>[vector<16xi32>, vector<16xi32>], vector<16xf32>,
      %mul3A_256 = arith.mulf %gather3A_255, %gather3A_128 : vector<16xf32>
      %add3A_257 = arith.addf %add3A_246, %mul3A_256 : vector<16xf32>
      %add3A_258 = arith.constant 44 : i32
      %add3A_259 = arith.addi %add3A_258, %squeeze3A : i32
      %get3A_260 = tpu.memref_reshape %arg24 : memref<8x4x2x256xi32, #tpu.memory_space<vmem>> -> memref<64x256xi32, #tpu.memory_space<vmem>>
      %get3A_261 = arith.index_cast %add3A_259 : i32 to index
      %get3A_262 = arith.index_cast %mul3A_231 : i32 to index
      %get3A_263 = tpu.vector_load %get3A_260[%get3A_261, %get3A_262] {strides = array<i32>} : memref<64x256xi32, #tpu.memory_space<vmem>>, vector<16xi32>,
      %gather3A_264 = tpu.vector_load_idx %arg16[%broadcast_in_dim3A_187, %get3A_263] : memref<8x256xf32, #tpu.memory_space<vmem>>[vector<16xi32>, vector<16xi32>], vector<16xf32>,
      %add3A_265 = arith.addf %add3A_254, %gather3A_264 : vector<16xf32>
      %gather3A_266 = tpu.vector_load_idx %arg20[%broadcast_in_dim3A_187, %get3A_263] : memref<8x256xf32, #tpu.memory_space<vmem>>[vector<16xi32>, vector<16xi32>], vector<16xf32>,
      %mul3A_267 = arith.mulf %gather3A_266, %gather3A_131 : vector<16xf32>
      %add3A_268 = arith.addf %add3A_257, %mul3A_267 : vector<16xf32>
      %add3A_269 = arith.constant 46 : i32
      %add3A_270 = arith.addi %add3A_269, %squeeze3A : i32
      %get3A_271 = tpu.memref_reshape %arg24 : memref<8x4x2x256xi32, #tpu.memory_space<vmem>> -> memref<64x256xi32, #tpu.memory_space<vmem>>
      %get3A_272 = arith.index_cast %add3A_270 : i32 to index
      %get3A_273 = arith.index_cast %mul3A_231 : i32 to index
      %get3A_274 = tpu.vector_load %get3A_271[%get3A_272, %get3A_273] {strides = array<i32>} : memref<64x256xi32, #tpu.memory_space<vmem>>, vector<16xi32>,
      %gather3A_275 = tpu.vector_load_idx %arg16[%broadcast_in_dim3A_187, %get3A_274] : memref<8x256xf32, #tpu.memory_space<vmem>>[vector<16xi32>, vector<16xi32>], vector<16xf32>,
      %add3A_276 = arith.addf %add3A_265, %gather3A_275 : vector<16xf32>
      %gather3A_277 = tpu.vector_load_idx %arg20[%broadcast_in_dim3A_187, %get3A_274] : memref<8x256xf32, #tpu.memory_space<vmem>>[vector<16xi32>, vector<16xi32>], vector<16xf32>,
      %mul3A_278 = arith.mulf %gather3A_277, %gather3A_134 : vector<16xf32>
      %add3A_279 = arith.addf %add3A_268, %mul3A_278 : vector<16xf32>
      %mul3A_280 = arith.constant 4.000000e+00 : f32
      %mul3A_281 = vector.broadcast %mul3A_280 : f32 to vector<16xf32>
      %mul3A_282 = arith.mulf %mul3A_281, %add3A_279 : vector<16xf32>
      %sub3A = arith.subf %mul3A_282, %add3A_144 : vector<16xf32>
      %broadcast_in_dim3A_283 = arith.constant 0.000000e+00 : f32
      %broadcast_in_dim3A_284 = vector.broadcast %broadcast_in_dim3A_283 : f32 to vector<16xf32>
      %add3A_285 = arith.constant 40 : i32
      %add3A_286 = arith.addi %add3A_285, %squeeze3A : i32
      %get3A_287 = tpu.memref_reshape %arg25 : memref<8x4x2x256xi32, #tpu.memory_space<vmem>> -> memref<64x256xi32, #tpu.memory_space<vmem>>
      %get3A_288 = arith.index_cast %add3A_286 : i32 to index
      %get3A_289 = arith.index_cast %mul3A_231 : i32 to index
      %get3A_290 = tpu.vector_load %get3A_287[%get3A_288, %get3A_289] {strides = array<i32>} : memref<64x256xi32, #tpu.memory_space<vmem>>, vector<16xi32>,
      %gather3A_291 = tpu.vector_load_idx %arg16[%broadcast_in_dim3A_187, %get3A_290] : memref<8x256xf32, #tpu.memory_space<vmem>>[vector<16xi32>, vector<16xi32>], vector<16xf32>,
      %broadcast_in_dim3A_292 = arith.constant 0.000000e+00 : f32
      %broadcast_in_dim3A_293 = vector.broadcast %broadcast_in_dim3A_292 : f32 to vector<16xf32>
      %add3A_294 = arith.constant 120 : i32
      %add3A_295 = arith.addi %add3A_294, %squeeze3A : i32
      %get3A_296 = tpu.memref_reshape %arg26 : memref<8x4x3x2x256xi32, #tpu.memory_space<vmem>> -> memref<192x256xi32, #tpu.memory_space<vmem>>
      %get3A_297 = arith.index_cast %add3A_295 : i32 to index
      %get3A_298 = arith.index_cast %mul3A_231 : i32 to index
      %get3A_299 = tpu.vector_load %get3A_296[%get3A_297, %get3A_298] {strides = array<i32>} : memref<192x256xi32, #tpu.memory_space<vmem>>, vector<16xi32>,
      %gather3A_300 = tpu.vector_load_idx %arg16[%broadcast_in_dim3A_187, %get3A_299] : memref<8x256xf32, #tpu.memory_space<vmem>>[vector<16xi32>, vector<16xi32>], vector<16xf32>,
      %add3A_301 = arith.addf %broadcast_in_dim3A_293, %gather3A_300 : vector<16xf32>
      %add3A_302 = arith.constant 122 : i32
      %add3A_303 = arith.addi %add3A_302, %squeeze3A : i32
      %get3A_304 = tpu.memref_reshape %arg26 : memref<8x4x3x2x256xi32, #tpu.memory_space<vmem>> -> memref<192x256xi32, #tpu.memory_space<vmem>>
      %get3A_305 = arith.index_cast %add3A_303 : i32 to index
      %get3A_306 = arith.index_cast %mul3A_231 : i32 to index
      %get3A_307 = tpu.vector_load %get3A_304[%get3A_305, %get3A_306] {strides = array<i32>} : memref<192x256xi32, #tpu.memory_space<vmem>>, vector<16xi32>,
      %gather3A_308 = tpu.vector_load_idx %arg16[%broadcast_in_dim3A_187, %get3A_307] : memref<8x256xf32, #tpu.memory_space<vmem>>[vector<16xi32>, vector<16xi32>], vector<16xf32>,
      %add3A_309 = arith.addf %add3A_301, %gather3A_308 : vector<16xf32>
      %add3A_310 = arith.constant 124 : i32
      %add3A_311 = arith.addi %add3A_310, %squeeze3A : i32
      %get3A_312 = tpu.memref_reshape %arg26 : memref<8x4x3x2x256xi32, #tpu.memory_space<vmem>> -> memref<192x256xi32, #tpu.memory_space<vmem>>
      %get3A_313 = arith.index_cast %add3A_311 : i32 to index
      %get3A_314 = arith.index_cast %mul3A_231 : i32 to index
      %get3A_315 = tpu.vector_load %get3A_312[%get3A_313, %get3A_314] {strides = array<i32>} : memref<192x256xi32, #tpu.memory_space<vmem>>, vector<16xi32>,
      %gather3A_316 = tpu.vector_load_idx %arg16[%broadcast_in_dim3A_187, %get3A_315] : memref<8x256xf32, #tpu.memory_space<vmem>>[vector<16xi32>, vector<16xi32>], vector<16xf32>,
      %add3A_317 = arith.addf %add3A_309, %gather3A_316 : vector<16xf32>
      %mul3A_318 = arith.mulf %gather3A_291, %add3A_317 : vector<16xf32>
      %add3A_319 = arith.addf %broadcast_in_dim3A_284, %mul3A_318 : vector<16xf32>
      %add3A_320 = arith.constant 42 : i32
      %add3A_321 = arith.addi %add3A_320, %squeeze3A : i32
      %get3A_322 = tpu.memref_reshape %arg25 : memref<8x4x2x256xi32, #tpu.memory_space<vmem>> -> memref<64x256xi32, #tpu.memory_space<vmem>>
      %get3A_323 = arith.index_cast %add3A_321 : i32 to index
      %get3A_324 = arith.index_cast %mul3A_231 : i32 to index
      %get3A_325 = tpu.vector_load %get3A_322[%get3A_323, %get3A_324] {strides = array<i32>} : memref<64x256xi32, #tpu.memory_space<vmem>>, vector<16xi32>,
      %gather3A_326 = tpu.vector_load_idx %arg16[%broadcast_in_dim3A_187, %get3A_325] : memref<8x256xf32, #tpu.memory_space<vmem>>[vector<16xi32>, vector<16xi32>], vector<16xf32>,
      %broadcast_in_dim3A_327 = arith.constant 0.000000e+00 : f32
      %broadcast_in_dim3A_328 = vector.broadcast %broadcast_in_dim3A_327 : f32 to vector<16xf32>
      %add3A_329 = arith.constant 126 : i32
      %add3A_330 = arith.addi %add3A_329, %squeeze3A : i32
      %get3A_331 = tpu.memref_reshape %arg26 : memref<8x4x3x2x256xi32, #tpu.memory_space<vmem>> -> memref<192x256xi32, #tpu.memory_space<vmem>>
      %get3A_332 = arith.index_cast %add3A_330 : i32 to index
      %get3A_333 = arith.index_cast %mul3A_231 : i32 to index
      %get3A_334 = tpu.vector_load %get3A_331[%get3A_332, %get3A_333] {strides = array<i32>} : memref<192x256xi32, #tpu.memory_space<vmem>>, vector<16xi32>,
      %gather3A_335 = tpu.vector_load_idx %arg16[%broadcast_in_dim3A_187, %get3A_334] : memref<8x256xf32, #tpu.memory_space<vmem>>[vector<16xi32>, vector<16xi32>], vector<16xf32>,
      %add3A_336 = arith.addf %broadcast_in_dim3A_328, %gather3A_335 : vector<16xf32>
      %add3A_337 = arith.constant 128 : i32
      %add3A_338 = arith.addi %add3A_337, %squeeze3A : i32
      %get3A_339 = tpu.memref_reshape %arg26 : memref<8x4x3x2x256xi32, #tpu.memory_space<vmem>> -> memref<192x256xi32, #tpu.memory_space<vmem>>
      %get3A_340 = arith.index_cast %add3A_338 : i32 to index
      %get3A_341 = arith.index_cast %mul3A_231 : i32 to index
      %get3A_342 = tpu.vector_load %get3A_339[%get3A_340, %get3A_341] {strides = array<i32>} : memref<192x256xi32, #tpu.memory_space<vmem>>, vector<16xi32>,
      %gather3A_343 = tpu.vector_load_idx %arg16[%broadcast_in_dim3A_187, %get3A_342] : memref<8x256xf32, #tpu.memory_space<vmem>>[vector<16xi32>, vector<16xi32>], vector<16xf32>,
      %add3A_344 = arith.addf %add3A_336, %gather3A_343 : vector<16xf32>
      %add3A_345 = arith.constant 130 : i32
      %add3A_346 = arith.addi %add3A_345, %squeeze3A : i32
      %get3A_347 = tpu.memref_reshape %arg26 : memref<8x4x3x2x256xi32, #tpu.memory_space<vmem>> -> memref<192x256xi32, #tpu.memory_space<vmem>>
      %get3A_348 = arith.index_cast %add3A_346 : i32 to index
      %get3A_349 = arith.index_cast %mul3A_231 : i32 to index
      %get3A_350 = tpu.vector_load %get3A_347[%get3A_348, %get3A_349] {strides = array<i32>} : memref<192x256xi32, #tpu.memory_space<vmem>>, vector<16xi32>,
      %gather3A_351 = tpu.vector_load_idx %arg16[%broadcast_in_dim3A_187, %get3A_350] : memref<8x256xf32, #tpu.memory_space<vmem>>[vector<16xi32>, vector<16xi32>], vector<16xf32>,
      %add3A_352 = arith.addf %add3A_344, %gather3A_351 : vector<16xf32>
      %mul3A_353 = arith.mulf %gather3A_326, %add3A_352 : vector<16xf32>
      %add3A_354 = arith.addf %add3A_319, %mul3A_353 : vector<16xf32>
      %add3A_355 = arith.constant 44 : i32
      %add3A_356 = arith.addi %add3A_355, %squeeze3A : i32
      %get3A_357 = tpu.memref_reshape %arg25 : memref<8x4x2x256xi32, #tpu.memory_space<vmem>> -> memref<64x256xi32, #tpu.memory_space<vmem>>
      %get3A_358 = arith.index_cast %add3A_356 : i32 to index
      %get3A_359 = arith.index_cast %mul3A_231 : i32 to index
      %get3A_360 = tpu.vector_load %get3A_357[%get3A_358, %get3A_359] {strides = array<i32>} : memref<64x256xi32, #tpu.memory_space<vmem>>, vector<16xi32>,
      %gather3A_361 = tpu.vector_load_idx %arg16[%broadcast_in_dim3A_187, %get3A_360] : memref<8x256xf32, #tpu.memory_space<vmem>>[vector<16xi32>, vector<16xi32>], vector<16xf32>,
      %broadcast_in_dim3A_362 = arith.constant 0.000000e+00 : f32
      %broadcast_in_dim3A_363 = vector.broadcast %broadcast_in_dim3A_362 : f32 to vector<16xf32>
      %add3A_364 = arith.constant 132 : i32
      %add3A_365 = arith.addi %add3A_364, %squeeze3A : i32
      %get3A_366 = tpu.memref_reshape %arg26 : memref<8x4x3x2x256xi32, #tpu.memory_space<vmem>> -> memref<192x256xi32, #tpu.memory_space<vmem>>
      %get3A_367 = arith.index_cast %add3A_365 : i32 to index
      %get3A_368 = arith.index_cast %mul3A_231 : i32 to index
      %get3A_369 = tpu.vector_load %get3A_366[%get3A_367, %get3A_368] {strides = array<i32>} : memref<192x256xi32, #tpu.memory_space<vmem>>, vector<16xi32>,
      %gather3A_370 = tpu.vector_load_idx %arg16[%broadcast_in_dim3A_187, %get3A_369] : memref<8x256xf32, #tpu.memory_space<vmem>>[vector<16xi32>, vector<16xi32>], vector<16xf32>,
      %add3A_371 = arith.addf %broadcast_in_dim3A_363, %gather3A_370 : vector<16xf32>
      %add3A_372 = arith.constant 134 : i32
      %add3A_373 = arith.addi %add3A_372, %squeeze3A : i32
      %get3A_374 = tpu.memref_reshape %arg26 : memref<8x4x3x2x256xi32, #tpu.memory_space<vmem>> -> memref<192x256xi32, #tpu.memory_space<vmem>>
      %get3A_375 = arith.index_cast %add3A_373 : i32 to index
      %get3A_376 = arith.index_cast %mul3A_231 : i32 to index
      %get3A_377 = tpu.vector_load %get3A_374[%get3A_375, %get3A_376] {strides = array<i32>} : memref<192x256xi32, #tpu.memory_space<vmem>>, vector<16xi32>,
      %gather3A_378 = tpu.vector_load_idx %arg16[%broadcast_in_dim3A_187, %get3A_377] : memref<8x256xf32, #tpu.memory_space<vmem>>[vector<16xi32>, vector<16xi32>], vector<16xf32>,
      %add3A_379 = arith.addf %add3A_371, %gather3A_378 : vector<16xf32>
      %add3A_380 = arith.constant 136 : i32
      %add3A_381 = arith.addi %add3A_380, %squeeze3A : i32
      %get3A_382 = tpu.memref_reshape %arg26 : memref<8x4x3x2x256xi32, #tpu.memory_space<vmem>> -> memref<192x256xi32, #tpu.memory_space<vmem>>
      %get3A_383 = arith.index_cast %add3A_381 : i32 to index
      %get3A_384 = arith.index_cast %mul3A_231 : i32 to index
      %get3A_385 = tpu.vector_load %get3A_382[%get3A_383, %get3A_384] {strides = array<i32>} : memref<192x256xi32, #tpu.memory_space<vmem>>, vector<16xi32>,
      %gather3A_386 = tpu.vector_load_idx %arg16[%broadcast_in_dim3A_187, %get3A_385] : memref<8x256xf32, #tpu.memory_space<vmem>>[vector<16xi32>, vector<16xi32>], vector<16xf32>,
      %add3A_387 = arith.addf %add3A_379, %gather3A_386 : vector<16xf32>
      %mul3A_388 = arith.mulf %gather3A_361, %add3A_387 : vector<16xf32>
      %add3A_389 = arith.addf %add3A_354, %mul3A_388 : vector<16xf32>
      %add3A_390 = arith.constant 46 : i32
      %add3A_391 = arith.addi %add3A_390, %squeeze3A : i32
      %get3A_392 = tpu.memref_reshape %arg25 : memref<8x4x2x256xi32, #tpu.memory_space<vmem>> -> memref<64x256xi32, #tpu.memory_space<vmem>>
      %get3A_393 = arith.index_cast %add3A_391 : i32 to index
      %get3A_394 = arith.index_cast %mul3A_231 : i32 to index
      %get3A_395 = tpu.vector_load %get3A_392[%get3A_393, %get3A_394] {strides = array<i32>} : memref<64x256xi32, #tpu.memory_space<vmem>>, vector<16xi32>,
      %gather3A_396 = tpu.vector_load_idx %arg16[%broadcast_in_dim3A_187, %get3A_395] : memref<8x256xf32, #tpu.memory_space<vmem>>[vector<16xi32>, vector<16xi32>], vector<16xf32>,
      %broadcast_in_dim3A_397 = arith.constant 0.000000e+00 : f32
      %broadcast_in_dim3A_398 = vector.broadcast %broadcast_in_dim3A_397 : f32 to vector<16xf32>
      %add3A_399 = arith.constant 138 : i32
      %add3A_400 = arith.addi %add3A_399, %squeeze3A : i32
      %get3A_401 = tpu.memref_reshape %arg26 : memref<8x4x3x2x256xi32, #tpu.memory_space<vmem>> -> memref<192x256xi32, #tpu.memory_space<vmem>>
      %get3A_402 = arith.index_cast %add3A_400 : i32 to index
      %get3A_403 = arith.index_cast %mul3A_231 : i32 to index
      %get3A_404 = tpu.vector_load %get3A_401[%get3A_402, %get3A_403] {strides = array<i32>} : memref<192x256xi32, #tpu.memory_space<vmem>>, vector<16xi32>,
      %gather3A_405 = tpu.vector_load_idx %arg16[%broadcast_in_dim3A_187, %get3A_404] : memref<8x256xf32, #tpu.memory_space<vmem>>[vector<16xi32>, vector<16xi32>], vector<16xf32>,
      %add3A_406 = arith.addf %broadcast_in_dim3A_398, %gather3A_405 : vector<16xf32>
      %add3A_407 = arith.constant 140 : i32
      %add3A_408 = arith.addi %add3A_407, %squeeze3A : i32
      %get3A_409 = tpu.memref_reshape %arg26 : memref<8x4x3x2x256xi32, #tpu.memory_space<vmem>> -> memref<192x256xi32, #tpu.memory_space<vmem>>
      %get3A_410 = arith.index_cast %add3A_408 : i32 to index
      %get3A_411 = arith.index_cast %mul3A_231 : i32 to index
      %get3A_412 = tpu.vector_load %get3A_409[%get3A_410, %get3A_411] {strides = array<i32>} : memref<192x256xi32, #tpu.memory_space<vmem>>, vector<16xi32>,
      %gather3A_413 = tpu.vector_load_idx %arg16[%broadcast_in_dim3A_187, %get3A_412] : memref<8x256xf32, #tpu.memory_space<vmem>>[vector<16xi32>, vector<16xi32>], vector<16xf32>,
      %add3A_414 = arith.addf %add3A_406, %gather3A_413 : vector<16xf32>
      %add3A_415 = arith.constant 142 : i32
      %add3A_416 = arith.addi %add3A_415, %squeeze3A : i32
      %get3A_417 = tpu.memref_reshape %arg26 : memref<8x4x3x2x256xi32, #tpu.memory_space<vmem>> -> memref<192x256xi32, #tpu.memory_space<vmem>>
      %get3A_418 = arith.index_cast %add3A_416 : i32 to index
      %get3A_419 = arith.index_cast %mul3A_231 : i32 to index
      %get3A_420 = tpu.vector_load %get3A_417[%get3A_418, %get3A_419] {strides = array<i32>} : memref<192x256xi32, #tpu.memory_space<vmem>>, vector<16xi32>,
      %gather3A_421 = tpu.vector_load_idx %arg16[%broadcast_in_dim3A_187, %get3A_420] : memref<8x256xf32, #tpu.memory_space<vmem>>[vector<16xi32>, vector<16xi32>], vector<16xf32>,
      %add3A_422 = arith.addf %add3A_414, %gather3A_421 : vector<16xf32>
      %mul3A_423 = arith.mulf %gather3A_396, %add3A_422 : vector<16xf32>
      %add3A_424 = arith.addf %add3A_389, %mul3A_423 : vector<16xf32>
      %get3A_425 = arith.constant 5 : i32
      %get3A_426 = arith.index_cast %get3A_425 : i32 to index
      %get3A_427 = arith.index_cast %mul3A_231 : i32 to index
      %get3A_428 = tpu.vector_load %arg17[%get3A_426, %get3A_427] {strides = array<i32>} : memref<8x256xf32, #tpu.memory_space<vmem>>, vector<16xf32>,
      %get3A_429 = arith.constant 5 : i32
      %get3A_430 = arith.index_cast %get3A_429 : i32 to index
      %get3A_431 = arith.index_cast %mul3A_231 : i32 to index
      %get3A_432 = tpu.vector_load %arg18[%get3A_430, %get3A_431] {strides = array<i32>} : memref<8x256xf32, #tpu.memory_space<vmem>>, vector<16xf32>,
      %get3A_433 = arith.constant 5 : i32
      %get3A_434 = arith.index_cast %get3A_433 : i32 to index
      %get3A_435 = arith.index_cast %mul3A_231 : i32 to index
      %get3A_436 = tpu.vector_load %arg19[%get3A_434, %get3A_435] {strides = array<i32>} : memref<8x256xf32, #tpu.memory_space<vmem>>, vector<16xf32>,
      %get3A_437 = arith.constant 5 : i32
      %get3A_438 = arith.index_cast %get3A_437 : i32 to index
      %get3A_439 = arith.index_cast %mul3A_231 : i32 to index
      %get3A_440 = tpu.vector_load %arg20[%get3A_438, %get3A_439] {strides = array<i32>} : memref<8x256xf32, #tpu.memory_space<vmem>>, vector<16xf32>,
      %mul3A_441 = arith.mulf %gather3A_119, %add3A_276 : vector<16xf32>
      %add3A_442 = arith.addf %gather3A, %mul3A_441 : vector<16xf32>
      %mul3A_443 = arith.mulf %gather3A_122, %add3A_424 : vector<16xf32>
      %sub3A_444 = arith.subf %add3A_442, %mul3A_443 : vector<16xf32>
      %mul3A_445 = arith.mulf %sub3A_444, %get3A_428 : vector<16xf32>
      %add3A_446 = arith.addf %mul3A_445, %get3A_432 : vector<16xf32>
      %add3A_447 = arith.addf %add3A_446, %sub3A : vector<16xf32>
      %neg3A = arith.constant 0.000000e+00 : f32
      %neg3A_448 = vector.broadcast %neg3A : f32 to vector<16xf32>
      %neg3A_449 = arith.subf %neg3A_448, %add3A_447 : vector<16xf32>
      %mul3A_450 = arith.mulf %neg3A_449, %gather3A_140 : vector<16xf32>
      %exp3A = math.exp %mul3A_450 : vector<16xf32>
      %add3A_451 = arith.constant 1.000000e+00 : f32
      %add3A_452 = vector.broadcast %add3A_451 : f32 to vector<16xf32>
      %add3A_453 = arith.addf %add3A_452, %exp3A : vector<16xf32>
      %div3A = arith.constant 1.000000e+00 : f32
      %div3A_454 = vector.broadcast %div3A : f32 to vector<16xf32>
      %div3A_455 = arith.divf %div3A_454, %add3A_453 : vector<16xf32>
      %swap3A_456 = arith.constant 5 : i32
      %swap3A_457 = arith.index_cast %swap3A_456 : i32 to index
      %swap3A_458 = arith.index_cast %mul3A_231 : i32 to index
      %swap3A_459 = tpu.vector_load %arg28[%swap3A_457, %swap3A_458] {strides = array<i32>} : memref<8x256xf32, #tpu.memory_space<vmem>>, vector<16xf32>,
      tpu.vector_store %arg28[%swap3A_457, %swap3A_458], %div3A_455 {strides = array<i32>} : memref<8x256xf32, #tpu.memory_space<vmem>>, vector<16xf32>,
      %mul3A_460 = arith.constant 2.000000e+00 : f32
      %mul3A_461 = vector.broadcast %mul3A_460 : f32 to vector<16xf32>
      %mul3A_462 = arith.mulf %mul3A_461, %get3A_440 : vector<16xf32>
      %sub3A_463 = arith.constant 1.000000e+00 : f32
      %sub3A_464 = vector.broadcast %sub3A_463 : f32 to vector<16xf32>
      %sub3A_465 = arith.subf %sub3A_464, %mul3A_462 : vector<16xf32>
      %mul3A_466 = arith.mulf %sub3A_465, %gather3A_137 : vector<16xf32>
      %sub3A_467 = arith.constant 5.000000e-01 : f32
      %sub3A_468 = vector.broadcast %sub3A_467 : f32 to vector<16xf32>
      %sub3A_469 = arith.subf %get3A_440, %sub3A_468 : vector<16xf32>
      %add3A_470 = arith.addf %sub3A, %add3A_144 : vector<16xf32>
      %mul3A_471 = arith.mulf %sub3A_469, %add3A_470 : vector<16xf32>
      %add3A_472 = arith.addf %mul3A_466, %mul3A_471 : vector<16xf32>
      %mul3A_473 = arith.mulf %get3A_436, %add3A_472 : vector<16xf32>
      %add3A_474 = arith.addf %scan3A_229, %mul3A_473 : vector<16xf32>
      scf.yield %add3A_474 : vector<16xf32>
    }
    %scan3A_193 = arith.constant 16 : i32
    %broadcast_in_dim3A_194 = arith.constant 6 : i32
    %broadcast_in_dim3A_195 = vector.broadcast %broadcast_in_dim3A_194 : i32 to vector<16xi32>
    %scan3A_196 = arith.constant 0 : i32
    %scan3A_197 = arith.constant 16 : i32
    %scan3A_198 = arith.addi %scan3A_196, %scan3A_197 : i32
    %scan3A_199 = arith.constant 1 : i32
    %scan3A_200 = scf.for %scan3A_228 = %scan3A_196 to %scan3A_198 step %scan3A_199 iter_args(%scan3A_229 = %scan3A_192) -> (vector<16xf32>)  : i32 {
      %mul3A_230 = arith.constant 16 : i32
      %mul3A_231 = arith.muli %scan3A_228, %mul3A_230 : i32
      %broadcast_in_dim3A_232 = arith.constant 0.000000e+00 : f32
      %broadcast_in_dim3A_233 = vector.broadcast %broadcast_in_dim3A_232 : f32 to vector<16xf32>
      %broadcast_in_dim3A_234 = arith.constant 0.000000e+00 : f32
      %broadcast_in_dim3A_235 = vector.broadcast %broadcast_in_dim3A_234 : f32 to vector<16xf32>
      %add3A_236 = arith.constant 48 : i32
      %add3A_237 = arith.addi %add3A_236, %squeeze3A : i32
      %get3A_238 = tpu.memref_reshape %arg24 : memref<8x4x2x256xi32, #tpu.memory_space<vmem>> -> memref<64x256xi32, #tpu.memory_space<vmem>>
      %get3A_239 = arith.index_cast %add3A_237 : i32 to index
      %get3A_240 = arith.index_cast %mul3A_231 : i32 to index
      %get3A_241 = tpu.vector_load %get3A_238[%get3A_239, %get3A_240] {strides = array<i32>} : memref<64x256xi32, #tpu.memory_space<vmem>>, vector<16xi32>,
      %gather3A_242 = tpu.vector_load_idx %arg16[%broadcast_in_dim3A_195, %get3A_241] : memref<8x256xf32, #tpu.memory_space<vmem>>[vector<16xi32>, vector<16xi32>], vector<16xf32>,
      %add3A_243 = arith.addf %broadcast_in_dim3A_235, %gather3A_242 : vector<16xf32>
      %gather3A_244 = tpu.vector_load_idx %arg20[%broadcast_in_dim3A_195, %get3A_241] : memref<8x256xf32, #tpu.memory_space<vmem>>[vector<16xi32>, vector<16xi32>], vector<16xf32>,
      %mul3A_245 = arith.mulf %gather3A_244, %gather3A_125 : vector<16xf32>
      %add3A_246 = arith.addf %broadcast_in_dim3A_233, %mul3A_245 : vector<16xf32>
      %add3A_247 = arith.constant 50 : i32
      %add3A_248 = arith.addi %add3A_247, %squeeze3A : i32
      %get3A_249 = tpu.memref_reshape %arg24 : memref<8x4x2x256xi32, #tpu.memory_space<vmem>> -> memref<64x256xi32, #tpu.memory_space<vmem>>
      %get3A_250 = arith.index_cast %add3A_248 : i32 to index
      %get3A_251 = arith.index_cast %mul3A_231 : i32 to index
      %get3A_252 = tpu.vector_load %get3A_249[%get3A_250, %get3A_251] {strides = array<i32>} : memref<64x256xi32, #tpu.memory_space<vmem>>, vector<16xi32>,
      %gather3A_253 = tpu.vector_load_idx %arg16[%broadcast_in_dim3A_195, %get3A_252] : memref<8x256xf32, #tpu.memory_space<vmem>>[vector<16xi32>, vector<16xi32>], vector<16xf32>,
      %add3A_254 = arith.addf %add3A_243, %gather3A_253 : vector<16xf32>
      %gather3A_255 = tpu.vector_load_idx %arg20[%broadcast_in_dim3A_195, %get3A_252] : memref<8x256xf32, #tpu.memory_space<vmem>>[vector<16xi32>, vector<16xi32>], vector<16xf32>,
      %mul3A_256 = arith.mulf %gather3A_255, %gather3A_128 : vector<16xf32>
      %add3A_257 = arith.addf %add3A_246, %mul3A_256 : vector<16xf32>
      %add3A_258 = arith.constant 52 : i32
      %add3A_259 = arith.addi %add3A_258, %squeeze3A : i32
      %get3A_260 = tpu.memref_reshape %arg24 : memref<8x4x2x256xi32, #tpu.memory_space<vmem>> -> memref<64x256xi32, #tpu.memory_space<vmem>>
      %get3A_261 = arith.index_cast %add3A_259 : i32 to index
      %get3A_262 = arith.index_cast %mul3A_231 : i32 to index
      %get3A_263 = tpu.vector_load %get3A_260[%get3A_261, %get3A_262] {strides = array<i32>} : memref<64x256xi32, #tpu.memory_space<vmem>>, vector<16xi32>,
      %gather3A_264 = tpu.vector_load_idx %arg16[%broadcast_in_dim3A_195, %get3A_263] : memref<8x256xf32, #tpu.memory_space<vmem>>[vector<16xi32>, vector<16xi32>], vector<16xf32>,
      %add3A_265 = arith.addf %add3A_254, %gather3A_264 : vector<16xf32>
      %gather3A_266 = tpu.vector_load_idx %arg20[%broadcast_in_dim3A_195, %get3A_263] : memref<8x256xf32, #tpu.memory_space<vmem>>[vector<16xi32>, vector<16xi32>], vector<16xf32>,
      %mul3A_267 = arith.mulf %gather3A_266, %gather3A_131 : vector<16xf32>
      %add3A_268 = arith.addf %add3A_257, %mul3A_267 : vector<16xf32>
      %add3A_269 = arith.constant 54 : i32
      %add3A_270 = arith.addi %add3A_269, %squeeze3A : i32
      %get3A_271 = tpu.memref_reshape %arg24 : memref<8x4x2x256xi32, #tpu.memory_space<vmem>> -> memref<64x256xi32, #tpu.memory_space<vmem>>
      %get3A_272 = arith.index_cast %add3A_270 : i32 to index
      %get3A_273 = arith.index_cast %mul3A_231 : i32 to index
      %get3A_274 = tpu.vector_load %get3A_271[%get3A_272, %get3A_273] {strides = array<i32>} : memref<64x256xi32, #tpu.memory_space<vmem>>, vector<16xi32>,
      %gather3A_275 = tpu.vector_load_idx %arg16[%broadcast_in_dim3A_195, %get3A_274] : memref<8x256xf32, #tpu.memory_space<vmem>>[vector<16xi32>, vector<16xi32>], vector<16xf32>,
      %add3A_276 = arith.addf %add3A_265, %gather3A_275 : vector<16xf32>
      %gather3A_277 = tpu.vector_load_idx %arg20[%broadcast_in_dim3A_195, %get3A_274] : memref<8x256xf32, #tpu.memory_space<vmem>>[vector<16xi32>, vector<16xi32>], vector<16xf32>,
      %mul3A_278 = arith.mulf %gather3A_277, %gather3A_134 : vector<16xf32>
      %add3A_279 = arith.addf %add3A_268, %mul3A_278 : vector<16xf32>
      %mul3A_280 = arith.constant 4.000000e+00 : f32
      %mul3A_281 = vector.broadcast %mul3A_280 : f32 to vector<16xf32>
      %mul3A_282 = arith.mulf %mul3A_281, %add3A_279 : vector<16xf32>
      %sub3A = arith.subf %mul3A_282, %add3A_144 : vector<16xf32>
      %broadcast_in_dim3A_283 = arith.constant 0.000000e+00 : f32
      %broadcast_in_dim3A_284 = vector.broadcast %broadcast_in_dim3A_283 : f32 to vector<16xf32>
      %add3A_285 = arith.constant 48 : i32
      %add3A_286 = arith.addi %add3A_285, %squeeze3A : i32
      %get3A_287 = tpu.memref_reshape %arg25 : memref<8x4x2x256xi32, #tpu.memory_space<vmem>> -> memref<64x256xi32, #tpu.memory_space<vmem>>
      %get3A_288 = arith.index_cast %add3A_286 : i32 to index
      %get3A_289 = arith.index_cast %mul3A_231 : i32 to index
      %get3A_290 = tpu.vector_load %get3A_287[%get3A_288, %get3A_289] {strides = array<i32>} : memref<64x256xi32, #tpu.memory_space<vmem>>, vector<16xi32>,
      %gather3A_291 = tpu.vector_load_idx %arg16[%broadcast_in_dim3A_195, %get3A_290] : memref<8x256xf32, #tpu.memory_space<vmem>>[vector<16xi32>, vector<16xi32>], vector<16xf32>,
      %broadcast_in_dim3A_292 = arith.constant 0.000000e+00 : f32
      %broadcast_in_dim3A_293 = vector.broadcast %broadcast_in_dim3A_292 : f32 to vector<16xf32>
      %add3A_294 = arith.constant 144 : i32
      %add3A_295 = arith.addi %add3A_294, %squeeze3A : i32
      %get3A_296 = tpu.memref_reshape %arg26 : memref<8x4x3x2x256xi32, #tpu.memory_space<vmem>> -> memref<192x256xi32, #tpu.memory_space<vmem>>
      %get3A_297 = arith.index_cast %add3A_295 : i32 to index
      %get3A_298 = arith.index_cast %mul3A_231 : i32 to index
      %get3A_299 = tpu.vector_load %get3A_296[%get3A_297, %get3A_298] {strides = array<i32>} : memref<192x256xi32, #tpu.memory_space<vmem>>, vector<16xi32>,
      %gather3A_300 = tpu.vector_load_idx %arg16[%broadcast_in_dim3A_195, %get3A_299] : memref<8x256xf32, #tpu.memory_space<vmem>>[vector<16xi32>, vector<16xi32>], vector<16xf32>,
      %add3A_301 = arith.addf %broadcast_in_dim3A_293, %gather3A_300 : vector<16xf32>
      %add3A_302 = arith.constant 146 : i32
      %add3A_303 = arith.addi %add3A_302, %squeeze3A : i32
      %get3A_304 = tpu.memref_reshape %arg26 : memref<8x4x3x2x256xi32, #tpu.memory_space<vmem>> -> memref<192x256xi32, #tpu.memory_space<vmem>>
      %get3A_305 = arith.index_cast %add3A_303 : i32 to index
      %get3A_306 = arith.index_cast %mul3A_231 : i32 to index
      %get3A_307 = tpu.vector_load %get3A_304[%get3A_305, %get3A_306] {strides = array<i32>} : memref<192x256xi32, #tpu.memory_space<vmem>>, vector<16xi32>,
      %gather3A_308 = tpu.vector_load_idx %arg16[%broadcast_in_dim3A_195, %get3A_307] : memref<8x256xf32, #tpu.memory_space<vmem>>[vector<16xi32>, vector<16xi32>], vector<16xf32>,
      %add3A_309 = arith.addf %add3A_301, %gather3A_308 : vector<16xf32>
      %add3A_310 = arith.constant 148 : i32
      %add3A_311 = arith.addi %add3A_310, %squeeze3A : i32
      %get3A_312 = tpu.memref_reshape %arg26 : memref<8x4x3x2x256xi32, #tpu.memory_space<vmem>> -> memref<192x256xi32, #tpu.memory_space<vmem>>
      %get3A_313 = arith.index_cast %add3A_311 : i32 to index
      %get3A_314 = arith.index_cast %mul3A_231 : i32 to index
      %get3A_315 = tpu.vector_load %get3A_312[%get3A_313, %get3A_314] {strides = array<i32>} : memref<192x256xi32, #tpu.memory_space<vmem>>, vector<16xi32>,
      %gather3A_316 = tpu.vector_load_idx %arg16[%broadcast_in_dim3A_195, %get3A_315] : memref<8x256xf32, #tpu.memory_space<vmem>>[vector<16xi32>, vector<16xi32>], vector<16xf32>,
      %add3A_317 = arith.addf %add3A_309, %gather3A_316 : vector<16xf32>
      %mul3A_318 = arith.mulf %gather3A_291, %add3A_317 : vector<16xf32>
      %add3A_319 = arith.addf %broadcast_in_dim3A_284, %mul3A_318 : vector<16xf32>
      %add3A_320 = arith.constant 50 : i32
      %add3A_321 = arith.addi %add3A_320, %squeeze3A : i32
      %get3A_322 = tpu.memref_reshape %arg25 : memref<8x4x2x256xi32, #tpu.memory_space<vmem>> -> memref<64x256xi32, #tpu.memory_space<vmem>>
      %get3A_323 = arith.index_cast %add3A_321 : i32 to index
      %get3A_324 = arith.index_cast %mul3A_231 : i32 to index
      %get3A_325 = tpu.vector_load %get3A_322[%get3A_323, %get3A_324] {strides = array<i32>} : memref<64x256xi32, #tpu.memory_space<vmem>>, vector<16xi32>,
      %gather3A_326 = tpu.vector_load_idx %arg16[%broadcast_in_dim3A_195, %get3A_325] : memref<8x256xf32, #tpu.memory_space<vmem>>[vector<16xi32>, vector<16xi32>], vector<16xf32>,
      %broadcast_in_dim3A_327 = arith.constant 0.000000e+00 : f32
      %broadcast_in_dim3A_328 = vector.broadcast %broadcast_in_dim3A_327 : f32 to vector<16xf32>
      %add3A_329 = arith.constant 150 : i32
      %add3A_330 = arith.addi %add3A_329, %squeeze3A : i32
      %get3A_331 = tpu.memref_reshape %arg26 : memref<8x4x3x2x256xi32, #tpu.memory_space<vmem>> -> memref<192x256xi32, #tpu.memory_space<vmem>>
      %get3A_332 = arith.index_cast %add3A_330 : i32 to index
      %get3A_333 = arith.index_cast %mul3A_231 : i32 to index
      %get3A_334 = tpu.vector_load %get3A_331[%get3A_332, %get3A_333] {strides = array<i32>} : memref<192x256xi32, #tpu.memory_space<vmem>>, vector<16xi32>,
      %gather3A_335 = tpu.vector_load_idx %arg16[%broadcast_in_dim3A_195, %get3A_334] : memref<8x256xf32, #tpu.memory_space<vmem>>[vector<16xi32>, vector<16xi32>], vector<16xf32>,
      %add3A_336 = arith.addf %broadcast_in_dim3A_328, %gather3A_335 : vector<16xf32>
      %add3A_337 = arith.constant 152 : i32
      %add3A_338 = arith.addi %add3A_337, %squeeze3A : i32
      %get3A_339 = tpu.memref_reshape %arg26 : memref<8x4x3x2x256xi32, #tpu.memory_space<vmem>> -> memref<192x256xi32, #tpu.memory_space<vmem>>
      %get3A_340 = arith.index_cast %add3A_338 : i32 to index
      %get3A_341 = arith.index_cast %mul3A_231 : i32 to index
      %get3A_342 = tpu.vector_load %get3A_339[%get3A_340, %get3A_341] {strides = array<i32>} : memref<192x256xi32, #tpu.memory_space<vmem>>, vector<16xi32>,
      %gather3A_343 = tpu.vector_load_idx %arg16[%broadcast_in_dim3A_195, %get3A_342] : memref<8x256xf32, #tpu.memory_space<vmem>>[vector<16xi32>, vector<16xi32>], vector<16xf32>,
      %add3A_344 = arith.addf %add3A_336, %gather3A_343 : vector<16xf32>
      %add3A_345 = arith.constant 154 : i32
      %add3A_346 = arith.addi %add3A_345, %squeeze3A : i32
      %get3A_347 = tpu.memref_reshape %arg26 : memref<8x4x3x2x256xi32, #tpu.memory_space<vmem>> -> memref<192x256xi32, #tpu.memory_space<vmem>>
      %get3A_348 = arith.index_cast %add3A_346 : i32 to index
      %get3A_349 = arith.index_cast %mul3A_231 : i32 to index
      %get3A_350 = tpu.vector_load %get3A_347[%get3A_348, %get3A_349] {strides = array<i32>} : memref<192x256xi32, #tpu.memory_space<vmem>>, vector<16xi32>,
      %gather3A_351 = tpu.vector_load_idx %arg16[%broadcast_in_dim3A_195, %get3A_350] : memref<8x256xf32, #tpu.memory_space<vmem>>[vector<16xi32>, vector<16xi32>], vector<16xf32>,
      %add3A_352 = arith.addf %add3A_344, %gather3A_351 : vector<16xf32>
      %mul3A_353 = arith.mulf %gather3A_326, %add3A_352 : vector<16xf32>
      %add3A_354 = arith.addf %add3A_319, %mul3A_353 : vector<16xf32>
      %add3A_355 = arith.constant 52 : i32
      %add3A_356 = arith.addi %add3A_355, %squeeze3A : i32
      %get3A_357 = tpu.memref_reshape %arg25 : memref<8x4x2x256xi32, #tpu.memory_space<vmem>> -> memref<64x256xi32, #tpu.memory_space<vmem>>
      %get3A_358 = arith.index_cast %add3A_356 : i32 to index
      %get3A_359 = arith.index_cast %mul3A_231 : i32 to index
      %get3A_360 = tpu.vector_load %get3A_357[%get3A_358, %get3A_359] {strides = array<i32>} : memref<64x256xi32, #tpu.memory_space<vmem>>, vector<16xi32>,
      %gather3A_361 = tpu.vector_load_idx %arg16[%broadcast_in_dim3A_195, %get3A_360] : memref<8x256xf32, #tpu.memory_space<vmem>>[vector<16xi32>, vector<16xi32>], vector<16xf32>,
      %broadcast_in_dim3A_362 = arith.constant 0.000000e+00 : f32
      %broadcast_in_dim3A_363 = vector.broadcast %broadcast_in_dim3A_362 : f32 to vector<16xf32>
      %add3A_364 = arith.constant 156 : i32
      %add3A_365 = arith.addi %add3A_364, %squeeze3A : i32
      %get3A_366 = tpu.memref_reshape %arg26 : memref<8x4x3x2x256xi32, #tpu.memory_space<vmem>> -> memref<192x256xi32, #tpu.memory_space<vmem>>
      %get3A_367 = arith.index_cast %add3A_365 : i32 to index
      %get3A_368 = arith.index_cast %mul3A_231 : i32 to index
      %get3A_369 = tpu.vector_load %get3A_366[%get3A_367, %get3A_368] {strides = array<i32>} : memref<192x256xi32, #tpu.memory_space<vmem>>, vector<16xi32>,
      %gather3A_370 = tpu.vector_load_idx %arg16[%broadcast_in_dim3A_195, %get3A_369] : memref<8x256xf32, #tpu.memory_space<vmem>>[vector<16xi32>, vector<16xi32>], vector<16xf32>,
      %add3A_371 = arith.addf %broadcast_in_dim3A_363, %gather3A_370 : vector<16xf32>
      %add3A_372 = arith.constant 158 : i32
      %add3A_373 = arith.addi %add3A_372, %squeeze3A : i32
      %get3A_374 = tpu.memref_reshape %arg26 : memref<8x4x3x2x256xi32, #tpu.memory_space<vmem>> -> memref<192x256xi32, #tpu.memory_space<vmem>>
      %get3A_375 = arith.index_cast %add3A_373 : i32 to index
      %get3A_376 = arith.index_cast %mul3A_231 : i32 to index
      %get3A_377 = tpu.vector_load %get3A_374[%get3A_375, %get3A_376] {strides = array<i32>} : memref<192x256xi32, #tpu.memory_space<vmem>>, vector<16xi32>,
      %gather3A_378 = tpu.vector_load_idx %arg16[%broadcast_in_dim3A_195, %get3A_377] : memref<8x256xf32, #tpu.memory_space<vmem>>[vector<16xi32>, vector<16xi32>], vector<16xf32>,
      %add3A_379 = arith.addf %add3A_371, %gather3A_378 : vector<16xf32>
      %add3A_380 = arith.constant 160 : i32
      %add3A_381 = arith.addi %add3A_380, %squeeze3A : i32
      %get3A_382 = tpu.memref_reshape %arg26 : memref<8x4x3x2x256xi32, #tpu.memory_space<vmem>> -> memref<192x256xi32, #tpu.memory_space<vmem>>
      %get3A_383 = arith.index_cast %add3A_381 : i32 to index
      %get3A_384 = arith.index_cast %mul3A_231 : i32 to index
      %get3A_385 = tpu.vector_load %get3A_382[%get3A_383, %get3A_384] {strides = array<i32>} : memref<192x256xi32, #tpu.memory_space<vmem>>, vector<16xi32>,
      %gather3A_386 = tpu.vector_load_idx %arg16[%broadcast_in_dim3A_195, %get3A_385] : memref<8x256xf32, #tpu.memory_space<vmem>>[vector<16xi32>, vector<16xi32>], vector<16xf32>,
      %add3A_387 = arith.addf %add3A_379, %gather3A_386 : vector<16xf32>
      %mul3A_388 = arith.mulf %gather3A_361, %add3A_387 : vector<16xf32>
      %add3A_389 = arith.addf %add3A_354, %mul3A_388 : vector<16xf32>
      %add3A_390 = arith.constant 54 : i32
      %add3A_391 = arith.addi %add3A_390, %squeeze3A : i32
      %get3A_392 = tpu.memref_reshape %arg25 : memref<8x4x2x256xi32, #tpu.memory_space<vmem>> -> memref<64x256xi32, #tpu.memory_space<vmem>>
      %get3A_393 = arith.index_cast %add3A_391 : i32 to index
      %get3A_394 = arith.index_cast %mul3A_231 : i32 to index
      %get3A_395 = tpu.vector_load %get3A_392[%get3A_393, %get3A_394] {strides = array<i32>} : memref<64x256xi32, #tpu.memory_space<vmem>>, vector<16xi32>,
      %gather3A_396 = tpu.vector_load_idx %arg16[%broadcast_in_dim3A_195, %get3A_395] : memref<8x256xf32, #tpu.memory_space<vmem>>[vector<16xi32>, vector<16xi32>], vector<16xf32>,
      %broadcast_in_dim3A_397 = arith.constant 0.000000e+00 : f32
      %broadcast_in_dim3A_398 = vector.broadcast %broadcast_in_dim3A_397 : f32 to vector<16xf32>
      %add3A_399 = arith.constant 162 : i32
      %add3A_400 = arith.addi %add3A_399, %squeeze3A : i32
      %get3A_401 = tpu.memref_reshape %arg26 : memref<8x4x3x2x256xi32, #tpu.memory_space<vmem>> -> memref<192x256xi32, #tpu.memory_space<vmem>>
      %get3A_402 = arith.index_cast %add3A_400 : i32 to index
      %get3A_403 = arith.index_cast %mul3A_231 : i32 to index
      %get3A_404 = tpu.vector_load %get3A_401[%get3A_402, %get3A_403] {strides = array<i32>} : memref<192x256xi32, #tpu.memory_space<vmem>>, vector<16xi32>,
      %gather3A_405 = tpu.vector_load_idx %arg16[%broadcast_in_dim3A_195, %get3A_404] : memref<8x256xf32, #tpu.memory_space<vmem>>[vector<16xi32>, vector<16xi32>], vector<16xf32>,
      %add3A_406 = arith.addf %broadcast_in_dim3A_398, %gather3A_405 : vector<16xf32>
      %add3A_407 = arith.constant 164 : i32
      %add3A_408 = arith.addi %add3A_407, %squeeze3A : i32
      %get3A_409 = tpu.memref_reshape %arg26 : memref<8x4x3x2x256xi32, #tpu.memory_space<vmem>> -> memref<192x256xi32, #tpu.memory_space<vmem>>
      %get3A_410 = arith.index_cast %add3A_408 : i32 to index
      %get3A_411 = arith.index_cast %mul3A_231 : i32 to index
      %get3A_412 = tpu.vector_load %get3A_409[%get3A_410, %get3A_411] {strides = array<i32>} : memref<192x256xi32, #tpu.memory_space<vmem>>, vector<16xi32>,
      %gather3A_413 = tpu.vector_load_idx %arg16[%broadcast_in_dim3A_195, %get3A_412] : memref<8x256xf32, #tpu.memory_space<vmem>>[vector<16xi32>, vector<16xi32>], vector<16xf32>,
      %add3A_414 = arith.addf %add3A_406, %gather3A_413 : vector<16xf32>
      %add3A_415 = arith.constant 166 : i32
      %add3A_416 = arith.addi %add3A_415, %squeeze3A : i32
      %get3A_417 = tpu.memref_reshape %arg26 : memref<8x4x3x2x256xi32, #tpu.memory_space<vmem>> -> memref<192x256xi32, #tpu.memory_space<vmem>>
      %get3A_418 = arith.index_cast %add3A_416 : i32 to index
      %get3A_419 = arith.index_cast %mul3A_231 : i32 to index
      %get3A_420 = tpu.vector_load %get3A_417[%get3A_418, %get3A_419] {strides = array<i32>} : memref<192x256xi32, #tpu.memory_space<vmem>>, vector<16xi32>,
      %gather3A_421 = tpu.vector_load_idx %arg16[%broadcast_in_dim3A_195, %get3A_420] : memref<8x256xf32, #tpu.memory_space<vmem>>[vector<16xi32>, vector<16xi32>], vector<16xf32>,
      %add3A_422 = arith.addf %add3A_414, %gather3A_421 : vector<16xf32>
      %mul3A_423 = arith.mulf %gather3A_396, %add3A_422 : vector<16xf32>
      %add3A_424 = arith.addf %add3A_389, %mul3A_423 : vector<16xf32>
      %get3A_425 = arith.constant 6 : i32
      %get3A_426 = arith.index_cast %get3A_425 : i32 to index
      %get3A_427 = arith.index_cast %mul3A_231 : i32 to index
      %get3A_428 = tpu.vector_load %arg17[%get3A_426, %get3A_427] {strides = array<i32>} : memref<8x256xf32, #tpu.memory_space<vmem>>, vector<16xf32>,
      %get3A_429 = arith.constant 6 : i32
      %get3A_430 = arith.index_cast %get3A_429 : i32 to index
      %get3A_431 = arith.index_cast %mul3A_231 : i32 to index
      %get3A_432 = tpu.vector_load %arg18[%get3A_430, %get3A_431] {strides = array<i32>} : memref<8x256xf32, #tpu.memory_space<vmem>>, vector<16xf32>,
      %get3A_433 = arith.constant 6 : i32
      %get3A_434 = arith.index_cast %get3A_433 : i32 to index
      %get3A_435 = arith.index_cast %mul3A_231 : i32 to index
      %get3A_436 = tpu.vector_load %arg19[%get3A_434, %get3A_435] {strides = array<i32>} : memref<8x256xf32, #tpu.memory_space<vmem>>, vector<16xf32>,
      %get3A_437 = arith.constant 6 : i32
      %get3A_438 = arith.index_cast %get3A_437 : i32 to index
      %get3A_439 = arith.index_cast %mul3A_231 : i32 to index
      %get3A_440 = tpu.vector_load %arg20[%get3A_438, %get3A_439] {strides = array<i32>} : memref<8x256xf32, #tpu.memory_space<vmem>>, vector<16xf32>,
      %mul3A_441 = arith.mulf %gather3A_119, %add3A_276 : vector<16xf32>
      %add3A_442 = arith.addf %gather3A, %mul3A_441 : vector<16xf32>
      %mul3A_443 = arith.mulf %gather3A_122, %add3A_424 : vector<16xf32>
      %sub3A_444 = arith.subf %add3A_442, %mul3A_443 : vector<16xf32>
      %mul3A_445 = arith.mulf %sub3A_444, %get3A_428 : vector<16xf32>
      %add3A_446 = arith.addf %mul3A_445, %get3A_432 : vector<16xf32>
      %add3A_447 = arith.addf %add3A_446, %sub3A : vector<16xf32>
      %neg3A = arith.constant 0.000000e+00 : f32
      %neg3A_448 = vector.broadcast %neg3A : f32 to vector<16xf32>
      %neg3A_449 = arith.subf %neg3A_448, %add3A_447 : vector<16xf32>
      %mul3A_450 = arith.mulf %neg3A_449, %gather3A_140 : vector<16xf32>
      %exp3A = math.exp %mul3A_450 : vector<16xf32>
      %add3A_451 = arith.constant 1.000000e+00 : f32
      %add3A_452 = vector.broadcast %add3A_451 : f32 to vector<16xf32>
      %add3A_453 = arith.addf %add3A_452, %exp3A : vector<16xf32>
      %div3A = arith.constant 1.000000e+00 : f32
      %div3A_454 = vector.broadcast %div3A : f32 to vector<16xf32>
      %div3A_455 = arith.divf %div3A_454, %add3A_453 : vector<16xf32>
      %swap3A_456 = arith.constant 6 : i32
      %swap3A_457 = arith.index_cast %swap3A_456 : i32 to index
      %swap3A_458 = arith.index_cast %mul3A_231 : i32 to index
      %swap3A_459 = tpu.vector_load %arg28[%swap3A_457, %swap3A_458] {strides = array<i32>} : memref<8x256xf32, #tpu.memory_space<vmem>>, vector<16xf32>,
      tpu.vector_store %arg28[%swap3A_457, %swap3A_458], %div3A_455 {strides = array<i32>} : memref<8x256xf32, #tpu.memory_space<vmem>>, vector<16xf32>,
      %mul3A_460 = arith.constant 2.000000e+00 : f32
      %mul3A_461 = vector.broadcast %mul3A_460 : f32 to vector<16xf32>
      %mul3A_462 = arith.mulf %mul3A_461, %get3A_440 : vector<16xf32>
      %sub3A_463 = arith.constant 1.000000e+00 : f32
      %sub3A_464 = vector.broadcast %sub3A_463 : f32 to vector<16xf32>
      %sub3A_465 = arith.subf %sub3A_464, %mul3A_462 : vector<16xf32>
      %mul3A_466 = arith.mulf %sub3A_465, %gather3A_137 : vector<16xf32>
      %sub3A_467 = arith.constant 5.000000e-01 : f32
      %sub3A_468 = vector.broadcast %sub3A_467 : f32 to vector<16xf32>
      %sub3A_469 = arith.subf %get3A_440, %sub3A_468 : vector<16xf32>
      %add3A_470 = arith.addf %sub3A, %add3A_144 : vector<16xf32>
      %mul3A_471 = arith.mulf %sub3A_469, %add3A_470 : vector<16xf32>
      %add3A_472 = arith.addf %mul3A_466, %mul3A_471 : vector<16xf32>
      %mul3A_473 = arith.mulf %get3A_436, %add3A_472 : vector<16xf32>
      %add3A_474 = arith.addf %scan3A_229, %mul3A_473 : vector<16xf32>
      scf.yield %add3A_474 : vector<16xf32>
    }
    %scan3A_201 = arith.constant 16 : i32
    %broadcast_in_dim3A_202 = arith.constant 7 : i32
    %broadcast_in_dim3A_203 = vector.broadcast %broadcast_in_dim3A_202 : i32 to vector<16xi32>
    %scan3A_204 = arith.constant 0 : i32
    %scan3A_205 = arith.constant 16 : i32
    %scan3A_206 = arith.addi %scan3A_204, %scan3A_205 : i32
    %scan3A_207 = arith.constant 1 : i32
    %scan3A_208 = scf.for %scan3A_228 = %scan3A_204 to %scan3A_206 step %scan3A_207 iter_args(%scan3A_229 = %scan3A_200) -> (vector<16xf32>)  : i32 {
      %mul3A_230 = arith.constant 16 : i32
      %mul3A_231 = arith.muli %scan3A_228, %mul3A_230 : i32
      %broadcast_in_dim3A_232 = arith.constant 0.000000e+00 : f32
      %broadcast_in_dim3A_233 = vector.broadcast %broadcast_in_dim3A_232 : f32 to vector<16xf32>
      %broadcast_in_dim3A_234 = arith.constant 0.000000e+00 : f32
      %broadcast_in_dim3A_235 = vector.broadcast %broadcast_in_dim3A_234 : f32 to vector<16xf32>
      %add3A_236 = arith.constant 56 : i32
      %add3A_237 = arith.addi %add3A_236, %squeeze3A : i32
      %get3A_238 = tpu.memref_reshape %arg24 : memref<8x4x2x256xi32, #tpu.memory_space<vmem>> -> memref<64x256xi32, #tpu.memory_space<vmem>>
      %get3A_239 = arith.index_cast %add3A_237 : i32 to index
      %get3A_240 = arith.index_cast %mul3A_231 : i32 to index
      %get3A_241 = tpu.vector_load %get3A_238[%get3A_239, %get3A_240] {strides = array<i32>} : memref<64x256xi32, #tpu.memory_space<vmem>>, vector<16xi32>,
      %gather3A_242 = tpu.vector_load_idx %arg16[%broadcast_in_dim3A_203, %get3A_241] : memref<8x256xf32, #tpu.memory_space<vmem>>[vector<16xi32>, vector<16xi32>], vector<16xf32>,
      %add3A_243 = arith.addf %broadcast_in_dim3A_235, %gather3A_242 : vector<16xf32>
      %gather3A_244 = tpu.vector_load_idx %arg20[%broadcast_in_dim3A_203, %get3A_241] : memref<8x256xf32, #tpu.memory_space<vmem>>[vector<16xi32>, vector<16xi32>], vector<16xf32>,
      %mul3A_245 = arith.mulf %gather3A_244, %gather3A_125 : vector<16xf32>
      %add3A_246 = arith.addf %broadcast_in_dim3A_233, %mul3A_245 : vector<16xf32>
      %add3A_247 = arith.constant 58 : i32
      %add3A_248 = arith.addi %add3A_247, %squeeze3A : i32
      %get3A_249 = tpu.memref_reshape %arg24 : memref<8x4x2x256xi32, #tpu.memory_space<vmem>> -> memref<64x256xi32, #tpu.memory_space<vmem>>
      %get3A_250 = arith.index_cast %add3A_248 : i32 to index
      %get3A_251 = arith.index_cast %mul3A_231 : i32 to index
      %get3A_252 = tpu.vector_load %get3A_249[%get3A_250, %get3A_251] {strides = array<i32>} : memref<64x256xi32, #tpu.memory_space<vmem>>, vector<16xi32>,
      %gather3A_253 = tpu.vector_load_idx %arg16[%broadcast_in_dim3A_203, %get3A_252] : memref<8x256xf32, #tpu.memory_space<vmem>>[vector<16xi32>, vector<16xi32>], vector<16xf32>,
      %add3A_254 = arith.addf %add3A_243, %gather3A_253 : vector<16xf32>
      %gather3A_255 = tpu.vector_load_idx %arg20[%broadcast_in_dim3A_203, %get3A_252] : memref<8x256xf32, #tpu.memory_space<vmem>>[vector<16xi32>, vector<16xi32>], vector<16xf32>,
      %mul3A_256 = arith.mulf %gather3A_255, %gather3A_128 : vector<16xf32>
      %add3A_257 = arith.addf %add3A_246, %mul3A_256 : vector<16xf32>
      %add3A_258 = arith.constant 60 : i32
      %add3A_259 = arith.addi %add3A_258, %squeeze3A : i32
      %get3A_260 = tpu.memref_reshape %arg24 : memref<8x4x2x256xi32, #tpu.memory_space<vmem>> -> memref<64x256xi32, #tpu.memory_space<vmem>>
      %get3A_261 = arith.index_cast %add3A_259 : i32 to index
      %get3A_262 = arith.index_cast %mul3A_231 : i32 to index
      %get3A_263 = tpu.vector_load %get3A_260[%get3A_261, %get3A_262] {strides = array<i32>} : memref<64x256xi32, #tpu.memory_space<vmem>>, vector<16xi32>,
      %gather3A_264 = tpu.vector_load_idx %arg16[%broadcast_in_dim3A_203, %get3A_263] : memref<8x256xf32, #tpu.memory_space<vmem>>[vector<16xi32>, vector<16xi32>], vector<16xf32>,
      %add3A_265 = arith.addf %add3A_254, %gather3A_264 : vector<16xf32>
      %gather3A_266 = tpu.vector_load_idx %arg20[%broadcast_in_dim3A_203, %get3A_263] : memref<8x256xf32, #tpu.memory_space<vmem>>[vector<16xi32>, vector<16xi32>], vector<16xf32>,
      %mul3A_267 = arith.mulf %gather3A_266, %gather3A_131 : vector<16xf32>
      %add3A_268 = arith.addf %add3A_257, %mul3A_267 : vector<16xf32>
      %add3A_269 = arith.constant 62 : i32
      %add3A_270 = arith.addi %add3A_269, %squeeze3A : i32
      %get3A_271 = tpu.memref_reshape %arg24 : memref<8x4x2x256xi32, #tpu.memory_space<vmem>> -> memref<64x256xi32, #tpu.memory_space<vmem>>
      %get3A_272 = arith.index_cast %add3A_270 : i32 to index
      %get3A_273 = arith.index_cast %mul3A_231 : i32 to index
      %get3A_274 = tpu.vector_load %get3A_271[%get3A_272, %get3A_273] {strides = array<i32>} : memref<64x256xi32, #tpu.memory_space<vmem>>, vector<16xi32>,
      %gather3A_275 = tpu.vector_load_idx %arg16[%broadcast_in_dim3A_203, %get3A_274] : memref<8x256xf32, #tpu.memory_space<vmem>>[vector<16xi32>, vector<16xi32>], vector<16xf32>,
      %add3A_276 = arith.addf %add3A_265, %gather3A_275 : vector<16xf32>
      %gather3A_277 = tpu.vector_load_idx %arg20[%broadcast_in_dim3A_203, %get3A_274] : memref<8x256xf32, #tpu.memory_space<vmem>>[vector<16xi32>, vector<16xi32>], vector<16xf32>,
      %mul3A_278 = arith.mulf %gather3A_277, %gather3A_134 : vector<16xf32>
      %add3A_279 = arith.addf %add3A_268, %mul3A_278 : vector<16xf32>
      %mul3A_280 = arith.constant 4.000000e+00 : f32
      %mul3A_281 = vector.broadcast %mul3A_280 : f32 to vector<16xf32>
      %mul3A_282 = arith.mulf %mul3A_281, %add3A_279 : vector<16xf32>
      %sub3A = arith.subf %mul3A_282, %add3A_144 : vector<16xf32>
      %broadcast_in_dim3A_283 = arith.constant 0.000000e+00 : f32
      %broadcast_in_dim3A_284 = vector.broadcast %broadcast_in_dim3A_283 : f32 to vector<16xf32>
      %add3A_285 = arith.constant 56 : i32
      %add3A_286 = arith.addi %add3A_285, %squeeze3A : i32
      %get3A_287 = tpu.memref_reshape %arg25 : memref<8x4x2x256xi32, #tpu.memory_space<vmem>> -> memref<64x256xi32, #tpu.memory_space<vmem>>
      %get3A_288 = arith.index_cast %add3A_286 : i32 to index
      %get3A_289 = arith.index_cast %mul3A_231 : i32 to index
      %get3A_290 = tpu.vector_load %get3A_287[%get3A_288, %get3A_289] {strides = array<i32>} : memref<64x256xi32, #tpu.memory_space<vmem>>, vector<16xi32>,
      %gather3A_291 = tpu.vector_load_idx %arg16[%broadcast_in_dim3A_203, %get3A_290] : memref<8x256xf32, #tpu.memory_space<vmem>>[vector<16xi32>, vector<16xi32>], vector<16xf32>,
      %broadcast_in_dim3A_292 = arith.constant 0.000000e+00 : f32
      %broadcast_in_dim3A_293 = vector.broadcast %broadcast_in_dim3A_292 : f32 to vector<16xf32>
      %add3A_294 = arith.constant 168 : i32
      %add3A_295 = arith.addi %add3A_294, %squeeze3A : i32
      %get3A_296 = tpu.memref_reshape %arg26 : memref<8x4x3x2x256xi32, #tpu.memory_space<vmem>> -> memref<192x256xi32, #tpu.memory_space<vmem>>
      %get3A_297 = arith.index_cast %add3A_295 : i32 to index
      %get3A_298 = arith.index_cast %mul3A_231 : i32 to index
      %get3A_299 = tpu.vector_load %get3A_296[%get3A_297, %get3A_298] {strides = array<i32>} : memref<192x256xi32, #tpu.memory_space<vmem>>, vector<16xi32>,
      %gather3A_300 = tpu.vector_load_idx %arg16[%broadcast_in_dim3A_203, %get3A_299] : memref<8x256xf32, #tpu.memory_space<vmem>>[vector<16xi32>, vector<16xi32>], vector<16xf32>,
      %add3A_301 = arith.addf %broadcast_in_dim3A_293, %gather3A_300 : vector<16xf32>
      %add3A_302 = arith.constant 170 : i32
      %add3A_303 = arith.addi %add3A_302, %squeeze3A : i32
      %get3A_304 = tpu.memref_reshape %arg26 : memref<8x4x3x2x256xi32, #tpu.memory_space<vmem>> -> memref<192x256xi32, #tpu.memory_space<vmem>>
      %get3A_305 = arith.index_cast %add3A_303 : i32 to index
      %get3A_306 = arith.index_cast %mul3A_231 : i32 to index
      %get3A_307 = tpu.vector_load %get3A_304[%get3A_305, %get3A_306] {strides = array<i32>} : memref<192x256xi32, #tpu.memory_space<vmem>>, vector<16xi32>,
      %gather3A_308 = tpu.vector_load_idx %arg16[%broadcast_in_dim3A_203, %get3A_307] : memref<8x256xf32, #tpu.memory_space<vmem>>[vector<16xi32>, vector<16xi32>], vector<16xf32>,
      %add3A_309 = arith.addf %add3A_301, %gather3A_308 : vector<16xf32>
      %add3A_310 = arith.constant 172 : i32
      %add3A_311 = arith.addi %add3A_310, %squeeze3A : i32
      %get3A_312 = tpu.memref_reshape %arg26 : memref<8x4x3x2x256xi32, #tpu.memory_space<vmem>> -> memref<192x256xi32, #tpu.memory_space<vmem>>
      %get3A_313 = arith.index_cast %add3A_311 : i32 to index
      %get3A_314 = arith.index_cast %mul3A_231 : i32 to index
      %get3A_315 = tpu.vector_load %get3A_312[%get3A_313, %get3A_314] {strides = array<i32>} : memref<192x256xi32, #tpu.memory_space<vmem>>, vector<16xi32>,
      %gather3A_316 = tpu.vector_load_idx %arg16[%broadcast_in_dim3A_203, %get3A_315] : memref<8x256xf32, #tpu.memory_space<vmem>>[vector<16xi32>, vector<16xi32>], vector<16xf32>,
      %add3A_317 = arith.addf %add3A_309, %gather3A_316 : vector<16xf32>
      %mul3A_318 = arith.mulf %gather3A_291, %add3A_317 : vector<16xf32>
      %add3A_319 = arith.addf %broadcast_in_dim3A_284, %mul3A_318 : vector<16xf32>
      %add3A_320 = arith.constant 58 : i32
      %add3A_321 = arith.addi %add3A_320, %squeeze3A : i32
      %get3A_322 = tpu.memref_reshape %arg25 : memref<8x4x2x256xi32, #tpu.memory_space<vmem>> -> memref<64x256xi32, #tpu.memory_space<vmem>>
      %get3A_323 = arith.index_cast %add3A_321 : i32 to index
      %get3A_324 = arith.index_cast %mul3A_231 : i32 to index
      %get3A_325 = tpu.vector_load %get3A_322[%get3A_323, %get3A_324] {strides = array<i32>} : memref<64x256xi32, #tpu.memory_space<vmem>>, vector<16xi32>,
      %gather3A_326 = tpu.vector_load_idx %arg16[%broadcast_in_dim3A_203, %get3A_325] : memref<8x256xf32, #tpu.memory_space<vmem>>[vector<16xi32>, vector<16xi32>], vector<16xf32>,
      %broadcast_in_dim3A_327 = arith.constant 0.000000e+00 : f32
      %broadcast_in_dim3A_328 = vector.broadcast %broadcast_in_dim3A_327 : f32 to vector<16xf32>
      %add3A_329 = arith.constant 174 : i32
      %add3A_330 = arith.addi %add3A_329, %squeeze3A : i32
      %get3A_331 = tpu.memref_reshape %arg26 : memref<8x4x3x2x256xi32, #tpu.memory_space<vmem>> -> memref<192x256xi32, #tpu.memory_space<vmem>>
      %get3A_332 = arith.index_cast %add3A_330 : i32 to index
      %get3A_333 = arith.index_cast %mul3A_231 : i32 to index
      %get3A_334 = tpu.vector_load %get3A_331[%get3A_332, %get3A_333] {strides = array<i32>} : memref<192x256xi32, #tpu.memory_space<vmem>>, vector<16xi32>,
      %gather3A_335 = tpu.vector_load_idx %arg16[%broadcast_in_dim3A_203, %get3A_334] : memref<8x256xf32, #tpu.memory_space<vmem>>[vector<16xi32>, vector<16xi32>], vector<16xf32>,
      %add3A_336 = arith.addf %broadcast_in_dim3A_328, %gather3A_335 : vector<16xf32>
      %add3A_337 = arith.constant 176 : i32
      %add3A_338 = arith.addi %add3A_337, %squeeze3A : i32
      %get3A_339 = tpu.memref_reshape %arg26 : memref<8x4x3x2x256xi32, #tpu.memory_space<vmem>> -> memref<192x256xi32, #tpu.memory_space<vmem>>
      %get3A_340 = arith.index_cast %add3A_338 : i32 to index
      %get3A_341 = arith.index_cast %mul3A_231 : i32 to index
      %get3A_342 = tpu.vector_load %get3A_339[%get3A_340, %get3A_341] {strides = array<i32>} : memref<192x256xi32, #tpu.memory_space<vmem>>, vector<16xi32>,
      %gather3A_343 = tpu.vector_load_idx %arg16[%broadcast_in_dim3A_203, %get3A_342] : memref<8x256xf32, #tpu.memory_space<vmem>>[vector<16xi32>, vector<16xi32>], vector<16xf32>,
      %add3A_344 = arith.addf %add3A_336, %gather3A_343 : vector<16xf32>
      %add3A_345 = arith.constant 178 : i32
      %add3A_346 = arith.addi %add3A_345, %squeeze3A : i32
      %get3A_347 = tpu.memref_reshape %arg26 : memref<8x4x3x2x256xi32, #tpu.memory_space<vmem>> -> memref<192x256xi32, #tpu.memory_space<vmem>>
      %get3A_348 = arith.index_cast %add3A_346 : i32 to index
      %get3A_349 = arith.index_cast %mul3A_231 : i32 to index
      %get3A_350 = tpu.vector_load %get3A_347[%get3A_348, %get3A_349] {strides = array<i32>} : memref<192x256xi32, #tpu.memory_space<vmem>>, vector<16xi32>,
      %gather3A_351 = tpu.vector_load_idx %arg16[%broadcast_in_dim3A_203, %get3A_350] : memref<8x256xf32, #tpu.memory_space<vmem>>[vector<16xi32>, vector<16xi32>], vector<16xf32>,
      %add3A_352 = arith.addf %add3A_344, %gather3A_351 : vector<16xf32>
      %mul3A_353 = arith.mulf %gather3A_326, %add3A_352 : vector<16xf32>
      %add3A_354 = arith.addf %add3A_319, %mul3A_353 : vector<16xf32>
      %add3A_355 = arith.constant 60 : i32
      %add3A_356 = arith.addi %add3A_355, %squeeze3A : i32
      %get3A_357 = tpu.memref_reshape %arg25 : memref<8x4x2x256xi32, #tpu.memory_space<vmem>> -> memref<64x256xi32, #tpu.memory_space<vmem>>
      %get3A_358 = arith.index_cast %add3A_356 : i32 to index
      %get3A_359 = arith.index_cast %mul3A_231 : i32 to index
      %get3A_360 = tpu.vector_load %get3A_357[%get3A_358, %get3A_359] {strides = array<i32>} : memref<64x256xi32, #tpu.memory_space<vmem>>, vector<16xi32>,
      %gather3A_361 = tpu.vector_load_idx %arg16[%broadcast_in_dim3A_203, %get3A_360] : memref<8x256xf32, #tpu.memory_space<vmem>>[vector<16xi32>, vector<16xi32>], vector<16xf32>,
      %broadcast_in_dim3A_362 = arith.constant 0.000000e+00 : f32
      %broadcast_in_dim3A_363 = vector.broadcast %broadcast_in_dim3A_362 : f32 to vector<16xf32>
      %add3A_364 = arith.constant 180 : i32
      %add3A_365 = arith.addi %add3A_364, %squeeze3A : i32
      %get3A_366 = tpu.memref_reshape %arg26 : memref<8x4x3x2x256xi32, #tpu.memory_space<vmem>> -> memref<192x256xi32, #tpu.memory_space<vmem>>
      %get3A_367 = arith.index_cast %add3A_365 : i32 to index
      %get3A_368 = arith.index_cast %mul3A_231 : i32 to index
      %get3A_369 = tpu.vector_load %get3A_366[%get3A_367, %get3A_368] {strides = array<i32>} : memref<192x256xi32, #tpu.memory_space<vmem>>, vector<16xi32>,
      %gather3A_370 = tpu.vector_load_idx %arg16[%broadcast_in_dim3A_203, %get3A_369] : memref<8x256xf32, #tpu.memory_space<vmem>>[vector<16xi32>, vector<16xi32>], vector<16xf32>,
      %add3A_371 = arith.addf %broadcast_in_dim3A_363, %gather3A_370 : vector<16xf32>
      %add3A_372 = arith.constant 182 : i32
      %add3A_373 = arith.addi %add3A_372, %squeeze3A : i32
      %get3A_374 = tpu.memref_reshape %arg26 : memref<8x4x3x2x256xi32, #tpu.memory_space<vmem>> -> memref<192x256xi32, #tpu.memory_space<vmem>>
      %get3A_375 = arith.index_cast %add3A_373 : i32 to index
      %get3A_376 = arith.index_cast %mul3A_231 : i32 to index
      %get3A_377 = tpu.vector_load %get3A_374[%get3A_375, %get3A_376] {strides = array<i32>} : memref<192x256xi32, #tpu.memory_space<vmem>>, vector<16xi32>,
      %gather3A_378 = tpu.vector_load_idx %arg16[%broadcast_in_dim3A_203, %get3A_377] : memref<8x256xf32, #tpu.memory_space<vmem>>[vector<16xi32>, vector<16xi32>], vector<16xf32>,
      %add3A_379 = arith.addf %add3A_371, %gather3A_378 : vector<16xf32>
      %add3A_380 = arith.constant 184 : i32
      %add3A_381 = arith.addi %add3A_380, %squeeze3A : i32
      %get3A_382 = tpu.memref_reshape %arg26 : memref<8x4x3x2x256xi32, #tpu.memory_space<vmem>> -> memref<192x256xi32, #tpu.memory_space<vmem>>
      %get3A_383 = arith.index_cast %add3A_381 : i32 to index
      %get3A_384 = arith.index_cast %mul3A_231 : i32 to index
      %get3A_385 = tpu.vector_load %get3A_382[%get3A_383, %get3A_384] {strides = array<i32>} : memref<192x256xi32, #tpu.memory_space<vmem>>, vector<16xi32>,
      %gather3A_386 = tpu.vector_load_idx %arg16[%broadcast_in_dim3A_203, %get3A_385] : memref<8x256xf32, #tpu.memory_space<vmem>>[vector<16xi32>, vector<16xi32>], vector<16xf32>,
      %add3A_387 = arith.addf %add3A_379, %gather3A_386 : vector<16xf32>
      %mul3A_388 = arith.mulf %gather3A_361, %add3A_387 : vector<16xf32>
      %add3A_389 = arith.addf %add3A_354, %mul3A_388 : vector<16xf32>
      %add3A_390 = arith.constant 62 : i32
      %add3A_391 = arith.addi %add3A_390, %squeeze3A : i32
      %get3A_392 = tpu.memref_reshape %arg25 : memref<8x4x2x256xi32, #tpu.memory_space<vmem>> -> memref<64x256xi32, #tpu.memory_space<vmem>>
      %get3A_393 = arith.index_cast %add3A_391 : i32 to index
      %get3A_394 = arith.index_cast %mul3A_231 : i32 to index
      %get3A_395 = tpu.vector_load %get3A_392[%get3A_393, %get3A_394] {strides = array<i32>} : memref<64x256xi32, #tpu.memory_space<vmem>>, vector<16xi32>,
      %gather3A_396 = tpu.vector_load_idx %arg16[%broadcast_in_dim3A_203, %get3A_395] : memref<8x256xf32, #tpu.memory_space<vmem>>[vector<16xi32>, vector<16xi32>], vector<16xf32>,
      %broadcast_in_dim3A_397 = arith.constant 0.000000e+00 : f32
      %broadcast_in_dim3A_398 = vector.broadcast %broadcast_in_dim3A_397 : f32 to vector<16xf32>
      %add3A_399 = arith.constant 186 : i32
      %add3A_400 = arith.addi %add3A_399, %squeeze3A : i32
      %get3A_401 = tpu.memref_reshape %arg26 : memref<8x4x3x2x256xi32, #tpu.memory_space<vmem>> -> memref<192x256xi32, #tpu.memory_space<vmem>>
      %get3A_402 = arith.index_cast %add3A_400 : i32 to index
      %get3A_403 = arith.index_cast %mul3A_231 : i32 to index
      %get3A_404 = tpu.vector_load %get3A_401[%get3A_402, %get3A_403] {strides = array<i32>} : memref<192x256xi32, #tpu.memory_space<vmem>>, vector<16xi32>,
      %gather3A_405 = tpu.vector_load_idx %arg16[%broadcast_in_dim3A_203, %get3A_404] : memref<8x256xf32, #tpu.memory_space<vmem>>[vector<16xi32>, vector<16xi32>], vector<16xf32>,
      %add3A_406 = arith.addf %broadcast_in_dim3A_398, %gather3A_405 : vector<16xf32>
      %add3A_407 = arith.constant 188 : i32
      %add3A_408 = arith.addi %add3A_407, %squeeze3A : i32
      %get3A_409 = tpu.memref_reshape %arg26 : memref<8x4x3x2x256xi32, #tpu.memory_space<vmem>> -> memref<192x256xi32, #tpu.memory_space<vmem>>
      %get3A_410 = arith.index_cast %add3A_408 : i32 to index
      %get3A_411 = arith.index_cast %mul3A_231 : i32 to index
      %get3A_412 = tpu.vector_load %get3A_409[%get3A_410, %get3A_411] {strides = array<i32>} : memref<192x256xi32, #tpu.memory_space<vmem>>, vector<16xi32>,
      %gather3A_413 = tpu.vector_load_idx %arg16[%broadcast_in_dim3A_203, %get3A_412] : memref<8x256xf32, #tpu.memory_space<vmem>>[vector<16xi32>, vector<16xi32>], vector<16xf32>,
      %add3A_414 = arith.addf %add3A_406, %gather3A_413 : vector<16xf32>
      %add3A_415 = arith.constant 190 : i32
      %add3A_416 = arith.addi %add3A_415, %squeeze3A : i32
      %get3A_417 = tpu.memref_reshape %arg26 : memref<8x4x3x2x256xi32, #tpu.memory_space<vmem>> -> memref<192x256xi32, #tpu.memory_space<vmem>>
      %get3A_418 = arith.index_cast %add3A_416 : i32 to index
      %get3A_419 = arith.index_cast %mul3A_231 : i32 to index
      %get3A_420 = tpu.vector_load %get3A_417[%get3A_418, %get3A_419] {strides = array<i32>} : memref<192x256xi32, #tpu.memory_space<vmem>>, vector<16xi32>,
      %gather3A_421 = tpu.vector_load_idx %arg16[%broadcast_in_dim3A_203, %get3A_420] : memref<8x256xf32, #tpu.memory_space<vmem>>[vector<16xi32>, vector<16xi32>], vector<16xf32>,
      %add3A_422 = arith.addf %add3A_414, %gather3A_421 : vector<16xf32>
      %mul3A_423 = arith.mulf %gather3A_396, %add3A_422 : vector<16xf32>
      %add3A_424 = arith.addf %add3A_389, %mul3A_423 : vector<16xf32>
      %get3A_425 = arith.constant 7 : i32
      %get3A_426 = arith.index_cast %get3A_425 : i32 to index
      %get3A_427 = arith.index_cast %mul3A_231 : i32 to index
      %get3A_428 = tpu.vector_load %arg17[%get3A_426, %get3A_427] {strides = array<i32>} : memref<8x256xf32, #tpu.memory_space<vmem>>, vector<16xf32>,
      %get3A_429 = arith.constant 7 : i32
      %get3A_430 = arith.index_cast %get3A_429 : i32 to index
      %get3A_431 = arith.index_cast %mul3A_231 : i32 to index
      %get3A_432 = tpu.vector_load %arg18[%get3A_430, %get3A_431] {strides = array<i32>} : memref<8x256xf32, #tpu.memory_space<vmem>>, vector<16xf32>,
      %get3A_433 = arith.constant 7 : i32
      %get3A_434 = arith.index_cast %get3A_433 : i32 to index
      %get3A_435 = arith.index_cast %mul3A_231 : i32 to index
      %get3A_436 = tpu.vector_load %arg19[%get3A_434, %get3A_435] {strides = array<i32>} : memref<8x256xf32, #tpu.memory_space<vmem>>, vector<16xf32>,
      %get3A_437 = arith.constant 7 : i32
      %get3A_438 = arith.index_cast %get3A_437 : i32 to index
      %get3A_439 = arith.index_cast %mul3A_231 : i32 to index
      %get3A_440 = tpu.vector_load %arg20[%get3A_438, %get3A_439] {strides = array<i32>} : memref<8x256xf32, #tpu.memory_space<vmem>>, vector<16xf32>,
      %mul3A_441 = arith.mulf %gather3A_119, %add3A_276 : vector<16xf32>
      %add3A_442 = arith.addf %gather3A, %mul3A_441 : vector<16xf32>
      %mul3A_443 = arith.mulf %gather3A_122, %add3A_424 : vector<16xf32>
      %sub3A_444 = arith.subf %add3A_442, %mul3A_443 : vector<16xf32>
      %mul3A_445 = arith.mulf %sub3A_444, %get3A_428 : vector<16xf32>
      %add3A_446 = arith.addf %mul3A_445, %get3A_432 : vector<16xf32>
      %add3A_447 = arith.addf %add3A_446, %sub3A : vector<16xf32>
      %neg3A = arith.constant 0.000000e+00 : f32
      %neg3A_448 = vector.broadcast %neg3A : f32 to vector<16xf32>
      %neg3A_449 = arith.subf %neg3A_448, %add3A_447 : vector<16xf32>
      %mul3A_450 = arith.mulf %neg3A_449, %gather3A_140 : vector<16xf32>
      %exp3A = math.exp %mul3A_450 : vector<16xf32>
      %add3A_451 = arith.constant 1.000000e+00 : f32
      %add3A_452 = vector.broadcast %add3A_451 : f32 to vector<16xf32>
      %add3A_453 = arith.addf %add3A_452, %exp3A : vector<16xf32>
      %div3A = arith.constant 1.000000e+00 : f32
      %div3A_454 = vector.broadcast %div3A : f32 to vector<16xf32>
      %div3A_455 = arith.divf %div3A_454, %add3A_453 : vector<16xf32>
      %swap3A_456 = arith.constant 7 : i32
      %swap3A_457 = arith.index_cast %swap3A_456 : i32 to index
      %swap3A_458 = arith.index_cast %mul3A_231 : i32 to index
      %swap3A_459 = tpu.vector_load %arg28[%swap3A_457, %swap3A_458] {strides = array<i32>} : memref<8x256xf32, #tpu.memory_space<vmem>>, vector<16xf32>,
      tpu.vector_store %arg28[%swap3A_457, %swap3A_458], %div3A_455 {strides = array<i32>} : memref<8x256xf32, #tpu.memory_space<vmem>>, vector<16xf32>,
      %mul3A_460 = arith.constant 2.000000e+00 : f32
      %mul3A_461 = vector.broadcast %mul3A_460 : f32 to vector<16xf32>
      %mul3A_462 = arith.mulf %mul3A_461, %get3A_440 : vector<16xf32>
      %sub3A_463 = arith.constant 1.000000e+00 : f32
      %sub3A_464 = vector.broadcast %sub3A_463 : f32 to vector<16xf32>
      %sub3A_465 = arith.subf %sub3A_464, %mul3A_462 : vector<16xf32>
      %mul3A_466 = arith.mulf %sub3A_465, %gather3A_137 : vector<16xf32>
      %sub3A_467 = arith.constant 5.000000e-01 : f32
      %sub3A_468 = vector.broadcast %sub3A_467 : f32 to vector<16xf32>
      %sub3A_469 = arith.subf %get3A_440, %sub3A_468 : vector<16xf32>
      %add3A_470 = arith.addf %sub3A, %add3A_144 : vector<16xf32>
      %mul3A_471 = arith.mulf %sub3A_469, %add3A_470 : vector<16xf32>
      %add3A_472 = arith.addf %mul3A_466, %mul3A_471 : vector<16xf32>
      %mul3A_473 = arith.mulf %get3A_436, %add3A_472 : vector<16xf32>
      %add3A_474 = arith.addf %scan3A_229, %mul3A_473 : vector<16xf32>
      scf.yield %add3A_474 : vector<16xf32>
    }
    %scan3A_209 = arith.constant 16 : i32
    %min3A = arith.constant 9 : i32
    %min3A_210 = vector.broadcast %min3A : i32 to vector<16xi32>
    %min3A_211 = arith.minsi %iota3A, %min3A_210 : vector<16xi32>
    %broadcast_in_dim3A_212 = arith.constant 0.000000e+00 : f32
    %broadcast_in_dim3A_213 = vector.broadcast %broadcast_in_dim3A_212 : f32 to vector<16xf32>
    %scan3A_214 = arith.constant 0 : i32
    %scan3A_215 = arith.constant 8 : i32
    %scan3A_216 = arith.addi %scan3A_214, %scan3A_215 : i32
    %scan3A_217 = arith.constant 1 : i32
    %scan3A_218 = scf.for %scan3A_228 = %scan3A_214 to %scan3A_216 step %scan3A_217 iter_args(%scan3A_229 = %broadcast_in_dim3A_213) -> (vector<16xf32>)  : i32 {
      %broadcast_in_dim3A_230 = vector.broadcast %scan3A_228 : i32 to vector<16xi32>
      %mul3A_231 = arith.constant 4 : i32
      %mul3A_232 = vector.broadcast %mul3A_231 : i32 to vector<16xi32>
      %mul3A_233 = arith.muli %min3A_211, %mul3A_232 : vector<16xi32>
      %add3A_234 = arith.addi %mul3A_233, %get3A_114 : vector<16xi32>
      %gather3A_235 = tpu.vector_load_idx %arg27[%broadcast_in_dim3A_230, %add3A_234] : memref<8x40xi32, #tpu.memory_space<vmem>>[vector<16xi32>, vector<16xi32>], vector<16xi32>,
      %add3A_236 = arith.constant 2 : i32
      %add3A_237 = vector.broadcast %add3A_236 : i32 to vector<16xi32>
      %add3A_238 = arith.addi %add3A_234, %add3A_237 : vector<16xi32>
      %gather3A_239 = tpu.vector_load_idx %arg27[%broadcast_in_dim3A_230, %add3A_238] : memref<8x40xi32, #tpu.memory_space<vmem>>[vector<16xi32>, vector<16xi32>], vector<16xi32>,
      %gather3A_240 = tpu.vector_load_idx %arg16[%broadcast_in_dim3A_230, %gather3A_235] : memref<8x256xf32, #tpu.memory_space<vmem>>[vector<16xi32>, vector<16xi32>], vector<16xf32>,
      %gather3A_241 = tpu.vector_load_idx %arg16[%broadcast_in_dim3A_230, %gather3A_239] : memref<8x256xf32, #tpu.memory_space<vmem>>[vector<16xi32>, vector<16xi32>], vector<16xf32>,
      %lt3A = arith.constant 10 : i32
      %lt3A_242 = vector.broadcast %lt3A : i32 to vector<16xi32>
      %lt3A_243 = arith.cmpi slt, %iota3A, %lt3A_242 : vector<16xi32>
      %mul3A_244 = arith.mulf %gather3A_240, %gather3A_241 : vector<16xf32>
      %jit3A = arith.constant 0.000000e+00 : f32
      %broadcast_in_dim3A_245 = vector.broadcast %jit3A : f32 to vector<16xf32>
      %select_n3A = arith.select %lt3A_243, %mul3A_244, %broadcast_in_dim3A_245 : vector<16xi1>, vector<16xf32>
      %gather3A_246 = tpu.vector_load_idx %arg21[%broadcast_in_dim3A_230] : memref<8xf32, #tpu.memory_space<vmem>>[vector<16xi32>], vector<16xf32>,
      %mul3A_247 = arith.mulf %select_n3A, %gather3A_246 : vector<16xf32>
      %add3A_248 = arith.addf %scan3A_229, %mul3A_247 : vector<16xf32>
      scf.yield %add3A_248 : vector<16xf32>
    }
    %scan3A_219 = arith.constant 8 : i32
    %swap3A = arith.constant 0 : i32
    %swap3A_220 = arith.index_cast %swap3A : i32 to index
    %swap3A_221 = arith.constant 0 : index
    %swap3A_222 = tpu.vector_load %arg29[%swap3A_220, %swap3A_221] {strides = array<i32>} : memref<2x16xf32, #tpu.memory_space<vmem>>, vector<16xf32>,
    tpu.vector_store %arg29[%swap3A_220, %swap3A_221], %scan3A_208 {strides = array<i32>} : memref<2x16xf32, #tpu.memory_space<vmem>>, vector<16xf32>,
    %mul3A_223 = arith.mulf %scan3A_218, %gather3A_143 : vector<16xf32>
    %swap3A_224 = arith.constant 1 : i32
    %swap3A_225 = arith.index_cast %swap3A_224 : i32 to index
    %swap3A_226 = arith.constant 0 : index
    %swap3A_227 = tpu.vector_load %arg29[%swap3A_225, %swap3A_226] {strides = array<i32>} : memref<2x16xf32, #tpu.memory_space<vmem>>, vector<16xf32>,
    tpu.vector_store %arg29[%swap3A_225, %swap3A_226], %mul3A_223 {strides = array<i32>} : memref<2x16xf32, #tpu.memory_space<vmem>>, vector<16xf32>,
    "tpu.region"() ({
      %run_scoped3A = tpu.sem_alloc : memref<!tpu.dma_semaphore, #tpu.memory_space<semaphore_mem>>
      %dma_start3A_228 = arith.constant 0 : i32
      %dma_start3A_229 = tpu.memref_slice %arg14[%mul3A_2, %dma_start3A_228] : memref<256x256xf32, #tpu.memory_space<hbm>> -> memref<8x256xf32, #tpu.memory_space<hbm>>
      %dma_start3A_230 = arith.constant 0 : i32
      %dma_start3A_231 = tpu.memref_slice %arg14[%mul3A_2, %dma_start3A_230] : memref<256x256xf32, #tpu.memory_space<hbm>> -> memref<8x256xf32, #tpu.memory_space<hbm>>
      tpu.enqueue_dma source(%arg28 : memref<8x256xf32, #tpu.memory_space<vmem>>) target(%dma_start3A_231 : memref<8x256xf32, #tpu.memory_space<hbm>>) target_semaphore(%run_scoped3A : memref<!tpu.dma_semaphore, #tpu.memory_space<semaphore_mem>>)
      %dma_wait3A_232 = arith.constant 0 : i32
      %dma_wait3A_233 = tpu.memref_slice %arg14[%mul3A_2, %dma_wait3A_232] : memref<256x256xf32, #tpu.memory_space<hbm>> -> memref<8x256xf32, #tpu.memory_space<hbm>>
      %dma_wait3A_234 = arith.constant 0 : i32
      %dma_wait3A_235 = tpu.memref_slice %arg14[%mul3A_2, %dma_wait3A_234] : memref<256x256xf32, #tpu.memory_space<hbm>> -> memref<8x256xf32, #tpu.memory_space<hbm>>
      tpu.wait_dma2 semaphore(%run_scoped3A : memref<!tpu.dma_semaphore, #tpu.memory_space<semaphore_mem>>) src(%arg28 : memref<8x256xf32, #tpu.memory_space<vmem>>) dst(%dma_wait3A_235 : memref<8x256xf32, #tpu.memory_space<hbm>>)
      tpu.yield
    }) : () -> ()
    "tpu.region"() ({
      %run_scoped3A = tpu.sem_alloc : memref<!tpu.dma_semaphore, #tpu.memory_space<semaphore_mem>>
      %dma_start3A_228 = arith.constant 0 : i32
      %dma_start3A_229 = arith.constant 0 : i32
      %dma_start3A_230 = tpu.memref_slice %arg15[%add3A, %dma_start3A_228, %dma_start3A_229] : memref<32x2x16xf32, #tpu.memory_space<hbm>> -> memref<1x2x16xf32, #tpu.memory_space<hbm>>
      %dma_start3A_231 = tpu.memref_squeeze %dma_start3A_230 : memref<1x2x16xf32, #tpu.memory_space<hbm>> -> memref<2x16xf32, #tpu.memory_space<hbm>>
      %dma_start3A_232 = arith.constant 0 : i32
      %dma_start3A_233 = arith.constant 0 : i32
      %dma_start3A_234 = tpu.memref_slice %arg15[%add3A, %dma_start3A_232, %dma_start3A_233] : memref<32x2x16xf32, #tpu.memory_space<hbm>> -> memref<1x2x16xf32, #tpu.memory_space<hbm>>
      %dma_start3A_235 = tpu.memref_squeeze %dma_start3A_234 : memref<1x2x16xf32, #tpu.memory_space<hbm>> -> memref<2x16xf32, #tpu.memory_space<hbm>>
      tpu.enqueue_dma source(%arg29 : memref<2x16xf32, #tpu.memory_space<vmem>>) target(%dma_start3A_235 : memref<2x16xf32, #tpu.memory_space<hbm>>) target_semaphore(%run_scoped3A : memref<!tpu.dma_semaphore, #tpu.memory_space<semaphore_mem>>)
      %dma_wait3A_236 = arith.constant 0 : i32
      %dma_wait3A_237 = arith.constant 0 : i32
      %dma_wait3A_238 = tpu.memref_slice %arg15[%add3A, %dma_wait3A_236, %dma_wait3A_237] : memref<32x2x16xf32, #tpu.memory_space<hbm>> -> memref<1x2x16xf32, #tpu.memory_space<hbm>>
      %dma_wait3A_239 = tpu.memref_squeeze %dma_wait3A_238 : memref<1x2x16xf32, #tpu.memory_space<hbm>> -> memref<2x16xf32, #tpu.memory_space<hbm>>
      %dma_wait3A_240 = arith.constant 0 : i32
      %dma_wait3A_241 = arith.constant 0 : i32
      %dma_wait3A_242 = tpu.memref_slice %arg15[%add3A, %dma_wait3A_240, %dma_wait3A_241] : memref<32x2x16xf32, #tpu.memory_space<hbm>> -> memref<1x2x16xf32, #tpu.memory_space<hbm>>
      %dma_wait3A_243 = tpu.memref_squeeze %dma_wait3A_242 : memref<1x2x16xf32, #tpu.memory_space<hbm>> -> memref<2x16xf32, #tpu.memory_space<hbm>>
      tpu.wait_dma2 semaphore(%run_scoped3A : memref<!tpu.dma_semaphore, #tpu.memory_space<semaphore_mem>>) src(%arg29 : memref<2x16xf32, #tpu.memory_space<vmem>>) dst(%dma_wait3A_243 : memref<2x16xf32, #tpu.memory_space<hbm>>)
      tpu.yield
    }) : () -> ()
    return
  }
}

module attributes {stable_mosaic.version = 14 : i64} {
  func.func @_tc_body(%arg0: memref<256x256xf32, #tpu.memory_space<vmem>>, %arg1: memref<256x2x256xf32, #tpu.memory_space<vmem>>, %arg2: memref<256x2x256xf32, #tpu.memory_space<vmem>>, %arg3: memref<256x2x256xf32, #tpu.memory_space<vmem>>, %arg4: memref<256x2x256xf32, #tpu.memory_space<vmem>>, %arg5: memref<1x8xf32, #tpu.memory_space<vmem>>, %arg6: memref<1x4xf32, #tpu.memory_space<vmem>>, %arg7: memref<1x1xi32, #tpu.memory_space<vmem>>, %arg8: memref<256x256xf32, #tpu.memory_space<vmem>>, %arg9: memref<256x256xf32, #tpu.memory_space<vmem>>, %arg10: memref<256x256xf32, #tpu.memory_space<vmem>>, %arg11: memref<256x256xf32, #tpu.memory_space<vmem>>, %arg12: memref<1x1xf32, #tpu.memory_space<vmem>>, %arg13: memref<1x256xf32, #tpu.memory_space<vmem>>, %arg14: memref<1x16xf32, #tpu.memory_space<vmem>>, %arg15: memref<1x16xi32, #tpu.memory_space<vmem>>) attributes {dimension_semantics = [], scalar_prefetch = 0 : i64, scratch_operands = 0 : i64, tpu.core_type = #tpu.core_type<tc>} {
    %get3A = arith.constant 0 : index
    %get3A_0 = arith.constant 0 : index
    %get3A_1 = vector.load %arg0[%get3A, %get3A_0] : memref<256x256xf32, #tpu.memory_space<vmem>>, vector<256x256xf32>
    %get3A_2 = arith.constant 0 : index
    %get3A_3 = arith.constant 0 : index
    %get3A_4 = vector.load %arg5[%get3A_2, %get3A_3] : memref<1x8xf32, #tpu.memory_space<vmem>>, vector<1x1xf32>
    %get3A_5 = arith.constant 0 : index
    %get3A_6 = arith.constant 1 : index
    %get3A_7 = vector.load %arg5[%get3A_5, %get3A_6] : memref<1x8xf32, #tpu.memory_space<vmem>>, vector<1x1xf32>
    %get3A_8 = arith.constant 0 : index
    %get3A_9 = arith.constant 2 : index
    %get3A_10 = vector.load %arg5[%get3A_8, %get3A_9] : memref<1x8xf32, #tpu.memory_space<vmem>>, vector<1x1xf32>
    %get3A_11 = arith.constant 0 : index
    %get3A_12 = arith.constant 3 : index
    %get3A_13 = vector.load %arg5[%get3A_11, %get3A_12] : memref<1x8xf32, #tpu.memory_space<vmem>>, vector<1x1xf32>
    %get3A_14 = arith.constant 0 : index
    %get3A_15 = arith.constant 4 : index
    %get3A_16 = vector.load %arg5[%get3A_14, %get3A_15] : memref<1x8xf32, #tpu.memory_space<vmem>>, vector<1x1xf32>
    %get3A_17 = arith.constant 0 : index
    %get3A_18 = arith.constant 5 : index
    %get3A_19 = vector.load %arg5[%get3A_17, %get3A_18] : memref<1x8xf32, #tpu.memory_space<vmem>>, vector<1x1xf32>
    %get3A_20 = arith.constant 0 : index
    %get3A_21 = arith.constant 6 : index
    %get3A_22 = vector.load %arg5[%get3A_20, %get3A_21] : memref<1x8xf32, #tpu.memory_space<vmem>>, vector<1x1xf32>
    %get3A_23 = arith.constant 0 : index
    %get3A_24 = arith.constant 7 : index
    %get3A_25 = vector.load %arg5[%get3A_23, %get3A_24] : memref<1x8xf32, #tpu.memory_space<vmem>>, vector<1x1xf32>
    %get3A_26 = arith.constant 0 : index
    %get3A_27 = arith.constant 0 : index
    %get3A_28 = vector.load %arg7[%get3A_26, %get3A_27] : memref<1x1xi32, #tpu.memory_space<vmem>>, vector<1x1xi32>
    %eq3A = arith.constant 1 : i32
    %eq3A_29 = vector.broadcast %eq3A : i32 to vector<1x1xi32>
    %eq3A_30 = arith.cmpi eq, %get3A_28, %eq3A_29 : vector<1x1xi32>
    %get3A_31 = arith.constant 0 : index
    %get3A_32 = arith.constant 1 : index
    %get3A_33 = arith.constant 0 : index
    %get3A_34 = vector.load %arg1[%get3A_31, %get3A_32, %get3A_33] : memref<256x2x256xf32, #tpu.memory_space<vmem>>, vector<256x1x256xf32>
    %get3A_35 = vector.shape_cast %get3A_34 : vector<256x1x256xf32> to vector<256x256xf32>
    %get3A_36 = arith.constant 0 : index
    %get3A_37 = arith.constant 0 : index
    %get3A_38 = arith.constant 0 : index
    %get3A_39 = vector.load %arg1[%get3A_36, %get3A_37, %get3A_38] : memref<256x2x256xf32, #tpu.memory_space<vmem>>, vector<256x1x256xf32>
    %get3A_40 = vector.shape_cast %get3A_39 : vector<256x1x256xf32> to vector<256x256xf32>
    %broadcast_in_dim3A = vector.shape_cast %eq3A_30 : vector<1x1xi1> to vector<1x1xi1>
    %broadcast_in_dim3A_41 = vector.broadcast %broadcast_in_dim3A : vector<1x1xi1> to vector<256x256xi1>
    %select_n3A = arith.select %broadcast_in_dim3A_41, %get3A_35, %get3A_40 : vector<256x256xi1>, vector<256x256xf32>
    %get3A_42 = arith.constant 0 : index
    %get3A_43 = arith.constant 1 : index
    %get3A_44 = arith.constant 0 : index
    %get3A_45 = vector.load %arg2[%get3A_42, %get3A_43, %get3A_44] : memref<256x2x256xf32, #tpu.memory_space<vmem>>, vector<256x1x256xf32>
    %get3A_46 = vector.shape_cast %get3A_45 : vector<256x1x256xf32> to vector<256x256xf32>
    %get3A_47 = arith.constant 0 : index
    %get3A_48 = arith.constant 0 : index
    %get3A_49 = arith.constant 0 : index
    %get3A_50 = vector.load %arg2[%get3A_47, %get3A_48, %get3A_49] : memref<256x2x256xf32, #tpu.memory_space<vmem>>, vector<256x1x256xf32>
    %get3A_51 = vector.shape_cast %get3A_50 : vector<256x1x256xf32> to vector<256x256xf32>
    %broadcast_in_dim3A_52 = vector.shape_cast %eq3A_30 : vector<1x1xi1> to vector<1x1xi1>
    %broadcast_in_dim3A_53 = vector.broadcast %broadcast_in_dim3A_52 : vector<1x1xi1> to vector<256x256xi1>
    %select_n3A_54 = arith.select %broadcast_in_dim3A_53, %get3A_46, %get3A_51 : vector<256x256xi1>, vector<256x256xf32>
    %get3A_55 = arith.constant 0 : index
    %get3A_56 = arith.constant 1 : index
    %get3A_57 = arith.constant 0 : index
    %get3A_58 = vector.load %arg3[%get3A_55, %get3A_56, %get3A_57] : memref<256x2x256xf32, #tpu.memory_space<vmem>>, vector<256x1x256xf32>
    %get3A_59 = vector.shape_cast %get3A_58 : vector<256x1x256xf32> to vector<256x256xf32>
    %get3A_60 = arith.constant 0 : index
    %get3A_61 = arith.constant 0 : index
    %get3A_62 = arith.constant 0 : index
    %get3A_63 = vector.load %arg3[%get3A_60, %get3A_61, %get3A_62] : memref<256x2x256xf32, #tpu.memory_space<vmem>>, vector<256x1x256xf32>
    %get3A_64 = vector.shape_cast %get3A_63 : vector<256x1x256xf32> to vector<256x256xf32>
    %broadcast_in_dim3A_65 = vector.shape_cast %eq3A_30 : vector<1x1xi1> to vector<1x1xi1>
    %broadcast_in_dim3A_66 = vector.broadcast %broadcast_in_dim3A_65 : vector<1x1xi1> to vector<256x256xi1>
    %select_n3A_67 = arith.select %broadcast_in_dim3A_66, %get3A_59, %get3A_64 : vector<256x256xi1>, vector<256x256xf32>
    %get3A_68 = arith.constant 0 : index
    %get3A_69 = arith.constant 1 : index
    %get3A_70 = arith.constant 0 : index
    %get3A_71 = vector.load %arg4[%get3A_68, %get3A_69, %get3A_70] : memref<256x2x256xf32, #tpu.memory_space<vmem>>, vector<256x1x256xf32>
    %get3A_72 = vector.shape_cast %get3A_71 : vector<256x1x256xf32> to vector<256x256xf32>
    %get3A_73 = arith.constant 0 : index
    %get3A_74 = arith.constant 0 : index
    %get3A_75 = arith.constant 0 : index
    %get3A_76 = vector.load %arg4[%get3A_73, %get3A_74, %get3A_75] : memref<256x2x256xf32, #tpu.memory_space<vmem>>, vector<256x1x256xf32>
    %get3A_77 = vector.shape_cast %get3A_76 : vector<256x1x256xf32> to vector<256x256xf32>
    %broadcast_in_dim3A_78 = vector.shape_cast %eq3A_30 : vector<1x1xi1> to vector<1x1xi1>
    %broadcast_in_dim3A_79 = vector.broadcast %broadcast_in_dim3A_78 : vector<1x1xi1> to vector<256x256xi1>
    %select_n3A_80 = arith.select %broadcast_in_dim3A_79, %get3A_72, %get3A_77 : vector<256x256xi1>, vector<256x256xf32>
    %iota3A = tpu.iota {dimensions = array<i32: 0>} : vector<256x256xi32>
    %iota3A_81 = tpu.iota {dimensions = array<i32: 1>} : vector<256x256xi32>
    %eq3A_82 = arith.cmpi eq, %iota3A, %iota3A_81 : vector<256x256xi32>
    %convert_element_type3A = arith.extui %eq3A_82 : vector<256x256xi1> to vector<256x256xi32>
    %convert_element_type3A_83 = arith.sitofp %convert_element_type3A : vector<256x256xi32> to vector<256x256xf32>
    %dot_general3A = arith.constant dense<0.000000e+00> : vector<256x256xf32>
    %dot_general3A_84 = tpu.matmul %get3A_1, %convert_element_type3A_83, %dot_general3A {dimension_numbers = #tpu.dot_dimension_numbers<[0], [0], [1], [1], [0, 1, 1, 1], [], []>, precision = #tpu.contract_precision<fp32>, transpose_lhs_hint = false} : vector<256x256xf32>, vector<256x256xf32>, vector<256x256xf32> -> vector<256x256xf32>
    %sub3A = arith.constant 1.000000e+00 : f32
    %sub3A_85 = vector.broadcast %sub3A : f32 to vector<256x256xf32>
    %sub3A_86 = arith.subf %sub3A_85, %get3A_1 : vector<256x256xf32>
    %add3A = arith.constant 1.000000e-16 : f32
    %add3A_87 = vector.broadcast %add3A : f32 to vector<256x256xf32>
    %add3A_88 = arith.addf %sub3A_86, %add3A_87 : vector<256x256xf32>
    %log3A = math.log %add3A_88 : vector<256x256xf32>
    %reduce_sum3A = arith.constant dense<0.000000e+00> : vector<256xf32>
    %reduce_sum3A_89 = vector.multi_reduction <add>, %log3A, %reduce_sum3A [1] : vector<256x256xf32> to vector<256xf32>
    %broadcast_in_dim3A_90 = vector.shape_cast %reduce_sum3A_89 : vector<256xf32> to vector<256x1xf32>
    %sub3A_91 = vector.broadcast %broadcast_in_dim3A_90 : vector<256x1xf32> to vector<256x256xf32>
    %sub3A_92 = arith.subf %sub3A_91, %log3A : vector<256x256xf32>
    %exp3A = math.exp %sub3A_92 : vector<256x256xf32>
    %div3A = arith.divf %get3A_1, %add3A_88 : vector<256x256xf32>
    %exp3A_93 = math.exp %broadcast_in_dim3A_90 : vector<256x1xf32>
    %mul3A = vector.broadcast %get3A_16 : vector<1x1xf32> to vector<256x256xf32>
    %mul3A_94 = arith.mulf %mul3A, %select_n3A_54 : vector<256x256xf32>
    %add3A_95 = vector.broadcast %get3A_13 : vector<1x1xf32> to vector<256x256xf32>
    %add3A_96 = arith.addf %add3A_95, %mul3A_94 : vector<256x256xf32>
    %mul3A_97 = vector.broadcast %get3A_19 : vector<1x1xf32> to vector<256x256xf32>
    %mul3A_98 = arith.mulf %mul3A_97, %select_n3A : vector<256x256xf32>
    %add3A_99 = arith.addf %add3A_96, %mul3A_98 : vector<256x256xf32>
    %mul3A_100 = vector.broadcast %get3A_22 : vector<1x1xf32> to vector<256x256xf32>
    %mul3A_101 = arith.mulf %mul3A_100, %select_n3A_67 : vector<256x256xf32>
    %add3A_102 = arith.addf %add3A_99, %mul3A_101 : vector<256x256xf32>
    %mul3A_103 = arith.constant 4.000000e+00 : f32
    %mul3A_104 = vector.broadcast %mul3A_103 : f32 to vector<256x256xf32>
    %mul3A_105 = arith.mulf %mul3A_104, %dot_general3A_84 : vector<256x256xf32>
    %sub3A_106 = arith.constant 2.000000e+00 : f32
    %sub3A_107 = vector.broadcast %sub3A_106 : f32 to vector<256x256xf32>
    %sub3A_108 = arith.subf %mul3A_105, %sub3A_107 : vector<256x256xf32>
    %mul3A_109 = arith.mulf %sub3A_108, %add3A_102 : vector<256x256xf32>
    %sub3A_110 = arith.constant 1.000000e+00 : f32
    %sub3A_111 = vector.broadcast %sub3A_110 : f32 to vector<256x256xf32>
    %sub3A_112 = arith.subf %select_n3A_80, %sub3A_111 : vector<256x256xf32>
    %mul3A_113 = arith.constant 1.000000e+02 : f32
    %mul3A_114 = vector.broadcast %mul3A_113 : f32 to vector<256x256xf32>
    %mul3A_115 = arith.mulf %mul3A_114, %sub3A_112 : vector<256x256xf32>
    %add3A_116 = arith.addf %mul3A_109, %mul3A_115 : vector<256x256xf32>
    %reduce_sum3A_117 = arith.constant dense<0.000000e+00> : vector<256xf32>
    %reduce_sum3A_118 = vector.multi_reduction <add>, %div3A, %reduce_sum3A_117 [1] : vector<256x256xf32> to vector<256xf32>
    %broadcast_in_dim3A_119 = vector.shape_cast %reduce_sum3A_118 : vector<256xf32> to vector<256x1xf32>
    %mul3A_120 = vector.broadcast %get3A_7 : vector<1x1xf32> to vector<256x1xf32>
    %mul3A_121 = arith.mulf %broadcast_in_dim3A_119, %mul3A_120 : vector<256x1xf32>
    %add3A_122 = vector.broadcast %get3A_4 : vector<1x1xf32> to vector<256x1xf32>
    %add3A_123 = arith.addf %add3A_122, %mul3A_121 : vector<256x1xf32>
    %mul3A_124 = arith.mulf %add3A_123, %exp3A_93 : vector<256x1xf32>
    %reduce_sum3A_125 = vector.shape_cast %mul3A_124 : vector<256x1xf32> to vector<1x256x1xf32>
    %reduce_sum3A_126 = arith.constant dense<0.000000e+00> : vector<1xf32>
    %reduce_sum3A_127 = vector.multi_reduction <add>, %reduce_sum3A_125, %reduce_sum3A_126 [1, 2] : vector<1x256x1xf32> to vector<1xf32>
    %reduce_sum3A_128 = vector.shape_cast %reduce_sum3A_127 : vector<1xf32> to vector<1x1x1xf32>
    %reduce_sum3A_129 = vector.extract %reduce_sum3A_128[0, 0, 0] : f32 from vector<1x1x1xf32>
    %mul3A_130 = arith.constant 4.000000e+00 : f32
    %mul3A_131 = vector.broadcast %mul3A_130 : f32 to vector<256x256xf32>
    %mul3A_132 = arith.mulf %mul3A_131, %get3A_1 : vector<256x256xf32>
    %mul3A_133 = arith.mulf %mul3A_132, %dot_general3A_84 : vector<256x256xf32>
    %add3A_134 = arith.constant 1.000000e+00 : f32
    %add3A_135 = vector.broadcast %add3A_134 : f32 to vector<256x256xf32>
    %add3A_136 = arith.addf %add3A_135, %mul3A_133 : vector<256x256xf32>
    %add3A_137 = arith.addf %get3A_1, %dot_general3A_84 : vector<256x256xf32>
    %mul3A_138 = arith.constant 2.000000e+00 : f32
    %mul3A_139 = vector.broadcast %mul3A_138 : f32 to vector<256x256xf32>
    %mul3A_140 = arith.mulf %mul3A_139, %add3A_137 : vector<256x256xf32>
    %sub3A_141 = arith.subf %add3A_136, %mul3A_140 : vector<256x256xf32>
    %mul3A_142 = arith.mulf %add3A_102, %sub3A_141 : vector<256x256xf32>
    %mul3A_143 = arith.mulf %mul3A_142, %select_n3A_80 : vector<256x256xf32>
    %reduce_sum3A_144 = vector.shape_cast %mul3A_143 : vector<256x256xf32> to vector<1x256x256xf32>
    %reduce_sum3A_145 = arith.constant dense<0.000000e+00> : vector<1xf32>
    %reduce_sum3A_146 = vector.multi_reduction <add>, %reduce_sum3A_144, %reduce_sum3A_145 [1, 2] : vector<1x256x256xf32> to vector<1xf32>
    %reduce_sum3A_147 = vector.shape_cast %reduce_sum3A_146 : vector<1xf32> to vector<1x1x1xf32>
    %reduce_sum3A_148 = vector.extract %reduce_sum3A_147[0, 0, 0] : f32 from vector<1x1x1xf32>
    %reduce_sum3A_149 = vector.shape_cast %get3A_25 : vector<1x1xf32> to vector<1x1x1xf32>
    %reduce_sum3A_150 = arith.constant dense<0.000000e+00> : vector<1xf32>
    %reduce_sum3A_151 = vector.multi_reduction <add>, %reduce_sum3A_149, %reduce_sum3A_150 [1, 2] : vector<1x1x1xf32> to vector<1xf32>
    %reduce_sum3A_152 = vector.shape_cast %reduce_sum3A_151 : vector<1xf32> to vector<1x1x1xf32>
    %reduce_sum3A_153 = vector.extract %reduce_sum3A_152[0, 0, 0] : f32 from vector<1x1x1xf32>
    %neg3A = arith.constant 0.000000e+00 : f32
    %neg3A_154 = arith.subf %neg3A, %reduce_sum3A_153 : f32
    %add3A_155 = arith.constant 1.000000e-16 : f32
    %add3A_156 = vector.broadcast %add3A_155 : f32 to vector<256x256xf32>
    %add3A_157 = arith.addf %get3A_1, %add3A_156 : vector<256x256xf32>
    %log3A_158 = math.log %add3A_157 : vector<256x256xf32>
    %mul3A_159 = arith.mulf %get3A_1, %log3A_158 : vector<256x256xf32>
    %mul3A_160 = arith.mulf %add3A_88, %log3A : vector<256x256xf32>
    %add3A_161 = arith.addf %mul3A_159, %mul3A_160 : vector<256x256xf32>
    %mul3A_162 = arith.mulf %add3A_161, %select_n3A_80 : vector<256x256xf32>
    %reduce_sum3A_163 = vector.shape_cast %mul3A_162 : vector<256x256xf32> to vector<1x256x256xf32>
    %reduce_sum3A_164 = arith.constant dense<0.000000e+00> : vector<1xf32>
    %reduce_sum3A_165 = vector.multi_reduction <add>, %reduce_sum3A_163, %reduce_sum3A_164 [1, 2] : vector<1x256x256xf32> to vector<1xf32>
    %reduce_sum3A_166 = vector.shape_cast %reduce_sum3A_165 : vector<1xf32> to vector<1x1x1xf32>
    %reduce_sum3A_167 = vector.extract %reduce_sum3A_166[0, 0, 0] : f32 from vector<1x1x1xf32>
    %mul3A_168 = arith.mulf %neg3A_154, %reduce_sum3A_167 : f32
    %swap3A = arith.constant 0 : index
    %swap3A_169 = arith.constant 0 : index
    %swap3A_170 = vector.load %arg8[%swap3A, %swap3A_169] : memref<256x256xf32, #tpu.memory_space<vmem>>, vector<256x256xf32>
    tpu.vector_store %arg8[%swap3A, %swap3A_169], %div3A {strides = array<i32>} : memref<256x256xf32, #tpu.memory_space<vmem>>, vector<256x256xf32>,
    %swap3A_171 = arith.constant 0 : index
    %swap3A_172 = arith.constant 0 : index
    %swap3A_173 = vector.load %arg9[%swap3A_171, %swap3A_172] : memref<256x256xf32, #tpu.memory_space<vmem>>, vector<256x256xf32>
    tpu.vector_store %arg9[%swap3A_171, %swap3A_172], %exp3A {strides = array<i32>} : memref<256x256xf32, #tpu.memory_space<vmem>>, vector<256x256xf32>,
    %swap3A_174 = arith.constant 0 : index
    %swap3A_175 = arith.constant 0 : index
    %swap3A_176 = vector.load %arg10[%swap3A_174, %swap3A_175] : memref<256x256xf32, #tpu.memory_space<vmem>>, vector<256x256xf32>
    tpu.vector_store %arg10[%swap3A_174, %swap3A_175], %add3A_116 {strides = array<i32>} : memref<256x256xf32, #tpu.memory_space<vmem>>, vector<256x256xf32>,
    %swap3A_177 = arith.constant 0 : index
    %swap3A_178 = arith.constant 0 : index
    %swap3A_179 = vector.load %arg11[%swap3A_177, %swap3A_178] : memref<256x256xf32, #tpu.memory_space<vmem>>, vector<256x256xf32>
    tpu.vector_store %arg11[%swap3A_177, %swap3A_178], %select_n3A_80 {strides = array<i32>} : memref<256x256xf32, #tpu.memory_space<vmem>>, vector<256x256xf32>,
    %add3A_180 = arith.addf %reduce_sum3A_129, %reduce_sum3A_148 : f32
    %add3A_181 = arith.addf %add3A_180, %mul3A_168 : f32
    %reshape3A = vector.broadcast %add3A_181 : f32 to vector<1x1xf32>
    %swap3A_182 = arith.constant 0 : index
    %swap3A_183 = arith.constant 0 : index
    %swap3A_184 = vector.load %arg12[%swap3A_182, %swap3A_183] : memref<1x1xf32, #tpu.memory_space<vmem>>, vector<1x1xf32>
    tpu.vector_store %arg12[%swap3A_182, %swap3A_183], %reshape3A {strides = array<i32>} : memref<1x1xf32, #tpu.memory_space<vmem>>, vector<1x1xf32>,
    %reshape3A_185 = vector.shape_cast %exp3A_93 : vector<256x1xf32> to vector<1x256xf32>
    %swap3A_186 = arith.constant 0 : index
    %swap3A_187 = arith.constant 0 : index
    %swap3A_188 = vector.load %arg13[%swap3A_186, %swap3A_187] : memref<1x256xf32, #tpu.memory_space<vmem>>, vector<1x256xf32>
    tpu.vector_store %arg13[%swap3A_186, %swap3A_187], %reshape3A_185 {strides = array<i32>} : memref<1x256xf32, #tpu.memory_space<vmem>>, vector<1x256xf32>,
    %get3A_189 = arith.constant 0 : index
    %get3A_190 = arith.constant 0 : index
    %get3A_191 = vector.load %arg6[%get3A_189, %get3A_190] : memref<1x4xf32, #tpu.memory_space<vmem>>, vector<1x4xf32>
    %sub3A_192 = arith.subf %get3A_7, %get3A_4 : vector<1x1xf32>
    %sub3A_193 = arith.subf %get3A_10, %get3A_7 : vector<1x1xf32>
    %reduce_sum3A_194 = arith.constant dense<0.000000e+00> : vector<1xf32>
    %reduce_sum3A_195 = vector.multi_reduction <add>, %get3A_191, %reduce_sum3A_194 [1] : vector<1x4xf32> to vector<1xf32>
    %broadcast_in_dim3A_196 = vector.shape_cast %reduce_sum3A_195 : vector<1xf32> to vector<1x1xf32>
    %div3A_197 = arith.constant 1.000000e+00 : f32
    %div3A_198 = vector.broadcast %div3A_197 : f32 to vector<1x1xf32>
    %div3A_199 = arith.divf %div3A_198, %get3A_25 : vector<1x1xf32>
    %broadcast_in_dim3A_200 = arith.constant 0.000000e+00 : f32
    %broadcast_in_dim3A_201 = vector.broadcast %broadcast_in_dim3A_200 : f32 to vector<1x6xf32>
    %concatenate3A = tpu.concatenate %sub3A_192, %sub3A_193, %get3A_10, %get3A_191, %broadcast_in_dim3A_196, %div3A_199, %get3A_10, %broadcast_in_dim3A_201 in 1 : vector<1x1xf32>, vector<1x1xf32>, vector<1x1xf32>, vector<1x4xf32>, vector<1x1xf32>, vector<1x1xf32>, vector<1x1xf32>, vector<1x6xf32> -> vector<1x16xf32>
    %swap3A_202 = arith.constant 0 : index
    %swap3A_203 = arith.constant 0 : index
    %swap3A_204 = vector.load %arg14[%swap3A_202, %swap3A_203] : memref<1x16xf32, #tpu.memory_space<vmem>>, vector<1x16xf32>
    tpu.vector_store %arg14[%swap3A_202, %swap3A_203], %concatenate3A {strides = array<i32>} : memref<1x16xf32, #tpu.memory_space<vmem>>, vector<1x16xf32>,
    %broadcast_in_dim3A_205 = vector.shape_cast %get3A_28 : vector<1x1xi32> to vector<1x1xi32>
    %broadcast_in_dim3A_206 = vector.broadcast %broadcast_in_dim3A_205 : vector<1x1xi32> to vector<1x16xi32>
    %swap3A_207 = arith.constant 0 : index
    %swap3A_208 = arith.constant 0 : index
    %swap3A_209 = vector.load %arg15[%swap3A_207, %swap3A_208] : memref<1x16xi32, #tpu.memory_space<vmem>>, vector<1x16xi32>
    tpu.vector_store %arg15[%swap3A_207, %swap3A_208], %broadcast_in_dim3A_206 {strides = array<i32>} : memref<1x16xi32, #tpu.memory_space<vmem>>, vector<1x16xi32>,
    return
  }
}

</mosaic_0001>

<sc_bundles>
// kernel: kernel.4.cloned.1.call-start
scs
__scs_entry_jumppad:
0x0: {  	(pc) =	sbr.rel $0x88, $3  }
0x1: {  	(tag) =	ssettag $0x0;
	lr =	simm.s32 $0x1  }
0x2: {  	[smem:$0x3F8E] =	sst lr;
	_ =	strace $0xD0000000  }
0x3: {  	_ = 	snop  }
0x4: {  	_ = 	snop  }
0x5: {  	_ = 	snop  }
0x6: {  	_ = 	snop  }
0x7: {  	_ = 	snop  }
__scs_overlays_trampoline_lowered:
0x8: {  	[smem:$0x3F9D] =	sst s0  }
0x9: {  	[smem:$0x3F9E] =	sst s1  }
0xa: {  	[smem:$0x3F9F] =	sst s2  }
0xb: {  	[smem:$0x3FA0] =	sst s3  }
0xc: {  	[smem:$0x3FA1] =	sst s4  }
0xd: {  	[smem:$0x3FA2] =	sst s5  }
0xe: {  	[smem:$0x3FA3] =	sst s6  }
0xf: {  	[smem:$0x3FA4] =	sst s7  }
0x10: {  	[smem:$0x3FA5] =	sst s8  }
0x11: {  	[smem:$0x3FA6] =	sst s9;
	s0 =	simm.s32 @!p0 $0x0  }
0x12: {  	s1 =	sld [smem:$0x3F8C];
	s0 =	simm.s32 @p0 $0x1  }
0x13: {  	[smem:$0x3FA7] =	sst s0;
	s0 =	simm.s32 @!p1 $0x0  }
0x14: {  	s2 =	sld [smem:$0x3F8B];
	s0 =	simm.s32 @p1 $0x1  }
0x15: {  	[smem:$0x3FA8] =	sst s0;
	s0 =	simm.s32 @!p2 $0x0  }
0x16: {  	s3 =	sld [smem:$0x3FDB];
	s0 =	simm.s32 @p2 $0x1  }
0x17: {  	s4 =	simm.s32 $0x1BF5;
	[smem:$0x3FAA] =	sst s0  }
0x18: {  	s0 =	sld [smem:$0x3F8D];
	_ =	swait.ge [sflag:s4], $0x0  }
0x19: {  	s7 =	sld [smem:$0x3F8E]  }
0x1a: {  	s8 =	sadd.s32 $0xFFFFE003, lr  }
0x1b: {  	s9 =	sadd.s32 $0xFFFFFEF7, lr;
	s5 =	simm.s32 $0xFFFFFFFF;
	p2 =	slt.u32 s8, $0xFFFFF086  }
0x1c: {  	p1 =	slt.u32 s9, $0xF7A;
	s5 =	simm.s32 @!p2 $0x0  }
0x1d: {  	s5 =	simm.s32 @p1 $0x1;
	p0 =	seq.s32 s7, s2  }
0x1e: {  	s7 =	smul.u32 @!p0 $0xF7A, s2;
	p2 =	seq.s32 @!p0 s5, $0x0  }
0x1f: {  	s9 =	smul.u32 $0xF7A, s1;
	s8 =	simm.s32 @!p0 $0x1BF5;
	p2 =	por !p2, p0  }
0x20: {  	[sflag:s8] =	ssyncset.s32 @!p0 $0xFFFFF086;
	s6 =	sadd.s32 @!p0 s3, s7;
	s7 =	simm.s32 @!p0 $0x108  }
0x21: {  	s3 =	sadd.s32 s3, s9;
	s6 =	sadd.s32 @!p0 $0x88, s6;
	s7 =	simm.s32 @p2 $0x1082  }
0x22: {  	[simem:s7], [sflag:s8] =	dma.local @!p0 [hbm:s6], $0xF7A  }
0x23: {  	s9 =	sor.u32 $0xD0000000, s2;
	s6 =	simm.s32 $0x108;
	_ =	swait.ge @!p0 [sflag:s8], $0x0  }
0x24: {  	s3 =	sadd.s32 $0x88, s3;
	s6 =	simm.s32 @!p1 $0x1082;
	[sflag:s4] =	ssyncset.s32 $0xFFFFF086  }
0x25: {  	[simem:s6], [sflag:s4] =	dma.local [hbm:s3], $0xF7A  }
0x26: {  	[smem:$0x3F8E] =	sst s1;
	(tag) =	ssettag s2;
	_ =	strace s9  }
0x27: {  	s1 =	sld [smem:$0x3F9E]  }
0x28: {  	s2 =	sld [smem:$0x3F9F]  }
0x29: {  	s4 =	sld [smem:$0x3FA1]  }
0x2a: {  	p0 =	seq.s32 s5, $0x0;
	s5 =	sld [smem:$0x3FA2]  }
0x2b: {  	s6 =	sld [smem:$0x3FA3]  }
0x2c: {  	s7 =	sld [smem:$0x3FA4]  }
0x2d: {  	s3 =	simm.s32 $0x108;
	s8 =	sld [smem:$0x3FA5]  }
0x2e: {  	s3 =	simm.s32 @!p0 $0x1082;
	s9 =	sld [smem:$0x3FA6]  }
0x2f: {  	lr =	sadd.s32 s0, s3;
	s0 =	sld [smem:$0x3F9D]  }
0x30: {  	s3 =	sld [smem:$0x3FA0]  }
0x31: {  	[smem:$0x3FA9] =	sst s10  }
0x32: {  	s10 =	sld [smem:$0x3FA7];
	_ =	sdelay $0x3  }
0x33: {  	p0 =	seq.s32 s10, $0x1;
	s10 =	sld [smem:$0x3FA9];
	_ =	sdelay $0x3  }
0x34: {  	[smem:$0x3FA9] =	sst s10  }
0x35: {  	s10 =	sld [smem:$0x3FA8];
	_ =	sdelay $0x3  }
0x36: {  	p1 =	seq.s32 s10, $0x1;
	s10 =	sld [smem:$0x3FA9];
	_ =	sdelay $0x3  }
0x37: {  	[smem:$0x3FA9] =	sst s10  }
0x38: {  	s10 =	sld [smem:$0x3FAA]  }
0x39: {  	_ = 	snop;
	(pc) =	sbr.ind lr, $3  }
0x3a: {  	_ = 	snop  }
0x3b: {  	_ = 	snop  }
0x3c: {  	p2 =	seq.s32 s10, $0x1;
	s10 =	sld [smem:$0x3FA9]  }
0x3d: {  	_ =	shalt  }
0x3e: {  	_ =	shalt  }
0x3f: {  	_ =	shalt  }
0x40: {  	_ =	shalt  }
0x41: {  	_ =	shalt  }
0x42: {  	_ =	shalt  }
0x43: {  	_ =	shalt  }
0x44: {  	_ =	shalt  }
0x45: {  	_ =	shalt  }
0x46: {  	_ =	shalt  }
0x47: {  	_ =	shalt  }
0x48: {  	_ =	shalt  }
0x49: {  	_ =	shalt  }
0x4a: {  	_ =	shalt  }
0x4b: {  	_ =	shalt  }
0x4c: {  	_ =	shalt  }
0x4d: {  	_ =	shalt  }
0x4e: {  	_ =	shalt  }
0x4f: {  	_ =	shalt  }
0x50: {  	_ =	shalt  }
0x51: {  	_ =	shalt  }
0x52: {  	_ =	shalt  }
0x53: {  	_ =	shalt  }
0x54: {  	_ =	shalt  }
0x55: {  	_ =	shalt  }
0x56: {  	_ =	shalt  }
0x57: {  	_ =	shalt  }
0x58: {  	_ =	shalt  }
0x59: {  	_ =	shalt  }
0x5a: {  	_ =	shalt  }
0x5b: {  	_ =	shalt  }
0x5c: {  	_ =	shalt  }
0x5d: {  	_ =	shalt  }
0x5e: {  	_ =	shalt  }
0x5f: {  	_ =	shalt  }
0x60: {  	_ =	shalt  }
0x61: {  	_ =	shalt  }
0x62: {  	_ =	shalt  }
0x63: {  	_ =	shalt  }
0x64: {  	_ =	shalt  }
0x65: {  	_ =	shalt  }
0x66: {  	_ =	shalt  }
0x67: {  	_ =	shalt  }
0x68: {  	_ =	shalt  }
0x69: {  	_ =	shalt  }
0x6a: {  	_ =	shalt  }
0x6b: {  	_ =	shalt  }
0x6c: {  	_ =	shalt  }
0x6d: {  	_ =	shalt  }
0x6e: {  	_ =	shalt  }
0x6f: {  	_ =	shalt  }
0x70: {  	_ =	shalt  }
0x71: {  	_ =	shalt  }
0x72: {  	_ =	shalt  }
0x73: {  	_ =	shalt  }
0x74: {  	_ =	shalt  }
0x75: {  	_ =	shalt  }
0x76: {  	_ =	shalt  }
0x77: {  	_ =	shalt  }
0x78: {  	_ =	shalt  }
0x79: {  	_ =	shalt  }
0x7a: {  	_ =	shalt  }
0x7b: {  	_ =	shalt  }
0x7c: {  	_ =	shalt  }
0x7d: {  	_ =	shalt  }
0x7e: {  	_ =	shalt  }
0x7f: {  	_ =	shalt  }
0x80: {  	_ =	shalt  }
0x81: {  	_ =	shalt  }
0x82: {  	_ =	shalt  }
0x83: {  	_ =	shalt  }
0x84: {  	_ =	shalt  }
0x85: {  	_ =	shalt  }
0x86: {  	_ =	shalt  }
0x87: {  	_ =	shalt  }
.Lfunc_end0:
.L_simem_size_0:
called_computation_lowered:
.L_overlay_start_0:
0x88: {  	s2 =	sld [smem:$0x3FD9]  }
0x89: {  	s3 =	sld [smem:$0x3FFE];
	_ =	sdelay $0x1  }
0x8a: {  	s1 =	srdreg.scid  }
0x8b: {  	s0 =	sand.u32 $0x1, s1  }
0x8c: {  	s14 =	sshll.u32 s0, $0xA;
	s2 =	sadd.s32 s3, s2  }
0x8d: {  	s2 =	sadd.s32 s2, s14  }
0x8e: {  	[smem:$0x3FB5] =	sst s2  }
0x8f: {  	_ = 	snop  }
0x90: {  	s2 =	sld [smem:$0x3FC9]  }
0x91: {  	s15 =	sld [smem:$0x3FD0]  }
0x92: {  	s4 =	sld [smem:$0x3FC3]  }
0x93: {  	s5 =	sld [smem:$0x3FC2]  }
0x94: {  	s7 =	simm.s32 $0xA;
	s8 =	simm.s32 $0x10;
	s6 =	sld [smem:$0x3FC1]  }
0x95: {  	[smem:s8], [sflag:s7] =	dma.local [hbm:s15], $0x1  }
0x96: {  	_ =	swait.eq [sflag:s7], $0x1  }
0x97: {  	[sflag:s7] =	ssyncset.done $0x0  }
0x98: {  	s16 =	sld [smem:$0x10];
	[sflag:s7] =	ssyncadd.s32 $0xFFFFFFFF  }
0x99: {  	s17 =	sld [smem:$0x11];
	(tm) =	ssettm $0x1  }
0x9a: {  	s18 =	sld [smem:$0x3FFB];
	_ =	sdelay $0x3  }
0x9b: {  	_ =	strace s18  }
0x9c: {  	s8 =	sld [smem:$0x3FFC];
	_ =	sdelay $0x3  }
0x9d: {  	_ =	strace s8  }
0x9e: {  	s8 =	sld [smem:$0x3FFD];
	_ =	sdelay $0x3  }
0x9f: {  	_ =	strace s8  }
0xa0: {  	_ =	strace $0x8FFFFFFF  }
0xa1: {  	s19 =	sld [smem:$0x3FDB];
	_ =	sdelay $0x1  }
0xa2: {  	s9 =	simm.s32 $_scs_section_size  }
0xa3: {  	s10 =	simm.s32 $_size__tile_overlayer_lowered;
	s11 =	simm.s32 $_tile_overlayer_lowered  }
0xa4: {  	s22 =	simm.s32 $0x1BFF;
	s21 =	sshll.u32 s11, $0x1;
	s8 =	sadd.s32 s9, s19  }
0xa5: {  	s12 =	simm.s32 $0x0;
	s20 =	sshll.u32 s10, $0x1;
	s10 =	sadd.s32 s21, s8  }
0xa6: {  	[timem:s12], [sflag:s22] =	dma.local [hbm:s10], s20  }
0xa7: {  	_ =	swait.ge [sflag:s22], s20  }
0xa8: {  	s9 =	ssub.s32 $0x0, s20;
	[sflag:s22] =	ssyncset.done $0x0  }
0xa9: {  	[sflag:s22] =	ssyncadd.s32 s9;
	_ =	sdelay $0x1  }
0xaa: {  	s23 =	simm.s32 $0x1B8B  }
0xab: {  	_ =	swait.ge [sflag:s23], $0x1  }
0xac: {  	[sflag:s23] =	ssyncset.done $0x0  }
0xad: {  	s25 =	simm.s32 $0x1B8E;
	s24 =	sld [smem:$0x3FFE];
	[sflag:s23] =	ssyncadd.s32 $0xFFFFFFFF  }
0xae: {  	s26 =	simm.s32 $execute0_lowered;
	[smem:$0x3FD2] =	sst s25  }
0xaf: {  	s10 =	sshll.u32 s26, $0x1;
	_ =	strace $0x80000046;
	[dreg:$0x1] =	wrdreg $0xFFFFFFFF  }
0xb0: {  	s28 =	simm.s32 $_size_execute0_lowered;
	s8 =	sadd.s32 s8, s10;
	[dreg:$0x0] =	wrdreg $0x0  }
0xb1: {  	s10 =	sshll.u32 s28, $0x1;
	[dreg:$0x2] =	wrdreg s8  }
0xb2: {  	[dreg:$0x3] =	wrdreg s10  }
0xb3: {  	[dreg:$0x4] =	wrdreg $0xC0  }
0xb4: {  	_ =	task [dreg:s12], $0x5FFFF  }
0xb5: {  	[dreg:$0x1] =	wrdreg $0xFFFFFFFF  }
0xb6: {  	[dreg:$0x0] =	wrdreg $0x60  }
0xb7: {  	[dreg:$0x2] =	wrdreg s24  }
0xb8: {  	[dreg:$0x3] =	wrdreg s2  }
0xb9: {  	[dreg:$0x4] =	wrdreg s16  }
0xba: {  	[dreg:$0x5] =	wrdreg s4  }
0xbb: {  	[dreg:$0x6] =	wrdreg s5  }
0xbc: {  	[dreg:$0x7] =	wrdreg s6  }
0xbd: {  	[dreg:$0x8] =	wrdreg s17  }
0xbe: {  	[dreg:$0x9] =	wrdreg $0x9  }
0xbf: {  	_ =	task.clear_ibuf [dreg:s12], $0xAFFFF;
	_ =	strace $0x90000046  }
0xc0: {  	s29 =	simm.s32 $0x9;
	_ =	strace $0x80000048  }
0xc1: {  	_ =	swait.ge [sflag:s29], $0x1  }
0xc2: {  	[sflag:s29] =	ssyncadd.s32 $0xFFFFFFFF  }
0xc3: {  	_ =	strace $0x90000048  }
0xc4: {  	_ =	sfence  }
0xc5: {  	s30 =	sld [smem:$0x0];
	_ =	sdelay $0x2  }
0xc6: {  	s31 =	sshll.u32 s1, $0xD;
	s1 =	sshrl.u32 s1, $0x2  }
0xc7: {  	s3 =	sand.u32 $0x4000, s31;
	s1 =	sadd.s32 s1, s30  }
0xc8: {  	s0 =	sor.u32 s3, s0;
	s1 =	sshll.u32 s1, $0x11  }
0xc9: {  	s0 =	sor.u32 s1, s0  }
0xca: {  	s0 =	sadd.s32 $0x8F2B, s0  }
0xcb: {  	[sflag:s0] =	ssyncadd.remote.s32 $0x1  }
0xcc: {  	_ =	sfence.sel $0xFFFF  }
0xcd: {  	[dreg:$0x0] =	wrdreg $0xFFFFFFFF;
	(pc) =	sbr.abs _section_cstart, $3  }
0xce: {  	[dreg:$0x1] =	wrdreg $0xFFFFFFFF  }
0xcf: {  	_ =	task.clear_ibuf [dreg:s12], $0x2FFFF;
	_ =	strace $0x9FFFFFFF  }
0xd0: {  	(tm) =	ssettm $0x7FFFFFFF  }
0xd1: {  	_ =	shalt  }
tec
execute0_lowered:
.L_overlay_start_1:
0x0: {  	(tag) =	ssettag $0x1  }
0x1: {  	s0 =	rddreg [dreg:$0x0]  }
0x2: {  	s1 =	rddreg [dreg:$0x1]  }
0x3: {  	s2 =	rddreg [dreg:$0x3]  }
0x4: {  	s4 =	rddreg [dreg:$0x4]  }
0x5: {  	s5 =	rddreg [dreg:$0x5]  }
0x6: {  	s3 =	srdreg.scid;
	s8 =	stileid.u32  }
0x7: {  	s6 =	rddreg [dreg:$0x6];
	s28 =	simm.s32 $0x2000;
	s29 =	simm.s32 $0x2800  }
0x8: {  	s7 =	sand.u32 $0x1, s3;
	s8 =	sshll.u32 s8, $0x1;
	s3 =	simm.s32 $0x0  }
0x9: {  	s10 =	sadd.s32 $0xB400, s0;
	s8 =	sor.u32 s7, s8;
	[smem:$0x7FF] =	sst s3  }
0xa: {  	s9 =	sshll.u32 s8, $0x8;
	_ =	strace $0x80000047;
	s13 =	sshll.u32 s8, $0xB  }
0xb: {  	s14 =	sadd.s32 s8, s0;
	[smem:$0x7F0] =	sst s10;
	s2 =	sadd.s32 s2, s13  }
0xc: {  	s16 =	sshll.u32 s8, $0x7;
	s18 =	sadd.s32 s4, s13;
	[smem:$0x7F1] =	sst s2  }
0xd: {  	s11 =	sshll.u32 s8, $0x5;
	s1 =	sadd.s32 s1, s9;
	[smem:$0x7F2] =	sst s18  }
0xe: {  	s8 =	smul.u32 $0x1800, s8;
	s25 =	sadd.s32 $0xB200, s14;
	[smem:$0x7F9] =	sst s1  }
0xf: {  	s30 =	simm.s32 $0x1;
	s26 =	sadd.s32 s6, s9;
	[smem:$0x7FA] =	sst s25  }
0x10: {  	v0 =	vimm.s32 $0x1;
	v1 =	vimm.s32 $0x2;
	s10 =	sadd.s32 s16, s0;
	s19 =	sadd.s32 s5, s8;
	[smem:$0x7FB] =	sst s26  }
0x11: {  	v2 =	vimm.s32 $0x3;
	v3 =	vimm.s32 $0x4;
	v4 =	vimm.s32 $0x5;
	s12 =	sadd.s32 s9, s0;
	s20 =	sadd.s32 $0x2000, s10;
	[smem:$0x7F3] =	sst s19  }
0x12: {  	v5 =	vimm.s32 $0x6;
	v6 =	vimm.s32 $0x7;
	v8 =	vimm.s32 $0xC080400;
	s7 =	ssub.s32 $0x2, s7;
	s21 =	sadd.s32 $0x3200, s12;
	[smem:$0x7F4] =	sst s20  }
0x13: {  	v7 =	vimm.s32 $0x8;
	v9 =	vimm.s32 $0xE0A0602;
	v10 =	vimm.s32 $0x1C181410;
	s17 =	sshrl.u32 s7, $0x1;
	s22 =	sadd.s32 $0x5200, s12;
	[smem:$0x7F5] =	sst s21  }
0x14: {  	v11 =	vimm.s32 $0x1E1A1612;
	v8 =	vunpack.c.0.s8.s32 v8;
	v9 =	vunpack.c.0.s8.s32 v9;
	s0 =	sadd.s32 s11, s0;
	s23 =	sadd.s32 $0x7200, s12;
	[smem:$0x7F6] =	sst s22  }
0x15: {  	vm0 =	vcmask $0xF00;
	v10 =	vunpack.c.0.s8.s32 v10;
	v11 =	vunpack.c.0.s8.s32 v11;
	s7 =	ssub.s32 s7, s17;
	s24 =	sadd.s32 $0x9200, s12;
	[smem:$0x7F7] =	sst s23  }
0x16: {  	vm1 =	vcmask $0x1F10;
	v8 =	vnsel vm0, $0x24, v8;
	v9 =	vnsel vm0, $0x26, v9;
	s0 =	sadd.s32 $0xB600, s0;
	s18 =	simm.s32 $0x2880;
	[smem:$0x7F8] =	sst s24  }
0x17: {  	vm15 =	vcmask $0x2320;
	v10 =	vsel vm1, v10, v8;
	v11 =	vsel vm1, v11, v9;
	s31 =	smax.u32 s7, $0x1;
	s2 =	simm.s32 $0x2;
	[smem:$0x7FC] =	sst s0  }
0x18: {  	v8 =	vimm.s32 $0x9;
	v9 =	vsel vm15, $0x20, v10;
	v10 =	vsel vm15, $0x22, v11;
	[smem:$0x7FD] =	sst s31;
	s23 =	simm.s32 $0x16980;
	s0 =	simm.s32 $0x0  }
.LBB2_1:
0x19: {  	s1 =	sld [smem:$0x7F0];
	_ =	sdelay $0x1  }
0x1a: {  	s4 =	simm.s32 $0x2900;
	s11 =	rddreg [dreg:$0x2]  }
0x1b: {  	[tilespmem:s4], [sflag:$0x1] =	stream.linear.gather [hbm4b:s1+s3], $0x80, $0x38;
	[tilespmem:$0x17680] =	vst v63  }
0x1c: {  	s12 =	sld [smem:$0x7F1]  }
0x1d: {  	[tilespmem:s18], [sflag:$0x1] =	stream.linear.gather [hbm4b:s11+s3], $0x80, $0x38;
	[tilespmem:$0x17680] =	vst v63  }
0x1e: {  	s13 =	simm.s32 $0x2980;
	s14 =	sld [smem:$0x7F2]  }
0x1f: {  	[tilespmem:s13], [sflag:$0x1] =	stream.linear.gather [hbm4b:s12+s3], $0x4000, $0x38;
	[tilespmem:$0x17680] =	vst v63  }
0x20: {  	s15 =	simm.s32 $0x6980;
	s16 =	sld [smem:$0x7F3]  }
0x21: {  	[tilespmem:s15], [sflag:$0x1] =	stream.linear.gather [hbm4b:s14+s3], $0x4000, $0x38;
	[tilespmem:$0x17680] =	vst v63  }
0x22: {  	s17 =	simm.s32 $0xA980;
	s19 =	sld [smem:$0x7F4]  }
0x23: {  	[tilespmem:s17], [sflag:$0x1] =	stream.linear.gather [hbm4b:s16+s3], $0xC000, $0x38;
	[tilespmem:$0x17680] =	vst v63  }
0x24: {  	s20 =	sld [smem:$0x7F5]  }
0x25: {  	[tilespmem:s23], [sflag:$0x1] =	stream.linear.gather [hbm4b:s19+s3], $0x400, $0x38;
	[tilespmem:$0x17680] =	vst v63  }
0x26: {  	s21 =	sld [smem:$0x7F6]  }
0x27: {  	[tilespmem:s3], [sflag:$0x1] =	stream.linear.gather [hbm4b:s20+s3], $0x800, $0x38;
	[tilespmem:$0x17680] =	vst v63  }
0x28: {  	s22 =	simm.s32 $0x800;
	s24 =	sld [smem:$0x7F7]  }
0x29: {  	[tilespmem:s22], [sflag:$0x1] =	stream.linear.gather [hbm4b:s21+s3], $0x800, $0x38;
	[tilespmem:$0x17680] =	vst v63  }
0x2a: {  	s25 =	simm.s32 $0x1000;
	s26 =	sld [smem:$0x7F8]  }
0x2b: {  	[tilespmem:s25], [sflag:$0x1] =	stream.linear.gather [hbm4b:s24+s3], $0x800, $0x38;
	[tilespmem:$0x17680] =	vst v63  }
0x2c: {  	s31 =	simm.s32 $0x1800;
	s5 =	sld [smem:$0x7F9]  }
0x2d: {  	[tilespmem:s31], [sflag:$0x1] =	stream.linear.gather [hbm4b:s26+s3], $0x800, $0x38;
	[tilespmem:$0x17680] =	vst v63  }
0x2e: {  	s6 =	sld [smem:$0x7FA]  }
0x2f: {  	[tilespmem:s28], [sflag:$0x1] =	stream.linear.gather [hbm4b:s5+s3], $0x800, $0x38;
	[tilespmem:$0x17680] =	vst v63  }
0x30: {  	_ = 	snop  }
0x31: {  	[tilespmem:s29], [sflag:$0x1] =	stream.linear.gather [hbm4b:s6+s3], $0x8, $0x38;
	[tilespmem:$0x17680] =	vst v63  }
0x32: {  	_ =	swait.ge [sflag:s30], $0x80  }
0x33: {  	[sflag:s30] =	ssyncset.done $0x0  }
0x34: {  	[sflag:s30] =	ssyncadd.s32 $0xFFFFFF80  }
0x35: {  	_ =	swait.ge [sflag:s30], $0x80  }
0x36: {  	[sflag:s30] =	ssyncset.done $0x0  }
0x37: {  	[sflag:s30] =	ssyncadd.s32 $0xFFFFFF80  }
0x38: {  	_ =	swait.ge [sflag:s30], $0x4000  }
0x39: {  	[sflag:s30] =	ssyncset.done $0x0  }
0x3a: {  	[sflag:s30] =	ssyncadd.s32 $0xFFFFC000  }
0x3b: {  	_ =	swait.ge [sflag:s30], $0x4000  }
0x3c: {  	[sflag:s30] =	ssyncset.done $0x0  }
0x3d: {  	[sflag:s30] =	ssyncadd.s32 $0xFFFFC000  }
0x3e: {  	_ =	swait.ge [sflag:s30], $0xC000  }
0x3f: {  	[sflag:s30] =	ssyncset.done $0x0  }
0x40: {  	[sflag:s30] =	ssyncadd.s32 $0xFFFF4000  }
0x41: {  	_ =	swait.ge [sflag:s30], $0x400  }
0x42: {  	[sflag:s30] =	ssyncset.done $0x0  }
0x43: {  	[sflag:s30] =	ssyncadd.s32 $0xFFFFFC00  }
0x44: {  	_ =	swait.ge [sflag:s30], $0x800  }
0x45: {  	[sflag:s30] =	ssyncset.done $0x0  }
0x46: {  	[sflag:s30] =	ssyncadd.s32 $0xFFFFF800  }
0x47: {  	_ =	swait.ge [sflag:s30], $0x800  }
0x48: {  	[sflag:s30] =	ssyncset.done $0x0  }
0x49: {  	[sflag:s30] =	ssyncadd.s32 $0xFFFFF800  }
0x4a: {  	_ =	swait.ge [sflag:s30], $0x800  }
0x4b: {  	[sflag:s30] =	ssyncset.done $0x0  }
0x4c: {  	[sflag:s30] =	ssyncadd.s32 $0xFFFFF800  }
0x4d: {  	_ =	swait.ge [sflag:s30], $0x800  }
0x4e: {  	[sflag:s30] =	ssyncset.done $0x0  }
0x4f: {  	[sflag:s30] =	ssyncadd.s32 $0xFFFFF800  }
0x50: {  	_ =	swait.ge [sflag:s30], $0x800  }
0x51: {  	[sflag:s30] =	ssyncset.done $0x0  }
0x52: {  	[sflag:s30] =	ssyncadd.s32 $0xFFFFF800  }
0x53: {  	_ =	swait.ge [sflag:s30], $0x8  }
0x54: {  	[sflag:s30] =	ssyncset.done $0x0  }
0x55: {  	[sflag:s30] =	ssyncadd.s32 $0xFFFFFFF8  }
0x56: {  	v12 =	vld [tilespmem:$0x2900];
	_ =	sdelay $0x4  }
0x57: {  	(v2sf) =	vpush v12, $0x0;
	_ =	sdelay $0xe  }
0x58: {  	s7 =	spop (v2sf)  }
0x59: {  	s8 =	sshll.u32 s7, $0x8;
	s1 =	sshll.u32 s7, $0x7  }
0x5a: {  	s17 =	sand.u32 $0xFFFFFE00, s8;
	s20 =	sand.u32 $0x80, s1  }
0x5b: {  	s21 =	sor.u32 s17, s20  }
0x5c: {  	s9 =	sadd.s32 $0x200, s21  }
0x5d: {  	s10 =	sadd.s32 $0x400, s21;
	[dreg:$0x8] =	wrdreg s9  }
0x5e: {  	s11 =	sadd.s32 $0x600, s21;
	[dreg:$0x9] =	wrdreg s10  }
0x5f: {  	s13 =	sadd.s32 $0xB380, s21;
	[dreg:$0xa] =	wrdreg s11  }
0x60: {  	s14 =	sadd.s32 $0xB580, s21;
	[dreg:$0xc] =	wrdreg s13  }
0x61: {  	s16 =	sadd.s32 $0xB980, s21;
	[dreg:$0xd] =	wrdreg s14  }
0x62: {  	s19 =	sadd.s32 $0xBB80, s21;
	[dreg:$0xf] =	wrdreg s16  }
0x63: {  	v14 =	vld.msk [tilespmem:s18+$0x0], $0xffff;
	s24 =	sadd.s32 $0xBF80, s21;
	[dreg:$0x10] =	wrdreg s19  }
0x64: {  	s31 =	simm.s32 $0x0;
	v16 =	vld.idx.msk [tilespmem:v0+s18+$0x0], $0xffff;
	s1 =	sand.u32 $0x70, s3;
	[dreg:$0x12] =	wrdreg s24  }
0x65: {  	v21 =	vld.idx.msk [tilespmem:v2+s18+$0x0], $0xffff;
	s12 =	sadd.s32 $0xB180, s21;
	s15 =	sadd.s32 $0xB780, s21;
	s25 =	rddreg [dreg:$0xa]  }
0x66: {  	v22 =	vld.idx.msk [tilespmem:v3+s18+$0x0], $0xffff;
	s22 =	sadd.s32 $0xBD80, s21;
	s5 =	rddreg [dreg:$0x12];
	s4 =	sadd.s32 $0x0, s25  }
0x67: {  	v19 =	vld.idx.msk [tilespmem:v4+s18+$0x0], $0xffff;
	s6 =	rddreg [dreg:$0xf];
	s26 =	sadd.s32 $0x0, s5;
	s9 =	sor.u32 s1, s4  }
0x68: {  	[dreg:$0x11] =	wrdreg s22;
	s6 =	sadd.s32 $0x0, s6;
	s4 =	sadd.s32 s1, s26;
	v24 =	vld [tilespmem:s9+$0xA980]  }
0x69: {  	s8 =	rddreg [dreg:$0x9];
	s5 =	sor.u32 s21, s31;
	s6 =	sadd.s32 s1, s6;
	v25 =	vld [tilespmem:s4+$0x0]  }
0x6a: {  	s22 =	rddreg [dreg:$0x8];
	s11 =	sadd.s32 $0x0, s8;
	s10 =	sor.u32 s1, s5;
	v26 =	vld [tilespmem:s6+$0x0]  }
0x6b: {  	s24 =	rddreg [dreg:$0x10];
	s14 =	sadd.s32 $0x0, s22;
	s13 =	sor.u32 s1, s11;
	v27 =	vld [tilespmem:s10+$0xA980]  }
0x6c: {  	[dreg:$0xe] =	wrdreg s15;
	s15 =	sadd.s32 $0x0, s24;
	s5 =	sor.u32 s1, s14;
	v28 =	vld [tilespmem:s13+$0x6980]  }
0x6d: {  	[dreg:$0xb] =	wrdreg s12;
	s16 =	sadd.s32 s1, s15;
	v30 =	vld [tilespmem:s5+$0x2980]  }
0x6e: {  	s19 =	rddreg [dreg:$0xb];
	v31 =	vld [tilespmem:s16+$0x0]  }
0x6f: {  	s8 =	sadd.s32 $0x0, s19;
	v32 =	vld [tilespmem:s9+$0x6980]  }
0x70: {  	s8 =	sadd.s32 s1, s8;
	v37 =	vld [tilespmem:s13+$0xA980]  }
0x71: {  	v61 =	vld [tilespmem:s8+$0x0];
	v33 =	vand.u32 $0x7F, v24;
	v34 =	vshll.u32 v26, $0x3  }
0x72: {  	v35 =	vld [tilespmem:s9+$0x2980];
	v26 =	vand.u32 $0x7F, v26;
	v36 =	vand.u32 $0x7F, v27;
	v38 =	vand.u32 $0x7F, v25  }
0x73: {  	s7 =	rddreg [dreg:$0xd];
	v52 =	vld [tilespmem:s5+$0xA980];
	v27 =	vshll.u32 v27, $0x3;
	v25 =	vshll.u32 v25, $0x3;
	v40 =	vshll.u32 v28, $0x3  }
0x74: {  	s12 =	sadd.s32 $0x0, s7;
	v63 =	vld [tilespmem:s10+$0x2980];
	v41 =	vand.u32 $0x7F, v30;
	v28 =	vand.u32 $0x7F, v28;
	v43 =	vand.u32 $0x7F, v31  }
0x75: {  	s6 =	sadd.s32 s1, s12;
	v48 =	vld [tilespmem:s10+$0x6980];
	v24 =	vshll.u32 v24, $0x3;
	v30 =	vshll.u32 v30, $0x3;
	v44 =	vand.u32 $0x7F, v37  }
0x76: {  	s25 =	rddreg [dreg:$0xe];
	v29 =	vld [tilespmem:s6+$0x0];
	v31 =	vshll.u32 v31, $0x3;
	v53 =	vand.u32 $0x7F, v61;
	v25 =	vand.u32 $0xFFFFFC00, v25  }
0x77: {  	s22 =	rddreg [dreg:$0x11];
	s7 =	sadd.s32 $0x0, s25;
	v39 =	vld [tilespmem:s13+$0x2980];
	v54 =	vshll.u32 v37, $0x3;
	v27 =	vand.u32 $0xFFFFFC00, v27;
	v25 =	vor.u32 v38, v25  }
0x78: {  	s24 =	rddreg [dreg:$0xc];
	s7 =	sadd.s32 s1, s7;
	v58 =	vld [tilespmem:s5+$0x6980];
	s6 =	sadd.s32 $0x0, s22;
	v56 =	vand.u32 $0x7F, v52;
	v62 =	vand.u32 $0xFFFFFC00, v40;
	v27 =	vor.u32 v36, v27  }
0x79: {  	s26 =	sadd.s32 $0x0, s24;
	v46 =	vld [tilespmem:s7+$0x0];
	s6 =	sadd.s32 s1, s6;
	v57 =	vshll.u32 v52, $0x3;
	v30 =	vand.u32 $0xFFFFFC00, v30;
	v28 =	vor.u32 v28, v62  }
0x7a: {  	v42 =	vld [tilespmem:s6+$0x0];
	s6 =	sadd.s32 s1, s26;
	v59 =	vand.u32 $0x7F, v63;
	v52 =	vand.u32 $0x7F, v48;
	v30 =	vor.u32 v41, v30  }
0x7b: {  	v45 =	vld [tilespmem:s6+$0x0];
	v34 =	vand.u32 $0xFFFFFC00, v34;
	v51 =	vand.u32 $0x7F, v29;
	v24 =	vand.u32 $0xFFFFFC00, v24  }
0x7c: {  	v29 =	vshll.u32 v29, $0x3;
	v37 =	vand.u32 $0xFFFFFC00, v57;
	v24 =	vor.u32 v33, v24;
	v25 =	vld.idx.msk [tilespmem:v25+s3+$0x0], $0xffff  }
0x7d: {  	v31 =	vand.u32 $0xFFFFFC00, v31;
	v40 =	vshll.u32 v63, $0x3;
	v26 =	vor.u32 v26, v34;
	v27 =	vld.idx.msk [tilespmem:v27+s3+$0x0], $0xffff  }
0x7e: {  	v63 =	vshll.u32 v46, $0x3;
	v29 =	vand.u32 $0xFFFFFC00, v29;
	v31 =	vor.u32 v43, v31;
	v28 =	vld.idx.msk [tilespmem:v28+s3+$0x0], $0xffff  }
0x7f: {  	v34 =	vshll.u32 v61, $0x3;
	v36 =	vand.u32 $0xFFFFFC00, v54;
	v29 =	vor.u32 v51, v29;
	v49 =	vld.idx.msk [tilespmem:v30+s28+$0x0], $0xffff  }
0x80: {  	v40 =	vand.u32 $0xFFFFFC00, v40;
	v55 =	vand.u32 $0xFFFFFC00, v34;
	v34 =	vor.u32 v56, v37;
	v30 =	vld.idx.msk [tilespmem:v30+s3+$0x0], $0xffff  }
0x81: {  	v61 =	vand.u32 $0x7F, v46;
	v36 =	vor.u32 v44, v36;
	v40 =	vor.u32 v59, v40;
	v24 =	vld.idx.msk [tilespmem:v24+s3+$0x0], $0xffff  }
0x82: {  	v51 =	vshll.u32 v48, $0x3;
	v33 =	vor.u32 v53, v55;
	v47 =	vshll.u32 v45, $0x3;
	v26 =	vld.idx.msk [tilespmem:v26+s3+$0x0], $0xffff  }
0x83: {  	v45 =	vand.u32 $0x7F, v45;
	v41 =	vand.u32 $0xFFFFFC00, v51;
	v47 =	vand.u32 $0xFFFFFC00, v47;
	v31 =	vld.idx.msk [tilespmem:v31+s3+$0x0], $0xffff  }
0x84: {  	v41 =	vor.u32 v52, v41;
	v60 =	vor.u32 v45, v47;
	v45 =	vand.u32 $0xFFFFFC00, v63;
	v29 =	vld.idx.msk [tilespmem:v29+s3+$0x0], $0xffff  }
0x85: {  	v62 =	vand.u32 $0x7F, v42;
	v42 =	vshll.u32 v42, $0x3;
	v44 =	vor.u32 v61, v45;
	v34 =	vld.idx.msk [tilespmem:v34+s3+$0x0], $0xffff  }
0x86: {  	v50 =	vand.u32 $0x7F, v58;
	v38 =	vshll.u32 v58, $0x3;
	v42 =	vand.u32 $0xFFFFFC00, v42;
	v36 =	vld.idx.msk [tilespmem:v36+s3+$0x0], $0xffff  }
0x87: {  	v54 =	vshll.u32 v32, $0x3;
	v38 =	vand.u32 $0xFFFFFC00, v38;
	v42 =	vor.u32 v62, v42;
	v56 =	vld.idx.msk [tilespmem:v40+s3+$0x0], $0xffff  }
0x88: {  	v53 =	vshll.u32 v39, $0x3;
	v38 =	vor.u32 v50, v38;
	v39 =	vand.u32 $0x7F, v39;
	v33 =	vld.idx.msk [tilespmem:v33+s3+$0x0], $0xffff  }
0x89: {  	v55 =	vshll.u32 v35, $0x3;
	v35 =	vand.u32 $0x7F, v35;
	v45 =	vand.u32 $0xFFFFFC00, v53;
	v41 =	vld.idx.msk [tilespmem:v41+s3+$0x0], $0xffff  }
0x8a: {  	v39 =	vor.u32 v39, v45;
	v45 =	vand.u32 $0xFFFFFC00, v55;
	v44 =	vld.idx.msk [tilespmem:v44+s3+$0x0], $0xffff;
	v27 =	vadd.f32 $0.0e+00, v27  }
0x8b: {  	v32 =	vand.u32 $0x7F, v32;
	v43 =	vand.u32 $0xFFFFFC00, v54;
	v35 =	vor.u32 v35, v45;
	v37 =	vld.idx.msk [tilespmem:v60+s3+$0x0], $0xffff  }
0x8c: {  	v32 =	vor.u32 v32, v43;
	v58 =	vld.idx.msk [tilespmem:v42+s3+$0x0], $0xffff;
	v24 =	vadd.f32 $0.0e+00, v24;
	v27 =	vadd.f32 v34, v27  }
0x8d: {  	v57 =	vld.idx.msk [tilespmem:v38+s3+$0x0], $0xffff;
	v29 =	vadd.f32 $0.0e+00, v29  }
0x8e: {  	v60 =	vld.idx.msk [tilespmem:v40+s28+$0x0], $0xffff;
	v24 =	vadd.f32 v33, v24;
	v27 =	vadd.f32 v36, v27  }
0x8f: {  	v31 =	vadd.f32 $0.0e+00, v31;
	v59 =	vld.idx.msk [tilespmem:v39+s3+$0x0], $0xffff;
	v29 =	vadd.f32 v44, v29  }
0x90: {  	v61 =	vadd.f32 $0.0e+00, v56;
	v62 =	vld.idx.msk [tilespmem:v35+s3+$0x0], $0xffff;
	v24 =	vadd.f32 v37, v24;
	v27 =	vmul.f32 v27, v41  }
0x91: {  	v31 =	vadd.f32 v58, v31;
	v26 =	vadd.f32 v26, v29;
	v29 =	vld.idx.msk [tilespmem:v32+s3+$0x0], $0xffff  }
0x92: {  	v63 =	vld.idx.msk [tilespmem:v39+s28+$0x0], $0xffff;
	v30 =	vadd.f32 v30, v61;
	v24 =	vmul.f32 v24, v57;
	v27 =	vadd.f32 $0.0e+00, v27  }
0x93: {  	v20 =	vld.idx.msk [tilespmem:v5+s18+$0x0], $0xffff;
	v33 =	vmul.f32 v60, v21;
	v25 =	vadd.f32 v25, v31  }
0x94: {  	s31 =	simm.s32 $0x0;
	v26 =	vmul.f32 v26, v28;
	v28 =	vadd.f32 v59, v30;
	v30 =	vld.idx.msk [tilespmem:v35+s28+$0x0], $0xffff;
	v27 =	vadd.f32 v24, v27  }
0x95: {  	v15 =	vld.idx.msk [tilespmem:v1+s18+$0x0], $0xffff;
	s22 =	sor.u32 s1, s31;
	v31 =	vmul.f32 v49, v22;
	v33 =	vadd.f32 $0.0e+00, v33  }
0x96: {  	v24 =	vld [tilespmem:s22+$0x2000];
	v28 =	vadd.f32 v62, v28;
	v26 =	vadd.f32 v26, v27;
	v25 =	vmul.f32 v25, v29  }
0x97: {  	v29 =	vmul.f32 v63, v19  }
0x98: {  	v13 =	vld.idx.msk [tilespmem:v6+s18+$0x0], $0xffff;
	v27 =	vmul.f32 v28, v16;
	v28 =	vadd.f32 v31, v33;
	v25 =	vadd.f32 v25, v26  }
0x99: {  	v26 =	vmul.f32 v30, v20;
	v30 =	vld [tilespmem:s22+$0x800]  }
0x9a: {  	v28 =	vadd.f32 v29, v28;
	v27 =	vadd.f32 v27, v14;
	v25 =	vmul.f32 v25, v15  }
0x9b: {  	v29 =	vadd.f32 v24, v24  }
0x9c: {  	v18 =	vld.idx.msk [tilespmem:v7+s18+$0x0], $0xffff;
	v28 =	vadd.f32 v26, v28;
	v31 =	vsub.f32 v27, v25  }
0x9d: {  	v23 =	vimm.f32 $0.0e+00;
	v11 =	vld.idx.msk [tilespmem:v8+s18+$0x0], $0xffff;
	v17 =	vadd.f32 v13, v13  }
0x9e: {  	s24 =	simm.s32 $0x1;
	s25 =	simm.s32 $0x0;
	v26 =	vld [tilespmem:s22+$0x1000];
	v25 =	vsub.f32 $1.000000000e+00, v29;
	v27 =	vmul.f32 $4.000000000e+00, v28;
	v28 =	vmul.f32 v31, v30  }
.LBB2_2:
0x9f: {  	_ =	sdelay $0x3  }
0xa0: {  	v27 =	vsub.f32 v27, v17;
	v26 =	vadd.f32 v28, v26;
	_ =	sdelay $0x1  }
0xa1: {  	v26 =	vadd.f32 v26, v27  }
0xa2: {  	v24 =	vadd.f32 $-5.000000000e-01, v24  }
0xa3: {  	v27 =	vadd.f32 v27, v17;
	v26 =	vsub.f32 $0.0e+00, v26  }
0xa4: {  	v25 =	vmul.f32 v25, v13  }
0xa5: {  	v24 =	vmul.f32 v24, v27;
	v26 =	vmul.f32 v26, v18;
	_ =	sdelay $0x1  }
0xa6: {  	v24 =	vadd.f32 v25, v24;
	v25 =	vmul.f32 $1.442695020e+00, v26;
	_ =	sdelay $0x1  }
0xa7: {  	v28 =	vld [tilespmem:s22+$0x1800];
	(erf) = vpow2.f32 v25;
	_ =	sdelay $0x4  }
0xa8: {  	s8 =	rddreg [dreg:$0x12];
	v24 =	vmul.f32 v24, v28  }
0xa9: {  	s9 =	rddreg [dreg:$0x11]  }
0xaa: {  	s10 =	rddreg [dreg:$0xf]  }
0xab: {  	s26 =	rddreg [dreg:$0x10]  }
0xac: {  	s31 =	rddreg [dreg:$0xe];
	v23 =	vadd.f32 v24, v23;
	v24 =	vpop (erf)  }
0xad: {  	s11 =	rddreg [dreg:$0xc];
	v24 =	vadd.f32 $1.000000000e+00, v24  }
0xae: {  	s5 =	rddreg [dreg:$0xd]  }
0xaf: {  	s4 =	rddreg [dreg:$0xa];
	(erf) = vrcp.f32 v24  }
0xb0: {  	s1 =	smov.u32 s24;
	s6 =	rddreg [dreg:$0x8]  }
0xb1: {  	s13 =	rddreg [dreg:$0xb];
	s12 =	sshrl.u32 s1, $0x3  }
0xb2: {  	s25 =	sadd.s32 $0x10, s25;
	s16 =	rddreg [dreg:$0x9];
	s15 =	sshll.u32 s12, $0x8  }
0xb3: {  	s14 =	sand.u32 $0x70, s25;
	s12 =	sshll.u32 s12, $0xA;
	s19 =	sor.u32 s21, s15  }
0xb4: {  	s6 =	sadd.s32 s6, s15;
	s7 =	sadd.s32 s4, s15;
	s16 =	sadd.s32 s16, s15  }
0xb5: {  	s13 =	sadd.s32 s15, s13;
	s11 =	sadd.s32 s15, s11;
	s10 =	sadd.s32 s15, s10  }
0xb6: {  	s9 =	sadd.s32 s15, s9;
	s12 =	sor.u32 s14, s12;
	s1 =	sor.u32 s14, s19  }
0xb7: {  	s4 =	sor.u32 s14, s6;
	s7 =	sor.u32 s14, s7;
	s19 =	sadd.s32 s15, s5  }
0xb8: {  	s6 =	sor.u32 s14, s16;
	s5 =	sadd.s32 s14, s13;
	s16 =	sadd.s32 s15, s31;
	v26 =	vpop (erf)  }
0xb9: {  	s13 =	sadd.s32 s14, s19;
	s19 =	sadd.s32 s15, s26;
	s15 =	sadd.s32 s15, s8;
	v24 =	vld [tilespmem:s12+$0x2000];
	[tilespmem:s22+$0x16D80] =	vst v26  }
0xba: {  	s31 =	sadd.s32 s14, s11;
	s11 =	sadd.s32 s14, s19;
	s19 =	sadd.s32 s14, s15;
	v26 =	vld [tilespmem:s7+$0xA980]  }
0xbb: {  	s10 =	sadd.s32 s14, s10;
	v27 =	vld [tilespmem:s19+$0x0]  }
0xbc: {  	v28 =	vld [tilespmem:s10+$0x0]  }
0xbd: {  	v29 =	vld [tilespmem:s1+$0xA980]  }
0xbe: {  	v30 =	vld [tilespmem:s6+$0x6980]  }
0xbf: {  	v31 =	vld [tilespmem:s13+$0x0]  }
0xc0: {  	v32 =	vld [tilespmem:s4+$0x2980]  }
0xc1: {  	v35 =	vld [tilespmem:s11+$0x0]  }
0xc2: {  	v37 =	vld [tilespmem:s7+$0x6980]  }
0xc3: {  	v56 =	vld [tilespmem:s6+$0xA980];
	v33 =	vand.u32 $0x7F, v26;
	v34 =	vand.u32 $0x7F, v28  }
0xc4: {  	v42 =	vld [tilespmem:s6+$0x2980];
	v28 =	vshll.u32 v28, $0x3;
	v36 =	vand.u32 $0x7F, v29;
	v38 =	vand.u32 $0x7F, v27  }
0xc5: {  	v44 =	vld [tilespmem:s5+$0x0];
	v29 =	vshll.u32 v29, $0x3;
	v27 =	vshll.u32 v27, $0x3;
	v40 =	vshll.u32 v30, $0x3  }
0xc6: {  	v41 =	vand.u32 $0x7F, v32;
	v43 =	vand.u32 $0x7F, v31;
	v30 =	vand.u32 $0x7F, v30  }
0xc7: {  	v57 =	vld [tilespmem:s4+$0xA980];
	v45 =	vand.u32 $0x7F, v35;
	v26 =	vshll.u32 v26, $0x3;
	v46 =	vshll.u32 v37, $0x3  }
0xc8: {  	v49 =	vld [tilespmem:s31+$0x0];
	v32 =	vshll.u32 v32, $0x3;
	v58 =	vand.u32 $0x7F, v56;
	v35 =	vshll.u32 v35, $0x3  }
0xc9: {  	s26 =	sadd.s32 s14, s16;
	s16 =	sadd.s32 s14, s9;
	v39 =	vld [tilespmem:s7+$0x2980];
	v48 =	vand.u32 $0x7F, v42;
	v31 =	vshll.u32 v31, $0x3;
	v27 =	vand.u32 $0xFFFFFC00, v27  }
0xca: {  	v47 =	vld [tilespmem:s16+$0x0];
	v50 =	vand.u32 $0x7F, v44;
	v29 =	vand.u32 $0xFFFFFC00, v29;
	v27 =	vor.u32 v38, v27  }
0xcb: {  	v51 =	vld [tilespmem:s26+$0x0];
	v59 =	vshll.u32 v44, $0x3;
	v40 =	vand.u32 $0xFFFFFC00, v40;
	v29 =	vor.u32 v36, v29  }
0xcc: {  	v52 =	vld [tilespmem:s1+$0x6980];
	v61 =	vand.u32 $0x7F, v57;
	v32 =	vand.u32 $0xFFFFFC00, v32;
	v30 =	vor.u32 v30, v40  }
0xcd: {  	v44 =	vld [tilespmem:s4+$0x6980];
	v63 =	vshll.u32 v49, $0x3;
	v49 =	vand.u32 $0x7F, v49;
	v32 =	vor.u32 v41, v32  }
0xce: {  	v28 =	vand.u32 $0xFFFFFC00, v28;
	v26 =	vand.u32 $0xFFFFFC00, v26;
	v31 =	vand.u32 $0xFFFFFC00, v31;
	v38 =	vld [tilespmem:s1+$0x2980]  }
0xcf: {  	v60 =	vand.u32 $0xFFFFFC00, v59;
	v35 =	vand.u32 $0xFFFFFC00, v35;
	v26 =	vor.u32 v33, v26;
	v27 =	vld.idx.msk [tilespmem:v27+s3+$0x0], $0xffff  }
0xd0: {  	v28 =	vor.u32 v34, v28;
	v36 =	vand.u32 $0x7F, v37;
	v31 =	vor.u32 v43, v31;
	v29 =	vld.idx.msk [tilespmem:v29+s3+$0x0], $0xffff  }
0xd1: {  	v34 =	vshll.u32 v56, $0x3;
	v37 =	vshll.u32 v57, $0x3;
	v33 =	vor.u32 v50, v60;
	v30 =	vld.idx.msk [tilespmem:v30+s3+$0x0], $0xffff  }
0xd2: {  	v50 =	vand.u32 $0xFFFFFC00, v63;
	v57 =	vand.u32 $0x7F, v51;
	v35 =	vor.u32 v45, v35;
	v53 =	vld.idx.msk [tilespmem:v32+s28+$0x0], $0xffff  }
0xd3: {  	v60 =	vshll.u32 v51, $0x3;
	v63 =	vand.u32 $0x7F, v52;
	v34 =	vand.u32 $0xFFFFFC00, v34;
	v32 =	vld.idx.msk [tilespmem:v32+s3+$0x0], $0xffff  }
0xd4: {  	v37 =	vand.u32 $0xFFFFFC00, v37;
	v56 =	vor.u32 v49, v50;
	v34 =	vor.u32 v58, v34;
	v26 =	vld.idx.msk [tilespmem:v26+s3+$0x0], $0xffff  }
0xd5: {  	v37 =	vor.u32 v61, v37;
	v62 =	vand.u32 $0x7F, v38;
	v38 =	vshll.u32 v38, $0x3;
	v28 =	vld.idx.msk [tilespmem:v28+s3+$0x0], $0xffff  }
0xd6: {  	v58 =	vand.u32 $0x7F, v47;
	v61 =	vand.u32 $0xFFFFFC00, v60;
	v31 =	vld.idx.msk [tilespmem:v31+s3+$0x0], $0xffff;
	v38 =	vand.u32 $0xFFFFFC00, v38  }
0xd7: {  	v43 =	vor.u32 v57, v61;
	v33 =	vld.idx.msk [tilespmem:v33+s3+$0x0], $0xffff;
	v38 =	vor.u32 v62, v38;
	v62 =	vshll.u32 v52, $0x3  }
0xd8: {  	v59 =	vand.u32 $0x7F, v44;
	v44 =	vshll.u32 v44, $0x3;
	v35 =	vld.idx.msk [tilespmem:v35+s3+$0x0], $0xffff;
	v50 =	vand.u32 $0xFFFFFC00, v62  }
0xd9: {  	v47 =	vshll.u32 v47, $0x3;
	v44 =	vand.u32 $0xFFFFFC00, v44;
	v40 =	vld.idx.msk [tilespmem:v56+s3+$0x0], $0xffff;
	v49 =	vor.u32 v63, v50  }
0xda: {  	v42 =	vshll.u32 v42, $0x3;
	v47 =	vand.u32 $0xFFFFFC00, v47;
	v44 =	vor.u32 v59, v44;
	v37 =	vld.idx.msk [tilespmem:v37+s3+$0x0], $0xffff  }
0xdb: {  	v42 =	vand.u32 $0xFFFFFC00, v42;
	v41 =	vor.u32 v58, v47;
	v34 =	vld.idx.msk [tilespmem:v34+s3+$0x0], $0xffff  }
0xdc: {  	v42 =	vor.u32 v48, v42;
	v52 =	vshll.u32 v39, $0x3;
	v43 =	vld.idx.msk [tilespmem:v43+s3+$0x0], $0xffff  }
0xdd: {  	v39 =	vand.u32 $0x7F, v39;
	v45 =	vand.u32 $0xFFFFFC00, v52;
	v29 =	vadd.f32 $0.0e+00, v29;
	v54 =	vld.idx.msk [tilespmem:v38+s3+$0x0], $0xffff  }
0xde: {  	v46 =	vand.u32 $0xFFFFFC00, v46;
	v39 =	vor.u32 v39, v45;
	v26 =	vadd.f32 $0.0e+00, v26;
	v56 =	vld.idx.msk [tilespmem:v49+s3+$0x0], $0xffff  }
0xdf: {  	v36 =	vor.u32 v36, v46;
	v31 =	vadd.f32 $0.0e+00, v31;
	v57 =	vld.idx.msk [tilespmem:v44+s3+$0x0], $0xffff;
	v29 =	vadd.f32 v37, v29  }
0xe0: {  	v41 =	vld.idx.msk [tilespmem:v41+s3+$0x0], $0xffff;
	v26 =	vadd.f32 v33, v26  }
0xe1: {  	v58 =	vld.idx.msk [tilespmem:v42+s3+$0x0], $0xffff;
	v31 =	vadd.f32 v43, v31;
	v29 =	vadd.f32 v34, v29  }
0xe2: {  	v59 =	vld.idx.msk [tilespmem:v38+s28+$0x0], $0xffff;
	v26 =	vadd.f32 v40, v26;
	v60 =	vadd.f32 $0.0e+00, v54  }
0xe3: {  	v35 =	vadd.f32 $0.0e+00, v35;
	v61 =	vld.idx.msk [tilespmem:v39+s3+$0x0], $0xffff;
	v28 =	vadd.f32 v28, v31;
	v29 =	vmul.f32 v29, v56  }
0xe4: {  	v31 =	vld.idx.msk [tilespmem:v36+s3+$0x0], $0xffff;
	v26 =	vmul.f32 v26, v57;
	v32 =	vadd.f32 v32, v60  }
0xe5: {  	v28 =	vmul.f32 v28, v30;
	v30 =	vadd.f32 v41, v35;
	v29 =	vadd.f32 $0.0e+00, v29  }
0xe6: {  	v62 =	vld.idx.msk [tilespmem:v42+s28+$0x0], $0xffff;
	v32 =	vadd.f32 v58, v32  }
0xe7: {  	v63 =	vld.idx.msk [tilespmem:v39+s28+$0x0], $0xffff;
	v33 =	vmul.f32 v59, v21;
	v27 =	vadd.f32 v27, v30;
	v26 =	vadd.f32 v26, v29  }
0xe8: {  	v55 =	vmul.f32 v53, v22;
	v29 =	vadd.f32 v61, v32  }
0xe9: {  	v30 =	vadd.f32 $0.0e+00, v33;
	v27 =	vmul.f32 v27, v31;
	v26 =	vadd.f32 v28, v26  }
0xea: {  	v28 =	vmul.f32 v29, v16  }
0xeb: {  	s22 =	smov.u32 s12;
	v29 =	vadd.f32 v55, v30;
	v30 =	vmul.f32 v62, v19;
	v26 =	vadd.f32 v27, v26  }
0xec: {  	p0 =	seq.s32 s24, $0xF;
	v31 =	vld [tilespmem:s22+$0x800];
	v27 =	vmul.f32 v63, v20  }
.Ltmp0:
0xed: {  	v29 =	vadd.f32 v30, v29;
	v28 =	vadd.f32 v28, v14;
	v30 =	vmul.f32 v26, v15;
	(pc) =	sbr.rel @!p0 .LBB2_2-.Ltmp0, $3  }
0xee: {  	v25 =	vadd.f32 v24, v24  }
0xef: {  	v27 =	vadd.f32 v27, v29;
	v28 =	vsub.f32 v28, v30;
	_ =	sdelay $0x1  }
0xf0: {  	s24 =	sadd.s32 $0x1, s24;
	v25 =	vsub.f32 $1.000000000e+00, v25;
	v26 =	vld [tilespmem:s22+$0x1000];
	v27 =	vmul.f32 $4.000000000e+00, v27;
	v28 =	vmul.f32 v28, v31  }
0xf1: {  	_ =	sdelay $0x3  }
0xf2: {  	v27 =	vsub.f32 v27, v17;
	v26 =	vadd.f32 v28, v26;
	_ =	sdelay $0x1  }
0xf3: {  	v26 =	vadd.f32 v26, v27;
	_ =	sdelay $0x1  }
0xf4: {  	v26 =	vsub.f32 $0.0e+00, v26;
	_ =	sdelay $0x1  }
0xf5: {  	v26 =	vmul.f32 v26, v18;
	_ =	sdelay $0x1  }
0xf6: {  	v26 =	vmul.f32 $1.442695020e+00, v26;
	_ =	sdelay $0x1  }
0xf7: {  	(erf) = vpow2.f32 v26;
	_ =	sdelay $0x4  }
0xf8: {  	s17 =	sadd.s32 s20, s17  }
0xf9: {  	s1 =	sadd.s32 $0x800, s17  }
0xfa: {  	s13 =	sadd.s32 $0xA00, s17;
	[dreg:$0x13] =	wrdreg s1  }
0xfb: {  	s14 =	sadd.s32 $0xC00, s17;
	[dreg:$0x14] =	wrdreg s13  }
0xfc: {  	s15 =	sadd.s32 $0xE00, s17;
	[dreg:$0x15] =	wrdreg s14;
	v26 =	vpop (erf)  }
0xfd: {  	s16 =	sadd.s32 $0xC180, s17;
	[dreg:$0x16] =	wrdreg s15;
	v26 =	vadd.f32 $1.000000000e+00, v26  }
0xfe: {  	s19 =	sadd.s32 $0xC380, s17;
	[dreg:$0x17] =	wrdreg s16  }
0xff: {  	s20 =	sadd.s32 $0xC580, s17;
	[dreg:$0x18] =	wrdreg s19;
	(erf) = vrcp.f32 v26  }
0x100: {  	s24 =	sadd.s32 $0xCB80, s17;
	[dreg:$0x19] =	wrdreg s20  }
0x101: {  	s25 =	sadd.s32 $0xCD80, s17;
	[dreg:$0x1c] =	wrdreg s24  }
0x102: {  	v24 =	vadd.f32 $-5.000000000e-01, v24;
	s4 =	sadd.s32 $0xD180, s17;
	[dreg:$0x1d] =	wrdreg s25;
	v26 =	vadd.f32 v27, v17  }
0x103: {  	s5 =	sadd.s32 $0xD380, s17;
	[dreg:$0x1f] =	wrdreg s4;
	v27 =	vld [tilespmem:s22+$0x1800]  }
0x104: {  	v25 =	vmul.f32 v25, v13;
	s6 =	sadd.s32 $0xD580, s17;
	[smem:$0x7ED] =	sst s5;
	v24 =	vmul.f32 v24, v26  }
0x105: {  	[smem:$0x7EE] =	sst s6  }
0x106: {  	s8 =	rddreg [dreg:$0x16];
	v24 =	vadd.f32 v25, v24  }
0x107: {  	s7 =	sadd.s32 $0xD780, s17;
	s20 =	simm.s32 $0x0;
	s4 =	rddreg [dreg:$0x15]  }
0x108: {  	s31 =	sand.u32 $0x70, s20;
	s6 =	sld [smem:$0x7EE];
	s1 =	sadd.s32 $0x0, s8;
	v24 =	vmul.f32 v24, v27;
	v25 =	vpop (erf)  }
0x109: {  	s10 =	rddreg [dreg:$0x1f];
	s4 =	sadd.s32 $0x0, s4;
	s24 =	sor.u32 s31, s1;
	[tilespmem:s22+$0x16D80] =	vst v25  }
0x10a: {  	[smem:$0x7EF] =	sst s7;
	s25 =	sor.u32 s31, s4;
	s4 =	sadd.s32 $0x0, s10;
	v23 =	vadd.f32 v24, v23;
	v24 =	vld [tilespmem:s24+$0x6980]  }
0x10b: {  	s9 =	sld [smem:$0x7EF];
	s4 =	sadd.s32 s31, s4;
	s6 =	sadd.s32 $0x0, s6;
	v25 =	vld [tilespmem:s25+$0x6980]  }
0x10c: {  	s21 =	sadd.s32 $0xC780, s17;
	s5 =	rddreg [dreg:$0x14];
	s13 =	sadd.s32 s31, s6;
	v30 =	vld [tilespmem:s4+$0x0]  }
0x10d: {  	s26 =	sadd.s32 $0xCF80, s17;
	[dreg:$0x1a] =	wrdreg s21;
	s5 =	sadd.s32 $0x0, s5;
	v31 =	vld [tilespmem:s13+$0x0]  }
0x10e: {  	[dreg:$0x1e] =	wrdreg s26;
	s26 =	sor.u32 s31, s5;
	s1 =	sadd.s32 $0x0, s9  }
0x10f: {  	s11 =	rddreg [dreg:$0x13];
	s1 =	sadd.s32 s31, s1;
	v28 =	vld [tilespmem:s26+$0x6980]  }
0x110: {  	s12 =	rddreg [dreg:$0x1c];
	v27 =	vld [tilespmem:s1+$0x0];
	v26 =	vshll.u32 v24, $0x3;
	v29 =	vshll.u32 v25, $0x3  }
0x111: {  	s14 =	rddreg [dreg:$0x1e];
	v24 =	vand.u32 $0x7F, v24;
	v25 =	vand.u32 $0x7F, v25;
	v63 =	vshll.u32 v30, $0x3  }
0x112: {  	s7 =	sld [smem:$0x7ED];
	s1 =	sadd.s32 $0x0, s11;
	v33 =	vshll.u32 v31, $0x3;
	v31 =	vand.u32 $0x7F, v31;
	v26 =	vand.u32 $0xFFFFFC00, v26  }
0x113: {  	s16 =	rddreg [dreg:$0x19];
	s15 =	sadd.s32 $0x0, s12;
	s1 =	sor.u32 s31, s1;
	v29 =	vand.u32 $0xFFFFFC00, v29;
	v33 =	vand.u32 $0xFFFFFC00, v33;
	v24 =	vor.u32 v26, v24  }
0x114: {  	s10 =	rddreg [dreg:$0x1d];
	s4 =	sadd.s32 s31, s15;
	v35 =	vld [tilespmem:s1+$0x6980];
	v25 =	vor.u32 v29, v25;
	v29 =	vshll.u32 v28, $0x3;
	v24 =	vor.u32 $0x80, v24  }
0x115: {  	s19 =	sadd.s32 $0x0, s7;
	s7 =	rddreg [dreg:$0x17];
	s22 =	sadd.s32 $0xC980, s17;
	v26 =	vor.u32 $0x80, v25;
	v25 =	vshll.u32 v27, $0x3;
	v32 =	vand.u32 $0xFFFFFC00, v29;
	v29 =	vld [tilespmem:s4+$0x0]  }
0x116: {  	s9 =	sadd.s32 $0x0, s14;
	[dreg:$0x1b] =	wrdreg s22;
	s22 =	sadd.s32 s31, s19;
	v28 =	vand.u32 $0x7F, v28;
	v27 =	vand.u32 $0x7F, v27;
	v25 =	vand.u32 $0xFFFFFC00, v25  }
0x117: {  	s5 =	sadd.s32 $0x0, s16;
	s6 =	rddreg [dreg:$0x18];
	s9 =	sadd.s32 s31, s9;
	v33 =	vor.u32 v33, v31;
	v31 =	vld [tilespmem:s22+$0x0];
	v28 =	vor.u32 v32, v28;
	v25 =	vor.u32 v25, v27  }
0x118: {  	s21 =	simm.s32 $0x0;
	s11 =	sadd.s32 s31, s5;
	s8 =	rddreg [dreg:$0x1b];
	v32 =	vand.u32 $0xFFFFFC00, v63;
	v27 =	vor.u32 $0x80, v25;
	v25 =	vand.u32 $0x7F, v30;
	v30 =	vld [tilespmem:s9+$0x0]  }
0x119: {  	s5 =	rddreg [dreg:$0x1a];
	s8 =	sadd.s32 $0x0, s8;
	v34 =	vand.u32 $0x7F, v35;
	v36 =	vshll.u32 v35, $0x3;
	s22 =	simm.s32 $0x1;
	v25 =	vor.u32 v32, v25;
	v32 =	vld [tilespmem:s11+$0x0]  }
0x11a: {  	s4 =	simm.s32 $0x0;
	v28 =	vor.u32 $0x80, v28;
	s9 =	sadd.s32 s31, s8;
	s8 =	sadd.s32 $0x0, s10;
	v24 =	vld.idx.msk [tilespmem:v24+s3+$0x0], $0xffff;
	v25 =	vor.u32 $0x80, v25;
	v35 =	vshll.u32 v29, $0x3  }
.LBB2_4:
0x11b: {  	v36 =	vand.u32 $0xFFFFFC00, v36;
	s6 =	sadd.s32 s4, s6;
	v37 =	vld [tilespmem:s9+$0x0];
	v29 =	vand.u32 $0x7F, v29;
	v35 =	vand.u32 $0xFFFFFC00, v35;
	s8 =	sadd.s32 s31, s8  }
0x11c: {  	s7 =	sadd.s32 s4, s7;
	v34 =	vor.u32 v36, v34;
	s6 =	sadd.s32 s31, s6;
	v29 =	vor.u32 v35, v29;
	v53 =	vld [tilespmem:s8+$0x0]  }
0x11d: {  	v33 =	vor.u32 $0x80, v33;
	s19 =	sadd.s32 s4, s5;
	s7 =	sadd.s32 s31, s7;
	v34 =	vor.u32 $0x80, v34;
	v54 =	vld [tilespmem:s6+$0x0];
	v29 =	vor.u32 $0x80, v29  }
0x11e: {  	s4 =	sadd.s32 s31, s19;
	v39 =	vld [tilespmem:s7+$0x0];
	v38 =	vshll.u32 v30, $0x3;
	v40 =	vshll.u32 v32, $0x3;
	v30 =	vand.u32 $0x7F, v30  }
0x11f: {  	v56 =	vld [tilespmem:s4+$0x0];
	v55 =	vand.u32 $0x7F, v32;
	v57 =	vand.u32 $0x7F, v31;
	v31 =	vshll.u32 v31, $0x3  }
0x120: {  	v26 =	vld.idx.msk [tilespmem:v26+s3+$0x0], $0xffff;
	v38 =	vand.u32 $0xFFFFFC00, v38;
	v40 =	vand.u32 $0xFFFFFC00, v40;
	v41 =	vand.u32 $0x7F, v37  }
0x121: {  	v27 =	vld.idx.msk [tilespmem:v27+s3+$0x0], $0xffff;
	v37 =	vshll.u32 v37, $0x3;
	v30 =	vor.u32 v38, v30;
	v32 =	vor.u32 v40, v55  }
0x122: {  	v28 =	vld.idx.msk [tilespmem:v28+s3+$0x0], $0xffff;
	v42 =	vand.u32 $0x7F, v53;
	v35 =	vshll.u32 v53, $0x3;
	v32 =	vor.u32 $0x80, v32  }
0x123: {  	v45 =	vld [tilespmem:s1+$0x2980];
	v43 =	vshll.u32 v39, $0x3;
	v44 =	vand.u32 $0x7F, v54;
	v36 =	vshll.u32 v54, $0x3  }
0x124: {  	v59 =	vld [tilespmem:s25+$0x2980];
	v39 =	vand.u32 $0x7F, v39;
	v58 =	vshll.u32 v56, $0x3;
	v43 =	vand.u32 $0xFFFFFC00, v43  }
0x125: {  	v46 =	vld [tilespmem:s26+$0x2980];
	v38 =	vand.u32 $0x7F, v56;
	v36 =	vand.u32 $0xFFFFFC00, v36;
	v39 =	vor.u32 v43, v39  }
0x126: {  	v61 =	vld [tilespmem:s24+$0x2980];
	v36 =	vor.u32 v36, v44;
	v43 =	vand.u32 $0xFFFFFC00, v58;
	v39 =	vor.u32 $0x80, v39  }
0x127: {  	v33 =	vld.idx.msk [tilespmem:v33+s3+$0x0], $0xffff;
	v35 =	vand.u32 $0xFFFFFC00, v35;
	v36 =	vor.u32 $0x80, v36;
	v38 =	vor.u32 v43, v38  }
0x128: {  	v37 =	vand.u32 $0xFFFFFC00, v37;
	v34 =	vld.idx.msk [tilespmem:v34+s3+$0x0], $0xffff;
	v35 =	vor.u32 v35, v42;
	v38 =	vor.u32 $0x80, v38  }
0x129: {  	v31 =	vand.u32 $0xFFFFFC00, v31;
	v29 =	vld.idx.msk [tilespmem:v29+s3+$0x0], $0xffff;
	v37 =	vor.u32 v37, v41;
	v35 =	vor.u32 $0x80, v35  }
0x12a: {  	v60 =	vshll.u32 v45, $0x3;
	v31 =	vor.u32 v31, v57;
	v37 =	vor.u32 $0x80, v37;
	v32 =	vld.idx.msk [tilespmem:v32+s3+$0x0], $0xffff  }
0x12b: {  	v62 =	vand.u32 $0x7F, v45;
	v41 =	vand.u32 $0xFFFFFC00, v60;
	v31 =	vor.u32 $0x80, v31;
	v39 =	vld.idx.msk [tilespmem:v39+s3+$0x0], $0xffff  }
0x12c: {  	v63 =	vshll.u32 v46, $0x3;
	v30 =	vor.u32 $0x80, v30;
	v40 =	vor.u32 v41, v62;
	v36 =	vld.idx.msk [tilespmem:v36+s3+$0x0], $0xffff  }
0x12d: {  	v49 =	vand.u32 $0x7F, v46;
	v41 =	vand.u32 $0xFFFFFC00, v63;
	v40 =	vor.u32 $0x80, v40;
	v38 =	vld.idx.msk [tilespmem:v38+s3+$0x0], $0xffff  }
0x12e: {  	v48 =	vshll.u32 v59, $0x3;
	v41 =	vor.u32 v41, v49;
	v35 =	vld.idx.msk [tilespmem:v35+s3+$0x0], $0xffff  }
0x12f: {  	v44 =	vand.u32 $0x7F, v59;
	v43 =	vand.u32 $0xFFFFFC00, v48;
	v41 =	vor.u32 $0x80, v41;
	v37 =	vld.idx.msk [tilespmem:v37+s3+$0x0], $0xffff  }
0x130: {  	v50 =	vshll.u32 v61, $0x3;
	v43 =	vor.u32 v43, v44;
	v31 =	vld.idx.msk [tilespmem:v31+s3+$0x0], $0xffff;
	v39 =	vadd.f32 $0.0e+00, v39  }
0x131: {  	v42 =	vand.u32 $0x7F, v61;
	v44 =	vand.u32 $0xFFFFFC00, v50;
	v43 =	vor.u32 $0x80, v43;
	v30 =	vld.idx.msk [tilespmem:v30+s3+$0x0], $0xffff  }
0x132: {  	v42 =	vor.u32 v44, v42;
	v51 =	vld.idx.msk [tilespmem:v40+s3+$0x0], $0xffff;
	v38 =	vadd.f32 $0.0e+00, v38;
	v36 =	vadd.f32 v36, v39  }
0x133: {  	v25 =	vld.idx.msk [tilespmem:v25+s3+$0x0], $0xffff;
	v42 =	vor.u32 $0x80, v42;
	v35 =	vadd.f32 $0.0e+00, v35  }
0x134: {  	v52 =	vld.idx.msk [tilespmem:v41+s3+$0x0], $0xffff;
	v54 =	vadd.f32 v37, v38;
	v32 =	vadd.f32 v32, v36  }
0x135: {  	v55 =	vld.idx.msk [tilespmem:v40+s28+$0x0], $0xffff;
	v31 =	vadd.f32 $0.0e+00, v31  }
0x136: {  	v53 =	vld.idx.msk [tilespmem:v43+s3+$0x0], $0xffff;
	v30 =	vadd.f32 v30, v35;
	v29 =	vadd.f32 v29, v54;
	v32 =	vmul.f32 v32, v34  }
0x137: {  	v58 =	vld.idx.msk [tilespmem:v41+s28+$0x0], $0xffff;
	v57 =	vadd.f32 $0.0e+00, v51;
	v31 =	vadd.f32 v33, v31  }
0x138: {  	v56 =	vld.idx.msk [tilespmem:v42+s3+$0x0], $0xffff;
	v25 =	vadd.f32 v25, v30;
	v28 =	vmul.f32 v29, v28;
	v32 =	vadd.f32 $0.0e+00, v32  }
0x139: {  	v29 =	vadd.f32 v52, v57  }
0x13a: {  	v30 =	vld.idx.msk [tilespmem:v43+s28+$0x0], $0xffff;
	v25 =	vmul.f32 v25, v26;
	v26 =	vadd.f32 v27, v31;
	v28 =	vadd.f32 v28, v32  }
0x13b: {  	v59 =	vld.idx.msk [tilespmem:v42+s28+$0x0], $0xffff;
	v27 =	vmul.f32 v55, v21;
	v29 =	vadd.f32 v53, v29  }
0x13c: {  	v24 =	vmul.f32 v26, v24;
	v25 =	vadd.f32 v25, v28  }
0x13d: {  	s24 =	sshll.u32 s21, $0xA;
	v26 =	vadd.f32 $0.0e+00, v27;
	v27 =	vmul.f32 v58, v22;
	v28 =	vadd.f32 v56, v29  }
0x13e: {  	s1 =	sadd.s32 s24, s20;
	v24 =	vadd.f32 v24, v25  }
0x13f: {  	s1 =	sor.u32 $0x80, s1;
	v25 =	vadd.f32 v27, v26;
	v26 =	vmul.f32 v30, v19;
	v27 =	vmul.f32 v28, v16  }
0x140: {  	v29 =	vld [tilespmem:s1+$0x800];
	v28 =	vmul.f32 v59, v20  }
0x141: {  	v25 =	vadd.f32 v26, v25;
	v27 =	vadd.f32 v27, v14;
	v24 =	vmul.f32 v24, v15  }
0x142: {  	v30 =	vld [tilespmem:s1+$0x1000]  }
0x143: {  	v25 =	vadd.f32 v28, v25;
	v24 =	vsub.f32 v27, v24;
	_ =	sdelay $0x1  }
0x144: {  	v25 =	vmul.f32 $4.000000000e+00, v25;
	v24 =	vmul.f32 v24, v29;
	_ =	sdelay $0x1  }
0x145: {  	v25 =	vsub.f32 v25, v17;
	v24 =	vadd.f32 v24, v30;
	_ =	sdelay $0x1  }
0x146: {  	v24 =	vadd.f32 v24, v25;
	_ =	sdelay $0x1  }
0x147: {  	v24 =	vsub.f32 $0.0e+00, v24;
	_ =	sdelay $0x1  }
0x148: {  	v24 =	vmul.f32 v24, v18;
	_ =	sdelay $0x1  }
0x149: {  	v24 =	vmul.f32 $1.442695020e+00, v24;
	_ =	sdelay $0x1  }
0x14a: {  	(erf) = vpow2.f32 v24;
	_ =	sdelay $0x8  }
0x14b: {  	v26 =	vld [tilespmem:s1+$0x2000];
	v24 =	vpop (erf)  }
0x14c: {  	v24 =	vadd.f32 $1.000000000e+00, v24;
	_ =	sdelay $0x1  }
0x14d: {  	(erf) = vrcp.f32 v24;
	_ =	sdelay $0x1  }
0x14e: {  	v27 =	vadd.f32 v26, v26  }
0x14f: {  	v26 =	vadd.f32 $-5.000000000e-01, v26  }
0x150: {  	v27 =	vsub.f32 $1.000000000e+00, v27;
	v25 =	vadd.f32 v25, v17  }
0x151: {  	v28 =	vld [tilespmem:s1+$0x1800]  }
0x152: {  	s25 =	rddreg [dreg:$0x16];
	v27 =	vmul.f32 v27, v13;
	v25 =	vmul.f32 v26, v25  }
0x153: {  	s21 =	sshrl.u32 s22, $0x3;
	s10 =	sld [smem:$0x7EE]  }
0x154: {  	s20 =	sadd.s32 $0x10, s20;
	s4 =	sshll.u32 s21, $0x8;
	s7 =	sld [smem:$0x7EF];
	v25 =	vadd.f32 v27, v25  }
0x155: {  	s26 =	rddreg [dreg:$0x15];
	s31 =	sand.u32 $0x70, s20;
	s5 =	sadd.s32 s25, s4;
	v24 =	vpop (erf)  }
0x156: {  	s6 =	sadd.s32 s26, s4;
	s24 =	sor.u32 s31, s5;
	v25 =	vmul.f32 v25, v28;
	[tilespmem:s1+$0x16D80] =	vst v24  }
0x157: {  	s25 =	sor.u32 s31, s6;
	s5 =	sadd.s32 s4, s7;
	s7 =	sadd.s32 s4, s10;
	v24 =	vld [tilespmem:s24+$0x6980]  }
0x158: {  	s9 =	rddreg [dreg:$0x1f];
	s14 =	sadd.s32 s31, s7;
	v23 =	vadd.f32 v25, v23;
	v25 =	vld [tilespmem:s25+$0x6980]  }
0x159: {  	s8 =	rddreg [dreg:$0x14];
	s12 =	sadd.s32 s4, s9;
	s5 =	sadd.s32 s31, s5;
	v31 =	vld [tilespmem:s14+$0x0]  }
0x15a: {  	s1 =	sadd.s32 s8, s4;
	v27 =	vld [tilespmem:s5+$0x0];
	s5 =	sadd.s32 s31, s12  }
0x15b: {  	s26 =	sor.u32 s31, s1;
	v30 =	vld [tilespmem:s5+$0x0]  }
0x15c: {  	v28 =	vld [tilespmem:s26+$0x6980]  }
0x15d: {  	s11 =	rddreg [dreg:$0x13];
	v26 =	vshll.u32 v24, $0x3;
	v29 =	vshll.u32 v25, $0x3  }
0x15e: {  	s13 =	rddreg [dreg:$0x1c];
	s1 =	sadd.s32 s11, s4;
	v24 =	vand.u32 $0x7F, v24;
	v25 =	vand.u32 $0x7F, v25;
	v63 =	vshll.u32 v31, $0x3  }
0x15f: {  	s19 =	sld [smem:$0x7ED];
	s1 =	sor.u32 s31, s1;
	v31 =	vand.u32 $0x7F, v31;
	v26 =	vand.u32 $0xFFFFFC00, v26;
	v29 =	vand.u32 $0xFFFFFC00, v29  }
0x160: {  	s16 =	sadd.s32 s4, s13;
	v60 =	vld [tilespmem:s1+$0x6980];
	v62 =	vshll.u32 v30, $0x3;
	v33 =	vand.u32 $0xFFFFFC00, v63;
	v24 =	vor.u32 v26, v24  }
0x161: {  	p0 =	seq.s32 s22, $0xF;
	s15 =	rddreg [dreg:$0x1e];
	s5 =	sadd.s32 s31, s16;
	v25 =	vor.u32 v29, v25;
	v29 =	vshll.u32 v28, $0x3;
	v24 =	vor.u32 $0x80, v24  }
0x162: {  	s13 =	sadd.s32 s4, s15;
	s6 =	rddreg [dreg:$0x18];
	s8 =	sadd.s32 s4, s19;
	v26 =	vor.u32 $0x80, v25;
	v25 =	vshll.u32 v27, $0x3;
	v61 =	vand.u32 $0xFFFFFC00, v29;
	v29 =	vld [tilespmem:s5+$0x0]  }
.Ltmp1:
0x163: {  	s12 =	rddreg [dreg:$0x19];
	s19 =	sadd.s32 s31, s8;
	v28 =	vand.u32 $0x7F, v28;
	v27 =	vand.u32 $0x7F, v27;
	v25 =	vand.u32 $0xFFFFFC00, v25;
	(pc) =	sbr.rel @!p0 .LBB2_4-.Ltmp1, $4  }
0x164: {  	s15 =	sadd.s32 s31, s13;
	s10 =	rddreg [dreg:$0x1b];
	s14 =	sadd.s32 s4, s12;
	v32 =	vand.u32 $0xFFFFFC00, v62;
	v33 =	vor.u32 v33, v31;
	v31 =	vld [tilespmem:s19+$0x0];
	v25 =	vor.u32 v25, v27  }
0x165: {  	s7 =	rddreg [dreg:$0x17];
	s12 =	sadd.s32 s31, s14;
	v34 =	vand.u32 $0x7F, v60;
	v27 =	vor.u32 $0x80, v25;
	v25 =	vand.u32 $0x7F, v30;
	v30 =	vld [tilespmem:s15+$0x0]  }
0x166: {  	s22 =	sadd.s32 $0x1, s22;
	s11 =	rddreg [dreg:$0x1d];
	s16 =	sadd.s32 s4, s10;
	v36 =	vshll.u32 v60, $0x3;
	v28 =	vor.u32 v61, v28;
	v25 =	vor.u32 v32, v25;
	v32 =	vld [tilespmem:s12+$0x0]  }
0x167: {  	s8 =	sadd.s32 s4, s11;
	s9 =	sadd.s32 s31, s16;
	s5 =	rddreg [dreg:$0x1a];
	v28 =	vor.u32 $0x80, v28;
	v24 =	vld.idx.msk [tilespmem:v24+s3+$0x0], $0xffff;
	v25 =	vor.u32 $0x80, v25;
	v35 =	vshll.u32 v29, $0x3  }
0x168: {  	v36 =	vand.u32 $0xFFFFFC00, v36;
	s6 =	sadd.s32 s4, s6;
	v37 =	vld [tilespmem:s9+$0x0];
	v29 =	vand.u32 $0x7F, v29;
	s8 =	sadd.s32 s31, s8  }
0x169: {  	v35 =	vand.u32 $0xFFFFFC00, v35;
	s7 =	sadd.s32 s4, s7;
	v33 =	vor.u32 $0x80, v33;
	v34 =	vor.u32 v36, v34;
	s6 =	sadd.s32 s31, s6;
	v55 =	vld [tilespmem:s8+$0x0]  }
0x16a: {  	s19 =	sadd.s32 s4, s5;
	v29 =	vor.u32 v35, v29;
	s7 =	sadd.s32 s31, s7;
	v59 =	vand.u32 $0x7F, v31;
	v31 =	vshll.u32 v31, $0x3;
	v56 =	vld [tilespmem:s6+$0x0]  }
0x16b: {  	s4 =	sadd.s32 s31, s19;
	v34 =	vor.u32 $0x80, v34;
	v38 =	vshll.u32 v30, $0x3;
	v39 =	vld [tilespmem:s7+$0x0];
	v30 =	vand.u32 $0x7F, v30  }
0x16c: {  	v29 =	vor.u32 $0x80, v29;
	v58 =	vld [tilespmem:s4+$0x0];
	v40 =	vshll.u32 v32, $0x3;
	v38 =	vand.u32 $0xFFFFFC00, v38  }
0x16d: {  	v26 =	vld.idx.msk [tilespmem:v26+s3+$0x0], $0xffff;
	v57 =	vand.u32 $0x7F, v32;
	v40 =	vand.u32 $0xFFFFFC00, v40;
	v30 =	vor.u32 v38, v30  }
0x16e: {  	v27 =	vld.idx.msk [tilespmem:v27+s3+$0x0], $0xffff;
	v32 =	vor.u32 v40, v57;
	v41 =	vand.u32 $0x7F, v37;
	v37 =	vshll.u32 v37, $0x3  }
0x16f: {  	v28 =	vld.idx.msk [tilespmem:v28+s3+$0x0], $0xffff;
	v32 =	vor.u32 $0x80, v32;
	v42 =	vand.u32 $0x7F, v55;
	v35 =	vshll.u32 v55, $0x3  }
0x170: {  	v45 =	vld [tilespmem:s1+$0x2980];
	v43 =	vshll.u32 v39, $0x3;
	v44 =	vand.u32 $0x7F, v56;
	v36 =	vshll.u32 v56, $0x3  }
0x171: {  	v61 =	vld [tilespmem:s26+$0x2980];
	v39 =	vand.u32 $0x7F, v39;
	v60 =	vshll.u32 v58, $0x3;
	v43 =	vand.u32 $0xFFFFFC00, v43  }
0x172: {  	v46 =	vld [tilespmem:s25+$0x2980];
	v38 =	vand.u32 $0x7F, v58;
	v36 =	vand.u32 $0xFFFFFC00, v36;
	v39 =	vor.u32 v43, v39  }
0x173: {  	v63 =	vld [tilespmem:s24+$0x2980];
	v36 =	vor.u32 v36, v44;
	v43 =	vand.u32 $0xFFFFFC00, v60;
	v39 =	vor.u32 $0x80, v39  }
0x174: {  	v33 =	vld.idx.msk [tilespmem:v33+s3+$0x0], $0xffff;
	v35 =	vand.u32 $0xFFFFFC00, v35;
	v36 =	vor.u32 $0x80, v36;
	v38 =	vor.u32 v43, v38  }
0x175: {  	v37 =	vand.u32 $0xFFFFFC00, v37;
	v34 =	vld.idx.msk [tilespmem:v34+s3+$0x0], $0xffff;
	v35 =	vor.u32 v35, v42;
	v38 =	vor.u32 $0x80, v38  }
0x176: {  	v31 =	vand.u32 $0xFFFFFC00, v31;
	v29 =	vld.idx.msk [tilespmem:v29+s3+$0x0], $0xffff;
	v37 =	vor.u32 v37, v41;
	v35 =	vor.u32 $0x80, v35  }
0x177: {  	v31 =	vor.u32 v31, v59;
	v62 =	vshll.u32 v45, $0x3;
	v37 =	vor.u32 $0x80, v37;
	v32 =	vld.idx.msk [tilespmem:v32+s3+$0x0], $0xffff  }
0x178: {  	v31 =	vor.u32 $0x80, v31;
	v47 =	vand.u32 $0x7F, v45;
	v41 =	vand.u32 $0xFFFFFC00, v62;
	v39 =	vld.idx.msk [tilespmem:v39+s3+$0x0], $0xffff  }
0x179: {  	v30 =	vor.u32 $0x80, v30;
	v48 =	vshll.u32 v61, $0x3;
	v40 =	vor.u32 v41, v47;
	v36 =	vld.idx.msk [tilespmem:v36+s3+$0x0], $0xffff  }
0x17a: {  	v41 =	vand.u32 $0xFFFFFC00, v48;
	v40 =	vor.u32 $0x80, v40;
	v44 =	vand.u32 $0x7F, v61;
	v38 =	vld.idx.msk [tilespmem:v38+s3+$0x0], $0xffff  }
0x17b: {  	v49 =	vshll.u32 v46, $0x3;
	v41 =	vor.u32 v41, v44;
	v35 =	vld.idx.msk [tilespmem:v35+s3+$0x0], $0xffff  }
0x17c: {  	v50 =	vand.u32 $0x7F, v46;
	v43 =	vand.u32 $0xFFFFFC00, v49;
	v41 =	vor.u32 $0x80, v41;
	v37 =	vld.idx.msk [tilespmem:v37+s3+$0x0], $0xffff  }
0x17d: {  	v51 =	vshll.u32 v63, $0x3;
	v31 =	vld.idx.msk [tilespmem:v31+s3+$0x0], $0xffff;
	v43 =	vor.u32 v43, v50;
	v39 =	vadd.f32 $0.0e+00, v39  }
0x17e: {  	v42 =	vand.u32 $0x7F, v63;
	v44 =	vand.u32 $0xFFFFFC00, v51;
	v30 =	vld.idx.msk [tilespmem:v30+s3+$0x0], $0xffff;
	v43 =	vor.u32 $0x80, v43  }
0x17f: {  	v42 =	vor.u32 v44, v42;
	v52 =	vld.idx.msk [tilespmem:v40+s3+$0x0], $0xffff;
	v38 =	vadd.f32 $0.0e+00, v38;
	v36 =	vadd.f32 v36, v39  }
0x180: {  	v25 =	vld.idx.msk [tilespmem:v25+s3+$0x0], $0xffff;
	v42 =	vor.u32 $0x80, v42;
	v35 =	vadd.f32 $0.0e+00, v35  }
0x181: {  	v53 =	vld.idx.msk [tilespmem:v41+s3+$0x0], $0xffff;
	v54 =	vadd.f32 v37, v38;
	v32 =	vadd.f32 v32, v36  }
0x182: {  	v31 =	vadd.f32 $0.0e+00, v31;
	v56 =	vld.idx.msk [tilespmem:v40+s28+$0x0], $0xffff  }
0x183: {  	v55 =	vld.idx.msk [tilespmem:v43+s3+$0x0], $0xffff;
	v30 =	vadd.f32 v30, v35;
	v29 =	vadd.f32 v29, v54;
	v32 =	vmul.f32 v32, v34  }
0x184: {  	v31 =	vadd.f32 v33, v31;
	v59 =	vld.idx.msk [tilespmem:v41+s28+$0x0], $0xffff;
	v58 =	vadd.f32 $0.0e+00, v52  }
0x185: {  	v57 =	vld.idx.msk [tilespmem:v42+s3+$0x0], $0xffff;
	v25 =	vadd.f32 v25, v30;
	v28 =	vmul.f32 v29, v28;
	v32 =	vadd.f32 $0.0e+00, v32  }
0x186: {  	v29 =	vadd.f32 v53, v58  }
0x187: {  	v30 =	vld.idx.msk [tilespmem:v43+s28+$0x0], $0xffff;
	v25 =	vmul.f32 v25, v26;
	v26 =	vadd.f32 v27, v31;
	v28 =	vadd.f32 v28, v32  }
0x188: {  	v27 =	vld.idx.msk [tilespmem:v42+s28+$0x0], $0xffff;
	v31 =	vmul.f32 v56, v21;
	v29 =	vadd.f32 v55, v29  }
0x189: {  	v24 =	vmul.f32 v26, v24;
	v25 =	vadd.f32 v25, v28  }
0x18a: {  	s21 =	sshll.u32 s21, $0xA;
	v26 =	vadd.f32 $0.0e+00, v31;
	v29 =	vadd.f32 v57, v29;
	v28 =	vmul.f32 v59, v22  }
0x18b: {  	s1 =	sadd.s32 s21, s20;
	v24 =	vadd.f32 v24, v25  }
0x18c: {  	s1 =	sor.u32 $0x80, s1;
	v25 =	vadd.f32 v28, v26;
	v26 =	vmul.f32 v30, v19;
	v28 =	vmul.f32 v29, v16  }
0x18d: {  	v27 =	vmul.f32 v27, v20;
	v29 =	vld [tilespmem:s1+$0x800]  }
0x18e: {  	v25 =	vadd.f32 v26, v25;
	v26 =	vadd.f32 v28, v14;
	v24 =	vmul.f32 v24, v15  }
0x18f: {  	v28 =	vld [tilespmem:s1+$0x1000]  }
0x190: {  	v25 =	vadd.f32 v27, v25;
	v24 =	vsub.f32 v26, v24;
	_ =	sdelay $0x1  }
0x191: {  	v25 =	vmul.f32 $4.000000000e+00, v25;
	v24 =	vmul.f32 v24, v29;
	_ =	sdelay $0x1  }
0x192: {  	v25 =	vsub.f32 v25, v17;
	v24 =	vadd.f32 v24, v28;
	_ =	sdelay $0x1  }
0x193: {  	v24 =	vadd.f32 v24, v25;
	_ =	sdelay $0x1  }
0x194: {  	v24 =	vsub.f32 $0.0e+00, v24;
	_ =	sdelay $0x1  }
0x195: {  	v24 =	vmul.f32 v24, v18;
	_ =	sdelay $0x1  }
0x196: {  	v24 =	vmul.f32 $1.442695020e+00, v24;
	_ =	sdelay $0x1  }
0x197: {  	(erf) = vpow2.f32 v24;
	_ =	sdelay $0x4  }
0x198: {  	s22 =	sadd.s32 $0x1000, s17  }
0x199: {  	s24 =	sadd.s32 $0x1200, s17;
	[smem:$0x7DD] =	sst s22  }
0x19a: {  	s25 =	sadd.s32 $0x1400, s17;
	[smem:$0x7DE] =	sst s24  }
0x19b: {  	s26 =	sadd.s32 $0x1600, s17;
	[smem:$0x7DF] =	sst s25  }
0x19c: {  	s5 =	sadd.s32 $0xDB80, s17;
	[smem:$0x7E0] =	sst s26;
	v26 =	vpop (erf)  }
0x19d: {  	s9 =	sadd.s32 $0xE380, s17;
	[smem:$0x7E2] =	sst s5;
	v26 =	vadd.f32 $1.000000000e+00, v26  }
0x19e: {  	s10 =	sadd.s32 $0xE580, s17;
	[smem:$0x7E6] =	sst s9;
	v24 =	vld [tilespmem:s1+$0x2000]  }
0x19f: {  	s12 =	sadd.s32 $0xE980, s17;
	[smem:$0x7E7] =	sst s10;
	(erf) = vrcp.f32 v26  }
0x1a0: {  	s14 =	sadd.s32 $0xED80, s17;
	[smem:$0x7E9] =	sst s12  }
0x1a1: {  	[smem:$0x7EB] =	sst s14  }
0x1a2: {  	s16 =	sld [smem:$0x7E0]  }
0x1a3: {  	s6 =	sadd.s32 $0xDD80, s17;
	s19 =	sld [smem:$0x7DF];
	v27 =	vadd.f32 v24, v24  }
0x1a4: {  	s7 =	sadd.s32 $0xDF80, s17;
	[smem:$0x7E3] =	sst s6;
	v25 =	vadd.f32 v25, v17  }
0x1a5: {  	[smem:$0x7E4] =	sst s7;
	v24 =	vadd.f32 $-5.000000000e-01, v24;
	v26 =	vsub.f32 $1.000000000e+00, v27  }
0x1a6: {  	s11 =	sadd.s32 $0xE780, s17;
	s15 =	sadd.s32 $0xEF80, s17;
	s6 =	sld [smem:$0x7E9];
	v27 =	vld [tilespmem:s1+$0x1800]  }
0x1a7: {  	s22 =	simm.s32 $0x0;
	s4 =	sadd.s32 $0xD980, s17;
	s7 =	sld [smem:$0x7EB];
	v24 =	vmul.f32 v24, v25;
	v26 =	vmul.f32 v26, v13  }
0x1a8: {  	s20 =	sand.u32 $0x70, s22;
	[smem:$0x7E1] =	sst s4;
	s4 =	sadd.s32 $0x0, s19;
	v25 =	vpop (erf)  }
0x1a9: {  	[smem:$0x7EC] =	sst s15;
	s26 =	sor.u32 s20, s4;
	s4 =	sadd.s32 $0x0, s6;
	v24 =	vadd.f32 v26, v24;
	[tilespmem:s1+$0x16D80] =	vst v25  }
0x1aa: {  	s24 =	sld [smem:$0x7DE];
	s6 =	sadd.s32 $0x0, s7;
	s4 =	sadd.s32 s20, s4;
	v25 =	vld [tilespmem:s26+$0x6980]  }
0x1ab: {  	s21 =	sld [smem:$0x7EC];
	s10 =	sadd.s32 s20, s6;
	v24 =	vmul.f32 v24, v27;
	s1 =	sadd.s32 $0x0, s16;
	v30 =	vld [tilespmem:s4+$0x0]  }
0x1ac: {  	s13 =	sadd.s32 $0xEB80, s17;
	[smem:$0x7E8] =	sst s11;
	s25 =	sor.u32 s20, s1;
	v31 =	vld [tilespmem:s10+$0x0]  }
0x1ad: {  	s8 =	sadd.s32 $0xE180, s17;
	[smem:$0x7EA] =	sst s13;
	s5 =	sadd.s32 $0x0, s24;
	v23 =	vadd.f32 v24, v23;
	v24 =	vld [tilespmem:s25+$0x6980]  }
0x1ae: {  	[smem:$0x7E5] =	sst s8;
	s31 =	sor.u32 s20, s5;
	s1 =	sadd.s32 $0x0, s21  }
0x1af: {  	s8 =	sld [smem:$0x7DD];
	v28 =	vld [tilespmem:s31+$0x6980];
	s1 =	sadd.s32 s20, s1  }
0x1b0: {  	s9 =	sld [smem:$0x7E6];
	v27 =	vld [tilespmem:s1+$0x0];
	v29 =	vshll.u32 v25, $0x3;
	v25 =	vand.u32 $0x7F, v25  }
0x1b1: {  	s11 =	sld [smem:$0x7E8];
	v62 =	vshll.u32 v30, $0x3;
	v63 =	vshll.u32 v31, $0x3;
	v31 =	vand.u32 $0x7F, v31  }
0x1b2: {  	s13 =	sld [smem:$0x7EA];
	s1 =	sadd.s32 $0x0, s8;
	v26 =	vshll.u32 v24, $0x3;
	v24 =	vand.u32 $0x7F, v24;
	v29 =	vand.u32 $0xFFFFFC00, v29  }
0x1b3: {  	s15 =	sld [smem:$0x7E5];
	s12 =	sadd.s32 $0x0, s9;
	s1 =	sor.u32 s20, s1;
	v32 =	vand.u32 $0xFFFFFC00, v62;
	v26 =	vand.u32 $0xFFFFFC00, v26;
	v25 =	vor.u32 v29, v25  }
0x1b4: {  	s14 =	sld [smem:$0x7E3];
	s4 =	sadd.s32 s20, s12;
	v60 =	vld [tilespmem:s1+$0x6980];
	v29 =	vshll.u32 v28, $0x3;
	v24 =	vor.u32 v26, v24;
	v26 =	vor.u32 $0x100, v25  }
0x1b5: {  	s19 =	sadd.s32 $0x0, s13;
	s7 =	sld [smem:$0x7E1];
	v25 =	vshll.u32 v27, $0x3;
	v61 =	vand.u32 $0xFFFFFC00, v29;
	v29 =	vld [tilespmem:s4+$0x0];
	v24 =	vor.u32 $0x100, v24  }
0x1b6: {  	s24 =	sadd.s32 s20, s19;
	s6 =	sld [smem:$0x7E2];
	s16 =	sadd.s32 $0x0, s11;
	v33 =	vand.u32 $0xFFFFFC00, v63;
	v27 =	vand.u32 $0x7F, v27;
	v25 =	vand.u32 $0xFFFFFC00, v25  }
0x1b7: {  	s5 =	sadd.s32 $0x0, s14;
	s10 =	sld [smem:$0x7E7];
	s9 =	sadd.s32 s20, s16;
	v28 =	vand.u32 $0x7F, v28;
	v33 =	vor.u32 v33, v31;
	v31 =	vld [tilespmem:s24+$0x0];
	v25 =	vor.u32 v25, v27  }
0x1b8: {  	s11 =	sadd.s32 s20, s5;
	s5 =	sld [smem:$0x7E4];
	v28 =	vor.u32 v61, v28;
	v27 =	vor.u32 $0x100, v25;
	v25 =	vand.u32 $0x7F, v30;
	v30 =	vld [tilespmem:s9+$0x0]  }
0x1b9: {  	s21 =	simm.s32 $0x0;
	s8 =	sadd.s32 $0x0, s15;
	s24 =	simm.s32 $0x1;
	v34 =	vand.u32 $0x7F, v60;
	v36 =	vshll.u32 v60, $0x3;
	v25 =	vor.u32 v32, v25;
	v32 =	vld [tilespmem:s11+$0x0]  }
0x1ba: {  	s4 =	simm.s32 $0x0;
	v28 =	vor.u32 $0x100, v28;
	s9 =	sadd.s32 s20, s8;
	s8 =	sadd.s32 $0x0, s10;
	v25 =	vor.u32 $0x100, v25;
	v35 =	vshll.u32 v29, $0x3;
	v24 =	vld.idx.msk [tilespmem:v24+s3+$0x0], $0xffff  }
.LBB2_6:
0x1bb: {  	p0 =	seq.s32 s24, $0xF;
	v36 =	vand.u32 $0xFFFFFC00, v36;
	s6 =	sadd.s32 s4, s6;
	v37 =	vld [tilespmem:s9+$0x0];
	v29 =	vand.u32 $0x7F, v29;
	v35 =	vand.u32 $0xFFFFFC00, v35;
	s8 =	sadd.s32 s20, s8  }
0x1bc: {  	v33 =	vor.u32 $0x100, v33;
	v34 =	vor.u32 v36, v34;
	s7 =	sadd.s32 s4, s7;
	s6 =	sadd.s32 s20, s6;
	v29 =	vor.u32 v35, v29;
	v35 =	vld [tilespmem:s8+$0x0]  }
0x1bd: {  	v34 =	vor.u32 $0x100, v34;
	s7 =	sadd.s32 s20, s7;
	v36 =	vld [tilespmem:s6+$0x0];
	v29 =	vor.u32 $0x100, v29;
	v38 =	vshll.u32 v30, $0x3  }
0x1be: {  	s4 =	sadd.s32 s4, s5;
	v30 =	vand.u32 $0x7F, v30;
	v39 =	vld [tilespmem:s7+$0x0];
	v40 =	vshll.u32 v32, $0x3;
	v38 =	vand.u32 $0xFFFFFC00, v38  }
0x1bf: {  	s4 =	sadd.s32 s20, s4;
	v32 =	vand.u32 $0x7F, v32;
	v40 =	vand.u32 $0xFFFFFC00, v40;
	v26 =	vld.idx.msk [tilespmem:v26+s3+$0x0], $0xffff;
	v30 =	vor.u32 v38, v30  }
0x1c0: {  	v32 =	vor.u32 v40, v32;
	v38 =	vld [tilespmem:s4+$0x0];
	v30 =	vor.u32 $0x100, v30;
	v40 =	vand.u32 $0x7F, v31  }
0x1c1: {  	v41 =	vand.u32 $0x7F, v37;
	v31 =	vshll.u32 v31, $0x3;
	v32 =	vor.u32 $0x100, v32;
	v27 =	vld.idx.msk [tilespmem:v27+s3+$0x0], $0xffff  }
0x1c2: {  	v37 =	vshll.u32 v37, $0x3;
	v42 =	vand.u32 $0x7F, v35;
	v35 =	vshll.u32 v35, $0x3;
	v28 =	vld.idx.msk [tilespmem:v28+s3+$0x0], $0xffff  }
0x1c3: {  	v44 =	vand.u32 $0x7F, v36;
	v36 =	vshll.u32 v36, $0x3;
	v43 =	vshll.u32 v39, $0x3;
	v33 =	vld.idx.msk [tilespmem:v33+s3+$0x0], $0xffff  }
0x1c4: {  	v39 =	vand.u32 $0x7F, v39;
	v36 =	vand.u32 $0xFFFFFC00, v36;
	v34 =	vld.idx.msk [tilespmem:v34+s3+$0x0], $0xffff;
	v43 =	vand.u32 $0xFFFFFC00, v43  }
0x1c5: {  	v36 =	vor.u32 v36, v44;
	v45 =	vld [tilespmem:s1+$0x2980];
	v39 =	vor.u32 v43, v39;
	v43 =	vshll.u32 v38, $0x3  }
0x1c6: {  	v38 =	vand.u32 $0x7F, v38;
	v44 =	vld [tilespmem:s26+$0x2980];
	v39 =	vor.u32 $0x100, v39;
	v43 =	vand.u32 $0xFFFFFC00, v43  }
0x1c7: {  	v35 =	vand.u32 $0xFFFFFC00, v35;
	v36 =	vor.u32 $0x100, v36;
	v46 =	vld [tilespmem:s31+$0x2980];
	v38 =	vor.u32 v43, v38  }
0x1c8: {  	v37 =	vand.u32 $0xFFFFFC00, v37;
	v35 =	vor.u32 v35, v42;
	v38 =	vor.u32 $0x100, v38;
	v29 =	vld.idx.msk [tilespmem:v29+s3+$0x0], $0xffff  }
0x1c9: {  	v31 =	vand.u32 $0xFFFFFC00, v31;
	v37 =	vor.u32 v37, v41;
	v35 =	vor.u32 $0x100, v35;
	v32 =	vld.idx.msk [tilespmem:v32+s3+$0x0], $0xffff  }
0x1ca: {  	v31 =	vor.u32 v31, v40;
	v37 =	vor.u32 $0x100, v37;
	v41 =	vshll.u32 v45, $0x3;
	v42 =	vld [tilespmem:s25+$0x2980]  }
0x1cb: {  	v31 =	vor.u32 $0x100, v31;
	v40 =	vand.u32 $0x7F, v45;
	v41 =	vand.u32 $0xFFFFFC00, v41;
	v39 =	vld.idx.msk [tilespmem:v39+s3+$0x0], $0xffff  }
0x1cc: {  	v43 =	vshll.u32 v44, $0x3;
	v40 =	vor.u32 v41, v40;
	v41 =	vshll.u32 v46, $0x3;
	v36 =	vld.idx.msk [tilespmem:v36+s3+$0x0], $0xffff  }
0x1cd: {  	v45 =	vand.u32 $0x7F, v46;
	v40 =	vor.u32 $0x100, v40;
	v41 =	vand.u32 $0xFFFFFC00, v41;
	v38 =	vld.idx.msk [tilespmem:v38+s3+$0x0], $0xffff  }
0x1ce: {  	v44 =	vand.u32 $0x7F, v44;
	v43 =	vand.u32 $0xFFFFFC00, v43;
	v41 =	vor.u32 v41, v45;
	v35 =	vld.idx.msk [tilespmem:v35+s3+$0x0], $0xffff  }
0x1cf: {  	v43 =	vor.u32 v43, v44;
	v41 =	vor.u32 $0x100, v41;
	v44 =	vshll.u32 v42, $0x3;
	v37 =	vld.idx.msk [tilespmem:v37+s3+$0x0], $0xffff  }
0x1d0: {  	v43 =	vor.u32 $0x100, v43;
	v42 =	vand.u32 $0x7F, v42;
	v44 =	vand.u32 $0xFFFFFC00, v44;
	v31 =	vld.idx.msk [tilespmem:v31+s3+$0x0], $0xffff  }
0x1d1: {  	v39 =	vadd.f32 $0.0e+00, v39;
	v42 =	vor.u32 v44, v42;
	v30 =	vld.idx.msk [tilespmem:v30+s3+$0x0], $0xffff  }
0x1d2: {  	v44 =	vld.idx.msk [tilespmem:v40+s3+$0x0], $0xffff;
	v42 =	vor.u32 $0x100, v42  }
0x1d3: {  	v36 =	vadd.f32 v36, v39;
	v38 =	vadd.f32 $0.0e+00, v38;
	v25 =	vld.idx.msk [tilespmem:v25+s3+$0x0], $0xffff  }
0x1d4: {  	v35 =	vadd.f32 $0.0e+00, v35;
	v39 =	vld.idx.msk [tilespmem:v41+s3+$0x0], $0xffff  }
0x1d5: {  	v32 =	vadd.f32 v32, v36;
	v36 =	vadd.f32 v37, v38;
	v45 =	vld.idx.msk [tilespmem:v43+s3+$0x0], $0xffff  }
0x1d6: {  	v31 =	vadd.f32 $0.0e+00, v31;
	v37 =	vld.idx.msk [tilespmem:v40+s28+$0x0], $0xffff  }
0x1d7: {  	v32 =	vmul.f32 v32, v34;
	v29 =	vadd.f32 v29, v36;
	v30 =	vadd.f32 v30, v35;
	v38 =	vld.idx.msk [tilespmem:v42+s3+$0x0], $0xffff  }
0x1d8: {  	v34 =	vadd.f32 $0.0e+00, v44;
	v31 =	vadd.f32 v33, v31;
	v35 =	vld.idx.msk [tilespmem:v41+s28+$0x0], $0xffff  }
0x1d9: {  	v32 =	vadd.f32 $0.0e+00, v32;
	v28 =	vmul.f32 v29, v28;
	v25 =	vadd.f32 v25, v30  }
0x1da: {  	v29 =	vadd.f32 v39, v34;
	v30 =	vld.idx.msk [tilespmem:v43+s28+$0x0], $0xffff  }
0x1db: {  	v28 =	vadd.f32 v28, v32;
	v25 =	vmul.f32 v25, v26;
	v26 =	vadd.f32 v27, v31;
	v33 =	vld.idx.msk [tilespmem:v42+s28+$0x0], $0xffff  }
0x1dc: {  	v27 =	vmul.f32 v37, v21;
	v29 =	vadd.f32 v45, v29  }
0x1dd: {  	v25 =	vadd.f32 v25, v28;
	v24 =	vmul.f32 v26, v24  }
0x1de: {  	v26 =	vadd.f32 $0.0e+00, v27;
	v27 =	vmul.f32 v35, v22;
	v28 =	vadd.f32 v38, v29  }
0x1df: {  	s1 =	sshll.u32 s21, $0xA;
	v24 =	vadd.f32 v24, v25  }
0x1e0: {  	s1 =	sor.u32 s20, s1;
	v25 =	vadd.f32 v27, v26;
	v26 =	vmul.f32 v30, v19;
	v27 =	vmul.f32 v28, v16  }
0x1e1: {  	v28 =	vmul.f32 v33, v20;
	v29 =	vld [tilespmem:s1+$0x900]  }
0x1e2: {  	v24 =	vmul.f32 v24, v15;
	v25 =	vadd.f32 v26, v25;
	v27 =	vadd.f32 v27, v14;
	v26 =	vld [tilespmem:s1+$0x2100]  }
0x1e3: {  	v30 =	vld [tilespmem:s1+$0x1100]  }
0x1e4: {  	v25 =	vadd.f32 v28, v25;
	v24 =	vsub.f32 v27, v24;
	v28 =	vld [tilespmem:s1+$0x1900];
	_ =	sdelay $0x1  }
0x1e5: {  	v25 =	vmul.f32 $4.000000000e+00, v25;
	v24 =	vmul.f32 v24, v29  }
0x1e6: {  	v27 =	vadd.f32 v26, v26;
	v26 =	vadd.f32 $-5.000000000e-01, v26  }
0x1e7: {  	v25 =	vsub.f32 v25, v17;
	v24 =	vadd.f32 v24, v30  }
0x1e8: {  	v27 =	vsub.f32 $1.000000000e+00, v27  }
0x1e9: {  	v24 =	vadd.f32 v24, v25;
	v25 =	vadd.f32 v25, v17  }
0x1ea: {  	v27 =	vmul.f32 v27, v13  }
0x1eb: {  	v24 =	vsub.f32 $0.0e+00, v24;
	v25 =	vmul.f32 v26, v25;
	_ =	sdelay $0x1  }
0x1ec: {  	v24 =	vmul.f32 v24, v18;
	v25 =	vadd.f32 v27, v25;
	_ =	sdelay $0x1  }
0x1ed: {  	v24 =	vmul.f32 $1.442695020e+00, v24;
	v25 =	vmul.f32 v25, v28;
	_ =	sdelay $0x1  }
0x1ee: {  	v23 =	vadd.f32 v25, v23;
	(erf) = vpow2.f32 v24;
	_ =	sdelay $0x8  }
0x1ef: {  	v24 =	vpop (erf)  }
0x1f0: {  	v24 =	vadd.f32 $1.000000000e+00, v24;
	_ =	sdelay $0x1  }
0x1f1: {  	(erf) = vrcp.f32 v24;
	_ =	sdelay $0x5  }
0x1f2: {  	s5 =	sld [smem:$0x7E0]  }
0x1f3: {  	s21 =	sshrl.u32 s24, $0x3;
	s6 =	sld [smem:$0x7DF]  }
0x1f4: {  	s22 =	sadd.s32 $0x10, s22;
	s4 =	sshll.u32 s21, $0x8  }
0x1f5: {  	s20 =	sand.u32 $0x70, s22;
	s5 =	sadd.s32 s5, s4;
	v24 =	vpop (erf)  }
0x1f6: {  	s6 =	sadd.s32 s6, s4;
	s25 =	sor.u32 s20, s5;
	s5 =	sld [smem:$0x7EC];
	[tilespmem:s1+$0x16E80] =	vst v24  }
0x1f7: {  	s1 =	sld [smem:$0x7DE];
	s26 =	sor.u32 s20, s6;
	v24 =	vld [tilespmem:s25+$0x6980]  }
0x1f8: {  	v25 =	vld [tilespmem:s26+$0x6980]  }
0x1f9: {  	s6 =	sld [smem:$0x7E9];
	s5 =	sadd.s32 s4, s5  }
0x1fa: {  	s1 =	sadd.s32 s1, s4;
	s7 =	sld [smem:$0x7EB];
	s5 =	sadd.s32 s20, s5  }
0x1fb: {  	s31 =	sor.u32 s20, s1;
	v27 =	vld [tilespmem:s5+$0x0]  }
0x1fc: {  	s1 =	sld [smem:$0x7DD];
	v28 =	vld [tilespmem:s31+$0x6980];
	s5 =	sadd.s32 s4, s6;
	v26 =	vshll.u32 v24, $0x3  }
0x1fd: {  	v24 =	vand.u32 $0x7F, v24;
	s6 =	sld [smem:$0x7E6];
	v29 =	vshll.u32 v25, $0x3;
	s5 =	sadd.s32 s20, s5;
	v26 =	vand.u32 $0xFFFFFC00, v26;
	s7 =	sadd.s32 s4, s7  }
0x1fe: {  	v25 =	vand.u32 $0x7F, v25;
	v29 =	vand.u32 $0xFFFFFC00, v29;
	v30 =	vld [tilespmem:s5+$0x0];
	v24 =	vor.u32 v26, v24;
	s5 =	sadd.s32 s20, s7  }
0x1ff: {  	s1 =	sadd.s32 s1, s4;
	v25 =	vor.u32 v29, v25;
	s7 =	sld [smem:$0x7E8];
	v24 =	vor.u32 $0x100, v24;
	v31 =	vld [tilespmem:s5+$0x0]  }
0x200: {  	s1 =	sor.u32 s20, s1;
	s5 =	sadd.s32 s4, s6;
	v26 =	vor.u32 $0x100, v25;
	s8 =	sld [smem:$0x7EA];
	v25 =	vshll.u32 v27, $0x3  }
0x201: {  	v27 =	vand.u32 $0x7F, v27;
	v35 =	vld [tilespmem:s1+$0x6980];
	s9 =	sld [smem:$0x7E3];
	v29 =	vshll.u32 v28, $0x3;
	s5 =	sadd.s32 s20, s5;
	v25 =	vand.u32 $0xFFFFFC00, v25  }
0x202: {  	v28 =	vand.u32 $0x7F, v28;
	v32 =	vand.u32 $0xFFFFFC00, v29;
	s10 =	sld [smem:$0x7E5];
	v29 =	vld [tilespmem:s5+$0x0];
	v25 =	vor.u32 v25, v27  }
.Ltmp2:
0x203: {  	s5 =	sadd.s32 s4, s7;
	v28 =	vor.u32 v32, v28;
	s11 =	sld [smem:$0x7E7];
	v32 =	vshll.u32 v30, $0x3;
	v27 =	vor.u32 $0x100, v25;
	(pc) =	sbr.rel @!p0 .LBB2_6-.Ltmp2, $4  }
0x204: {  	v25 =	vand.u32 $0x7F, v30;
	s6 =	sld [smem:$0x7E2];
	s7 =	sadd.s32 s4, s9;
	s9 =	sadd.s32 s20, s5;
	v32 =	vand.u32 $0xFFFFFC00, v32;
	v24 =	vld.idx.msk [tilespmem:v24+s3+$0x0], $0xffff;
	v33 =	vshll.u32 v31, $0x3  }
0x205: {  	s8 =	sadd.s32 s4, s8;
	v31 =	vand.u32 $0x7F, v31;
	s12 =	sadd.s32 s20, s7;
	s5 =	sld [smem:$0x7E4];
	v30 =	vld [tilespmem:s9+$0x0];
	v25 =	vor.u32 v32, v25;
	v33 =	vand.u32 $0xFFFFFC00, v33  }
0x206: {  	v28 =	vor.u32 $0x100, v28;
	s9 =	sadd.s32 s4, s10;
	s10 =	sadd.s32 s20, s8;
	s7 =	sld [smem:$0x7E1];
	v32 =	vld [tilespmem:s12+$0x0];
	v25 =	vor.u32 $0x100, v25;
	v33 =	vor.u32 v33, v31  }
0x207: {  	s24 =	sadd.s32 $0x1, s24;
	v34 =	vand.u32 $0x7F, v35;
	v36 =	vshll.u32 v35, $0x3;
	s9 =	sadd.s32 s20, s9;
	s8 =	sadd.s32 s4, s11;
	v35 =	vshll.u32 v29, $0x3;
	v31 =	vld [tilespmem:s10+$0x0]  }
0x208: {  	v36 =	vand.u32 $0xFFFFFC00, v36;
	s6 =	sadd.s32 s4, s6;
	v37 =	vld [tilespmem:s9+$0x0];
	v29 =	vand.u32 $0x7F, v29;
	s8 =	sadd.s32 s20, s8  }
0x209: {  	v35 =	vand.u32 $0xFFFFFC00, v35;
	v33 =	vor.u32 $0x100, v33;
	v34 =	vor.u32 v36, v34;
	s7 =	sadd.s32 s4, s7;
	s6 =	sadd.s32 s20, s6;
	v55 =	vld [tilespmem:s8+$0x0]  }
0x20a: {  	s19 =	sadd.s32 s4, s5;
	v29 =	vor.u32 v35, v29;
	v34 =	vor.u32 $0x100, v34;
	s7 =	sadd.s32 s20, s7;
	v56 =	vld [tilespmem:s6+$0x0];
	v38 =	vshll.u32 v30, $0x3  }
0x20b: {  	s4 =	sadd.s32 s20, s19;
	v30 =	vand.u32 $0x7F, v30;
	v29 =	vor.u32 $0x100, v29;
	v39 =	vld [tilespmem:s7+$0x0];
	v40 =	vshll.u32 v32, $0x3  }
0x20c: {  	v58 =	vld [tilespmem:s4+$0x0];
	v38 =	vand.u32 $0xFFFFFC00, v38;
	v57 =	vand.u32 $0x7F, v32;
	v40 =	vand.u32 $0xFFFFFC00, v40  }
0x20d: {  	v26 =	vld.idx.msk [tilespmem:v26+s3+$0x0], $0xffff;
	v30 =	vor.u32 v38, v30;
	v59 =	vand.u32 $0x7F, v31;
	v31 =	vshll.u32 v31, $0x3  }
0x20e: {  	v27 =	vld.idx.msk [tilespmem:v27+s3+$0x0], $0xffff;
	v32 =	vor.u32 v40, v57;
	v41 =	vand.u32 $0x7F, v37;
	v37 =	vshll.u32 v37, $0x3  }
0x20f: {  	v28 =	vld.idx.msk [tilespmem:v28+s3+$0x0], $0xffff;
	v32 =	vor.u32 $0x100, v32;
	v42 =	vand.u32 $0x7F, v55;
	v35 =	vshll.u32 v55, $0x3  }
0x210: {  	v45 =	vld [tilespmem:s1+$0x2980];
	v44 =	vand.u32 $0x7F, v56;
	v36 =	vshll.u32 v56, $0x3;
	v43 =	vshll.u32 v39, $0x3  }
0x211: {  	v61 =	vld [tilespmem:s31+$0x2980];
	v60 =	vshll.u32 v58, $0x3;
	v39 =	vand.u32 $0x7F, v39;
	v43 =	vand.u32 $0xFFFFFC00, v43  }
0x212: {  	v46 =	vld [tilespmem:s26+$0x2980];
	v38 =	vand.u32 $0x7F, v58;
	v36 =	vand.u32 $0xFFFFFC00, v36;
	v39 =	vor.u32 v43, v39  }
0x213: {  	v63 =	vld [tilespmem:s25+$0x2980];
	v36 =	vor.u32 v36, v44;
	v43 =	vand.u32 $0xFFFFFC00, v60;
	v39 =	vor.u32 $0x100, v39  }
0x214: {  	v33 =	vld.idx.msk [tilespmem:v33+s3+$0x0], $0xffff;
	v35 =	vand.u32 $0xFFFFFC00, v35;
	v36 =	vor.u32 $0x100, v36;
	v38 =	vor.u32 v43, v38  }
0x215: {  	v37 =	vand.u32 $0xFFFFFC00, v37;
	v34 =	vld.idx.msk [tilespmem:v34+s3+$0x0], $0xffff;
	v35 =	vor.u32 v35, v42;
	v38 =	vor.u32 $0x100, v38  }
0x216: {  	v31 =	vand.u32 $0xFFFFFC00, v31;
	v29 =	vld.idx.msk [tilespmem:v29+s3+$0x0], $0xffff;
	v37 =	vor.u32 v37, v41;
	v35 =	vor.u32 $0x100, v35  }
0x217: {  	v62 =	vshll.u32 v45, $0x3;
	v31 =	vor.u32 v31, v59;
	v37 =	vor.u32 $0x100, v37;
	v32 =	vld.idx.msk [tilespmem:v32+s3+$0x0], $0xffff  }
0x218: {  	v47 =	vand.u32 $0x7F, v45;
	v41 =	vand.u32 $0xFFFFFC00, v62;
	v31 =	vor.u32 $0x100, v31;
	v39 =	vld.idx.msk [tilespmem:v39+s3+$0x0], $0xffff  }
0x219: {  	v30 =	vor.u32 $0x100, v30;
	v48 =	vshll.u32 v61, $0x3;
	v40 =	vor.u32 v41, v47;
	v36 =	vld.idx.msk [tilespmem:v36+s3+$0x0], $0xffff  }
0x21a: {  	v41 =	vand.u32 $0xFFFFFC00, v48;
	v40 =	vor.u32 $0x100, v40;
	v44 =	vand.u32 $0x7F, v61;
	v38 =	vld.idx.msk [tilespmem:v38+s3+$0x0], $0xffff  }
0x21b: {  	v49 =	vshll.u32 v46, $0x3;
	v41 =	vor.u32 v41, v44;
	v35 =	vld.idx.msk [tilespmem:v35+s3+$0x0], $0xffff  }
0x21c: {  	v50 =	vand.u32 $0x7F, v46;
	v43 =	vand.u32 $0xFFFFFC00, v49;
	v41 =	vor.u32 $0x100, v41;
	v37 =	vld.idx.msk [tilespmem:v37+s3+$0x0], $0xffff  }
0x21d: {  	v51 =	vshll.u32 v63, $0x3;
	v43 =	vor.u32 v43, v50;
	v31 =	vld.idx.msk [tilespmem:v31+s3+$0x0], $0xffff;
	v39 =	vadd.f32 $0.0e+00, v39  }
0x21e: {  	v42 =	vand.u32 $0x7F, v63;
	v44 =	vand.u32 $0xFFFFFC00, v51;
	v30 =	vld.idx.msk [tilespmem:v30+s3+$0x0], $0xffff;
	v43 =	vor.u32 $0x100, v43  }
0x21f: {  	v42 =	vor.u32 v44, v42;
	v52 =	vld.idx.msk [tilespmem:v40+s3+$0x0], $0xffff;
	v38 =	vadd.f32 $0.0e+00, v38;
	v36 =	vadd.f32 v36, v39  }
0x220: {  	v25 =	vld.idx.msk [tilespmem:v25+s3+$0x0], $0xffff;
	v42 =	vor.u32 $0x100, v42;
	v35 =	vadd.f32 $0.0e+00, v35  }
0x221: {  	v53 =	vld.idx.msk [tilespmem:v41+s3+$0x0], $0xffff;
	v54 =	vadd.f32 v37, v38;
	v32 =	vadd.f32 v32, v36  }
0x222: {  	v56 =	vld.idx.msk [tilespmem:v40+s28+$0x0], $0xffff;
	v31 =	vadd.f32 $0.0e+00, v31  }
0x223: {  	v55 =	vld.idx.msk [tilespmem:v43+s3+$0x0], $0xffff;
	v30 =	vadd.f32 v30, v35;
	v29 =	vadd.f32 v29, v54;
	v32 =	vmul.f32 v32, v34  }
0x224: {  	v59 =	vld.idx.msk [tilespmem:v41+s28+$0x0], $0xffff;
	v58 =	vadd.f32 $0.0e+00, v52;
	v31 =	vadd.f32 v33, v31  }
0x225: {  	v57 =	vld.idx.msk [tilespmem:v42+s3+$0x0], $0xffff;
	v25 =	vadd.f32 v25, v30;
	v28 =	vmul.f32 v29, v28;
	v32 =	vadd.f32 $0.0e+00, v32  }
0x226: {  	v29 =	vadd.f32 v53, v58  }
0x227: {  	v30 =	vld.idx.msk [tilespmem:v43+s28+$0x0], $0xffff;
	v25 =	vmul.f32 v25, v26;
	v26 =	vadd.f32 v27, v31;
	v28 =	vadd.f32 v28, v32  }
0x228: {  	v27 =	vld.idx.msk [tilespmem:v42+s28+$0x0], $0xffff;
	v31 =	vmul.f32 v56, v21;
	v29 =	vadd.f32 v55, v29  }
0x229: {  	v24 =	vmul.f32 v26, v24;
	v25 =	vadd.f32 v25, v28  }
0x22a: {  	v26 =	vadd.f32 $0.0e+00, v31;
	v29 =	vadd.f32 v57, v29;
	v28 =	vmul.f32 v59, v22  }
0x22b: {  	s22 =	sshll.u32 s21, $0xA;
	v24 =	vadd.f32 v24, v25  }
0x22c: {  	s1 =	sor.u32 s20, s22;
	v25 =	vadd.f32 v28, v26;
	v26 =	vmul.f32 v30, v19;
	v28 =	vmul.f32 v29, v16  }
0x22d: {  	v27 =	vmul.f32 v27, v20;
	v29 =	vld [tilespmem:s1+$0x900]  }
0x22e: {  	v25 =	vadd.f32 v26, v25;
	v26 =	vadd.f32 v28, v14;
	v24 =	vmul.f32 v24, v15  }
0x22f: {  	v28 =	vld [tilespmem:s1+$0x1100]  }
0x230: {  	v25 =	vadd.f32 v27, v25;
	v24 =	vsub.f32 v26, v24;
	_ =	sdelay $0x1  }
0x231: {  	v25 =	vmul.f32 $4.000000000e+00, v25;
	v24 =	vmul.f32 v24, v29;
	_ =	sdelay $0x1  }
0x232: {  	v25 =	vsub.f32 v25, v17;
	v24 =	vadd.f32 v24, v28;
	_ =	sdelay $0x1  }
0x233: {  	v24 =	vadd.f32 v24, v25;
	_ =	sdelay $0x1  }
0x234: {  	v24 =	vsub.f32 $0.0e+00, v24;
	_ =	sdelay $0x1  }
0x235: {  	v24 =	vmul.f32 v24, v18;
	_ =	sdelay $0x1  }
0x236: {  	v24 =	vmul.f32 $1.442695020e+00, v24;
	_ =	sdelay $0x1  }
0x237: {  	(erf) = vpow2.f32 v24;
	_ =	sdelay $0x5  }
0x238: {  	s24 =	sadd.s32 $0x1800, s17  }
0x239: {  	s25 =	sadd.s32 $0x1A00, s17;
	[smem:$0x7CD] =	sst s24  }
0x23a: {  	s26 =	sadd.s32 $0x1C00, s17;
	[smem:$0x7CE] =	sst s25  }
0x23b: {  	s5 =	sadd.s32 $0xF180, s17;
	[smem:$0x7CF] =	sst s26;
	v26 =	vpop (erf)  }
0x23c: {  	s9 =	sadd.s32 $0xF980, s17;
	[smem:$0x7D1] =	sst s5;
	v26 =	vadd.f32 $1.000000000e+00, v26  }
0x23d: {  	s10 =	sadd.s32 $0xFB80, s17;
	[smem:$0x7D5] =	sst s9;
	v24 =	vld [tilespmem:s1+$0x2100]  }
0x23e: {  	s13 =	sadd.s32 $0x10180, s17;
	[smem:$0x7D6] =	sst s10;
	(erf) = vrcp.f32 v26  }
0x23f: {  	s15 =	sadd.s32 $0x10580, s17;
	[smem:$0x7D9] =	sst s13  }
0x240: {  	[smem:$0x7DB] =	sst s15  }
0x241: {  	s4 =	sadd.s32 $0x1E00, s17;
	s21 =	sld [smem:$0x7CF]  }
0x242: {  	s6 =	sadd.s32 $0xF380, s17;
	[smem:$0x7D0] =	sst s4;
	v27 =	vadd.f32 v24, v24  }
0x243: {  	[smem:$0x7D2] =	sst s6;
	v25 =	vadd.f32 v25, v17  }
0x244: {  	s7 =	sadd.s32 $0xF580, s17;
	s6 =	sld [smem:$0x7D9];
	v24 =	vadd.f32 $-5.000000000e-01, v24;
	v26 =	vsub.f32 $1.000000000e+00, v27  }
0x245: {  	s11 =	sadd.s32 $0xFD80, s17;
	[smem:$0x7D3] =	sst s7;
	v27 =	vld [tilespmem:s1+$0x1900]  }
0x246: {  	s16 =	sadd.s32 $0x10780, s17;
	s20 =	simm.s32 $0x0;
	s7 =	sld [smem:$0x7DB];
	v24 =	vmul.f32 v24, v25;
	v26 =	vmul.f32 v26, v13  }
0x247: {  	s31 =	sand.u32 $0x70, s20;
	s19 =	sld [smem:$0x7D0];
	s4 =	sadd.s32 $0x0, s21;
	v25 =	vpop (erf)  }
0x248: {  	[smem:$0x7DC] =	sst s16;
	s25 =	sor.u32 s31, s4;
	s4 =	sadd.s32 $0x0, s6;
	v24 =	vadd.f32 v26, v24;
	[tilespmem:s1+$0x16E80] =	vst v25  }
0x249: {  	s26 =	sld [smem:$0x7CE];
	s4 =	sadd.s32 s31, s4;
	s6 =	sadd.s32 $0x0, s7;
	v25 =	vld [tilespmem:s25+$0x6980]  }
0x24a: {  	s22 =	sld [smem:$0x7DC];
	s10 =	sadd.s32 s31, s6;
	v24 =	vmul.f32 v24, v27;
	s1 =	sadd.s32 $0x0, s19;
	v30 =	vld [tilespmem:s4+$0x0]  }
0x24b: {  	s12 =	sadd.s32 $0xFF80, s17;
	[smem:$0x7D7] =	sst s11;
	s24 =	sor.u32 s31, s1;
	v31 =	vld [tilespmem:s10+$0x0]  }
0x24c: {  	s8 =	sadd.s32 $0xF780, s17;
	[smem:$0x7D8] =	sst s12;
	s5 =	sadd.s32 $0x0, s26;
	v23 =	vadd.f32 v24, v23;
	v24 =	vld [tilespmem:s24+$0x6980]  }
0x24d: {  	[smem:$0x7D4] =	sst s8;
	s26 =	sor.u32 s31, s5;
	s1 =	sadd.s32 $0x0, s22  }
0x24e: {  	s8 =	sld [smem:$0x7CD];
	v28 =	vld [tilespmem:s26+$0x6980];
	s1 =	sadd.s32 s31, s1  }
0x24f: {  	s14 =	sadd.s32 $0x10380, s17;
	s9 =	sld [smem:$0x7D6];
	v27 =	vld [tilespmem:s1+$0x0];
	v29 =	vshll.u32 v25, $0x3;
	v25 =	vand.u32 $0x7F, v25  }
0x250: {  	[smem:$0x7DA] =	sst s14;
	v62 =	vshll.u32 v30, $0x3;
	v63 =	vshll.u32 v31, $0x3;
	v31 =	vand.u32 $0x7F, v31  }
0x251: {  	s13 =	sld [smem:$0x7DA];
	s1 =	sadd.s32 $0x0, s8;
	v26 =	vshll.u32 v24, $0x3;
	v24 =	vand.u32 $0x7F, v24;
	v29 =	vand.u32 $0xFFFFFC00, v29  }
0x252: {  	s11 =	sld [smem:$0x7D8];
	s12 =	sadd.s32 $0x0, s9;
	s1 =	sor.u32 s31, s1;
	v32 =	vand.u32 $0xFFFFFC00, v62;
	v26 =	vand.u32 $0xFFFFFC00, v26;
	v25 =	vor.u32 v29, v25  }
0x253: {  	s14 =	sld [smem:$0x7D3];
	s4 =	sadd.s32 s31, s12;
	v60 =	vld [tilespmem:s1+$0x6980];
	v29 =	vshll.u32 v28, $0x3;
	v24 =	vor.u32 v26, v24;
	v26 =	vor.u32 $0x180, v25  }
0x254: {  	s15 =	sld [smem:$0x7D5];
	s19 =	sadd.s32 $0x0, s13;
	v25 =	vshll.u32 v27, $0x3;
	v61 =	vand.u32 $0xFFFFFC00, v29;
	v29 =	vld [tilespmem:s4+$0x0];
	v24 =	vor.u32 $0x180, v24  }
0x255: {  	s16 =	sadd.s32 $0x0, s11;
	s7 =	sld [smem:$0x7D1];
	s22 =	sadd.s32 s31, s19;
	v33 =	vand.u32 $0xFFFFFC00, v63;
	v27 =	vand.u32 $0x7F, v27;
	v25 =	vand.u32 $0xFFFFFC00, v25  }
0x256: {  	s9 =	sadd.s32 s31, s16;
	s5 =	sadd.s32 $0x0, s14;
	s10 =	sld [smem:$0x7D7];
	v28 =	vand.u32 $0x7F, v28;
	v33 =	vor.u32 v33, v31;
	v31 =	vld [tilespmem:s22+$0x0];
	v25 =	vor.u32 v25, v27  }
0x257: {  	s21 =	simm.s32 $0x0;
	s6 =	sld [smem:$0x7D2];
	s11 =	sadd.s32 s31, s5;
	v28 =	vor.u32 v61, v28;
	v27 =	vor.u32 $0x180, v25;
	v25 =	vand.u32 $0x7F, v30;
	v30 =	vld [tilespmem:s9+$0x0]  }
0x258: {  	s5 =	sld [smem:$0x7D4];
	s8 =	sadd.s32 $0x0, s15;
	s22 =	simm.s32 $0x1;
	v34 =	vand.u32 $0x7F, v60;
	v36 =	vshll.u32 v60, $0x3;
	v25 =	vor.u32 v32, v25;
	v32 =	vld [tilespmem:s11+$0x0]  }
0x259: {  	s4 =	simm.s32 $0x0;
	v28 =	vor.u32 $0x180, v28;
	s9 =	sadd.s32 s31, s8;
	s8 =	sadd.s32 $0x0, s10;
	v25 =	vor.u32 $0x180, v25;
	v35 =	vshll.u32 v29, $0x3;
	v24 =	vld.idx.msk [tilespmem:v24+s3+$0x0], $0xffff  }
.LBB2_8:
0x25a: {  	p0 =	seq.s32 s22, $0xF;
	v36 =	vand.u32 $0xFFFFFC00, v36;
	s6 =	sadd.s32 s4, s6;
	v37 =	vld [tilespmem:s9+$0x0];
	v29 =	vand.u32 $0x7F, v29;
	v35 =	vand.u32 $0xFFFFFC00, v35;
	s8 =	sadd.s32 s31, s8  }
0x25b: {  	v33 =	vor.u32 $0x180, v33;
	v34 =	vor.u32 v36, v34;
	s7 =	sadd.s32 s4, s7;
	s6 =	sadd.s32 s31, s6;
	v29 =	vor.u32 v35, v29;
	v35 =	vld [tilespmem:s8+$0x0]  }
0x25c: {  	v34 =	vor.u32 $0x180, v34;
	s7 =	sadd.s32 s31, s7;
	v36 =	vld [tilespmem:s6+$0x0];
	v29 =	vor.u32 $0x180, v29;
	v38 =	vshll.u32 v30, $0x3  }
0x25d: {  	s4 =	sadd.s32 s4, s5;
	v30 =	vand.u32 $0x7F, v30;
	v39 =	vld [tilespmem:s7+$0x0];
	v40 =	vshll.u32 v32, $0x3;
	v38 =	vand.u32 $0xFFFFFC00, v38  }
0x25e: {  	s4 =	sadd.s32 s31, s4;
	v32 =	vand.u32 $0x7F, v32;
	v40 =	vand.u32 $0xFFFFFC00, v40;
	v26 =	vld.idx.msk [tilespmem:v26+s3+$0x0], $0xffff;
	v30 =	vor.u32 v38, v30  }
0x25f: {  	v32 =	vor.u32 v40, v32;
	v38 =	vld [tilespmem:s4+$0x0];
	v30 =	vor.u32 $0x180, v30;
	v40 =	vand.u32 $0x7F, v31  }
0x260: {  	v41 =	vand.u32 $0x7F, v37;
	v31 =	vshll.u32 v31, $0x3;
	v32 =	vor.u32 $0x180, v32;
	v27 =	vld.idx.msk [tilespmem:v27+s3+$0x0], $0xffff  }
0x261: {  	v37 =	vshll.u32 v37, $0x3;
	v42 =	vand.u32 $0x7F, v35;
	v35 =	vshll.u32 v35, $0x3;
	v28 =	vld.idx.msk [tilespmem:v28+s3+$0x0], $0xffff  }
0x262: {  	v44 =	vand.u32 $0x7F, v36;
	v36 =	vshll.u32 v36, $0x3;
	v43 =	vshll.u32 v39, $0x3;
	v33 =	vld.idx.msk [tilespmem:v33+s3+$0x0], $0xffff  }
0x263: {  	v39 =	vand.u32 $0x7F, v39;
	v36 =	vand.u32 $0xFFFFFC00, v36;
	v34 =	vld.idx.msk [tilespmem:v34+s3+$0x0], $0xffff;
	v43 =	vand.u32 $0xFFFFFC00, v43  }
0x264: {  	v36 =	vor.u32 v36, v44;
	v45 =	vld [tilespmem:s1+$0x2980];
	v39 =	vor.u32 v43, v39;
	v43 =	vshll.u32 v38, $0x3  }
0x265: {  	v38 =	vand.u32 $0x7F, v38;
	v44 =	vld [tilespmem:s25+$0x2980];
	v39 =	vor.u32 $0x180, v39;
	v43 =	vand.u32 $0xFFFFFC00, v43  }
0x266: {  	v35 =	vand.u32 $0xFFFFFC00, v35;
	v36 =	vor.u32 $0x180, v36;
	v46 =	vld [tilespmem:s26+$0x2980];
	v38 =	vor.u32 v43, v38  }
0x267: {  	v37 =	vand.u32 $0xFFFFFC00, v37;
	v35 =	vor.u32 v35, v42;
	v38 =	vor.u32 $0x180, v38;
	v29 =	vld.idx.msk [tilespmem:v29+s3+$0x0], $0xffff  }
0x268: {  	v31 =	vand.u32 $0xFFFFFC00, v31;
	v37 =	vor.u32 v37, v41;
	v35 =	vor.u32 $0x180, v35;
	v32 =	vld.idx.msk [tilespmem:v32+s3+$0x0], $0xffff  }
0x269: {  	v31 =	vor.u32 v31, v40;
	v37 =	vor.u32 $0x180, v37;
	v41 =	vshll.u32 v45, $0x3;
	v42 =	vld [tilespmem:s24+$0x2980]  }
0x26a: {  	v31 =	vor.u32 $0x180, v31;
	v40 =	vand.u32 $0x7F, v45;
	v41 =	vand.u32 $0xFFFFFC00, v41;
	v39 =	vld.idx.msk [tilespmem:v39+s3+$0x0], $0xffff  }
0x26b: {  	v43 =	vshll.u32 v44, $0x3;
	v40 =	vor.u32 v41, v40;
	v41 =	vshll.u32 v46, $0x3;
	v36 =	vld.idx.msk [tilespmem:v36+s3+$0x0], $0xffff  }
0x26c: {  	v45 =	vand.u32 $0x7F, v46;
	v40 =	vor.u32 $0x180, v40;
	v41 =	vand.u32 $0xFFFFFC00, v41;
	v38 =	vld.idx.msk [tilespmem:v38+s3+$0x0], $0xffff  }
0x26d: {  	v44 =	vand.u32 $0x7F, v44;
	v43 =	vand.u32 $0xFFFFFC00, v43;
	v41 =	vor.u32 v41, v45;
	v35 =	vld.idx.msk [tilespmem:v35+s3+$0x0], $0xffff  }
0x26e: {  	v43 =	vor.u32 v43, v44;
	v41 =	vor.u32 $0x180, v41;
	v44 =	vshll.u32 v42, $0x3;
	v37 =	vld.idx.msk [tilespmem:v37+s3+$0x0], $0xffff  }
0x26f: {  	v43 =	vor.u32 $0x180, v43;
	v42 =	vand.u32 $0x7F, v42;
	v44 =	vand.u32 $0xFFFFFC00, v44;
	v31 =	vld.idx.msk [tilespmem:v31+s3+$0x0], $0xffff  }
0x270: {  	v39 =	vadd.f32 $0.0e+00, v39;
	v42 =	vor.u32 v44, v42;
	v30 =	vld.idx.msk [tilespmem:v30+s3+$0x0], $0xffff  }
0x271: {  	v44 =	vld.idx.msk [tilespmem:v40+s3+$0x0], $0xffff;
	v42 =	vor.u32 $0x180, v42  }
0x272: {  	v36 =	vadd.f32 v36, v39;
	v38 =	vadd.f32 $0.0e+00, v38;
	v25 =	vld.idx.msk [tilespmem:v25+s3+$0x0], $0xffff  }
0x273: {  	v35 =	vadd.f32 $0.0e+00, v35;
	v39 =	vld.idx.msk [tilespmem:v41+s3+$0x0], $0xffff  }
0x274: {  	v32 =	vadd.f32 v32, v36;
	v36 =	vadd.f32 v37, v38;
	v45 =	vld.idx.msk [tilespmem:v43+s3+$0x0], $0xffff  }
0x275: {  	v31 =	vadd.f32 $0.0e+00, v31;
	v37 =	vld.idx.msk [tilespmem:v40+s28+$0x0], $0xffff  }
0x276: {  	v32 =	vmul.f32 v32, v34;
	v29 =	vadd.f32 v29, v36;
	v30 =	vadd.f32 v30, v35;
	v38 =	vld.idx.msk [tilespmem:v42+s3+$0x0], $0xffff  }
0x277: {  	v34 =	vadd.f32 $0.0e+00, v44;
	v31 =	vadd.f32 v33, v31;
	v35 =	vld.idx.msk [tilespmem:v41+s28+$0x0], $0xffff  }
0x278: {  	v32 =	vadd.f32 $0.0e+00, v32;
	v28 =	vmul.f32 v29, v28;
	v25 =	vadd.f32 v25, v30  }
0x279: {  	v29 =	vadd.f32 v39, v34;
	v30 =	vld.idx.msk [tilespmem:v43+s28+$0x0], $0xffff  }
0x27a: {  	v28 =	vadd.f32 v28, v32;
	v25 =	vmul.f32 v25, v26;
	v26 =	vadd.f32 v27, v31;
	v33 =	vld.idx.msk [tilespmem:v42+s28+$0x0], $0xffff  }
0x27b: {  	v27 =	vmul.f32 v37, v21;
	v29 =	vadd.f32 v45, v29  }
0x27c: {  	v25 =	vadd.f32 v25, v28;
	v24 =	vmul.f32 v26, v24  }
0x27d: {  	s1 =	sshll.u32 s21, $0xA;
	v26 =	vadd.f32 $0.0e+00, v27;
	v27 =	vmul.f32 v35, v22;
	v28 =	vadd.f32 v38, v29  }
0x27e: {  	s1 =	sadd.s32 s1, s20;
	v24 =	vadd.f32 v24, v25  }
0x27f: {  	s1 =	sor.u32 $0x180, s1;
	v25 =	vadd.f32 v27, v26;
	v26 =	vmul.f32 v30, v19;
	v27 =	vmul.f32 v28, v16  }
0x280: {  	v28 =	vmul.f32 v33, v20;
	v29 =	vld [tilespmem:s1+$0x800]  }
0x281: {  	v24 =	vmul.f32 v24, v15;
	v25 =	vadd.f32 v26, v25;
	v27 =	vadd.f32 v27, v14;
	v26 =	vld [tilespmem:s1+$0x2000]  }
0x282: {  	v30 =	vld [tilespmem:s1+$0x1000]  }
0x283: {  	v25 =	vadd.f32 v28, v25;
	v24 =	vsub.f32 v27, v24;
	v28 =	vld [tilespmem:s1+$0x1800];
	_ =	sdelay $0x1  }
0x284: {  	v25 =	vmul.f32 $4.000000000e+00, v25;
	v24 =	vmul.f32 v24, v29  }
0x285: {  	v27 =	vadd.f32 v26, v26;
	v26 =	vadd.f32 $-5.000000000e-01, v26  }
0x286: {  	v25 =	vsub.f32 v25, v17;
	v24 =	vadd.f32 v24, v30  }
0x287: {  	v27 =	vsub.f32 $1.000000000e+00, v27  }
0x288: {  	v24 =	vadd.f32 v24, v25;
	v25 =	vadd.f32 v25, v17  }
0x289: {  	v27 =	vmul.f32 v27, v13  }
0x28a: {  	v24 =	vsub.f32 $0.0e+00, v24;
	v25 =	vmul.f32 v26, v25;
	_ =	sdelay $0x1  }
0x28b: {  	v24 =	vmul.f32 v24, v18;
	v25 =	vadd.f32 v27, v25;
	_ =	sdelay $0x1  }
0x28c: {  	v24 =	vmul.f32 $1.442695020e+00, v24;
	v25 =	vmul.f32 v25, v28;
	_ =	sdelay $0x1  }
0x28d: {  	v23 =	vadd.f32 v25, v23;
	(erf) = vpow2.f32 v24;
	_ =	sdelay $0x8  }
0x28e: {  	v24 =	vpop (erf)  }
0x28f: {  	v24 =	vadd.f32 $1.000000000e+00, v24;
	_ =	sdelay $0x1  }
0x290: {  	(erf) = vrcp.f32 v24;
	_ =	sdelay $0x5  }
0x291: {  	s5 =	sld [smem:$0x7D0]  }
0x292: {  	s21 =	sshrl.u32 s22, $0x3;
	s6 =	sld [smem:$0x7CF]  }
0x293: {  	s4 =	sshll.u32 s21, $0x8;
	s20 =	sadd.s32 $0x10, s20  }
0x294: {  	s31 =	sand.u32 $0x70, s20;
	s5 =	sadd.s32 s5, s4;
	v24 =	vpop (erf)  }
0x295: {  	s6 =	sadd.s32 s6, s4;
	s24 =	sor.u32 s31, s5;
	s5 =	sld [smem:$0x7DC];
	[tilespmem:s1+$0x16D80] =	vst v24  }
0x296: {  	s1 =	sld [smem:$0x7CE];
	s25 =	sor.u32 s31, s6;
	v24 =	vld [tilespmem:s24+$0x6980]  }
0x297: {  	v25 =	vld [tilespmem:s25+$0x6980]  }
0x298: {  	s6 =	sld [smem:$0x7D9];
	s5 =	sadd.s32 s4, s5  }
0x299: {  	s1 =	sadd.s32 s1, s4;
	s7 =	sld [smem:$0x7DB];
	s5 =	sadd.s32 s31, s5  }
0x29a: {  	s26 =	sor.u32 s31, s1;
	v27 =	vld [tilespmem:s5+$0x0]  }
0x29b: {  	s1 =	sld [smem:$0x7CD];
	v28 =	vld [tilespmem:s26+$0x6980];
	s5 =	sadd.s32 s4, s6;
	v26 =	vshll.u32 v24, $0x3  }
0x29c: {  	v24 =	vand.u32 $0x7F, v24;
	s6 =	sld [smem:$0x7D6];
	v29 =	vshll.u32 v25, $0x3;
	s5 =	sadd.s32 s31, s5;
	v26 =	vand.u32 $0xFFFFFC00, v26;
	s7 =	sadd.s32 s4, s7  }
0x29d: {  	v25 =	vand.u32 $0x7F, v25;
	v29 =	vand.u32 $0xFFFFFC00, v29;
	v30 =	vld [tilespmem:s5+$0x0];
	v24 =	vor.u32 v26, v24;
	s5 =	sadd.s32 s31, s7  }
0x29e: {  	s1 =	sadd.s32 s1, s4;
	v25 =	vor.u32 v29, v25;
	s7 =	sld [smem:$0x7D8];
	v24 =	vor.u32 $0x180, v24;
	v31 =	vld [tilespmem:s5+$0x0]  }
0x29f: {  	s1 =	sor.u32 s31, s1;
	s5 =	sadd.s32 s4, s6;
	v26 =	vor.u32 $0x180, v25;
	s8 =	sld [smem:$0x7DA];
	v25 =	vshll.u32 v27, $0x3  }
0x2a0: {  	v27 =	vand.u32 $0x7F, v27;
	v35 =	vld [tilespmem:s1+$0x6980];
	s9 =	sld [smem:$0x7D3];
	v29 =	vshll.u32 v28, $0x3;
	s5 =	sadd.s32 s31, s5;
	v25 =	vand.u32 $0xFFFFFC00, v25  }
0x2a1: {  	v28 =	vand.u32 $0x7F, v28;
	v32 =	vand.u32 $0xFFFFFC00, v29;
	s10 =	sld [smem:$0x7D5];
	v29 =	vld [tilespmem:s5+$0x0];
	v25 =	vor.u32 v25, v27  }
.Ltmp3:
0x2a2: {  	s5 =	sadd.s32 s4, s7;
	v28 =	vor.u32 v32, v28;
	s11 =	sld [smem:$0x7D7];
	v32 =	vshll.u32 v30, $0x3;
	v27 =	vor.u32 $0x180, v25;
	(pc) =	sbr.rel @!p0 .LBB2_8-.Ltmp3, $4  }
0x2a3: {  	v25 =	vand.u32 $0x7F, v30;
	s6 =	sld [smem:$0x7D2];
	s7 =	sadd.s32 s4, s9;
	s9 =	sadd.s32 s31, s5;
	v32 =	vand.u32 $0xFFFFFC00, v32;
	v24 =	vld.idx.msk [tilespmem:v24+s3+$0x0], $0xffff;
	v33 =	vshll.u32 v31, $0x3  }
0x2a4: {  	s8 =	sadd.s32 s4, s8;
	v31 =	vand.u32 $0x7F, v31;
	s12 =	sadd.s32 s31, s7;
	s5 =	sld [smem:$0x7D4];
	v30 =	vld [tilespmem:s9+$0x0];
	v25 =	vor.u32 v32, v25;
	v33 =	vand.u32 $0xFFFFFC00, v33  }
0x2a5: {  	v28 =	vor.u32 $0x180, v28;
	s9 =	sadd.s32 s4, s10;
	s10 =	sadd.s32 s31, s8;
	s7 =	sld [smem:$0x7D1];
	v32 =	vld [tilespmem:s12+$0x0];
	v25 =	vor.u32 $0x180, v25;
	v33 =	vor.u32 v33, v31  }
0x2a6: {  	s22 =	sadd.s32 $0x1, s22;
	v34 =	vand.u32 $0x7F, v35;
	v36 =	vshll.u32 v35, $0x3;
	s9 =	sadd.s32 s31, s9;
	s8 =	sadd.s32 s4, s11;
	v35 =	vshll.u32 v29, $0x3;
	v31 =	vld [tilespmem:s10+$0x0]  }
0x2a7: {  	v36 =	vand.u32 $0xFFFFFC00, v36;
	s6 =	sadd.s32 s4, s6;
	v37 =	vld [tilespmem:s9+$0x0];
	v29 =	vand.u32 $0x7F, v29;
	s8 =	sadd.s32 s31, s8  }
0x2a8: {  	v35 =	vand.u32 $0xFFFFFC00, v35;
	v33 =	vor.u32 $0x180, v33;
	v34 =	vor.u32 v36, v34;
	s7 =	sadd.s32 s4, s7;
	s6 =	sadd.s32 s31, s6;
	v55 =	vld [tilespmem:s8+$0x0]  }
0x2a9: {  	s19 =	sadd.s32 s4, s5;
	v29 =	vor.u32 v35, v29;
	v34 =	vor.u32 $0x180, v34;
	s7 =	sadd.s32 s31, s7;
	v56 =	vld [tilespmem:s6+$0x0];
	v38 =	vshll.u32 v30, $0x3  }
0x2aa: {  	s4 =	sadd.s32 s31, s19;
	v30 =	vand.u32 $0x7F, v30;
	v29 =	vor.u32 $0x180, v29;
	v39 =	vld [tilespmem:s7+$0x0];
	v40 =	vshll.u32 v32, $0x3  }
0x2ab: {  	v58 =	vld [tilespmem:s4+$0x0];
	v38 =	vand.u32 $0xFFFFFC00, v38;
	v57 =	vand.u32 $0x7F, v32;
	v40 =	vand.u32 $0xFFFFFC00, v40  }
0x2ac: {  	v26 =	vld.idx.msk [tilespmem:v26+s3+$0x0], $0xffff;
	v30 =	vor.u32 v38, v30;
	v59 =	vand.u32 $0x7F, v31;
	v31 =	vshll.u32 v31, $0x3  }
0x2ad: {  	v27 =	vld.idx.msk [tilespmem:v27+s3+$0x0], $0xffff;
	v32 =	vor.u32 v40, v57;
	v41 =	vand.u32 $0x7F, v37;
	v37 =	vshll.u32 v37, $0x3  }
0x2ae: {  	v28 =	vld.idx.msk [tilespmem:v28+s3+$0x0], $0xffff;
	v32 =	vor.u32 $0x180, v32;
	v42 =	vand.u32 $0x7F, v55;
	v35 =	vshll.u32 v55, $0x3  }
0x2af: {  	v45 =	vld [tilespmem:s1+$0x2980];
	v44 =	vand.u32 $0x7F, v56;
	v36 =	vshll.u32 v56, $0x3;
	v43 =	vshll.u32 v39, $0x3  }
0x2b0: {  	v61 =	vld [tilespmem:s26+$0x2980];
	v60 =	vshll.u32 v58, $0x3;
	v39 =	vand.u32 $0x7F, v39;
	v43 =	vand.u32 $0xFFFFFC00, v43  }
0x2b1: {  	v46 =	vld [tilespmem:s25+$0x2980];
	v38 =	vand.u32 $0x7F, v58;
	v36 =	vand.u32 $0xFFFFFC00, v36;
	v39 =	vor.u32 v43, v39  }
0x2b2: {  	v63 =	vld [tilespmem:s24+$0x2980];
	v36 =	vor.u32 v36, v44;
	v43 =	vand.u32 $0xFFFFFC00, v60;
	v39 =	vor.u32 $0x180, v39  }
0x2b3: {  	v33 =	vld.idx.msk [tilespmem:v33+s3+$0x0], $0xffff;
	v35 =	vand.u32 $0xFFFFFC00, v35;
	v36 =	vor.u32 $0x180, v36;
	v38 =	vor.u32 v43, v38  }
0x2b4: {  	v37 =	vand.u32 $0xFFFFFC00, v37;
	v34 =	vld.idx.msk [tilespmem:v34+s3+$0x0], $0xffff;
	v35 =	vor.u32 v35, v42;
	v38 =	vor.u32 $0x180, v38  }
0x2b5: {  	v31 =	vand.u32 $0xFFFFFC00, v31;
	v29 =	vld.idx.msk [tilespmem:v29+s3+$0x0], $0xffff;
	v37 =	vor.u32 v37, v41;
	v35 =	vor.u32 $0x180, v35  }
0x2b6: {  	v62 =	vshll.u32 v45, $0x3;
	v31 =	vor.u32 v31, v59;
	v37 =	vor.u32 $0x180, v37;
	v32 =	vld.idx.msk [tilespmem:v32+s3+$0x0], $0xffff  }
0x2b7: {  	v47 =	vand.u32 $0x7F, v45;
	v41 =	vand.u32 $0xFFFFFC00, v62;
	v31 =	vor.u32 $0x180, v31;
	v39 =	vld.idx.msk [tilespmem:v39+s3+$0x0], $0xffff  }
0x2b8: {  	v30 =	vor.u32 $0x180, v30;
	v48 =	vshll.u32 v61, $0x3;
	v40 =	vor.u32 v41, v47;
	v36 =	vld.idx.msk [tilespmem:v36+s3+$0x0], $0xffff  }
0x2b9: {  	v41 =	vand.u32 $0xFFFFFC00, v48;
	v40 =	vor.u32 $0x180, v40;
	v44 =	vand.u32 $0x7F, v61;
	v38 =	vld.idx.msk [tilespmem:v38+s3+$0x0], $0xffff  }
0x2ba: {  	v49 =	vshll.u32 v46, $0x3;
	v41 =	vor.u32 v41, v44;
	v35 =	vld.idx.msk [tilespmem:v35+s3+$0x0], $0xffff  }
0x2bb: {  	v50 =	vand.u32 $0x7F, v46;
	v43 =	vand.u32 $0xFFFFFC00, v49;
	v41 =	vor.u32 $0x180, v41;
	v37 =	vld.idx.msk [tilespmem:v37+s3+$0x0], $0xffff  }
0x2bc: {  	v51 =	vshll.u32 v63, $0x3;
	v43 =	vor.u32 v43, v50;
	v31 =	vld.idx.msk [tilespmem:v31+s3+$0x0], $0xffff;
	v39 =	vadd.f32 $0.0e+00, v39  }
0x2bd: {  	v42 =	vand.u32 $0x7F, v63;
	v44 =	vand.u32 $0xFFFFFC00, v51;
	v30 =	vld.idx.msk [tilespmem:v30+s3+$0x0], $0xffff;
	v43 =	vor.u32 $0x180, v43  }
0x2be: {  	v42 =	vor.u32 v44, v42;
	v52 =	vld.idx.msk [tilespmem:v40+s3+$0x0], $0xffff;
	v38 =	vadd.f32 $0.0e+00, v38;
	v36 =	vadd.f32 v36, v39  }
0x2bf: {  	v25 =	vld.idx.msk [tilespmem:v25+s3+$0x0], $0xffff;
	v42 =	vor.u32 $0x180, v42;
	v35 =	vadd.f32 $0.0e+00, v35  }
0x2c0: {  	v53 =	vld.idx.msk [tilespmem:v41+s3+$0x0], $0xffff;
	v54 =	vadd.f32 v37, v38;
	v32 =	vadd.f32 v32, v36  }
0x2c1: {  	v56 =	vld.idx.msk [tilespmem:v40+s28+$0x0], $0xffff;
	v31 =	vadd.f32 $0.0e+00, v31  }
0x2c2: {  	v55 =	vld.idx.msk [tilespmem:v43+s3+$0x0], $0xffff;
	v30 =	vadd.f32 v30, v35;
	v29 =	vadd.f32 v29, v54;
	v32 =	vmul.f32 v32, v34  }
0x2c3: {  	v59 =	vld.idx.msk [tilespmem:v41+s28+$0x0], $0xffff;
	v58 =	vadd.f32 $0.0e+00, v52;
	v31 =	vadd.f32 v33, v31  }
0x2c4: {  	v57 =	vld.idx.msk [tilespmem:v42+s3+$0x0], $0xffff;
	v25 =	vadd.f32 v25, v30;
	v28 =	vmul.f32 v29, v28;
	v32 =	vadd.f32 $0.0e+00, v32  }
0x2c5: {  	v29 =	vadd.f32 v53, v58  }
0x2c6: {  	v30 =	vld.idx.msk [tilespmem:v43+s28+$0x0], $0xffff;
	v25 =	vmul.f32 v25, v26;
	v26 =	vadd.f32 v27, v31;
	v28 =	vadd.f32 v28, v32  }
0x2c7: {  	v27 =	vld.idx.msk [tilespmem:v42+s28+$0x0], $0xffff;
	v31 =	vmul.f32 v56, v21;
	v29 =	vadd.f32 v55, v29  }
0x2c8: {  	v24 =	vmul.f32 v26, v24;
	v25 =	vadd.f32 v25, v28  }
0x2c9: {  	s21 =	sshll.u32 s21, $0xA;
	v26 =	vadd.f32 $0.0e+00, v31;
	v29 =	vadd.f32 v57, v29;
	v28 =	vmul.f32 v59, v22  }
0x2ca: {  	s1 =	sadd.s32 s21, s20;
	v24 =	vadd.f32 v24, v25  }
0x2cb: {  	s1 =	sor.u32 $0x180, s1;
	v25 =	vadd.f32 v28, v26;
	v26 =	vmul.f32 v30, v19;
	v28 =	vmul.f32 v29, v16  }
0x2cc: {  	v27 =	vmul.f32 v27, v20;
	v29 =	vld [tilespmem:s1+$0x800]  }
0x2cd: {  	v25 =	vadd.f32 v26, v25;
	v26 =	vadd.f32 v28, v14;
	v24 =	vmul.f32 v24, v15  }
0x2ce: {  	v28 =	vld [tilespmem:s1+$0x1000]  }
0x2cf: {  	v25 =	vadd.f32 v27, v25;
	v24 =	vsub.f32 v26, v24;
	_ =	sdelay $0x1  }
0x2d0: {  	v25 =	vmul.f32 $4.000000000e+00, v25;
	v24 =	vmul.f32 v24, v29;
	_ =	sdelay $0x1  }
0x2d1: {  	v25 =	vsub.f32 v25, v17;
	v24 =	vadd.f32 v24, v28;
	_ =	sdelay $0x1  }
0x2d2: {  	v24 =	vadd.f32 v24, v25;
	_ =	sdelay $0x1  }
0x2d3: {  	v24 =	vsub.f32 $0.0e+00, v24;
	_ =	sdelay $0x1  }
0x2d4: {  	v24 =	vmul.f32 v24, v18;
	_ =	sdelay $0x1  }
0x2d5: {  	v24 =	vmul.f32 $1.442695020e+00, v24;
	_ =	sdelay $0x1  }
0x2d6: {  	(erf) = vpow2.f32 v24;
	_ =	sdelay $0x4  }
0x2d7: {  	s22 =	sadd.s32 $0x2000, s17  }
0x2d8: {  	s24 =	sadd.s32 $0x2200, s17;
	[smem:$0x7BD] =	sst s22  }
0x2d9: {  	s25 =	sadd.s32 $0x2400, s17;
	[smem:$0x7BE] =	sst s24  }
0x2da: {  	s26 =	sadd.s32 $0x2600, s17;
	[smem:$0x7BF] =	sst s25  }
0x2db: {  	s5 =	sadd.s32 $0x10B80, s17;
	[smem:$0x7C0] =	sst s26;
	v26 =	vpop (erf)  }
0x2dc: {  	s9 =	sadd.s32 $0x11380, s17;
	[smem:$0x7C2] =	sst s5;
	v26 =	vadd.f32 $1.000000000e+00, v26  }
0x2dd: {  	s10 =	sadd.s32 $0x11580, s17;
	[smem:$0x7C6] =	sst s9;
	v24 =	vld [tilespmem:s1+$0x2000]  }
0x2de: {  	s12 =	sadd.s32 $0x11980, s17;
	[smem:$0x7C7] =	sst s10;
	(erf) = vrcp.f32 v26  }
0x2df: {  	s14 =	sadd.s32 $0x11D80, s17;
	[smem:$0x7C9] =	sst s12  }
0x2e0: {  	[smem:$0x7CB] =	sst s14  }
0x2e1: {  	s16 =	sld [smem:$0x7C0]  }
0x2e2: {  	s6 =	sadd.s32 $0x10D80, s17;
	s19 =	sld [smem:$0x7BF];
	v27 =	vadd.f32 v24, v24  }
0x2e3: {  	[smem:$0x7C3] =	sst s6;
	v25 =	vadd.f32 v25, v17  }
0x2e4: {  	s7 =	sadd.s32 $0x10F80, s17;
	s6 =	sld [smem:$0x7C9];
	v24 =	vadd.f32 $-5.000000000e-01, v24;
	v26 =	vsub.f32 $1.000000000e+00, v27  }
0x2e5: {  	s11 =	sadd.s32 $0x11780, s17;
	s15 =	sadd.s32 $0x11F80, s17;
	[smem:$0x7C4] =	sst s7;
	v27 =	vld [tilespmem:s1+$0x1800]  }
0x2e6: {  	s22 =	simm.s32 $0x0;
	s4 =	sadd.s32 $0x10980, s17;
	s7 =	sld [smem:$0x7CB];
	v24 =	vmul.f32 v24, v25;
	v26 =	vmul.f32 v26, v13  }
0x2e7: {  	s20 =	sand.u32 $0x70, s22;
	[smem:$0x7C1] =	sst s4;
	s4 =	sadd.s32 $0x0, s19;
	v25 =	vpop (erf)  }
0x2e8: {  	[smem:$0x7CC] =	sst s15;
	s26 =	sor.u32 s20, s4;
	s4 =	sadd.s32 $0x0, s6;
	v24 =	vadd.f32 v26, v24;
	[tilespmem:s1+$0x16D80] =	vst v25  }
0x2e9: {  	s24 =	sld [smem:$0x7BE];
	s4 =	sadd.s32 s20, s4;
	s6 =	sadd.s32 $0x0, s7;
	v25 =	vld [tilespmem:s26+$0x6980]  }
0x2ea: {  	s21 =	sld [smem:$0x7CC];
	s10 =	sadd.s32 s20, s6;
	v24 =	vmul.f32 v24, v27;
	s1 =	sadd.s32 $0x0, s16;
	v30 =	vld [tilespmem:s4+$0x0]  }
0x2eb: {  	s13 =	sadd.s32 $0x11B80, s17;
	[smem:$0x7C8] =	sst s11;
	s25 =	sor.u32 s20, s1;
	v31 =	vld [tilespmem:s10+$0x0]  }
0x2ec: {  	s8 =	sadd.s32 $0x11180, s17;
	[smem:$0x7CA] =	sst s13;
	s5 =	sadd.s32 $0x0, s24;
	v23 =	vadd.f32 v24, v23;
	v24 =	vld [tilespmem:s25+$0x6980]  }
0x2ed: {  	[smem:$0x7C5] =	sst s8;
	s31 =	sor.u32 s20, s5;
	s1 =	sadd.s32 $0x0, s21  }
0x2ee: {  	s8 =	sld [smem:$0x7BD];
	v28 =	vld [tilespmem:s31+$0x6980];
	s1 =	sadd.s32 s20, s1  }
0x2ef: {  	s9 =	sld [smem:$0x7C6];
	v27 =	vld [tilespmem:s1+$0x0];
	v29 =	vshll.u32 v25, $0x3;
	v25 =	vand.u32 $0x7F, v25  }
0x2f0: {  	s11 =	sld [smem:$0x7C8];
	v62 =	vshll.u32 v30, $0x3;
	v63 =	vshll.u32 v31, $0x3;
	v31 =	vand.u32 $0x7F, v31  }
0x2f1: {  	s13 =	sld [smem:$0x7CA];
	s1 =	sadd.s32 $0x0, s8;
	v26 =	vshll.u32 v24, $0x3;
	v24 =	vand.u32 $0x7F, v24;
	v29 =	vand.u32 $0xFFFFFC00, v29  }
0x2f2: {  	s15 =	sld [smem:$0x7C5];
	s12 =	sadd.s32 $0x0, s9;
	s1 =	sor.u32 s20, s1;
	v32 =	vand.u32 $0xFFFFFC00, v62;
	v26 =	vand.u32 $0xFFFFFC00, v26;
	v25 =	vor.u32 v29, v25  }
0x2f3: {  	s14 =	sld [smem:$0x7C3];
	s4 =	sadd.s32 s20, s12;
	v60 =	vld [tilespmem:s1+$0x6980];
	v29 =	vshll.u32 v28, $0x3;
	v24 =	vor.u32 v26, v24;
	v26 =	vor.u32 $0x200, v25  }
0x2f4: {  	s19 =	sadd.s32 $0x0, s13;
	s7 =	sld [smem:$0x7C1];
	v25 =	vshll.u32 v27, $0x3;
	v61 =	vand.u32 $0xFFFFFC00, v29;
	v29 =	vld [tilespmem:s4+$0x0];
	v24 =	vor.u32 $0x200, v24  }
0x2f5: {  	s24 =	sadd.s32 s20, s19;
	s6 =	sld [smem:$0x7C2];
	s16 =	sadd.s32 $0x0, s11;
	v33 =	vand.u32 $0xFFFFFC00, v63;
	v27 =	vand.u32 $0x7F, v27;
	v25 =	vand.u32 $0xFFFFFC00, v25  }
0x2f6: {  	s5 =	sadd.s32 $0x0, s14;
	s10 =	sld [smem:$0x7C7];
	s9 =	sadd.s32 s20, s16;
	v28 =	vand.u32 $0x7F, v28;
	v33 =	vor.u32 v33, v31;
	v31 =	vld [tilespmem:s24+$0x0];
	v25 =	vor.u32 v25, v27  }
0x2f7: {  	s11 =	sadd.s32 s20, s5;
	s5 =	sld [smem:$0x7C4];
	v28 =	vor.u32 v61, v28;
	v27 =	vor.u32 $0x200, v25;
	v25 =	vand.u32 $0x7F, v30;
	v30 =	vld [tilespmem:s9+$0x0]  }
0x2f8: {  	s21 =	simm.s32 $0x0;
	s8 =	sadd.s32 $0x0, s15;
	s24 =	simm.s32 $0x1;
	v34 =	vand.u32 $0x7F, v60;
	v36 =	vshll.u32 v60, $0x3;
	v25 =	vor.u32 v32, v25;
	v32 =	vld [tilespmem:s11+$0x0]  }
0x2f9: {  	s4 =	simm.s32 $0x0;
	v28 =	vor.u32 $0x200, v28;
	s9 =	sadd.s32 s20, s8;
	s8 =	sadd.s32 $0x0, s10;
	v25 =	vor.u32 $0x200, v25;
	v35 =	vshll.u32 v29, $0x3;
	v24 =	vld.idx.msk [tilespmem:v24+s3+$0x0], $0xffff  }
.LBB2_10:
0x2fa: {  	p0 =	seq.s32 s24, $0xF;
	v36 =	vand.u32 $0xFFFFFC00, v36;
	s6 =	sadd.s32 s4, s6;
	v37 =	vld [tilespmem:s9+$0x0];
	v29 =	vand.u32 $0x7F, v29;
	v35 =	vand.u32 $0xFFFFFC00, v35;
	s8 =	sadd.s32 s20, s8  }
0x2fb: {  	v33 =	vor.u32 $0x200, v33;
	v34 =	vor.u32 v36, v34;
	s7 =	sadd.s32 s4, s7;
	s6 =	sadd.s32 s20, s6;
	v29 =	vor.u32 v35, v29;
	v35 =	vld [tilespmem:s8+$0x0]  }
0x2fc: {  	v34 =	vor.u32 $0x200, v34;
	s7 =	sadd.s32 s20, s7;
	v36 =	vld [tilespmem:s6+$0x0];
	v29 =	vor.u32 $0x200, v29;
	v38 =	vshll.u32 v30, $0x3  }
0x2fd: {  	s4 =	sadd.s32 s4, s5;
	v30 =	vand.u32 $0x7F, v30;
	v39 =	vld [tilespmem:s7+$0x0];
	v40 =	vshll.u32 v32, $0x3;
	v38 =	vand.u32 $0xFFFFFC00, v38  }
0x2fe: {  	s4 =	sadd.s32 s20, s4;
	v32 =	vand.u32 $0x7F, v32;
	v40 =	vand.u32 $0xFFFFFC00, v40;
	v26 =	vld.idx.msk [tilespmem:v26+s3+$0x0], $0xffff;
	v30 =	vor.u32 v38, v30  }
0x2ff: {  	v32 =	vor.u32 v40, v32;
	v38 =	vld [tilespmem:s4+$0x0];
	v30 =	vor.u32 $0x200, v30;
	v40 =	vand.u32 $0x7F, v31  }
0x300: {  	v41 =	vand.u32 $0x7F, v37;
	v31 =	vshll.u32 v31, $0x3;
	v32 =	vor.u32 $0x200, v32;
	v27 =	vld.idx.msk [tilespmem:v27+s3+$0x0], $0xffff  }
0x301: {  	v37 =	vshll.u32 v37, $0x3;
	v42 =	vand.u32 $0x7F, v35;
	v35 =	vshll.u32 v35, $0x3;
	v28 =	vld.idx.msk [tilespmem:v28+s3+$0x0], $0xffff  }
0x302: {  	v44 =	vand.u32 $0x7F, v36;
	v36 =	vshll.u32 v36, $0x3;
	v43 =	vshll.u32 v39, $0x3;
	v33 =	vld.idx.msk [tilespmem:v33+s3+$0x0], $0xffff  }
0x303: {  	v39 =	vand.u32 $0x7F, v39;
	v36 =	vand.u32 $0xFFFFFC00, v36;
	v34 =	vld.idx.msk [tilespmem:v34+s3+$0x0], $0xffff;
	v43 =	vand.u32 $0xFFFFFC00, v43  }
0x304: {  	v36 =	vor.u32 v36, v44;
	v45 =	vld [tilespmem:s1+$0x2980];
	v39 =	vor.u32 v43, v39;
	v43 =	vshll.u32 v38, $0x3  }
0x305: {  	v38 =	vand.u32 $0x7F, v38;
	v44 =	vld [tilespmem:s26+$0x2980];
	v39 =	vor.u32 $0x200, v39;
	v43 =	vand.u32 $0xFFFFFC00, v43  }
0x306: {  	v35 =	vand.u32 $0xFFFFFC00, v35;
	v36 =	vor.u32 $0x200, v36;
	v46 =	vld [tilespmem:s31+$0x2980];
	v38 =	vor.u32 v43, v38  }
0x307: {  	v37 =	vand.u32 $0xFFFFFC00, v37;
	v35 =	vor.u32 v35, v42;
	v38 =	vor.u32 $0x200, v38;
	v29 =	vld.idx.msk [tilespmem:v29+s3+$0x0], $0xffff  }
0x308: {  	v31 =	vand.u32 $0xFFFFFC00, v31;
	v37 =	vor.u32 v37, v41;
	v35 =	vor.u32 $0x200, v35;
	v32 =	vld.idx.msk [tilespmem:v32+s3+$0x0], $0xffff  }
0x309: {  	v31 =	vor.u32 v31, v40;
	v37 =	vor.u32 $0x200, v37;
	v41 =	vshll.u32 v45, $0x3;
	v42 =	vld [tilespmem:s25+$0x2980]  }
0x30a: {  	v31 =	vor.u32 $0x200, v31;
	v40 =	vand.u32 $0x7F, v45;
	v41 =	vand.u32 $0xFFFFFC00, v41;
	v39 =	vld.idx.msk [tilespmem:v39+s3+$0x0], $0xffff  }
0x30b: {  	v43 =	vshll.u32 v44, $0x3;
	v40 =	vor.u32 v41, v40;
	v41 =	vshll.u32 v46, $0x3;
	v36 =	vld.idx.msk [tilespmem:v36+s3+$0x0], $0xffff  }
0x30c: {  	v45 =	vand.u32 $0x7F, v46;
	v40 =	vor.u32 $0x200, v40;
	v41 =	vand.u32 $0xFFFFFC00, v41;
	v38 =	vld.idx.msk [tilespmem:v38+s3+$0x0], $0xffff  }
0x30d: {  	v44 =	vand.u32 $0x7F, v44;
	v43 =	vand.u32 $0xFFFFFC00, v43;
	v41 =	vor.u32 v41, v45;
	v35 =	vld.idx.msk [tilespmem:v35+s3+$0x0], $0xffff  }
0x30e: {  	v43 =	vor.u32 v43, v44;
	v41 =	vor.u32 $0x200, v41;
	v44 =	vshll.u32 v42, $0x3;
	v37 =	vld.idx.msk [tilespmem:v37+s3+$0x0], $0xffff  }
0x30f: {  	v43 =	vor.u32 $0x200, v43;
	v42 =	vand.u32 $0x7F, v42;
	v44 =	vand.u32 $0xFFFFFC00, v44;
	v31 =	vld.idx.msk [tilespmem:v31+s3+$0x0], $0xffff  }
0x310: {  	v39 =	vadd.f32 $0.0e+00, v39;
	v42 =	vor.u32 v44, v42;
	v30 =	vld.idx.msk [tilespmem:v30+s3+$0x0], $0xffff  }
0x311: {  	v44 =	vld.idx.msk [tilespmem:v40+s3+$0x0], $0xffff;
	v42 =	vor.u32 $0x200, v42  }
0x312: {  	v36 =	vadd.f32 v36, v39;
	v38 =	vadd.f32 $0.0e+00, v38;
	v25 =	vld.idx.msk [tilespmem:v25+s3+$0x0], $0xffff  }
0x313: {  	v35 =	vadd.f32 $0.0e+00, v35;
	v39 =	vld.idx.msk [tilespmem:v41+s3+$0x0], $0xffff  }
0x314: {  	v32 =	vadd.f32 v32, v36;
	v36 =	vadd.f32 v37, v38;
	v45 =	vld.idx.msk [tilespmem:v43+s3+$0x0], $0xffff  }
0x315: {  	v31 =	vadd.f32 $0.0e+00, v31;
	v37 =	vld.idx.msk [tilespmem:v40+s28+$0x0], $0xffff  }
0x316: {  	v32 =	vmul.f32 v32, v34;
	v29 =	vadd.f32 v29, v36;
	v30 =	vadd.f32 v30, v35;
	v38 =	vld.idx.msk [tilespmem:v42+s3+$0x0], $0xffff  }
0x317: {  	v34 =	vadd.f32 $0.0e+00, v44;
	v31 =	vadd.f32 v33, v31;
	v35 =	vld.idx.msk [tilespmem:v41+s28+$0x0], $0xffff  }
0x318: {  	v32 =	vadd.f32 $0.0e+00, v32;
	v28 =	vmul.f32 v29, v28;
	v25 =	vadd.f32 v25, v30  }
0x319: {  	v29 =	vadd.f32 v39, v34;
	v30 =	vld.idx.msk [tilespmem:v43+s28+$0x0], $0xffff  }
0x31a: {  	v28 =	vadd.f32 v28, v32;
	v25 =	vmul.f32 v25, v26;
	v26 =	vadd.f32 v27, v31;
	v33 =	vld.idx.msk [tilespmem:v42+s28+$0x0], $0xffff  }
0x31b: {  	v27 =	vmul.f32 v37, v21;
	v29 =	vadd.f32 v45, v29  }
0x31c: {  	v25 =	vadd.f32 v25, v28;
	v24 =	vmul.f32 v26, v24  }
0x31d: {  	v26 =	vadd.f32 $0.0e+00, v27;
	v27 =	vmul.f32 v35, v22;
	v28 =	vadd.f32 v38, v29  }
0x31e: {  	s1 =	sshll.u32 s21, $0xA;
	v24 =	vadd.f32 v24, v25  }
0x31f: {  	s1 =	sor.u32 s20, s1;
	v25 =	vadd.f32 v27, v26;
	v26 =	vmul.f32 v30, v19;
	v27 =	vmul.f32 v28, v16  }
0x320: {  	v28 =	vmul.f32 v33, v20;
	v29 =	vld [tilespmem:s1+$0xA00]  }
0x321: {  	v24 =	vmul.f32 v24, v15;
	v25 =	vadd.f32 v26, v25;
	v27 =	vadd.f32 v27, v14;
	v26 =	vld [tilespmem:s1+$0x2200]  }
0x322: {  	v30 =	vld [tilespmem:s1+$0x1200]  }
0x323: {  	v25 =	vadd.f32 v28, v25;
	v24 =	vsub.f32 v27, v24;
	v28 =	vld [tilespmem:s1+$0x1A00];
	_ =	sdelay $0x1  }
0x324: {  	v25 =	vmul.f32 $4.000000000e+00, v25;
	v24 =	vmul.f32 v24, v29  }
0x325: {  	v27 =	vadd.f32 v26, v26;
	v26 =	vadd.f32 $-5.000000000e-01, v26  }
0x326: {  	v25 =	vsub.f32 v25, v17;
	v24 =	vadd.f32 v24, v30  }
0x327: {  	v27 =	vsub.f32 $1.000000000e+00, v27  }
0x328: {  	v24 =	vadd.f32 v24, v25;
	v25 =	vadd.f32 v25, v17  }
0x329: {  	v27 =	vmul.f32 v27, v13  }
0x32a: {  	v24 =	vsub.f32 $0.0e+00, v24;
	v25 =	vmul.f32 v26, v25;
	_ =	sdelay $0x1  }
0x32b: {  	v24 =	vmul.f32 v24, v18;
	v25 =	vadd.f32 v27, v25;
	_ =	sdelay $0x1  }
0x32c: {  	v24 =	vmul.f32 $1.442695020e+00, v24;
	v25 =	vmul.f32 v25, v28;
	_ =	sdelay $0x1  }
0x32d: {  	v23 =	vadd.f32 v25, v23;
	(erf) = vpow2.f32 v24;
	_ =	sdelay $0x8  }
0x32e: {  	v24 =	vpop (erf)  }
0x32f: {  	v24 =	vadd.f32 $1.000000000e+00, v24;
	_ =	sdelay $0x1  }
0x330: {  	(erf) = vrcp.f32 v24;
	_ =	sdelay $0x5  }
0x331: {  	s5 =	sld [smem:$0x7C0]  }
0x332: {  	s21 =	sshrl.u32 s24, $0x3;
	s6 =	sld [smem:$0x7BF]  }
0x333: {  	s22 =	sadd.s32 $0x10, s22;
	s4 =	sshll.u32 s21, $0x8  }
0x334: {  	s20 =	sand.u32 $0x70, s22;
	s5 =	sadd.s32 s5, s4;
	v24 =	vpop (erf)  }
0x335: {  	s6 =	sadd.s32 s6, s4;
	s25 =	sor.u32 s20, s5;
	s5 =	sld [smem:$0x7CC];
	[tilespmem:s1+$0x16F80] =	vst v24  }
0x336: {  	s1 =	sld [smem:$0x7BE];
	s26 =	sor.u32 s20, s6;
	v24 =	vld [tilespmem:s25+$0x6980]  }
0x337: {  	v25 =	vld [tilespmem:s26+$0x6980]  }
0x338: {  	s6 =	sld [smem:$0x7C9];
	s5 =	sadd.s32 s4, s5  }
0x339: {  	s1 =	sadd.s32 s1, s4;
	s7 =	sld [smem:$0x7CB];
	s5 =	sadd.s32 s20, s5  }
0x33a: {  	s31 =	sor.u32 s20, s1;
	v27 =	vld [tilespmem:s5+$0x0]  }
0x33b: {  	s1 =	sld [smem:$0x7BD];
	v28 =	vld [tilespmem:s31+$0x6980];
	s5 =	sadd.s32 s4, s6;
	v26 =	vshll.u32 v24, $0x3  }
0x33c: {  	v24 =	vand.u32 $0x7F, v24;
	s6 =	sld [smem:$0x7C6];
	v29 =	vshll.u32 v25, $0x3;
	s5 =	sadd.s32 s20, s5;
	v26 =	vand.u32 $0xFFFFFC00, v26;
	s7 =	sadd.s32 s4, s7  }
0x33d: {  	v25 =	vand.u32 $0x7F, v25;
	v29 =	vand.u32 $0xFFFFFC00, v29;
	v30 =	vld [tilespmem:s5+$0x0];
	v24 =	vor.u32 v26, v24;
	s5 =	sadd.s32 s20, s7  }
0x33e: {  	s1 =	sadd.s32 s1, s4;
	v25 =	vor.u32 v29, v25;
	s7 =	sld [smem:$0x7C8];
	v24 =	vor.u32 $0x200, v24;
	v31 =	vld [tilespmem:s5+$0x0]  }
0x33f: {  	s1 =	sor.u32 s20, s1;
	s5 =	sadd.s32 s4, s6;
	v26 =	vor.u32 $0x200, v25;
	s8 =	sld [smem:$0x7CA];
	v25 =	vshll.u32 v27, $0x3  }
0x340: {  	v27 =	vand.u32 $0x7F, v27;
	v35 =	vld [tilespmem:s1+$0x6980];
	s9 =	sld [smem:$0x7C3];
	v29 =	vshll.u32 v28, $0x3;
	s5 =	sadd.s32 s20, s5;
	v25 =	vand.u32 $0xFFFFFC00, v25  }
0x341: {  	v28 =	vand.u32 $0x7F, v28;
	v32 =	vand.u32 $0xFFFFFC00, v29;
	s10 =	sld [smem:$0x7C5];
	v29 =	vld [tilespmem:s5+$0x0];
	v25 =	vor.u32 v25, v27  }
.Ltmp4:
0x342: {  	s5 =	sadd.s32 s4, s7;
	v28 =	vor.u32 v32, v28;
	s11 =	sld [smem:$0x7C7];
	v32 =	vshll.u32 v30, $0x3;
	v27 =	vor.u32 $0x200, v25;
	(pc) =	sbr.rel @!p0 .LBB2_10-.Ltmp4, $4  }
0x343: {  	v25 =	vand.u32 $0x7F, v30;
	s6 =	sld [smem:$0x7C2];
	s7 =	sadd.s32 s4, s9;
	s9 =	sadd.s32 s20, s5;
	v32 =	vand.u32 $0xFFFFFC00, v32;
	v24 =	vld.idx.msk [tilespmem:v24+s3+$0x0], $0xffff;
	v33 =	vshll.u32 v31, $0x3  }
0x344: {  	s8 =	sadd.s32 s4, s8;
	v31 =	vand.u32 $0x7F, v31;
	s12 =	sadd.s32 s20, s7;
	s5 =	sld [smem:$0x7C4];
	v30 =	vld [tilespmem:s9+$0x0];
	v25 =	vor.u32 v32, v25;
	v33 =	vand.u32 $0xFFFFFC00, v33  }
0x345: {  	v28 =	vor.u32 $0x200, v28;
	s9 =	sadd.s32 s4, s10;
	s10 =	sadd.s32 s20, s8;
	s7 =	sld [smem:$0x7C1];
	v32 =	vld [tilespmem:s12+$0x0];
	v25 =	vor.u32 $0x200, v25;
	v33 =	vor.u32 v33, v31  }
0x346: {  	s24 =	sadd.s32 $0x1, s24;
	v34 =	vand.u32 $0x7F, v35;
	v36 =	vshll.u32 v35, $0x3;
	s9 =	sadd.s32 s20, s9;
	s8 =	sadd.s32 s4, s11;
	v35 =	vshll.u32 v29, $0x3;
	v31 =	vld [tilespmem:s10+$0x0]  }
0x347: {  	v36 =	vand.u32 $0xFFFFFC00, v36;
	s6 =	sadd.s32 s4, s6;
	v37 =	vld [tilespmem:s9+$0x0];
	v29 =	vand.u32 $0x7F, v29;
	s8 =	sadd.s32 s20, s8  }
0x348: {  	v35 =	vand.u32 $0xFFFFFC00, v35;
	v33 =	vor.u32 $0x200, v33;
	v34 =	vor.u32 v36, v34;
	s7 =	sadd.s32 s4, s7;
	s6 =	sadd.s32 s20, s6;
	v55 =	vld [tilespmem:s8+$0x0]  }
0x349: {  	s19 =	sadd.s32 s4, s5;
	v29 =	vor.u32 v35, v29;
	v34 =	vor.u32 $0x200, v34;
	s7 =	sadd.s32 s20, s7;
	v56 =	vld [tilespmem:s6+$0x0];
	v38 =	vshll.u32 v30, $0x3  }
0x34a: {  	s4 =	sadd.s32 s20, s19;
	v30 =	vand.u32 $0x7F, v30;
	v29 =	vor.u32 $0x200, v29;
	v39 =	vld [tilespmem:s7+$0x0];
	v40 =	vshll.u32 v32, $0x3  }
0x34b: {  	v58 =	vld [tilespmem:s4+$0x0];
	v38 =	vand.u32 $0xFFFFFC00, v38;
	v57 =	vand.u32 $0x7F, v32;
	v40 =	vand.u32 $0xFFFFFC00, v40  }
0x34c: {  	v26 =	vld.idx.msk [tilespmem:v26+s3+$0x0], $0xffff;
	v30 =	vor.u32 v38, v30;
	v59 =	vand.u32 $0x7F, v31;
	v31 =	vshll.u32 v31, $0x3  }
0x34d: {  	v27 =	vld.idx.msk [tilespmem:v27+s3+$0x0], $0xffff;
	v32 =	vor.u32 v40, v57;
	v41 =	vand.u32 $0x7F, v37;
	v37 =	vshll.u32 v37, $0x3  }
0x34e: {  	v28 =	vld.idx.msk [tilespmem:v28+s3+$0x0], $0xffff;
	v32 =	vor.u32 $0x200, v32;
	v42 =	vand.u32 $0x7F, v55;
	v35 =	vshll.u32 v55, $0x3  }
0x34f: {  	v45 =	vld [tilespmem:s1+$0x2980];
	v44 =	vand.u32 $0x7F, v56;
	v36 =	vshll.u32 v56, $0x3;
	v43 =	vshll.u32 v39, $0x3  }
0x350: {  	v61 =	vld [tilespmem:s31+$0x2980];
	v60 =	vshll.u32 v58, $0x3;
	v39 =	vand.u32 $0x7F, v39;
	v43 =	vand.u32 $0xFFFFFC00, v43  }
0x351: {  	v46 =	vld [tilespmem:s26+$0x2980];
	v38 =	vand.u32 $0x7F, v58;
	v36 =	vand.u32 $0xFFFFFC00, v36;
	v39 =	vor.u32 v43, v39  }
0x352: {  	v63 =	vld [tilespmem:s25+$0x2980];
	v36 =	vor.u32 v36, v44;
	v43 =	vand.u32 $0xFFFFFC00, v60;
	v39 =	vor.u32 $0x200, v39  }
0x353: {  	v33 =	vld.idx.msk [tilespmem:v33+s3+$0x0], $0xffff;
	v35 =	vand.u32 $0xFFFFFC00, v35;
	v36 =	vor.u32 $0x200, v36;
	v38 =	vor.u32 v43, v38  }
0x354: {  	v37 =	vand.u32 $0xFFFFFC00, v37;
	v34 =	vld.idx.msk [tilespmem:v34+s3+$0x0], $0xffff;
	v35 =	vor.u32 v35, v42;
	v38 =	vor.u32 $0x200, v38  }
0x355: {  	v31 =	vand.u32 $0xFFFFFC00, v31;
	v29 =	vld.idx.msk [tilespmem:v29+s3+$0x0], $0xffff;
	v37 =	vor.u32 v37, v41;
	v35 =	vor.u32 $0x200, v35  }
0x356: {  	v62 =	vshll.u32 v45, $0x3;
	v31 =	vor.u32 v31, v59;
	v37 =	vor.u32 $0x200, v37;
	v32 =	vld.idx.msk [tilespmem:v32+s3+$0x0], $0xffff  }
0x357: {  	v47 =	vand.u32 $0x7F, v45;
	v41 =	vand.u32 $0xFFFFFC00, v62;
	v31 =	vor.u32 $0x200, v31;
	v39 =	vld.idx.msk [tilespmem:v39+s3+$0x0], $0xffff  }
0x358: {  	v30 =	vor.u32 $0x200, v30;
	v48 =	vshll.u32 v61, $0x3;
	v40 =	vor.u32 v41, v47;
	v36 =	vld.idx.msk [tilespmem:v36+s3+$0x0], $0xffff  }
0x359: {  	v41 =	vand.u32 $0xFFFFFC00, v48;
	v40 =	vor.u32 $0x200, v40;
	v44 =	vand.u32 $0x7F, v61;
	v38 =	vld.idx.msk [tilespmem:v38+s3+$0x0], $0xffff  }
0x35a: {  	v49 =	vshll.u32 v46, $0x3;
	v41 =	vor.u32 v41, v44;
	v35 =	vld.idx.msk [tilespmem:v35+s3+$0x0], $0xffff  }
0x35b: {  	v50 =	vand.u32 $0x7F, v46;
	v43 =	vand.u32 $0xFFFFFC00, v49;
	v41 =	vor.u32 $0x200, v41;
	v37 =	vld.idx.msk [tilespmem:v37+s3+$0x0], $0xffff  }
0x35c: {  	v51 =	vshll.u32 v63, $0x3;
	v43 =	vor.u32 v43, v50;
	v31 =	vld.idx.msk [tilespmem:v31+s3+$0x0], $0xffff;
	v39 =	vadd.f32 $0.0e+00, v39  }
0x35d: {  	v42 =	vand.u32 $0x7F, v63;
	v44 =	vand.u32 $0xFFFFFC00, v51;
	v30 =	vld.idx.msk [tilespmem:v30+s3+$0x0], $0xffff;
	v43 =	vor.u32 $0x200, v43  }
0x35e: {  	v42 =	vor.u32 v44, v42;
	v52 =	vld.idx.msk [tilespmem:v40+s3+$0x0], $0xffff;
	v38 =	vadd.f32 $0.0e+00, v38;
	v36 =	vadd.f32 v36, v39  }
0x35f: {  	v25 =	vld.idx.msk [tilespmem:v25+s3+$0x0], $0xffff;
	v42 =	vor.u32 $0x200, v42;
	v35 =	vadd.f32 $0.0e+00, v35  }
0x360: {  	v53 =	vld.idx.msk [tilespmem:v41+s3+$0x0], $0xffff;
	v54 =	vadd.f32 v37, v38;
	v32 =	vadd.f32 v32, v36  }
0x361: {  	v56 =	vld.idx.msk [tilespmem:v40+s28+$0x0], $0xffff;
	v31 =	vadd.f32 $0.0e+00, v31  }
0x362: {  	v55 =	vld.idx.msk [tilespmem:v43+s3+$0x0], $0xffff;
	v30 =	vadd.f32 v30, v35;
	v29 =	vadd.f32 v29, v54;
	v32 =	vmul.f32 v32, v34  }
0x363: {  	v59 =	vld.idx.msk [tilespmem:v41+s28+$0x0], $0xffff;
	v58 =	vadd.f32 $0.0e+00, v52;
	v31 =	vadd.f32 v33, v31  }
0x364: {  	v57 =	vld.idx.msk [tilespmem:v42+s3+$0x0], $0xffff;
	v25 =	vadd.f32 v25, v30;
	v28 =	vmul.f32 v29, v28;
	v32 =	vadd.f32 $0.0e+00, v32  }
0x365: {  	v29 =	vadd.f32 v53, v58  }
0x366: {  	v30 =	vld.idx.msk [tilespmem:v43+s28+$0x0], $0xffff;
	v25 =	vmul.f32 v25, v26;
	v26 =	vadd.f32 v27, v31;
	v28 =	vadd.f32 v28, v32  }
0x367: {  	v27 =	vld.idx.msk [tilespmem:v42+s28+$0x0], $0xffff;
	v31 =	vmul.f32 v56, v21;
	v29 =	vadd.f32 v55, v29  }
0x368: {  	v24 =	vmul.f32 v26, v24;
	v25 =	vadd.f32 v25, v28  }
0x369: {  	v26 =	vadd.f32 $0.0e+00, v31;
	v29 =	vadd.f32 v57, v29;
	v28 =	vmul.f32 v59, v22  }
0x36a: {  	s22 =	sshll.u32 s21, $0xA;
	v24 =	vadd.f32 v24, v25  }
0x36b: {  	s1 =	sor.u32 s20, s22;
	v25 =	vadd.f32 v28, v26;
	v26 =	vmul.f32 v30, v19;
	v28 =	vmul.f32 v29, v16  }
0x36c: {  	v27 =	vmul.f32 v27, v20;
	v29 =	vld [tilespmem:s1+$0xA00]  }
0x36d: {  	v25 =	vadd.f32 v26, v25;
	v26 =	vadd.f32 v28, v14;
	v24 =	vmul.f32 v24, v15  }
0x36e: {  	v28 =	vld [tilespmem:s1+$0x1200]  }
0x36f: {  	v25 =	vadd.f32 v27, v25;
	v24 =	vsub.f32 v26, v24;
	_ =	sdelay $0x1  }
0x370: {  	v25 =	vmul.f32 $4.000000000e+00, v25;
	v24 =	vmul.f32 v24, v29;
	_ =	sdelay $0x1  }
0x371: {  	v25 =	vsub.f32 v25, v17;
	v24 =	vadd.f32 v24, v28;
	_ =	sdelay $0x1  }
0x372: {  	v24 =	vadd.f32 v24, v25;
	_ =	sdelay $0x1  }
0x373: {  	v24 =	vsub.f32 $0.0e+00, v24;
	_ =	sdelay $0x1  }
0x374: {  	v24 =	vmul.f32 v24, v18;
	_ =	sdelay $0x1  }
0x375: {  	v24 =	vmul.f32 $1.442695020e+00, v24;
	_ =	sdelay $0x1  }
0x376: {  	(erf) = vpow2.f32 v24;
	_ =	sdelay $0x5  }
0x377: {  	s24 =	sadd.s32 $0x2800, s17  }
0x378: {  	s25 =	sadd.s32 $0x2A00, s17;
	[smem:$0x7AD] =	sst s24  }
0x379: {  	s26 =	sadd.s32 $0x2C00, s17;
	[smem:$0x7AE] =	sst s25  }
0x37a: {  	s5 =	sadd.s32 $0x12180, s17;
	[smem:$0x7AF] =	sst s26;
	v26 =	vpop (erf)  }
0x37b: {  	s9 =	sadd.s32 $0x12980, s17;
	[smem:$0x7B1] =	sst s5;
	v26 =	vadd.f32 $1.000000000e+00, v26  }
0x37c: {  	s10 =	sadd.s32 $0x12B80, s17;
	[smem:$0x7B5] =	sst s9;
	v24 =	vld [tilespmem:s1+$0x2200]  }
0x37d: {  	s13 =	sadd.s32 $0x13180, s17;
	[smem:$0x7B6] =	sst s10;
	(erf) = vrcp.f32 v26  }
0x37e: {  	s15 =	sadd.s32 $0x13580, s17;
	[smem:$0x7B9] =	sst s13  }
0x37f: {  	[smem:$0x7BB] =	sst s15  }
0x380: {  	s4 =	sadd.s32 $0x2E00, s17;
	s21 =	sld [smem:$0x7AF]  }
0x381: {  	s6 =	sadd.s32 $0x12380, s17;
	[smem:$0x7B0] =	sst s4;
	v27 =	vadd.f32 v24, v24  }
0x382: {  	[smem:$0x7B2] =	sst s6;
	v25 =	vadd.f32 v25, v17  }
0x383: {  	s7 =	sadd.s32 $0x12580, s17;
	s6 =	sld [smem:$0x7B9];
	v24 =	vadd.f32 $-5.000000000e-01, v24;
	v26 =	vsub.f32 $1.000000000e+00, v27  }
0x384: {  	s11 =	sadd.s32 $0x12D80, s17;
	[smem:$0x7B3] =	sst s7;
	v27 =	vld [tilespmem:s1+$0x1A00]  }
0x385: {  	s16 =	sadd.s32 $0x13780, s17;
	s20 =	simm.s32 $0x0;
	s7 =	sld [smem:$0x7BB];
	v24 =	vmul.f32 v24, v25;
	v26 =	vmul.f32 v26, v13  }
0x386: {  	s31 =	sand.u32 $0x70, s20;
	s19 =	sld [smem:$0x7B0];
	s4 =	sadd.s32 $0x0, s21;
	v25 =	vpop (erf)  }
0x387: {  	[smem:$0x7BC] =	sst s16;
	s25 =	sor.u32 s31, s4;
	s4 =	sadd.s32 $0x0, s6;
	v24 =	vadd.f32 v26, v24;
	[tilespmem:s1+$0x16F80] =	vst v25  }
0x388: {  	s26 =	sld [smem:$0x7AE];
	s4 =	sadd.s32 s31, s4;
	s6 =	sadd.s32 $0x0, s7;
	v25 =	vld [tilespmem:s25+$0x6980]  }
0x389: {  	s22 =	sld [smem:$0x7BC];
	s10 =	sadd.s32 s31, s6;
	v24 =	vmul.f32 v24, v27;
	s1 =	sadd.s32 $0x0, s19;
	v30 =	vld [tilespmem:s4+$0x0]  }
0x38a: {  	s12 =	sadd.s32 $0x12F80, s17;
	[smem:$0x7B7] =	sst s11;
	s24 =	sor.u32 s31, s1;
	v31 =	vld [tilespmem:s10+$0x0]  }
0x38b: {  	s8 =	sadd.s32 $0x12780, s17;
	[smem:$0x7B8] =	sst s12;
	s5 =	sadd.s32 $0x0, s26;
	v23 =	vadd.f32 v24, v23;
	v24 =	vld [tilespmem:s24+$0x6980]  }
0x38c: {  	[smem:$0x7B4] =	sst s8;
	s26 =	sor.u32 s31, s5;
	s1 =	sadd.s32 $0x0, s22  }
0x38d: {  	s8 =	sld [smem:$0x7AD];
	v28 =	vld [tilespmem:s26+$0x6980];
	s1 =	sadd.s32 s31, s1  }
0x38e: {  	s14 =	sadd.s32 $0x13380, s17;
	s9 =	sld [smem:$0x7B6];
	v27 =	vld [tilespmem:s1+$0x0];
	v29 =	vshll.u32 v25, $0x3;
	v25 =	vand.u32 $0x7F, v25  }
0x38f: {  	[smem:$0x7BA] =	sst s14;
	v62 =	vshll.u32 v30, $0x3;
	v63 =	vshll.u32 v31, $0x3;
	v31 =	vand.u32 $0x7F, v31  }
0x390: {  	s13 =	sld [smem:$0x7BA];
	s1 =	sadd.s32 $0x0, s8;
	v26 =	vshll.u32 v24, $0x3;
	v24 =	vand.u32 $0x7F, v24;
	v29 =	vand.u32 $0xFFFFFC00, v29  }
0x391: {  	s11 =	sld [smem:$0x7B8];
	s12 =	sadd.s32 $0x0, s9;
	s1 =	sor.u32 s31, s1;
	v32 =	vand.u32 $0xFFFFFC00, v62;
	v26 =	vand.u32 $0xFFFFFC00, v26;
	v25 =	vor.u32 v29, v25  }
0x392: {  	s14 =	sld [smem:$0x7B3];
	s4 =	sadd.s32 s31, s12;
	v60 =	vld [tilespmem:s1+$0x6980];
	v29 =	vshll.u32 v28, $0x3;
	v24 =	vor.u32 v26, v24;
	v26 =	vor.u32 $0x280, v25  }
0x393: {  	s15 =	sld [smem:$0x7B5];
	s19 =	sadd.s32 $0x0, s13;
	v25 =	vshll.u32 v27, $0x3;
	v61 =	vand.u32 $0xFFFFFC00, v29;
	v29 =	vld [tilespmem:s4+$0x0];
	v24 =	vor.u32 $0x280, v24  }
0x394: {  	s16 =	sadd.s32 $0x0, s11;
	s7 =	sld [smem:$0x7B1];
	s22 =	sadd.s32 s31, s19;
	v33 =	vand.u32 $0xFFFFFC00, v63;
	v27 =	vand.u32 $0x7F, v27;
	v25 =	vand.u32 $0xFFFFFC00, v25  }
0x395: {  	s9 =	sadd.s32 s31, s16;
	s5 =	sadd.s32 $0x0, s14;
	s10 =	sld [smem:$0x7B7];
	v28 =	vand.u32 $0x7F, v28;
	v33 =	vor.u32 v33, v31;
	v31 =	vld [tilespmem:s22+$0x0];
	v25 =	vor.u32 v25, v27  }
0x396: {  	s21 =	simm.s32 $0x0;
	s6 =	sld [smem:$0x7B2];
	s11 =	sadd.s32 s31, s5;
	v28 =	vor.u32 v61, v28;
	v27 =	vor.u32 $0x280, v25;
	v25 =	vand.u32 $0x7F, v30;
	v30 =	vld [tilespmem:s9+$0x0]  }
0x397: {  	s5 =	sld [smem:$0x7B4];
	s8 =	sadd.s32 $0x0, s15;
	s22 =	simm.s32 $0x1;
	v34 =	vand.u32 $0x7F, v60;
	v36 =	vshll.u32 v60, $0x3;
	v25 =	vor.u32 v32, v25;
	v32 =	vld [tilespmem:s11+$0x0]  }
0x398: {  	s4 =	simm.s32 $0x0;
	v28 =	vor.u32 $0x280, v28;
	s9 =	sadd.s32 s31, s8;
	s8 =	sadd.s32 $0x0, s10;
	v25 =	vor.u32 $0x280, v25;
	v35 =	vshll.u32 v29, $0x3;
	v24 =	vld.idx.msk [tilespmem:v24+s3+$0x0], $0xffff  }
.LBB2_12:
0x399: {  	p0 =	seq.s32 s22, $0xF;
	v36 =	vand.u32 $0xFFFFFC00, v36;
	s6 =	sadd.s32 s4, s6;
	v37 =	vld [tilespmem:s9+$0x0];
	v29 =	vand.u32 $0x7F, v29;
	v35 =	vand.u32 $0xFFFFFC00, v35;
	s8 =	sadd.s32 s31, s8  }
0x39a: {  	v33 =	vor.u32 $0x280, v33;
	v34 =	vor.u32 v36, v34;
	s7 =	sadd.s32 s4, s7;
	s6 =	sadd.s32 s31, s6;
	v29 =	vor.u32 v35, v29;
	v35 =	vld [tilespmem:s8+$0x0]  }
0x39b: {  	v34 =	vor.u32 $0x280, v34;
	s7 =	sadd.s32 s31, s7;
	v36 =	vld [tilespmem:s6+$0x0];
	v29 =	vor.u32 $0x280, v29;
	v38 =	vshll.u32 v30, $0x3  }
0x39c: {  	s4 =	sadd.s32 s4, s5;
	v30 =	vand.u32 $0x7F, v30;
	v39 =	vld [tilespmem:s7+$0x0];
	v40 =	vshll.u32 v32, $0x3;
	v38 =	vand.u32 $0xFFFFFC00, v38  }
0x39d: {  	s4 =	sadd.s32 s31, s4;
	v32 =	vand.u32 $0x7F, v32;
	v40 =	vand.u32 $0xFFFFFC00, v40;
	v26 =	vld.idx.msk [tilespmem:v26+s3+$0x0], $0xffff;
	v30 =	vor.u32 v38, v30  }
0x39e: {  	v32 =	vor.u32 v40, v32;
	v38 =	vld [tilespmem:s4+$0x0];
	v30 =	vor.u32 $0x280, v30;
	v40 =	vand.u32 $0x7F, v31  }
0x39f: {  	v41 =	vand.u32 $0x7F, v37;
	v31 =	vshll.u32 v31, $0x3;
	v32 =	vor.u32 $0x280, v32;
	v27 =	vld.idx.msk [tilespmem:v27+s3+$0x0], $0xffff  }
0x3a0: {  	v37 =	vshll.u32 v37, $0x3;
	v42 =	vand.u32 $0x7F, v35;
	v35 =	vshll.u32 v35, $0x3;
	v28 =	vld.idx.msk [tilespmem:v28+s3+$0x0], $0xffff  }
0x3a1: {  	v44 =	vand.u32 $0x7F, v36;
	v36 =	vshll.u32 v36, $0x3;
	v43 =	vshll.u32 v39, $0x3;
	v33 =	vld.idx.msk [tilespmem:v33+s3+$0x0], $0xffff  }
0x3a2: {  	v39 =	vand.u32 $0x7F, v39;
	v36 =	vand.u32 $0xFFFFFC00, v36;
	v34 =	vld.idx.msk [tilespmem:v34+s3+$0x0], $0xffff;
	v43 =	vand.u32 $0xFFFFFC00, v43  }
0x3a3: {  	v36 =	vor.u32 v36, v44;
	v45 =	vld [tilespmem:s1+$0x2980];
	v39 =	vor.u32 v43, v39;
	v43 =	vshll.u32 v38, $0x3  }
0x3a4: {  	v38 =	vand.u32 $0x7F, v38;
	v44 =	vld [tilespmem:s25+$0x2980];
	v39 =	vor.u32 $0x280, v39;
	v43 =	vand.u32 $0xFFFFFC00, v43  }
0x3a5: {  	v35 =	vand.u32 $0xFFFFFC00, v35;
	v36 =	vor.u32 $0x280, v36;
	v46 =	vld [tilespmem:s26+$0x2980];
	v38 =	vor.u32 v43, v38  }
0x3a6: {  	v37 =	vand.u32 $0xFFFFFC00, v37;
	v35 =	vor.u32 v35, v42;
	v38 =	vor.u32 $0x280, v38;
	v29 =	vld.idx.msk [tilespmem:v29+s3+$0x0], $0xffff  }
0x3a7: {  	v31 =	vand.u32 $0xFFFFFC00, v31;
	v37 =	vor.u32 v37, v41;
	v35 =	vor.u32 $0x280, v35;
	v32 =	vld.idx.msk [tilespmem:v32+s3+$0x0], $0xffff  }
0x3a8: {  	v31 =	vor.u32 v31, v40;
	v37 =	vor.u32 $0x280, v37;
	v41 =	vshll.u32 v45, $0x3;
	v42 =	vld [tilespmem:s24+$0x2980]  }
0x3a9: {  	v31 =	vor.u32 $0x280, v31;
	v40 =	vand.u32 $0x7F, v45;
	v41 =	vand.u32 $0xFFFFFC00, v41;
	v39 =	vld.idx.msk [tilespmem:v39+s3+$0x0], $0xffff  }
0x3aa: {  	v43 =	vshll.u32 v44, $0x3;
	v40 =	vor.u32 v41, v40;
	v41 =	vshll.u32 v46, $0x3;
	v36 =	vld.idx.msk [tilespmem:v36+s3+$0x0], $0xffff  }
0x3ab: {  	v45 =	vand.u32 $0x7F, v46;
	v40 =	vor.u32 $0x280, v40;
	v41 =	vand.u32 $0xFFFFFC00, v41;
	v38 =	vld.idx.msk [tilespmem:v38+s3+$0x0], $0xffff  }
0x3ac: {  	v44 =	vand.u32 $0x7F, v44;
	v43 =	vand.u32 $0xFFFFFC00, v43;
	v41 =	vor.u32 v41, v45;
	v35 =	vld.idx.msk [tilespmem:v35+s3+$0x0], $0xffff  }
0x3ad: {  	v43 =	vor.u32 v43, v44;
	v41 =	vor.u32 $0x280, v41;
	v44 =	vshll.u32 v42, $0x3;
	v37 =	vld.idx.msk [tilespmem:v37+s3+$0x0], $0xffff  }
0x3ae: {  	v43 =	vor.u32 $0x280, v43;
	v42 =	vand.u32 $0x7F, v42;
	v44 =	vand.u32 $0xFFFFFC00, v44;
	v31 =	vld.idx.msk [tilespmem:v31+s3+$0x0], $0xffff  }
0x3af: {  	v39 =	vadd.f32 $0.0e+00, v39;
	v42 =	vor.u32 v44, v42;
	v30 =	vld.idx.msk [tilespmem:v30+s3+$0x0], $0xffff  }
0x3b0: {  	v44 =	vld.idx.msk [tilespmem:v40+s3+$0x0], $0xffff;
	v42 =	vor.u32 $0x280, v42  }
0x3b1: {  	v36 =	vadd.f32 v36, v39;
	v38 =	vadd.f32 $0.0e+00, v38;
	v25 =	vld.idx.msk [tilespmem:v25+s3+$0x0], $0xffff  }
0x3b2: {  	v35 =	vadd.f32 $0.0e+00, v35;
	v39 =	vld.idx.msk [tilespmem:v41+s3+$0x0], $0xffff  }
0x3b3: {  	v32 =	vadd.f32 v32, v36;
	v36 =	vadd.f32 v37, v38;
	v45 =	vld.idx.msk [tilespmem:v43+s3+$0x0], $0xffff  }
0x3b4: {  	v31 =	vadd.f32 $0.0e+00, v31;
	v37 =	vld.idx.msk [tilespmem:v40+s28+$0x0], $0xffff  }
0x3b5: {  	v32 =	vmul.f32 v32, v34;
	v29 =	vadd.f32 v29, v36;
	v30 =	vadd.f32 v30, v35;
	v38 =	vld.idx.msk [tilespmem:v42+s3+$0x0], $0xffff  }
0x3b6: {  	v34 =	vadd.f32 $0.0e+00, v44;
	v31 =	vadd.f32 v33, v31;
	v35 =	vld.idx.msk [tilespmem:v41+s28+$0x0], $0xffff  }
0x3b7: {  	v32 =	vadd.f32 $0.0e+00, v32;
	v28 =	vmul.f32 v29, v28;
	v25 =	vadd.f32 v25, v30  }
0x3b8: {  	v29 =	vadd.f32 v39, v34;
	v30 =	vld.idx.msk [tilespmem:v43+s28+$0x0], $0xffff  }
0x3b9: {  	v28 =	vadd.f32 v28, v32;
	v25 =	vmul.f32 v25, v26;
	v26 =	vadd.f32 v27, v31;
	v33 =	vld.idx.msk [tilespmem:v42+s28+$0x0], $0xffff  }
0x3ba: {  	v27 =	vmul.f32 v37, v21;
	v29 =	vadd.f32 v45, v29  }
0x3bb: {  	v25 =	vadd.f32 v25, v28;
	v24 =	vmul.f32 v26, v24  }
0x3bc: {  	s1 =	sshll.u32 s21, $0xA;
	v26 =	vadd.f32 $0.0e+00, v27;
	v27 =	vmul.f32 v35, v22;
	v28 =	vadd.f32 v38, v29  }
0x3bd: {  	s1 =	sadd.s32 s1, s20;
	v24 =	vadd.f32 v24, v25  }
0x3be: {  	s1 =	sor.u32 $0x280, s1;
	v25 =	vadd.f32 v27, v26;
	v26 =	vmul.f32 v30, v19;
	v27 =	vmul.f32 v28, v16  }
0x3bf: {  	v28 =	vmul.f32 v33, v20;
	v29 =	vld [tilespmem:s1+$0x800]  }
0x3c0: {  	v24 =	vmul.f32 v24, v15;
	v25 =	vadd.f32 v26, v25;
	v27 =	vadd.f32 v27, v14;
	v26 =	vld [tilespmem:s1+$0x2000]  }
0x3c1: {  	v30 =	vld [tilespmem:s1+$0x1000]  }
0x3c2: {  	v25 =	vadd.f32 v28, v25;
	v24 =	vsub.f32 v27, v24;
	v28 =	vld [tilespmem:s1+$0x1800];
	_ =	sdelay $0x1  }
0x3c3: {  	v25 =	vmul.f32 $4.000000000e+00, v25;
	v24 =	vmul.f32 v24, v29  }
0x3c4: {  	v27 =	vadd.f32 v26, v26;
	v26 =	vadd.f32 $-5.000000000e-01, v26  }
0x3c5: {  	v25 =	vsub.f32 v25, v17;
	v24 =	vadd.f32 v24, v30  }
0x3c6: {  	v27 =	vsub.f32 $1.000000000e+00, v27  }
0x3c7: {  	v24 =	vadd.f32 v24, v25;
	v25 =	vadd.f32 v25, v17  }
0x3c8: {  	v27 =	vmul.f32 v27, v13  }
0x3c9: {  	v24 =	vsub.f32 $0.0e+00, v24;
	v25 =	vmul.f32 v26, v25;
	_ =	sdelay $0x1  }
0x3ca: {  	v24 =	vmul.f32 v24, v18;
	v25 =	vadd.f32 v27, v25;
	_ =	sdelay $0x1  }
0x3cb: {  	v24 =	vmul.f32 $1.442695020e+00, v24;
	v25 =	vmul.f32 v25, v28;
	_ =	sdelay $0x1  }
0x3cc: {  	v23 =	vadd.f32 v25, v23;
	(erf) = vpow2.f32 v24;
	_ =	sdelay $0x8  }
0x3cd: {  	v24 =	vpop (erf)  }
0x3ce: {  	v24 =	vadd.f32 $1.000000000e+00, v24;
	_ =	sdelay $0x1  }
0x3cf: {  	(erf) = vrcp.f32 v24;
	_ =	sdelay $0x5  }
0x3d0: {  	s5 =	sld [smem:$0x7B0]  }
0x3d1: {  	s21 =	sshrl.u32 s22, $0x3;
	s6 =	sld [smem:$0x7AF]  }
0x3d2: {  	s4 =	sshll.u32 s21, $0x8;
	s20 =	sadd.s32 $0x10, s20  }
0x3d3: {  	s31 =	sand.u32 $0x70, s20;
	s5 =	sadd.s32 s5, s4;
	v24 =	vpop (erf)  }
0x3d4: {  	s6 =	sadd.s32 s6, s4;
	s24 =	sor.u32 s31, s5;
	s5 =	sld [smem:$0x7BC];
	[tilespmem:s1+$0x16D80] =	vst v24  }
0x3d5: {  	s1 =	sld [smem:$0x7AE];
	s25 =	sor.u32 s31, s6;
	v24 =	vld [tilespmem:s24+$0x6980]  }
0x3d6: {  	v25 =	vld [tilespmem:s25+$0x6980]  }
0x3d7: {  	s6 =	sld [smem:$0x7B9];
	s5 =	sadd.s32 s4, s5  }
0x3d8: {  	s1 =	sadd.s32 s1, s4;
	s7 =	sld [smem:$0x7BB];
	s5 =	sadd.s32 s31, s5  }
0x3d9: {  	s26 =	sor.u32 s31, s1;
	v27 =	vld [tilespmem:s5+$0x0]  }
0x3da: {  	s1 =	sld [smem:$0x7AD];
	v28 =	vld [tilespmem:s26+$0x6980];
	s5 =	sadd.s32 s4, s6;
	v26 =	vshll.u32 v24, $0x3  }
0x3db: {  	v24 =	vand.u32 $0x7F, v24;
	s6 =	sld [smem:$0x7B6];
	v29 =	vshll.u32 v25, $0x3;
	s5 =	sadd.s32 s31, s5;
	v26 =	vand.u32 $0xFFFFFC00, v26;
	s7 =	sadd.s32 s4, s7  }
0x3dc: {  	v25 =	vand.u32 $0x7F, v25;
	v29 =	vand.u32 $0xFFFFFC00, v29;
	v30 =	vld [tilespmem:s5+$0x0];
	v24 =	vor.u32 v26, v24;
	s5 =	sadd.s32 s31, s7  }
0x3dd: {  	s1 =	sadd.s32 s1, s4;
	v25 =	vor.u32 v29, v25;
	s7 =	sld [smem:$0x7B8];
	v24 =	vor.u32 $0x280, v24;
	v31 =	vld [tilespmem:s5+$0x0]  }
0x3de: {  	s1 =	sor.u32 s31, s1;
	s5 =	sadd.s32 s4, s6;
	v26 =	vor.u32 $0x280, v25;
	s8 =	sld [smem:$0x7BA];
	v25 =	vshll.u32 v27, $0x3  }
0x3df: {  	v27 =	vand.u32 $0x7F, v27;
	v35 =	vld [tilespmem:s1+$0x6980];
	s9 =	sld [smem:$0x7B3];
	v29 =	vshll.u32 v28, $0x3;
	s5 =	sadd.s32 s31, s5;
	v25 =	vand.u32 $0xFFFFFC00, v25  }
0x3e0: {  	v28 =	vand.u32 $0x7F, v28;
	v32 =	vand.u32 $0xFFFFFC00, v29;
	s10 =	sld [smem:$0x7B5];
	v29 =	vld [tilespmem:s5+$0x0];
	v25 =	vor.u32 v25, v27  }
.Ltmp5:
0x3e1: {  	s5 =	sadd.s32 s4, s7;
	v28 =	vor.u32 v32, v28;
	s11 =	sld [smem:$0x7B7];
	v32 =	vshll.u32 v30, $0x3;
	v27 =	vor.u32 $0x280, v25;
	(pc) =	sbr.rel @!p0 .LBB2_12-.Ltmp5, $4  }
0x3e2: {  	v25 =	vand.u32 $0x7F, v30;
	s6 =	sld [smem:$0x7B2];
	s7 =	sadd.s32 s4, s9;
	s9 =	sadd.s32 s31, s5;
	v32 =	vand.u32 $0xFFFFFC00, v32;
	v24 =	vld.idx.msk [tilespmem:v24+s3+$0x0], $0xffff;
	v33 =	vshll.u32 v31, $0x3  }
0x3e3: {  	s8 =	sadd.s32 s4, s8;
	v31 =	vand.u32 $0x7F, v31;
	s12 =	sadd.s32 s31, s7;
	s5 =	sld [smem:$0x7B4];
	v30 =	vld [tilespmem:s9+$0x0];
	v25 =	vor.u32 v32, v25;
	v33 =	vand.u32 $0xFFFFFC00, v33  }
0x3e4: {  	v28 =	vor.u32 $0x280, v28;
	s9 =	sadd.s32 s4, s10;
	s10 =	sadd.s32 s31, s8;
	s7 =	sld [smem:$0x7B1];
	v32 =	vld [tilespmem:s12+$0x0];
	v25 =	vor.u32 $0x280, v25;
	v33 =	vor.u32 v33, v31  }
0x3e5: {  	s22 =	sadd.s32 $0x1, s22;
	v34 =	vand.u32 $0x7F, v35;
	v36 =	vshll.u32 v35, $0x3;
	s9 =	sadd.s32 s31, s9;
	s8 =	sadd.s32 s4, s11;
	v35 =	vshll.u32 v29, $0x3;
	v31 =	vld [tilespmem:s10+$0x0]  }
0x3e6: {  	v36 =	vand.u32 $0xFFFFFC00, v36;
	s6 =	sadd.s32 s4, s6;
	v37 =	vld [tilespmem:s9+$0x0];
	v29 =	vand.u32 $0x7F, v29;
	s8 =	sadd.s32 s31, s8  }
0x3e7: {  	v35 =	vand.u32 $0xFFFFFC00, v35;
	v33 =	vor.u32 $0x280, v33;
	v34 =	vor.u32 v36, v34;
	s7 =	sadd.s32 s4, s7;
	s6 =	sadd.s32 s31, s6;
	v55 =	vld [tilespmem:s8+$0x0]  }
0x3e8: {  	s19 =	sadd.s32 s4, s5;
	v29 =	vor.u32 v35, v29;
	v34 =	vor.u32 $0x280, v34;
	s7 =	sadd.s32 s31, s7;
	v56 =	vld [tilespmem:s6+$0x0];
	v38 =	vshll.u32 v30, $0x3  }
0x3e9: {  	s4 =	sadd.s32 s31, s19;
	v30 =	vand.u32 $0x7F, v30;
	v29 =	vor.u32 $0x280, v29;
	v39 =	vld [tilespmem:s7+$0x0];
	v40 =	vshll.u32 v32, $0x3  }
0x3ea: {  	v58 =	vld [tilespmem:s4+$0x0];
	v38 =	vand.u32 $0xFFFFFC00, v38;
	v57 =	vand.u32 $0x7F, v32;
	v40 =	vand.u32 $0xFFFFFC00, v40  }
0x3eb: {  	v26 =	vld.idx.msk [tilespmem:v26+s3+$0x0], $0xffff;
	v30 =	vor.u32 v38, v30;
	v59 =	vand.u32 $0x7F, v31;
	v31 =	vshll.u32 v31, $0x3  }
0x3ec: {  	v27 =	vld.idx.msk [tilespmem:v27+s3+$0x0], $0xffff;
	v32 =	vor.u32 v40, v57;
	v41 =	vand.u32 $0x7F, v37;
	v37 =	vshll.u32 v37, $0x3  }
0x3ed: {  	v28 =	vld.idx.msk [tilespmem:v28+s3+$0x0], $0xffff;
	v32 =	vor.u32 $0x280, v32;
	v42 =	vand.u32 $0x7F, v55;
	v35 =	vshll.u32 v55, $0x3  }
0x3ee: {  	v45 =	vld [tilespmem:s1+$0x2980];
	v44 =	vand.u32 $0x7F, v56;
	v36 =	vshll.u32 v56, $0x3;
	v43 =	vshll.u32 v39, $0x3  }
0x3ef: {  	v61 =	vld [tilespmem:s26+$0x2980];
	v60 =	vshll.u32 v58, $0x3;
	v39 =	vand.u32 $0x7F, v39;
	v43 =	vand.u32 $0xFFFFFC00, v43  }
0x3f0: {  	v46 =	vld [tilespmem:s25+$0x2980];
	v38 =	vand.u32 $0x7F, v58;
	v36 =	vand.u32 $0xFFFFFC00, v36;
	v39 =	vor.u32 v43, v39  }
0x3f1: {  	v63 =	vld [tilespmem:s24+$0x2980];
	v36 =	vor.u32 v36, v44;
	v43 =	vand.u32 $0xFFFFFC00, v60;
	v39 =	vor.u32 $0x280, v39  }
0x3f2: {  	v33 =	vld.idx.msk [tilespmem:v33+s3+$0x0], $0xffff;
	v35 =	vand.u32 $0xFFFFFC00, v35;
	v36 =	vor.u32 $0x280, v36;
	v38 =	vor.u32 v43, v38  }
0x3f3: {  	v37 =	vand.u32 $0xFFFFFC00, v37;
	v34 =	vld.idx.msk [tilespmem:v34+s3+$0x0], $0xffff;
	v35 =	vor.u32 v35, v42;
	v38 =	vor.u32 $0x280, v38  }
0x3f4: {  	v31 =	vand.u32 $0xFFFFFC00, v31;
	v29 =	vld.idx.msk [tilespmem:v29+s3+$0x0], $0xffff;
	v37 =	vor.u32 v37, v41;
	v35 =	vor.u32 $0x280, v35  }
0x3f5: {  	v62 =	vshll.u32 v45, $0x3;
	v31 =	vor.u32 v31, v59;
	v37 =	vor.u32 $0x280, v37;
	v32 =	vld.idx.msk [tilespmem:v32+s3+$0x0], $0xffff  }
0x3f6: {  	v47 =	vand.u32 $0x7F, v45;
	v41 =	vand.u32 $0xFFFFFC00, v62;
	v31 =	vor.u32 $0x280, v31;
	v39 =	vld.idx.msk [tilespmem:v39+s3+$0x0], $0xffff  }
0x3f7: {  	v30 =	vor.u32 $0x280, v30;
	v48 =	vshll.u32 v61, $0x3;
	v40 =	vor.u32 v41, v47;
	v36 =	vld.idx.msk [tilespmem:v36+s3+$0x0], $0xffff  }
0x3f8: {  	v41 =	vand.u32 $0xFFFFFC00, v48;
	v40 =	vor.u32 $0x280, v40;
	v44 =	vand.u32 $0x7F, v61;
	v38 =	vld.idx.msk [tilespmem:v38+s3+$0x0], $0xffff  }
0x3f9: {  	v49 =	vshll.u32 v46, $0x3;
	v41 =	vor.u32 v41, v44;
	v35 =	vld.idx.msk [tilespmem:v35+s3+$0x0], $0xffff  }
0x3fa: {  	v50 =	vand.u32 $0x7F, v46;
	v43 =	vand.u32 $0xFFFFFC00, v49;
	v41 =	vor.u32 $0x280, v41;
	v37 =	vld.idx.msk [tilespmem:v37+s3+$0x0], $0xffff  }
0x3fb: {  	v51 =	vshll.u32 v63, $0x3;
	v43 =	vor.u32 v43, v50;
	v31 =	vld.idx.msk [tilespmem:v31+s3+$0x0], $0xffff;
	v39 =	vadd.f32 $0.0e+00, v39  }
0x3fc: {  	v42 =	vand.u32 $0x7F, v63;
	v44 =	vand.u32 $0xFFFFFC00, v51;
	v30 =	vld.idx.msk [tilespmem:v30+s3+$0x0], $0xffff;
	v43 =	vor.u32 $0x280, v43  }
0x3fd: {  	v42 =	vor.u32 v44, v42;
	v52 =	vld.idx.msk [tilespmem:v40+s3+$0x0], $0xffff;
	v38 =	vadd.f32 $0.0e+00, v38;
	v36 =	vadd.f32 v36, v39  }
0x3fe: {  	v25 =	vld.idx.msk [tilespmem:v25+s3+$0x0], $0xffff;
	v42 =	vor.u32 $0x280, v42;
	v35 =	vadd.f32 $0.0e+00, v35  }
0x3ff: {  	v53 =	vld.idx.msk [tilespmem:v41+s3+$0x0], $0xffff;
	v54 =	vadd.f32 v37, v38;
	v32 =	vadd.f32 v32, v36  }
0x400: {  	v56 =	vld.idx.msk [tilespmem:v40+s28+$0x0], $0xffff;
	v31 =	vadd.f32 $0.0e+00, v31  }
0x401: {  	v55 =	vld.idx.msk [tilespmem:v43+s3+$0x0], $0xffff;
	v30 =	vadd.f32 v30, v35;
	v29 =	vadd.f32 v29, v54;
	v32 =	vmul.f32 v32, v34  }
0x402: {  	v59 =	vld.idx.msk [tilespmem:v41+s28+$0x0], $0xffff;
	v58 =	vadd.f32 $0.0e+00, v52;
	v31 =	vadd.f32 v33, v31  }
0x403: {  	v57 =	vld.idx.msk [tilespmem:v42+s3+$0x0], $0xffff;
	v25 =	vadd.f32 v25, v30;
	v28 =	vmul.f32 v29, v28;
	v32 =	vadd.f32 $0.0e+00, v32  }
0x404: {  	v29 =	vadd.f32 v53, v58  }
0x405: {  	v30 =	vld.idx.msk [tilespmem:v43+s28+$0x0], $0xffff;
	v25 =	vmul.f32 v25, v26;
	v26 =	vadd.f32 v27, v31;
	v28 =	vadd.f32 v28, v32  }
0x406: {  	v27 =	vld.idx.msk [tilespmem:v42+s28+$0x0], $0xffff;
	v31 =	vmul.f32 v56, v21;
	v29 =	vadd.f32 v55, v29  }
0x407: {  	v24 =	vmul.f32 v26, v24;
	v25 =	vadd.f32 v25, v28  }
0x408: {  	s21 =	sshll.u32 s21, $0xA;
	v26 =	vadd.f32 $0.0e+00, v31;
	v29 =	vadd.f32 v57, v29;
	v28 =	vmul.f32 v59, v22  }
0x409: {  	s1 =	sadd.s32 s21, s20;
	v24 =	vadd.f32 v24, v25  }
0x40a: {  	s1 =	sor.u32 $0x280, s1;
	v25 =	vadd.f32 v28, v26;
	v26 =	vmul.f32 v30, v19;
	v28 =	vmul.f32 v29, v16  }
0x40b: {  	v27 =	vmul.f32 v27, v20;
	v29 =	vld [tilespmem:s1+$0x800]  }
0x40c: {  	v25 =	vadd.f32 v26, v25;
	v26 =	vadd.f32 v28, v14;
	v24 =	vmul.f32 v24, v15  }
0x40d: {  	v28 =	vld [tilespmem:s1+$0x1000]  }
0x40e: {  	v25 =	vadd.f32 v27, v25;
	v24 =	vsub.f32 v26, v24;
	_ =	sdelay $0x1  }
0x40f: {  	v25 =	vmul.f32 $4.000000000e+00, v25;
	v24 =	vmul.f32 v24, v29;
	_ =	sdelay $0x1  }
0x410: {  	v25 =	vsub.f32 v25, v17;
	v24 =	vadd.f32 v24, v28;
	_ =	sdelay $0x1  }
0x411: {  	v24 =	vadd.f32 v24, v25;
	_ =	sdelay $0x1  }
0x412: {  	v24 =	vsub.f32 $0.0e+00, v24;
	_ =	sdelay $0x1  }
0x413: {  	v24 =	vmul.f32 v24, v18;
	_ =	sdelay $0x1  }
0x414: {  	v24 =	vmul.f32 $1.442695020e+00, v24;
	_ =	sdelay $0x1  }
0x415: {  	(erf) = vpow2.f32 v24;
	_ =	sdelay $0x4  }
0x416: {  	s22 =	sadd.s32 $0x3000, s17  }
0x417: {  	s24 =	sadd.s32 $0x3200, s17;
	[smem:$0x79D] =	sst s22  }
0x418: {  	s25 =	sadd.s32 $0x3400, s17;
	[smem:$0x79E] =	sst s24  }
0x419: {  	s26 =	sadd.s32 $0x3600, s17;
	[smem:$0x79F] =	sst s25  }
0x41a: {  	s5 =	sadd.s32 $0x13B80, s17;
	[smem:$0x7A0] =	sst s26;
	v26 =	vpop (erf)  }
0x41b: {  	s9 =	sadd.s32 $0x14380, s17;
	[smem:$0x7A2] =	sst s5;
	v26 =	vadd.f32 $1.000000000e+00, v26  }
0x41c: {  	s10 =	sadd.s32 $0x14580, s17;
	[smem:$0x7A6] =	sst s9;
	v24 =	vld [tilespmem:s1+$0x2000]  }
0x41d: {  	s12 =	sadd.s32 $0x14980, s17;
	[smem:$0x7A7] =	sst s10;
	(erf) = vrcp.f32 v26  }
0x41e: {  	s14 =	sadd.s32 $0x14D80, s17;
	[smem:$0x7A9] =	sst s12  }
0x41f: {  	[smem:$0x7AB] =	sst s14  }
0x420: {  	s16 =	sld [smem:$0x7A0]  }
0x421: {  	s6 =	sadd.s32 $0x13D80, s17;
	s19 =	sld [smem:$0x79F];
	v27 =	vadd.f32 v24, v24  }
0x422: {  	[smem:$0x7A3] =	sst s6;
	v25 =	vadd.f32 v25, v17  }
0x423: {  	s7 =	sadd.s32 $0x13F80, s17;
	s6 =	sld [smem:$0x7A9];
	v24 =	vadd.f32 $-5.000000000e-01, v24;
	v26 =	vsub.f32 $1.000000000e+00, v27  }
0x424: {  	s11 =	sadd.s32 $0x14780, s17;
	s15 =	sadd.s32 $0x14F80, s17;
	[smem:$0x7A4] =	sst s7;
	v27 =	vld [tilespmem:s1+$0x1800]  }
0x425: {  	s22 =	simm.s32 $0x0;
	s4 =	sadd.s32 $0x13980, s17;
	s7 =	sld [smem:$0x7AB];
	v24 =	vmul.f32 v24, v25;
	v26 =	vmul.f32 v26, v13  }
0x426: {  	s20 =	sand.u32 $0x70, s22;
	[smem:$0x7A1] =	sst s4;
	s4 =	sadd.s32 $0x0, s19;
	v25 =	vpop (erf)  }
0x427: {  	[smem:$0x7AC] =	sst s15;
	s26 =	sor.u32 s20, s4;
	s4 =	sadd.s32 $0x0, s6;
	v24 =	vadd.f32 v26, v24;
	[tilespmem:s1+$0x16D80] =	vst v25  }
0x428: {  	s24 =	sld [smem:$0x79E];
	s4 =	sadd.s32 s20, s4;
	s6 =	sadd.s32 $0x0, s7;
	v25 =	vld [tilespmem:s26+$0x6980]  }
0x429: {  	s21 =	sld [smem:$0x7AC];
	s10 =	sadd.s32 s20, s6;
	v24 =	vmul.f32 v24, v27;
	s1 =	sadd.s32 $0x0, s16;
	v30 =	vld [tilespmem:s4+$0x0]  }
0x42a: {  	s13 =	sadd.s32 $0x14B80, s17;
	[smem:$0x7A8] =	sst s11;
	s25 =	sor.u32 s20, s1;
	v31 =	vld [tilespmem:s10+$0x0]  }
0x42b: {  	s8 =	sadd.s32 $0x14180, s17;
	[smem:$0x7AA] =	sst s13;
	s5 =	sadd.s32 $0x0, s24;
	v23 =	vadd.f32 v24, v23;
	v24 =	vld [tilespmem:s25+$0x6980]  }
0x42c: {  	[smem:$0x7A5] =	sst s8;
	s31 =	sor.u32 s20, s5;
	s1 =	sadd.s32 $0x0, s21  }
0x42d: {  	s8 =	sld [smem:$0x79D];
	v28 =	vld [tilespmem:s31+$0x6980];
	s1 =	sadd.s32 s20, s1  }
0x42e: {  	s9 =	sld [smem:$0x7A6];
	v27 =	vld [tilespmem:s1+$0x0];
	v29 =	vshll.u32 v25, $0x3;
	v25 =	vand.u32 $0x7F, v25  }
0x42f: {  	s11 =	sld [smem:$0x7A8];
	v62 =	vshll.u32 v30, $0x3;
	v63 =	vshll.u32 v31, $0x3;
	v31 =	vand.u32 $0x7F, v31  }
0x430: {  	s13 =	sld [smem:$0x7AA];
	s1 =	sadd.s32 $0x0, s8;
	v26 =	vshll.u32 v24, $0x3;
	v24 =	vand.u32 $0x7F, v24;
	v29 =	vand.u32 $0xFFFFFC00, v29  }
0x431: {  	s15 =	sld [smem:$0x7A5];
	s12 =	sadd.s32 $0x0, s9;
	s1 =	sor.u32 s20, s1;
	v32 =	vand.u32 $0xFFFFFC00, v62;
	v26 =	vand.u32 $0xFFFFFC00, v26;
	v25 =	vor.u32 v29, v25  }
0x432: {  	s14 =	sld [smem:$0x7A3];
	s4 =	sadd.s32 s20, s12;
	v60 =	vld [tilespmem:s1+$0x6980];
	v29 =	vshll.u32 v28, $0x3;
	v24 =	vor.u32 v26, v24;
	v26 =	vor.u32 $0x300, v25  }
0x433: {  	s19 =	sadd.s32 $0x0, s13;
	s7 =	sld [smem:$0x7A1];
	v25 =	vshll.u32 v27, $0x3;
	v61 =	vand.u32 $0xFFFFFC00, v29;
	v29 =	vld [tilespmem:s4+$0x0];
	v24 =	vor.u32 $0x300, v24  }
0x434: {  	s24 =	sadd.s32 s20, s19;
	s6 =	sld [smem:$0x7A2];
	s16 =	sadd.s32 $0x0, s11;
	v33 =	vand.u32 $0xFFFFFC00, v63;
	v27 =	vand.u32 $0x7F, v27;
	v25 =	vand.u32 $0xFFFFFC00, v25  }
0x435: {  	s5 =	sadd.s32 $0x0, s14;
	s10 =	sld [smem:$0x7A7];
	s9 =	sadd.s32 s20, s16;
	v28 =	vand.u32 $0x7F, v28;
	v33 =	vor.u32 v33, v31;
	v31 =	vld [tilespmem:s24+$0x0];
	v25 =	vor.u32 v25, v27  }
0x436: {  	s11 =	sadd.s32 s20, s5;
	s5 =	sld [smem:$0x7A4];
	v28 =	vor.u32 v61, v28;
	v27 =	vor.u32 $0x300, v25;
	v25 =	vand.u32 $0x7F, v30;
	v30 =	vld [tilespmem:s9+$0x0]  }
0x437: {  	s21 =	simm.s32 $0x0;
	s8 =	sadd.s32 $0x0, s15;
	s24 =	simm.s32 $0x1;
	v34 =	vand.u32 $0x7F, v60;
	v36 =	vshll.u32 v60, $0x3;
	v25 =	vor.u32 v32, v25;
	v32 =	vld [tilespmem:s11+$0x0]  }
0x438: {  	s4 =	simm.s32 $0x0;
	v28 =	vor.u32 $0x300, v28;
	s9 =	sadd.s32 s20, s8;
	s8 =	sadd.s32 $0x0, s10;
	v25 =	vor.u32 $0x300, v25;
	v35 =	vshll.u32 v29, $0x3;
	v24 =	vld.idx.msk [tilespmem:v24+s3+$0x0], $0xffff  }
.LBB2_14:
0x439: {  	p0 =	seq.s32 s24, $0xF;
	v36 =	vand.u32 $0xFFFFFC00, v36;
	s6 =	sadd.s32 s4, s6;
	v37 =	vld [tilespmem:s9+$0x0];
	v29 =	vand.u32 $0x7F, v29;
	v35 =	vand.u32 $0xFFFFFC00, v35;
	s8 =	sadd.s32 s20, s8  }
0x43a: {  	v33 =	vor.u32 $0x300, v33;
	v34 =	vor.u32 v36, v34;
	s7 =	sadd.s32 s4, s7;
	s6 =	sadd.s32 s20, s6;
	v29 =	vor.u32 v35, v29;
	v35 =	vld [tilespmem:s8+$0x0]  }
0x43b: {  	v34 =	vor.u32 $0x300, v34;
	s7 =	sadd.s32 s20, s7;
	v36 =	vld [tilespmem:s6+$0x0];
	v29 =	vor.u32 $0x300, v29;
	v38 =	vshll.u32 v30, $0x3  }
0x43c: {  	s4 =	sadd.s32 s4, s5;
	v30 =	vand.u32 $0x7F, v30;
	v39 =	vld [tilespmem:s7+$0x0];
	v40 =	vshll.u32 v32, $0x3;
	v38 =	vand.u32 $0xFFFFFC00, v38  }
0x43d: {  	s4 =	sadd.s32 s20, s4;
	v32 =	vand.u32 $0x7F, v32;
	v40 =	vand.u32 $0xFFFFFC00, v40;
	v26 =	vld.idx.msk [tilespmem:v26+s3+$0x0], $0xffff;
	v30 =	vor.u32 v38, v30  }
0x43e: {  	v32 =	vor.u32 v40, v32;
	v38 =	vld [tilespmem:s4+$0x0];
	v30 =	vor.u32 $0x300, v30;
	v40 =	vand.u32 $0x7F, v31  }
0x43f: {  	v41 =	vand.u32 $0x7F, v37;
	v31 =	vshll.u32 v31, $0x3;
	v32 =	vor.u32 $0x300, v32;
	v27 =	vld.idx.msk [tilespmem:v27+s3+$0x0], $0xffff  }
0x440: {  	v37 =	vshll.u32 v37, $0x3;
	v42 =	vand.u32 $0x7F, v35;
	v35 =	vshll.u32 v35, $0x3;
	v28 =	vld.idx.msk [tilespmem:v28+s3+$0x0], $0xffff  }
0x441: {  	v44 =	vand.u32 $0x7F, v36;
	v36 =	vshll.u32 v36, $0x3;
	v43 =	vshll.u32 v39, $0x3;
	v33 =	vld.idx.msk [tilespmem:v33+s3+$0x0], $0xffff  }
0x442: {  	v39 =	vand.u32 $0x7F, v39;
	v36 =	vand.u32 $0xFFFFFC00, v36;
	v34 =	vld.idx.msk [tilespmem:v34+s3+$0x0], $0xffff;
	v43 =	vand.u32 $0xFFFFFC00, v43  }
0x443: {  	v36 =	vor.u32 v36, v44;
	v45 =	vld [tilespmem:s1+$0x2980];
	v39 =	vor.u32 v43, v39;
	v43 =	vshll.u32 v38, $0x3  }
0x444: {  	v38 =	vand.u32 $0x7F, v38;
	v44 =	vld [tilespmem:s26+$0x2980];
	v39 =	vor.u32 $0x300, v39;
	v43 =	vand.u32 $0xFFFFFC00, v43  }
0x445: {  	v35 =	vand.u32 $0xFFFFFC00, v35;
	v36 =	vor.u32 $0x300, v36;
	v46 =	vld [tilespmem:s31+$0x2980];
	v38 =	vor.u32 v43, v38  }
0x446: {  	v37 =	vand.u32 $0xFFFFFC00, v37;
	v35 =	vor.u32 v35, v42;
	v38 =	vor.u32 $0x300, v38;
	v29 =	vld.idx.msk [tilespmem:v29+s3+$0x0], $0xffff  }
0x447: {  	v31 =	vand.u32 $0xFFFFFC00, v31;
	v37 =	vor.u32 v37, v41;
	v35 =	vor.u32 $0x300, v35;
	v32 =	vld.idx.msk [tilespmem:v32+s3+$0x0], $0xffff  }
0x448: {  	v31 =	vor.u32 v31, v40;
	v37 =	vor.u32 $0x300, v37;
	v41 =	vshll.u32 v45, $0x3;
	v42 =	vld [tilespmem:s25+$0x2980]  }
0x449: {  	v31 =	vor.u32 $0x300, v31;
	v40 =	vand.u32 $0x7F, v45;
	v41 =	vand.u32 $0xFFFFFC00, v41;
	v39 =	vld.idx.msk [tilespmem:v39+s3+$0x0], $0xffff  }
0x44a: {  	v43 =	vshll.u32 v44, $0x3;
	v40 =	vor.u32 v41, v40;
	v41 =	vshll.u32 v46, $0x3;
	v36 =	vld.idx.msk [tilespmem:v36+s3+$0x0], $0xffff  }
0x44b: {  	v45 =	vand.u32 $0x7F, v46;
	v40 =	vor.u32 $0x300, v40;
	v41 =	vand.u32 $0xFFFFFC00, v41;
	v38 =	vld.idx.msk [tilespmem:v38+s3+$0x0], $0xffff  }
0x44c: {  	v44 =	vand.u32 $0x7F, v44;
	v43 =	vand.u32 $0xFFFFFC00, v43;
	v41 =	vor.u32 v41, v45;
	v35 =	vld.idx.msk [tilespmem:v35+s3+$0x0], $0xffff  }
0x44d: {  	v43 =	vor.u32 v43, v44;
	v41 =	vor.u32 $0x300, v41;
	v44 =	vshll.u32 v42, $0x3;
	v37 =	vld.idx.msk [tilespmem:v37+s3+$0x0], $0xffff  }
0x44e: {  	v43 =	vor.u32 $0x300, v43;
	v42 =	vand.u32 $0x7F, v42;
	v44 =	vand.u32 $0xFFFFFC00, v44;
	v31 =	vld.idx.msk [tilespmem:v31+s3+$0x0], $0xffff  }
0x44f: {  	v39 =	vadd.f32 $0.0e+00, v39;
	v42 =	vor.u32 v44, v42;
	v30 =	vld.idx.msk [tilespmem:v30+s3+$0x0], $0xffff  }
0x450: {  	v44 =	vld.idx.msk [tilespmem:v40+s3+$0x0], $0xffff;
	v42 =	vor.u32 $0x300, v42  }
0x451: {  	v36 =	vadd.f32 v36, v39;
	v38 =	vadd.f32 $0.0e+00, v38;
	v25 =	vld.idx.msk [tilespmem:v25+s3+$0x0], $0xffff  }
0x452: {  	v35 =	vadd.f32 $0.0e+00, v35;
	v39 =	vld.idx.msk [tilespmem:v41+s3+$0x0], $0xffff  }
0x453: {  	v32 =	vadd.f32 v32, v36;
	v36 =	vadd.f32 v37, v38;
	v45 =	vld.idx.msk [tilespmem:v43+s3+$0x0], $0xffff  }
0x454: {  	v31 =	vadd.f32 $0.0e+00, v31;
	v37 =	vld.idx.msk [tilespmem:v40+s28+$0x0], $0xffff  }
0x455: {  	v32 =	vmul.f32 v32, v34;
	v29 =	vadd.f32 v29, v36;
	v30 =	vadd.f32 v30, v35;
	v38 =	vld.idx.msk [tilespmem:v42+s3+$0x0], $0xffff  }
0x456: {  	v34 =	vadd.f32 $0.0e+00, v44;
	v31 =	vadd.f32 v33, v31;
	v35 =	vld.idx.msk [tilespmem:v41+s28+$0x0], $0xffff  }
0x457: {  	v32 =	vadd.f32 $0.0e+00, v32;
	v28 =	vmul.f32 v29, v28;
	v25 =	vadd.f32 v25, v30  }
0x458: {  	v29 =	vadd.f32 v39, v34;
	v30 =	vld.idx.msk [tilespmem:v43+s28+$0x0], $0xffff  }
0x459: {  	v28 =	vadd.f32 v28, v32;
	v25 =	vmul.f32 v25, v26;
	v26 =	vadd.f32 v27, v31;
	v33 =	vld.idx.msk [tilespmem:v42+s28+$0x0], $0xffff  }
0x45a: {  	v27 =	vmul.f32 v37, v21;
	v29 =	vadd.f32 v45, v29  }
0x45b: {  	v25 =	vadd.f32 v25, v28;
	v24 =	vmul.f32 v26, v24  }
0x45c: {  	v26 =	vadd.f32 $0.0e+00, v27;
	v27 =	vmul.f32 v35, v22;
	v28 =	vadd.f32 v38, v29  }
0x45d: {  	s1 =	sshll.u32 s21, $0xA;
	v24 =	vadd.f32 v24, v25  }
0x45e: {  	s1 =	sor.u32 s20, s1;
	v25 =	vadd.f32 v27, v26;
	v26 =	vmul.f32 v30, v19;
	v27 =	vmul.f32 v28, v16  }
0x45f: {  	v28 =	vmul.f32 v33, v20;
	v29 =	vld [tilespmem:s1+$0xB00]  }
0x460: {  	v24 =	vmul.f32 v24, v15;
	v25 =	vadd.f32 v26, v25;
	v27 =	vadd.f32 v27, v14;
	v26 =	vld [tilespmem:s1+$0x2300]  }
0x461: {  	v30 =	vld [tilespmem:s1+$0x1300]  }
0x462: {  	v25 =	vadd.f32 v28, v25;
	v24 =	vsub.f32 v27, v24;
	v28 =	vld [tilespmem:s1+$0x1B00];
	_ =	sdelay $0x1  }
0x463: {  	v25 =	vmul.f32 $4.000000000e+00, v25;
	v24 =	vmul.f32 v24, v29  }
0x464: {  	v27 =	vadd.f32 v26, v26;
	v26 =	vadd.f32 $-5.000000000e-01, v26  }
0x465: {  	v25 =	vsub.f32 v25, v17;
	v24 =	vadd.f32 v24, v30  }
0x466: {  	v27 =	vsub.f32 $1.000000000e+00, v27  }
0x467: {  	v24 =	vadd.f32 v24, v25;
	v25 =	vadd.f32 v25, v17  }
0x468: {  	v27 =	vmul.f32 v27, v13  }
0x469: {  	v24 =	vsub.f32 $0.0e+00, v24;
	v25 =	vmul.f32 v26, v25;
	_ =	sdelay $0x1  }
0x46a: {  	v24 =	vmul.f32 v24, v18;
	v25 =	vadd.f32 v27, v25;
	_ =	sdelay $0x1  }
0x46b: {  	v24 =	vmul.f32 $1.442695020e+00, v24;
	v25 =	vmul.f32 v25, v28;
	_ =	sdelay $0x1  }
0x46c: {  	v23 =	vadd.f32 v25, v23;
	(erf) = vpow2.f32 v24;
	_ =	sdelay $0x8  }
0x46d: {  	v24 =	vpop (erf)  }
0x46e: {  	v24 =	vadd.f32 $1.000000000e+00, v24;
	_ =	sdelay $0x1  }
0x46f: {  	(erf) = vrcp.f32 v24;
	_ =	sdelay $0x5  }
0x470: {  	s5 =	sld [smem:$0x7A0]  }
0x471: {  	s21 =	sshrl.u32 s24, $0x3;
	s6 =	sld [smem:$0x79F]  }
0x472: {  	s22 =	sadd.s32 $0x10, s22;
	s4 =	sshll.u32 s21, $0x8  }
0x473: {  	s20 =	sand.u32 $0x70, s22;
	s5 =	sadd.s32 s5, s4;
	v24 =	vpop (erf)  }
0x474: {  	s6 =	sadd.s32 s6, s4;
	s25 =	sor.u32 s20, s5;
	s5 =	sld [smem:$0x7AC];
	[tilespmem:s1+$0x17080] =	vst v24  }
0x475: {  	s1 =	sld [smem:$0x79E];
	s26 =	sor.u32 s20, s6;
	v24 =	vld [tilespmem:s25+$0x6980]  }
0x476: {  	v25 =	vld [tilespmem:s26+$0x6980]  }
0x477: {  	s6 =	sld [smem:$0x7A9];
	s5 =	sadd.s32 s4, s5  }
0x478: {  	s1 =	sadd.s32 s1, s4;
	s7 =	sld [smem:$0x7AB];
	s5 =	sadd.s32 s20, s5  }
0x479: {  	s31 =	sor.u32 s20, s1;
	v27 =	vld [tilespmem:s5+$0x0]  }
0x47a: {  	s1 =	sld [smem:$0x79D];
	v28 =	vld [tilespmem:s31+$0x6980];
	s5 =	sadd.s32 s4, s6;
	v26 =	vshll.u32 v24, $0x3  }
0x47b: {  	v24 =	vand.u32 $0x7F, v24;
	s6 =	sld [smem:$0x7A6];
	v29 =	vshll.u32 v25, $0x3;
	s5 =	sadd.s32 s20, s5;
	v26 =	vand.u32 $0xFFFFFC00, v26;
	s7 =	sadd.s32 s4, s7  }
0x47c: {  	v25 =	vand.u32 $0x7F, v25;
	v29 =	vand.u32 $0xFFFFFC00, v29;
	v30 =	vld [tilespmem:s5+$0x0];
	v24 =	vor.u32 v26, v24;
	s5 =	sadd.s32 s20, s7  }
0x47d: {  	s1 =	sadd.s32 s1, s4;
	v25 =	vor.u32 v29, v25;
	s7 =	sld [smem:$0x7A8];
	v24 =	vor.u32 $0x300, v24;
	v31 =	vld [tilespmem:s5+$0x0]  }
0x47e: {  	s1 =	sor.u32 s20, s1;
	s5 =	sadd.s32 s4, s6;
	v26 =	vor.u32 $0x300, v25;
	s8 =	sld [smem:$0x7AA];
	v25 =	vshll.u32 v27, $0x3  }
0x47f: {  	v27 =	vand.u32 $0x7F, v27;
	v35 =	vld [tilespmem:s1+$0x6980];
	s9 =	sld [smem:$0x7A3];
	v29 =	vshll.u32 v28, $0x3;
	s5 =	sadd.s32 s20, s5;
	v25 =	vand.u32 $0xFFFFFC00, v25  }
0x480: {  	v28 =	vand.u32 $0x7F, v28;
	v32 =	vand.u32 $0xFFFFFC00, v29;
	s10 =	sld [smem:$0x7A5];
	v29 =	vld [tilespmem:s5+$0x0];
	v25 =	vor.u32 v25, v27  }
.Ltmp6:
0x481: {  	s5 =	sadd.s32 s4, s7;
	v28 =	vor.u32 v32, v28;
	s11 =	sld [smem:$0x7A7];
	v32 =	vshll.u32 v30, $0x3;
	v27 =	vor.u32 $0x300, v25;
	(pc) =	sbr.rel @!p0 .LBB2_14-.Ltmp6, $4  }
0x482: {  	v25 =	vand.u32 $0x7F, v30;
	s6 =	sld [smem:$0x7A2];
	s7 =	sadd.s32 s4, s9;
	s9 =	sadd.s32 s20, s5;
	v32 =	vand.u32 $0xFFFFFC00, v32;
	v24 =	vld.idx.msk [tilespmem:v24+s3+$0x0], $0xffff;
	v33 =	vshll.u32 v31, $0x3  }
0x483: {  	s8 =	sadd.s32 s4, s8;
	v31 =	vand.u32 $0x7F, v31;
	s12 =	sadd.s32 s20, s7;
	s5 =	sld [smem:$0x7A4];
	v30 =	vld [tilespmem:s9+$0x0];
	v25 =	vor.u32 v32, v25;
	v33 =	vand.u32 $0xFFFFFC00, v33  }
0x484: {  	v28 =	vor.u32 $0x300, v28;
	s9 =	sadd.s32 s4, s10;
	s10 =	sadd.s32 s20, s8;
	s7 =	sld [smem:$0x7A1];
	v32 =	vld [tilespmem:s12+$0x0];
	v25 =	vor.u32 $0x300, v25;
	v33 =	vor.u32 v33, v31  }
0x485: {  	s24 =	sadd.s32 $0x1, s24;
	v34 =	vand.u32 $0x7F, v35;
	v36 =	vshll.u32 v35, $0x3;
	s9 =	sadd.s32 s20, s9;
	s8 =	sadd.s32 s4, s11;
	v35 =	vshll.u32 v29, $0x3;
	v31 =	vld [tilespmem:s10+$0x0]  }
0x486: {  	v36 =	vand.u32 $0xFFFFFC00, v36;
	s6 =	sadd.s32 s4, s6;
	v37 =	vld [tilespmem:s9+$0x0];
	v29 =	vand.u32 $0x7F, v29;
	s8 =	sadd.s32 s20, s8  }
0x487: {  	v35 =	vand.u32 $0xFFFFFC00, v35;
	v33 =	vor.u32 $0x300, v33;
	v34 =	vor.u32 v36, v34;
	s7 =	sadd.s32 s4, s7;
	s6 =	sadd.s32 s20, s6;
	v55 =	vld [tilespmem:s8+$0x0]  }
0x488: {  	s24 =	sadd.s32 s4, s5;
	v29 =	vor.u32 v35, v29;
	v34 =	vor.u32 $0x300, v34;
	s7 =	sadd.s32 s20, s7;
	v56 =	vld [tilespmem:s6+$0x0];
	v38 =	vshll.u32 v30, $0x3  }
0x489: {  	s4 =	sadd.s32 s20, s24;
	v30 =	vand.u32 $0x7F, v30;
	v29 =	vor.u32 $0x300, v29;
	v39 =	vld [tilespmem:s7+$0x0];
	v40 =	vshll.u32 v32, $0x3  }
0x48a: {  	v58 =	vld [tilespmem:s4+$0x0];
	v38 =	vand.u32 $0xFFFFFC00, v38;
	v57 =	vand.u32 $0x7F, v32;
	v40 =	vand.u32 $0xFFFFFC00, v40  }
0x48b: {  	v26 =	vld.idx.msk [tilespmem:v26+s3+$0x0], $0xffff;
	v30 =	vor.u32 v38, v30;
	v59 =	vand.u32 $0x7F, v31;
	v31 =	vshll.u32 v31, $0x3  }
0x48c: {  	v27 =	vld.idx.msk [tilespmem:v27+s3+$0x0], $0xffff;
	v32 =	vor.u32 v40, v57;
	v41 =	vand.u32 $0x7F, v37;
	v37 =	vshll.u32 v37, $0x3  }
0x48d: {  	v28 =	vld.idx.msk [tilespmem:v28+s3+$0x0], $0xffff;
	v32 =	vor.u32 $0x300, v32;
	v42 =	vand.u32 $0x7F, v55;
	v35 =	vshll.u32 v55, $0x3  }
0x48e: {  	v45 =	vld [tilespmem:s1+$0x2980];
	v44 =	vand.u32 $0x7F, v56;
	v36 =	vshll.u32 v56, $0x3;
	v43 =	vshll.u32 v39, $0x3  }
0x48f: {  	v61 =	vld [tilespmem:s31+$0x2980];
	v60 =	vshll.u32 v58, $0x3;
	v39 =	vand.u32 $0x7F, v39;
	v43 =	vand.u32 $0xFFFFFC00, v43  }
0x490: {  	v46 =	vld [tilespmem:s26+$0x2980];
	v38 =	vand.u32 $0x7F, v58;
	v36 =	vand.u32 $0xFFFFFC00, v36;
	v39 =	vor.u32 v43, v39  }
0x491: {  	v63 =	vld [tilespmem:s25+$0x2980];
	v36 =	vor.u32 v36, v44;
	v43 =	vand.u32 $0xFFFFFC00, v60;
	v39 =	vor.u32 $0x300, v39  }
0x492: {  	v33 =	vld.idx.msk [tilespmem:v33+s3+$0x0], $0xffff;
	v35 =	vand.u32 $0xFFFFFC00, v35;
	v36 =	vor.u32 $0x300, v36;
	v38 =	vor.u32 v43, v38  }
0x493: {  	v37 =	vand.u32 $0xFFFFFC00, v37;
	v34 =	vld.idx.msk [tilespmem:v34+s3+$0x0], $0xffff;
	v35 =	vor.u32 v35, v42;
	v38 =	vor.u32 $0x300, v38  }
0x494: {  	v31 =	vand.u32 $0xFFFFFC00, v31;
	v29 =	vld.idx.msk [tilespmem:v29+s3+$0x0], $0xffff;
	v37 =	vor.u32 v37, v41;
	v35 =	vor.u32 $0x300, v35  }
0x495: {  	v62 =	vshll.u32 v45, $0x3;
	v31 =	vor.u32 v31, v59;
	v37 =	vor.u32 $0x300, v37;
	v32 =	vld.idx.msk [tilespmem:v32+s3+$0x0], $0xffff  }
0x496: {  	v47 =	vand.u32 $0x7F, v45;
	v41 =	vand.u32 $0xFFFFFC00, v62;
	v31 =	vor.u32 $0x300, v31;
	v39 =	vld.idx.msk [tilespmem:v39+s3+$0x0], $0xffff  }
0x497: {  	v30 =	vor.u32 $0x300, v30;
	v48 =	vshll.u32 v61, $0x3;
	v40 =	vor.u32 v41, v47;
	v36 =	vld.idx.msk [tilespmem:v36+s3+$0x0], $0xffff  }
0x498: {  	v41 =	vand.u32 $0xFFFFFC00, v48;
	v40 =	vor.u32 $0x300, v40;
	v44 =	vand.u32 $0x7F, v61;
	v38 =	vld.idx.msk [tilespmem:v38+s3+$0x0], $0xffff  }
0x499: {  	v49 =	vshll.u32 v46, $0x3;
	v41 =	vor.u32 v41, v44;
	v35 =	vld.idx.msk [tilespmem:v35+s3+$0x0], $0xffff  }
0x49a: {  	v50 =	vand.u32 $0x7F, v46;
	v43 =	vand.u32 $0xFFFFFC00, v49;
	v41 =	vor.u32 $0x300, v41;
	v37 =	vld.idx.msk [tilespmem:v37+s3+$0x0], $0xffff  }
0x49b: {  	v51 =	vshll.u32 v63, $0x3;
	v43 =	vor.u32 v43, v50;
	v31 =	vld.idx.msk [tilespmem:v31+s3+$0x0], $0xffff;
	v39 =	vadd.f32 $0.0e+00, v39  }
0x49c: {  	v42 =	vand.u32 $0x7F, v63;
	v44 =	vand.u32 $0xFFFFFC00, v51;
	v30 =	vld.idx.msk [tilespmem:v30+s3+$0x0], $0xffff;
	v43 =	vor.u32 $0x300, v43  }
0x49d: {  	v42 =	vor.u32 v44, v42;
	v52 =	vld.idx.msk [tilespmem:v40+s3+$0x0], $0xffff;
	v38 =	vadd.f32 $0.0e+00, v38;
	v36 =	vadd.f32 v36, v39  }
0x49e: {  	v25 =	vld.idx.msk [tilespmem:v25+s3+$0x0], $0xffff;
	v42 =	vor.u32 $0x300, v42;
	v35 =	vadd.f32 $0.0e+00, v35  }
0x49f: {  	v53 =	vld.idx.msk [tilespmem:v41+s3+$0x0], $0xffff;
	v54 =	vadd.f32 v37, v38;
	v32 =	vadd.f32 v32, v36  }
0x4a0: {  	v56 =	vld.idx.msk [tilespmem:v40+s28+$0x0], $0xffff;
	v31 =	vadd.f32 $0.0e+00, v31  }
0x4a1: {  	v55 =	vld.idx.msk [tilespmem:v43+s3+$0x0], $0xffff;
	v30 =	vadd.f32 v30, v35;
	v29 =	vadd.f32 v29, v54;
	v32 =	vmul.f32 v32, v34  }
0x4a2: {  	v59 =	vld.idx.msk [tilespmem:v41+s28+$0x0], $0xffff;
	v58 =	vadd.f32 $0.0e+00, v52;
	v31 =	vadd.f32 v33, v31  }
0x4a3: {  	v57 =	vld.idx.msk [tilespmem:v42+s3+$0x0], $0xffff;
	v25 =	vadd.f32 v25, v30;
	v28 =	vmul.f32 v29, v28;
	v32 =	vadd.f32 $0.0e+00, v32  }
0x4a4: {  	v29 =	vadd.f32 v53, v58  }
0x4a5: {  	v30 =	vld.idx.msk [tilespmem:v43+s28+$0x0], $0xffff;
	v25 =	vmul.f32 v25, v26;
	v26 =	vadd.f32 v27, v31;
	v28 =	vadd.f32 v28, v32  }
0x4a6: {  	v27 =	vld.idx.msk [tilespmem:v42+s28+$0x0], $0xffff;
	v31 =	vmul.f32 v56, v21;
	v29 =	vadd.f32 v55, v29  }
0x4a7: {  	v24 =	vmul.f32 v26, v24;
	v25 =	vadd.f32 v25, v28  }
0x4a8: {  	v26 =	vadd.f32 $0.0e+00, v31;
	v29 =	vadd.f32 v57, v29;
	v28 =	vmul.f32 v59, v22  }
0x4a9: {  	s5 =	sshll.u32 s21, $0xA;
	v24 =	vadd.f32 v24, v25  }
0x4aa: {  	s1 =	sor.u32 s20, s5;
	v25 =	vadd.f32 v28, v26;
	v26 =	vmul.f32 v30, v19;
	v28 =	vmul.f32 v29, v16  }
0x4ab: {  	v27 =	vmul.f32 v27, v20;
	v29 =	vld [tilespmem:s1+$0xB00]  }
0x4ac: {  	v25 =	vadd.f32 v26, v25;
	v26 =	vadd.f32 v28, v14;
	v24 =	vmul.f32 v24, v15  }
0x4ad: {  	v28 =	vld [tilespmem:s1+$0x1300]  }
0x4ae: {  	v25 =	vadd.f32 v27, v25;
	v24 =	vsub.f32 v26, v24;
	_ =	sdelay $0x1  }
0x4af: {  	v25 =	vmul.f32 $4.000000000e+00, v25;
	v24 =	vmul.f32 v24, v29;
	_ =	sdelay $0x1  }
0x4b0: {  	v25 =	vsub.f32 v25, v17;
	v24 =	vadd.f32 v24, v28;
	_ =	sdelay $0x1  }
0x4b1: {  	v24 =	vadd.f32 v24, v25;
	_ =	sdelay $0x1  }
0x4b2: {  	v24 =	vsub.f32 $0.0e+00, v24;
	_ =	sdelay $0x1  }
0x4b3: {  	v24 =	vmul.f32 v24, v18;
	_ =	sdelay $0x1  }
0x4b4: {  	v24 =	vmul.f32 $1.442695020e+00, v24;
	_ =	sdelay $0x1  }
0x4b5: {  	(erf) = vpow2.f32 v24;
	_ =	sdelay $0x4  }
0x4b6: {  	s9 =	sadd.s32 $0x3E00, s17  }
0x4b7: {  	s10 =	sadd.s32 $0x15180, s17;
	[smem:$0x790] =	sst s9  }
0x4b8: {  	s11 =	sadd.s32 $0x15380, s17;
	[smem:$0x791] =	sst s10  }
0x4b9: {  	s12 =	sadd.s32 $0x15580, s17;
	[smem:$0x792] =	sst s11  }
0x4ba: {  	s13 =	sadd.s32 $0x15780, s17;
	[smem:$0x793] =	sst s12;
	v26 =	vpop (erf)  }
0x4bb: {  	s22 =	sadd.s32 $0x16580, s17;
	[smem:$0x794] =	sst s13;
	v24 =	vld [tilespmem:s1+$0x2300];
	v26 =	vadd.f32 $1.000000000e+00, v26  }
0x4bc: {  	s8 =	sadd.s32 $0x3C00, s17;
	[smem:$0x79B] =	sst s22  }
0x4bd: {  	s24 =	sadd.s32 $0x16780, s17;
	[smem:$0x78F] =	sst s8;
	(erf) = vrcp.f32 v26  }
0x4be: {  	[smem:$0x79C] =	sst s24  }
0x4bf: {  	s6 =	sadd.s32 $0x3800, s17;
	s25 =	sld [smem:$0x790]  }
0x4c0: {  	s20 =	sadd.s32 $0x16180, s17;
	[smem:$0x78D] =	sst s6;
	v27 =	vadd.f32 v24, v24  }
0x4c1: {  	[smem:$0x799] =	sst s20;
	v25 =	vadd.f32 v25, v17  }
0x4c2: {  	s7 =	sadd.s32 $0x3A00, s17;
	s31 =	sld [smem:$0x78F];
	v24 =	vadd.f32 $-5.000000000e-01, v24;
	v26 =	vsub.f32 $1.000000000e+00, v27  }
0x4c3: {  	s14 =	sadd.s32 $0x15980, s17;
	s15 =	sadd.s32 $0x15B80, s17;
	[smem:$0x78E] =	sst s7;
	v27 =	vld [tilespmem:s1+$0x1B00]  }
0x4c4: {  	s16 =	sadd.s32 $0x15D80, s17;
	s19 =	sadd.s32 $0x15F80, s17;
	s7 =	sld [smem:$0x799];
	v24 =	vmul.f32 v24, v25;
	v26 =	vmul.f32 v26, v13  }
0x4c5: {  	s21 =	sadd.s32 $0x16380, s17;
	s17 =	simm.s32 $0x0;
	s5 =	sld [smem:$0x79C]  }
0x4c6: {  	s26 =	sand.u32 $0x70, s17;
	s6 =	sld [smem:$0x78E];
	s4 =	sadd.s32 $0x0, s31;
	v24 =	vadd.f32 v26, v24;
	v25 =	vpop (erf)  }
0x4c7: {  	s8 =	sld [smem:$0x79B];
	s24 =	sor.u32 s26, s4;
	s4 =	sadd.s32 $0x0, s7;
	[tilespmem:s1+$0x17080] =	vst v25  }
0x4c8: {  	[smem:$0x795] =	sst s14;
	s4 =	sadd.s32 s26, s4;
	v24 =	vmul.f32 v24, v27;
	s1 =	sadd.s32 $0x0, s25;
	v25 =	vld [tilespmem:s24+$0x6980]  }
0x4c9: {  	s22 =	sor.u32 s26, s1;
	s1 =	sadd.s32 $0x0, s5;
	s5 =	sadd.s32 $0x0, s6;
	v30 =	vld [tilespmem:s4+$0x0]  }
0x4ca: {  	[smem:$0x796] =	sst s15;
	v23 =	vadd.f32 v24, v23;
	s6 =	sadd.s32 $0x0, s8;
	v24 =	vld [tilespmem:s22+$0x6980];
	s25 =	sor.u32 s26, s5  }
0x4cb: {  	[smem:$0x797] =	sst s16;
	s11 =	sadd.s32 s26, s6;
	v28 =	vld [tilespmem:s25+$0x6980]  }
0x4cc: {  	[smem:$0x798] =	sst s19;
	v31 =	vld [tilespmem:s11+$0x0]  }
0x4cd: {  	s9 =	sld [smem:$0x78D];
	s1 =	sadd.s32 s26, s1  }
0x4ce: {  	s10 =	sld [smem:$0x796];
	v27 =	vld [tilespmem:s1+$0x0];
	v29 =	vshll.u32 v25, $0x3;
	v25 =	vand.u32 $0x7F, v25  }
0x4cf: {  	[smem:$0x79A] =	sst s21;
	v62 =	vshll.u32 v30, $0x3;
	v26 =	vshll.u32 v24, $0x3;
	v24 =	vand.u32 $0x7F, v24  }
0x4d0: {  	s14 =	sld [smem:$0x79A];
	s1 =	sadd.s32 $0x0, s9;
	v29 =	vand.u32 $0xFFFFFC00, v29;
	v32 =	vand.u32 $0xFFFFFC00, v62;
	v26 =	vand.u32 $0xFFFFFC00, v26  }
0x4d1: {  	s12 =	sld [smem:$0x798];
	s13 =	sadd.s32 $0x0, s10;
	s1 =	sor.u32 s26, s1;
	v25 =	vor.u32 v29, v25;
	v29 =	vshll.u32 v28, $0x3;
	v63 =	vshll.u32 v31, $0x3  }
0x4d2: {  	s15 =	sld [smem:$0x793];
	s4 =	sadd.s32 s26, s13;
	v60 =	vld [tilespmem:s1+$0x6980];
	v31 =	vand.u32 $0x7F, v31;
	v24 =	vor.u32 v26, v24;
	v26 =	vor.u32 $0x380, v25  }
0x4d3: {  	s16 =	sld [smem:$0x795];
	s21 =	sadd.s32 $0x0, s14;
	v25 =	vshll.u32 v27, $0x3;
	v61 =	vand.u32 $0xFFFFFC00, v29;
	v29 =	vld [tilespmem:s4+$0x0];
	v24 =	vor.u32 $0x380, v24  }
0x4d4: {  	s10 =	sld [smem:$0x797];
	s19 =	sadd.s32 $0x0, s12;
	s31 =	sadd.s32 s26, s21;
	v27 =	vand.u32 $0x7F, v27;
	v33 =	vand.u32 $0xFFFFFC00, v63;
	v25 =	vand.u32 $0xFFFFFC00, v25  }
0x4d5: {  	s7 =	sld [smem:$0x791];
	s5 =	sadd.s32 $0x0, s15;
	s9 =	sadd.s32 s26, s19;
	v28 =	vand.u32 $0x7F, v28;
	v33 =	vor.u32 v33, v31;
	v31 =	vld [tilespmem:s31+$0x0];
	v25 =	vor.u32 v25, v27  }
0x4d6: {  	s20 =	simm.s32 $0x0;
	s6 =	sld [smem:$0x792];
	s11 =	sadd.s32 s26, s5;
	v28 =	vor.u32 v61, v28;
	v27 =	vor.u32 $0x380, v25;
	v25 =	vand.u32 $0x7F, v30;
	v30 =	vld [tilespmem:s9+$0x0]  }
0x4d7: {  	s21 =	simm.s32 $0x1;
	s8 =	sadd.s32 $0x0, s16;
	s5 =	sld [smem:$0x794];
	v34 =	vand.u32 $0x7F, v60;
	v36 =	vshll.u32 v60, $0x3;
	v25 =	vor.u32 v32, v25;
	v32 =	vld [tilespmem:s11+$0x0]  }
0x4d8: {  	s4 =	simm.s32 $0x0;
	v28 =	vor.u32 $0x380, v28;
	s9 =	sadd.s32 s26, s8;
	s8 =	sadd.s32 $0x0, s10;
	v25 =	vor.u32 $0x380, v25;
	v35 =	vshll.u32 v29, $0x3;
	v24 =	vld.idx.msk [tilespmem:v24+s3+$0x0], $0xffff  }
.LBB2_16:
0x4d9: {  	p0 =	seq.s32 s21, $0xF;
	v36 =	vand.u32 $0xFFFFFC00, v36;
	s6 =	sadd.s32 s4, s6;
	v37 =	vld [tilespmem:s9+$0x0];
	v29 =	vand.u32 $0x7F, v29;
	v35 =	vand.u32 $0xFFFFFC00, v35;
	s8 =	sadd.s32 s26, s8  }
0x4da: {  	v33 =	vor.u32 $0x380, v33;
	v34 =	vor.u32 v36, v34;
	s7 =	sadd.s32 s4, s7;
	s6 =	sadd.s32 s26, s6;
	v29 =	vor.u32 v35, v29;
	v35 =	vld [tilespmem:s8+$0x0]  }
0x4db: {  	v34 =	vor.u32 $0x380, v34;
	s7 =	sadd.s32 s26, s7;
	v36 =	vld [tilespmem:s6+$0x0];
	v29 =	vor.u32 $0x380, v29;
	v38 =	vshll.u32 v30, $0x3  }
0x4dc: {  	s4 =	sadd.s32 s4, s5;
	v30 =	vand.u32 $0x7F, v30;
	v39 =	vld [tilespmem:s7+$0x0];
	v40 =	vshll.u32 v32, $0x3;
	v38 =	vand.u32 $0xFFFFFC00, v38  }
0x4dd: {  	s4 =	sadd.s32 s26, s4;
	v32 =	vand.u32 $0x7F, v32;
	v40 =	vand.u32 $0xFFFFFC00, v40;
	v26 =	vld.idx.msk [tilespmem:v26+s3+$0x0], $0xffff;
	v30 =	vor.u32 v38, v30  }
0x4de: {  	v32 =	vor.u32 v40, v32;
	v38 =	vld [tilespmem:s4+$0x0];
	v30 =	vor.u32 $0x380, v30;
	v40 =	vand.u32 $0x7F, v31  }
0x4df: {  	v41 =	vand.u32 $0x7F, v37;
	v31 =	vshll.u32 v31, $0x3;
	v32 =	vor.u32 $0x380, v32;
	v27 =	vld.idx.msk [tilespmem:v27+s3+$0x0], $0xffff  }
0x4e0: {  	v37 =	vshll.u32 v37, $0x3;
	v42 =	vand.u32 $0x7F, v35;
	v35 =	vshll.u32 v35, $0x3;
	v28 =	vld.idx.msk [tilespmem:v28+s3+$0x0], $0xffff  }
0x4e1: {  	v44 =	vand.u32 $0x7F, v36;
	v36 =	vshll.u32 v36, $0x3;
	v43 =	vshll.u32 v39, $0x3;
	v33 =	vld.idx.msk [tilespmem:v33+s3+$0x0], $0xffff  }
0x4e2: {  	v39 =	vand.u32 $0x7F, v39;
	v36 =	vand.u32 $0xFFFFFC00, v36;
	v34 =	vld.idx.msk [tilespmem:v34+s3+$0x0], $0xffff;
	v43 =	vand.u32 $0xFFFFFC00, v43  }
0x4e3: {  	v36 =	vor.u32 v36, v44;
	v45 =	vld [tilespmem:s1+$0x2980];
	v39 =	vor.u32 v43, v39;
	v43 =	vshll.u32 v38, $0x3  }
0x4e4: {  	v38 =	vand.u32 $0x7F, v38;
	v44 =	vld [tilespmem:s24+$0x2980];
	v39 =	vor.u32 $0x380, v39;
	v43 =	vand.u32 $0xFFFFFC00, v43  }
0x4e5: {  	v35 =	vand.u32 $0xFFFFFC00, v35;
	v36 =	vor.u32 $0x380, v36;
	v46 =	vld [tilespmem:s25+$0x2980];
	v38 =	vor.u32 v43, v38  }
0x4e6: {  	v37 =	vand.u32 $0xFFFFFC00, v37;
	v35 =	vor.u32 v35, v42;
	v38 =	vor.u32 $0x380, v38;
	v29 =	vld.idx.msk [tilespmem:v29+s3+$0x0], $0xffff  }
0x4e7: {  	v31 =	vand.u32 $0xFFFFFC00, v31;
	v37 =	vor.u32 v37, v41;
	v35 =	vor.u32 $0x380, v35;
	v32 =	vld.idx.msk [tilespmem:v32+s3+$0x0], $0xffff  }
0x4e8: {  	v31 =	vor.u32 v31, v40;
	v37 =	vor.u32 $0x380, v37;
	v41 =	vshll.u32 v45, $0x3;
	v42 =	vld [tilespmem:s22+$0x2980]  }
0x4e9: {  	v31 =	vor.u32 $0x380, v31;
	v40 =	vand.u32 $0x7F, v45;
	v41 =	vand.u32 $0xFFFFFC00, v41;
	v39 =	vld.idx.msk [tilespmem:v39+s3+$0x0], $0xffff  }
0x4ea: {  	v43 =	vshll.u32 v44, $0x3;
	v40 =	vor.u32 v41, v40;
	v41 =	vshll.u32 v46, $0x3;
	v36 =	vld.idx.msk [tilespmem:v36+s3+$0x0], $0xffff  }
0x4eb: {  	v45 =	vand.u32 $0x7F, v46;
	v40 =	vor.u32 $0x380, v40;
	v41 =	vand.u32 $0xFFFFFC00, v41;
	v38 =	vld.idx.msk [tilespmem:v38+s3+$0x0], $0xffff  }
0x4ec: {  	v44 =	vand.u32 $0x7F, v44;
	v43 =	vand.u32 $0xFFFFFC00, v43;
	v41 =	vor.u32 v41, v45;
	v35 =	vld.idx.msk [tilespmem:v35+s3+$0x0], $0xffff  }
0x4ed: {  	v43 =	vor.u32 v43, v44;
	v41 =	vor.u32 $0x380, v41;
	v44 =	vshll.u32 v42, $0x3;
	v37 =	vld.idx.msk [tilespmem:v37+s3+$0x0], $0xffff  }
0x4ee: {  	v43 =	vor.u32 $0x380, v43;
	v42 =	vand.u32 $0x7F, v42;
	v44 =	vand.u32 $0xFFFFFC00, v44;
	v31 =	vld.idx.msk [tilespmem:v31+s3+$0x0], $0xffff  }
0x4ef: {  	v39 =	vadd.f32 $0.0e+00, v39;
	v42 =	vor.u32 v44, v42;
	v30 =	vld.idx.msk [tilespmem:v30+s3+$0x0], $0xffff  }
0x4f0: {  	v44 =	vld.idx.msk [tilespmem:v40+s3+$0x0], $0xffff;
	v42 =	vor.u32 $0x380, v42  }
0x4f1: {  	v36 =	vadd.f32 v36, v39;
	v38 =	vadd.f32 $0.0e+00, v38;
	v25 =	vld.idx.msk [tilespmem:v25+s3+$0x0], $0xffff  }
0x4f2: {  	v35 =	vadd.f32 $0.0e+00, v35;
	v39 =	vld.idx.msk [tilespmem:v41+s3+$0x0], $0xffff  }
0x4f3: {  	v32 =	vadd.f32 v32, v36;
	v36 =	vadd.f32 v37, v38;
	v45 =	vld.idx.msk [tilespmem:v43+s3+$0x0], $0xffff  }
0x4f4: {  	v31 =	vadd.f32 $0.0e+00, v31;
	v37 =	vld.idx.msk [tilespmem:v40+s28+$0x0], $0xffff  }
0x4f5: {  	v32 =	vmul.f32 v32, v34;
	v29 =	vadd.f32 v29, v36;
	v30 =	vadd.f32 v30, v35;
	v38 =	vld.idx.msk [tilespmem:v42+s3+$0x0], $0xffff  }
0x4f6: {  	v34 =	vadd.f32 $0.0e+00, v44;
	v31 =	vadd.f32 v33, v31;
	v35 =	vld.idx.msk [tilespmem:v41+s28+$0x0], $0xffff  }
0x4f7: {  	v32 =	vadd.f32 $0.0e+00, v32;
	v28 =	vmul.f32 v29, v28;
	v25 =	vadd.f32 v25, v30  }
0x4f8: {  	v29 =	vadd.f32 v39, v34;
	v30 =	vld.idx.msk [tilespmem:v43+s28+$0x0], $0xffff  }
0x4f9: {  	v28 =	vadd.f32 v28, v32;
	v25 =	vmul.f32 v25, v26;
	v26 =	vadd.f32 v27, v31;
	v33 =	vld.idx.msk [tilespmem:v42+s28+$0x0], $0xffff  }
0x4fa: {  	v27 =	vmul.f32 v37, v21;
	v29 =	vadd.f32 v45, v29  }
0x4fb: {  	v25 =	vadd.f32 v25, v28;
	v24 =	vmul.f32 v26, v24  }
0x4fc: {  	s1 =	sshll.u32 s20, $0xA;
	v26 =	vadd.f32 $0.0e+00, v27;
	v27 =	vmul.f32 v35, v22;
	v28 =	vadd.f32 v38, v29  }
0x4fd: {  	s1 =	sadd.s32 s1, s17;
	v24 =	vadd.f32 v24, v25  }
0x4fe: {  	s1 =	sor.u32 $0x380, s1;
	v25 =	vadd.f32 v27, v26;
	v26 =	vmul.f32 v30, v19;
	v27 =	vmul.f32 v28, v16  }
0x4ff: {  	v28 =	vmul.f32 v33, v20;
	v29 =	vld [tilespmem:s1+$0x800]  }
0x500: {  	v24 =	vmul.f32 v24, v15;
	v25 =	vadd.f32 v26, v25;
	v27 =	vadd.f32 v27, v14;
	v26 =	vld [tilespmem:s1+$0x2000]  }
0x501: {  	v30 =	vld [tilespmem:s1+$0x1000]  }
0x502: {  	v25 =	vadd.f32 v28, v25;
	v24 =	vsub.f32 v27, v24;
	v28 =	vld [tilespmem:s1+$0x1800];
	_ =	sdelay $0x1  }
0x503: {  	v25 =	vmul.f32 $4.000000000e+00, v25;
	v24 =	vmul.f32 v24, v29  }
0x504: {  	v27 =	vadd.f32 v26, v26;
	v26 =	vadd.f32 $-5.000000000e-01, v26  }
0x505: {  	v25 =	vsub.f32 v25, v17;
	v24 =	vadd.f32 v24, v30  }
0x506: {  	v27 =	vsub.f32 $1.000000000e+00, v27  }
0x507: {  	v24 =	vadd.f32 v24, v25;
	v25 =	vadd.f32 v25, v17  }
0x508: {  	v27 =	vmul.f32 v27, v13  }
0x509: {  	v24 =	vsub.f32 $0.0e+00, v24;
	v25 =	vmul.f32 v26, v25;
	_ =	sdelay $0x1  }
0x50a: {  	v24 =	vmul.f32 v24, v18;
	v25 =	vadd.f32 v27, v25;
	_ =	sdelay $0x1  }
0x50b: {  	v24 =	vmul.f32 $1.442695020e+00, v24;
	v25 =	vmul.f32 v25, v28;
	_ =	sdelay $0x1  }
0x50c: {  	v23 =	vadd.f32 v25, v23;
	(erf) = vpow2.f32 v24;
	_ =	sdelay $0x8  }
0x50d: {  	v24 =	vpop (erf)  }
0x50e: {  	v24 =	vadd.f32 $1.000000000e+00, v24;
	_ =	sdelay $0x1  }
0x50f: {  	(erf) = vrcp.f32 v24;
	_ =	sdelay $0x5  }
0x510: {  	s5 =	sld [smem:$0x790]  }
0x511: {  	s20 =	sshrl.u32 s21, $0x3;
	s6 =	sld [smem:$0x78F]  }
0x512: {  	s4 =	sshll.u32 s20, $0x8;
	s17 =	sadd.s32 $0x10, s17  }
0x513: {  	s26 =	sand.u32 $0x70, s17;
	s5 =	sadd.s32 s5, s4;
	v24 =	vpop (erf)  }
0x514: {  	s6 =	sadd.s32 s6, s4;
	s22 =	sor.u32 s26, s5;
	s5 =	sld [smem:$0x79C];
	[tilespmem:s1+$0x16D80] =	vst v24  }
0x515: {  	s1 =	sld [smem:$0x78E];
	s24 =	sor.u32 s26, s6;
	v24 =	vld [tilespmem:s22+$0x6980]  }
0x516: {  	v25 =	vld [tilespmem:s24+$0x6980]  }
0x517: {  	s6 =	sld [smem:$0x799];
	s5 =	sadd.s32 s4, s5  }
0x518: {  	s1 =	sadd.s32 s1, s4;
	s7 =	sld [smem:$0x79B];
	s5 =	sadd.s32 s26, s5  }
0x519: {  	s25 =	sor.u32 s26, s1;
	v27 =	vld [tilespmem:s5+$0x0]  }
0x51a: {  	s1 =	sld [smem:$0x78D];
	v28 =	vld [tilespmem:s25+$0x6980];
	s5 =	sadd.s32 s4, s6;
	v26 =	vshll.u32 v24, $0x3  }
0x51b: {  	v24 =	vand.u32 $0x7F, v24;
	s6 =	sld [smem:$0x796];
	v29 =	vshll.u32 v25, $0x3;
	s5 =	sadd.s32 s26, s5;
	v26 =	vand.u32 $0xFFFFFC00, v26;
	s7 =	sadd.s32 s4, s7  }
0x51c: {  	v25 =	vand.u32 $0x7F, v25;
	v29 =	vand.u32 $0xFFFFFC00, v29;
	v30 =	vld [tilespmem:s5+$0x0];
	v24 =	vor.u32 v26, v24;
	s5 =	sadd.s32 s26, s7  }
0x51d: {  	s1 =	sadd.s32 s1, s4;
	v25 =	vor.u32 v29, v25;
	s7 =	sld [smem:$0x798];
	v24 =	vor.u32 $0x380, v24;
	v31 =	vld [tilespmem:s5+$0x0]  }
0x51e: {  	s1 =	sor.u32 s26, s1;
	s5 =	sadd.s32 s4, s6;
	v26 =	vor.u32 $0x380, v25;
	s8 =	sld [smem:$0x79A];
	v25 =	vshll.u32 v27, $0x3  }
0x51f: {  	v27 =	vand.u32 $0x7F, v27;
	v35 =	vld [tilespmem:s1+$0x6980];
	s9 =	sld [smem:$0x793];
	v29 =	vshll.u32 v28, $0x3;
	s5 =	sadd.s32 s26, s5;
	v25 =	vand.u32 $0xFFFFFC00, v25  }
0x520: {  	v28 =	vand.u32 $0x7F, v28;
	v32 =	vand.u32 $0xFFFFFC00, v29;
	s10 =	sld [smem:$0x795];
	v29 =	vld [tilespmem:s5+$0x0];
	v25 =	vor.u32 v25, v27  }
.Ltmp7:
0x521: {  	s5 =	sadd.s32 s4, s7;
	v28 =	vor.u32 v32, v28;
	s11 =	sld [smem:$0x797];
	v32 =	vshll.u32 v30, $0x3;
	v27 =	vor.u32 $0x380, v25;
	(pc) =	sbr.rel @!p0 .LBB2_16-.Ltmp7, $4  }
0x522: {  	v25 =	vand.u32 $0x7F, v30;
	s6 =	sld [smem:$0x792];
	s7 =	sadd.s32 s4, s9;
	s9 =	sadd.s32 s26, s5;
	v32 =	vand.u32 $0xFFFFFC00, v32;
	v24 =	vld.idx.msk [tilespmem:v24+s3+$0x0], $0xffff;
	v33 =	vshll.u32 v31, $0x3  }
0x523: {  	s8 =	sadd.s32 s4, s8;
	v31 =	vand.u32 $0x7F, v31;
	s12 =	sadd.s32 s26, s7;
	s5 =	sld [smem:$0x794];
	v30 =	vld [tilespmem:s9+$0x0];
	v25 =	vor.u32 v32, v25;
	v33 =	vand.u32 $0xFFFFFC00, v33  }
0x524: {  	v28 =	vor.u32 $0x380, v28;
	s9 =	sadd.s32 s4, s10;
	s10 =	sadd.s32 s26, s8;
	s7 =	sld [smem:$0x791];
	v32 =	vld [tilespmem:s12+$0x0];
	v25 =	vor.u32 $0x380, v25;
	v33 =	vor.u32 v33, v31  }
0x525: {  	s21 =	sadd.s32 $0x1, s21;
	v34 =	vand.u32 $0x7F, v35;
	v36 =	vshll.u32 v35, $0x3;
	s9 =	sadd.s32 s26, s9;
	s8 =	sadd.s32 s4, s11;
	v35 =	vshll.u32 v29, $0x3;
	v31 =	vld [tilespmem:s10+$0x0]  }
0x526: {  	v36 =	vand.u32 $0xFFFFFC00, v36;
	v37 =	vld [tilespmem:s9+$0x0]  }
0x527: {  	s6 =	sadd.s32 s4, s6;
	v29 =	vand.u32 $0x7F, v29;
	v35 =	vand.u32 $0xFFFFFC00, v35;
	s8 =	sadd.s32 s26, s8;
	v45 =	vld [tilespmem:s1+$0x2980];
	v34 =	vor.u32 v36, v34  }
0x528: {  	s7 =	sadd.s32 s4, s7;
	s6 =	sadd.s32 s26, s6;
	v29 =	vor.u32 v35, v29;
	v52 =	vld [tilespmem:s8+$0x0];
	v34 =	vor.u32 $0x380, v34;
	v38 =	vshll.u32 v30, $0x3  }
0x529: {  	s19 =	sadd.s32 s4, s5;
	s7 =	sadd.s32 s26, s7;
	v53 =	vld [tilespmem:s6+$0x0];
	v30 =	vand.u32 $0x7F, v30;
	v29 =	vor.u32 $0x380, v29;
	v40 =	vshll.u32 v32, $0x3  }
0x52a: {  	s4 =	sadd.s32 s26, s19;
	v39 =	vld [tilespmem:s7+$0x0];
	v38 =	vand.u32 $0xFFFFFC00, v38;
	v54 =	vand.u32 $0x7F, v32;
	v40 =	vand.u32 $0xFFFFFC00, v40  }
0x52b: {  	v55 =	vld [tilespmem:s4+$0x0];
	v30 =	vor.u32 v38, v30;
	v56 =	vand.u32 $0x7F, v31;
	v31 =	vshll.u32 v31, $0x3  }
0x52c: {  	v26 =	vld.idx.msk [tilespmem:v26+s3+$0x0], $0xffff;
	v32 =	vor.u32 v40, v54;
	v30 =	vor.u32 $0x380, v30;
	v41 =	vand.u32 $0x7F, v37  }
0x52d: {  	v27 =	vld.idx.msk [tilespmem:v27+s3+$0x0], $0xffff;
	v37 =	vshll.u32 v37, $0x3;
	v31 =	vand.u32 $0xFFFFFC00, v31;
	v59 =	vshll.u32 v45, $0x3  }
0x52e: {  	v28 =	vld.idx.msk [tilespmem:v28+s3+$0x0], $0xffff;
	v32 =	vor.u32 $0x380, v32;
	v42 =	vand.u32 $0x7F, v52;
	v35 =	vshll.u32 v52, $0x3  }
0x52f: {  	v58 =	vld [tilespmem:s25+$0x2980];
	v44 =	vand.u32 $0x7F, v53;
	v36 =	vshll.u32 v53, $0x3;
	v43 =	vshll.u32 v39, $0x3  }
0x530: {  	v46 =	vld [tilespmem:s24+$0x2980];
	v57 =	vshll.u32 v55, $0x3;
	v39 =	vand.u32 $0x7F, v39;
	v43 =	vand.u32 $0xFFFFFC00, v43  }
0x531: {  	v60 =	vld [tilespmem:s22+$0x2980];
	v38 =	vand.u32 $0x7F, v55;
	v36 =	vand.u32 $0xFFFFFC00, v36;
	v39 =	vor.u32 v43, v39  }
0x532: {  	v25 =	vld.idx.msk [tilespmem:v25+s3+$0x0], $0xffff;
	v36 =	vor.u32 v36, v44;
	v43 =	vand.u32 $0xFFFFFC00, v57;
	v39 =	vor.u32 $0x380, v39  }
0x533: {  	v34 =	vld.idx.msk [tilespmem:v34+s3+$0x0], $0xffff;
	v35 =	vand.u32 $0xFFFFFC00, v35;
	v36 =	vor.u32 $0x380, v36;
	v38 =	vor.u32 v43, v38  }
0x534: {  	v37 =	vand.u32 $0xFFFFFC00, v37;
	v29 =	vld.idx.msk [tilespmem:v29+s3+$0x0], $0xffff;
	v35 =	vor.u32 v35, v42;
	v38 =	vor.u32 $0x380, v38  }
0x535: {  	v61 =	vand.u32 $0x7F, v45;
	v37 =	vor.u32 v37, v41;
	v35 =	vor.u32 $0x380, v35;
	v30 =	vld.idx.msk [tilespmem:v30+s3+$0x0], $0xffff  }
0x536: {  	v31 =	vor.u32 v31, v56;
	v41 =	vand.u32 $0xFFFFFC00, v59;
	v37 =	vor.u32 $0x380, v37;
	v32 =	vld.idx.msk [tilespmem:v32+s3+$0x0], $0xffff  }
0x537: {  	v62 =	vshll.u32 v58, $0x3;
	v31 =	vor.u32 $0x380, v31;
	v40 =	vor.u32 v41, v61;
	v39 =	vld.idx.msk [tilespmem:v39+s3+$0x0], $0xffff  }
0x538: {  	v41 =	vand.u32 $0xFFFFFC00, v62;
	v40 =	vor.u32 $0x380, v40;
	v44 =	vand.u32 $0x7F, v58;
	v36 =	vld.idx.msk [tilespmem:v36+s3+$0x0], $0xffff  }
0x539: {  	v33 =	vor.u32 $0x380, v33;
	v63 =	vshll.u32 v46, $0x3;
	v41 =	vor.u32 v41, v44;
	v38 =	vld.idx.msk [tilespmem:v38+s3+$0x0], $0xffff  }
0x53a: {  	v48 =	vand.u32 $0x7F, v46;
	v43 =	vand.u32 $0xFFFFFC00, v63;
	v41 =	vor.u32 $0x380, v41;
	v35 =	vld.idx.msk [tilespmem:v35+s3+$0x0], $0xffff  }
0x53b: {  	v49 =	vshll.u32 v60, $0x3;
	v42 =	vand.u32 $0x7F, v60;
	v43 =	vor.u32 v43, v48;
	v37 =	vld.idx.msk [tilespmem:v37+s3+$0x0], $0xffff  }
0x53c: {  	v44 =	vand.u32 $0xFFFFFC00, v49;
	v31 =	vld.idx.msk [tilespmem:v31+s3+$0x0], $0xffff;
	v43 =	vor.u32 $0x380, v43;
	v39 =	vadd.f32 $0.0e+00, v39  }
0x53d: {  	v42 =	vor.u32 v44, v42;
	v50 =	vld.idx.msk [tilespmem:v40+s3+$0x0], $0xffff  }
0x53e: {  	v33 =	vld.idx.msk [tilespmem:v33+s3+$0x0], $0xffff;
	v42 =	vor.u32 $0x380, v42;
	v38 =	vadd.f32 $0.0e+00, v38;
	v36 =	vadd.f32 v36, v39  }
0x53f: {  	v51 =	vld.idx.msk [tilespmem:v41+s3+$0x0], $0xffff;
	v35 =	vadd.f32 $0.0e+00, v35  }
0x540: {  	v54 =	vld.idx.msk [tilespmem:v40+s28+$0x0], $0xffff;
	v52 =	vadd.f32 v37, v38;
	v32 =	vadd.f32 v32, v36  }
0x541: {  	v31 =	vadd.f32 $0.0e+00, v31;
	v53 =	vld.idx.msk [tilespmem:v43+s3+$0x0], $0xffff;
	v30 =	vadd.f32 v30, v35  }
0x542: {  	v57 =	vld.idx.msk [tilespmem:v41+s28+$0x0], $0xffff;
	v56 =	vadd.f32 $0.0e+00, v50;
	v29 =	vadd.f32 v29, v52;
	v32 =	vmul.f32 v32, v34  }
0x543: {  	v55 =	vld.idx.msk [tilespmem:v42+s3+$0x0], $0xffff;
	v31 =	vadd.f32 v33, v31;
	v25 =	vadd.f32 v25, v30  }
0x544: {  	v28 =	vmul.f32 v29, v28;
	v29 =	vadd.f32 v51, v56;
	v32 =	vadd.f32 $0.0e+00, v32  }
0x545: {  	v21 =	vmul.f32 v54, v21;
	v30 =	vld.idx.msk [tilespmem:v43+s28+$0x0], $0xffff;
	v25 =	vmul.f32 v25, v26;
	v26 =	vadd.f32 v27, v31  }
0x546: {  	v27 =	vld.idx.msk [tilespmem:v42+s28+$0x0], $0xffff;
	v29 =	vadd.f32 v53, v29;
	v28 =	vadd.f32 v28, v32  }
0x547: {  	v21 =	vadd.f32 $0.0e+00, v21;
	v22 =	vmul.f32 v57, v22  }
0x548: {  	s21 =	sshll.u32 s20, $0xA;
	v24 =	vmul.f32 v26, v24;
	v26 =	vadd.f32 v55, v29;
	v25 =	vadd.f32 v25, v28  }
0x549: {  	s1 =	sadd.s32 s21, s17;
	v21 =	vadd.f32 v22, v21  }
0x54a: {  	s1 =	sor.u32 $0x380, s1;
	v19 =	vmul.f32 v30, v19;
	v16 =	vmul.f32 v26, v16;
	v24 =	vadd.f32 v24, v25  }
0x54b: {  	v22 =	vld [tilespmem:s1+$0x800];
	v20 =	vmul.f32 v27, v20  }
0x54c: {  	v19 =	vadd.f32 v19, v21;
	v14 =	vadd.f32 v16, v14;
	v15 =	vmul.f32 v24, v15  }
0x54d: {  	v16 =	vld [tilespmem:s1+$0x1000]  }
0x54e: {  	v19 =	vadd.f32 v20, v19;
	v14 =	vsub.f32 v14, v15;
	_ =	sdelay $0x1  }
0x54f: {  	v15 =	vmul.f32 $4.000000000e+00, v19;
	v14 =	vmul.f32 v14, v22;
	_ =	sdelay $0x1  }
0x550: {  	v15 =	vsub.f32 v15, v17;
	v14 =	vadd.f32 v14, v16;
	_ =	sdelay $0x1  }
0x551: {  	v14 =	vadd.f32 v14, v15;
	_ =	sdelay $0x1  }
0x552: {  	v14 =	vsub.f32 $0.0e+00, v14;
	_ =	sdelay $0x1  }
0x553: {  	v14 =	vmul.f32 v14, v18;
	_ =	sdelay $0x1  }
0x554: {  	v14 =	vmul.f32 $1.442695020e+00, v14;
	_ =	sdelay $0x1  }
0x555: {  	(erf) = vpow2.f32 v14;
	_ =	sdelay $0x7  }
0x556: {  	v14 =	vld [tilespmem:s1+$0x2000]  }
0x557: {  	v16 =	vpop (erf)  }
0x558: {  	v16 =	vadd.f32 $1.000000000e+00, v16;
	_ =	sdelay $0x1  }
0x559: {  	(erf) = vrcp.f32 v16  }
0x55a: {  	v18 =	vadd.f32 v14, v14  }
0x55b: {  	v15 =	vadd.f32 v15, v17  }
0x55c: {  	v14 =	vadd.f32 $-5.000000000e-01, v14;
	v16 =	vsub.f32 $1.000000000e+00, v18  }
0x55d: {  	v17 =	vld [tilespmem:s1+$0x1800]  }
0x55e: {  	v14 =	vmul.f32 v14, v15;
	v13 =	vmul.f32 v16, v13  }
0x55f: {  	s22 =	simm.s32 $0x0  }
0x560: {  	v22 =	vmov s22;
	v13 =	vadd.f32 v13, v14  }
0x561: {  	v19 =	vshll.u32 v22, $0x7;
	v18 =	vadd.s32 v10, v12  }
0x562: {  	v16 =	vadd.s32 v18, v19;
	v13 =	vmul.f32 v13, v17;
	v17 =	vadd.s32 v9, v12;
	v14 =	vpop (erf)  }
0x563: {  	[tilespmem:s1+$0x16D80] =	vst v14;
	v14 =	vadd.s32 v17, v19;
	_ =	sdelay $0x1  }
0x564: {  	s24 =	simm.s32 $0x1  }
0x565: {  	v15 =	vmov s24  }
0x566: {  	v13 =	vadd.f32 v13, v23;
	v23 =	vshll.u32 v15, $0x7;
	v16 =	vld.idx.msk [tilespmem:v16+s23+$0x0], $0xffff  }
0x567: {  	v24 =	vadd.s32 v17, v23;
	v21 =	vld.idx.msk [tilespmem:v14+s23+$0x0], $0xffff  }
0x568: {  	v25 =	vadd.s32 v18, v23  }
0x569: {  	s25 =	simm.s32 $0x2  }
0x56a: {  	v14 =	vmov s25  }
0x56b: {  	v20 =	vshll.u32 v14, $0x7  }
0x56c: {  	v24 =	vld.idx.msk [tilespmem:v24+s23+$0x0], $0xffff;
	v29 =	vshll.u32 v16, $0x3;
	v26 =	vadd.s32 v17, v20;
	v28 =	vshll.u32 v21, $0x3  }
0x56d: {  	v25 =	vld.idx.msk [tilespmem:v25+s23+$0x0], $0xffff;
	v27 =	vadd.s32 v18, v20;
	v21 =	vand.u32 $0x7F, v21;
	v28 =	vand.u32 $0xFFFFFC00, v28  }
0x56e: {  	v16 =	vand.u32 $0x7F, v16;
	v21 =	vor.u32 v28, v21;
	v28 =	vand.u32 $0xFFFFFC00, v29  }
0x56f: {  	v29 =	vor.u32 v19, v21;
	v21 =	vor.u32 v28, v16  }
0x570: {  	s26 =	simm.s32 $0x3;
	v19 =	vor.u32 v19, v21  }
0x571: {  	v31 =	vld.idx.msk [tilespmem:v26+s23+$0x0], $0xffff;
	v26 =	vshll.u32 v24, $0x3;
	v16 =	vmov s26  }
0x572: {  	v59 =	vld.idx.msk [tilespmem:v27+s23+$0x0], $0xffff;
	v24 =	vand.u32 $0x7F, v24;
	v27 =	vshll.u32 v25, $0x3;
	v21 =	vshll.u32 v16, $0x7  }
0x573: {  	v25 =	vand.u32 $0x7F, v25;
	v26 =	vand.u32 $0xFFFFFC00, v26;
	v30 =	vadd.s32 v17, v21  }
0x574: {  	v24 =	vor.u32 v26, v24;
	v26 =	vand.u32 $0xFFFFFC00, v27;
	v58 =	vadd.s32 v18, v21;
	v60 =	vld.idx.msk [tilespmem:v29+s3+$0x0], $0xffff  }
0x575: {  	v24 =	vor.u32 v23, v24;
	v25 =	vor.u32 v26, v25;
	v61 =	vld.idx.msk [tilespmem:v19+s3+$0x0], $0xffff  }
0x576: {  	v25 =	vor.u32 v23, v25  }
0x577: {  	s31 =	simm.s32 $0x4;
	vm0 =	vmmov $0x3ff;
	v12 =	vimm.f32 $0.0e+00;
	v22 =	vld.idx.msk [tilespmem:v22+s29+$0x0], $0xffff  }
0x578: {  	v62 =	vand.u32 $0x7F, v31;
	v63 =	vshll.u32 v59, $0x3;
	v19 =	vmov s31;
	v26 =	vld.idx.msk [tilespmem:v30+s23+$0x0], $0xffff  }
0x579: {  	v32 =	vand.u32 $0x7F, v59;
	v23 =	vshll.u32 v19, $0x7;
	v27 =	vld.idx.msk [tilespmem:v58+s23+$0x0], $0xffff;
	v30 =	vshll.u32 v31, $0x3  }
0x57a: {  	v24 =	vld.idx.msk [tilespmem:v24+s3+$0x0], $0xffff;
	v28 =	vadd.s32 v17, v23;
	v31 =	vand.u32 $0xFFFFFC00, v30;
	v30 =	vmul.f32 v61, v60  }
0x57b: {  	s1 =	simm.s32 $0x5;
	v33 =	vand.u32 $0xFFFFFC00, v63;
	v29 =	vadd.s32 v18, v23;
	v25 =	vld.idx.msk [tilespmem:v25+s3+$0x0], $0xffff;
	v31 =	vor.u32 v31, v62  }
.LBB2_18:
0x57c: {  	p0 =	sne.s32 s1, $0x7;
	v31 =	vor.u32 v20, v31;
	v32 =	vor.u32 v33, v32;
	v30 =	vnsel vm0, $0x0, v30  }
0x57d: {  	v33 =	vmov s1;
	v34 =	vor.u32 v20, v32;
	v32 =	vmul.f32 v30, v22;
	v20 =	vmovc v21;
	v21 =	vmovc v23  }
.Ltmp8:
0x57e: {  	v23 =	vshll.u32 v33, $0x7;
	v22 =	vld.idx.msk [tilespmem:v15+s29+$0x0], $0xffff;
	v15 =	vmovc v14;
	v14 =	vmovc v16;
	v16 =	vmov v19;
	v19 =	vmov v33;
	(pc) =	sbr.rel @p0 .LBB2_18-.Ltmp8, $4  }
0x57f: {  	v12 =	vadd.f32 v32, v12;
	v30 =	vmov v26;
	v26 =	vld.idx.msk [tilespmem:v28+s23+$0x0], $0xffff;
	v28 =	vadd.s32 v17, v23  }
0x580: {  	v33 =	vmovc v27;
	v32 =	vand.u32 $0x7F, v30;
	v30 =	vshll.u32 v30, $0x3;
	v27 =	vld.idx.msk [tilespmem:v29+s23+$0x0], $0xffff;
	v29 =	vadd.s32 v18, v23  }
0x581: {  	v36 =	vshll.u32 v33, $0x3;
	v35 =	vand.u32 $0xFFFFFC00, v30;
	v30 =	vmul.f32 v25, v24;
	v24 =	vld.idx.msk [tilespmem:v31+s3+$0x0], $0xffff  }
0x582: {  	s1 =	sadd.s32 $0x1, s1;
	v31 =	vor.u32 v35, v32;
	v32 =	vand.u32 $0x7F, v33;
	v33 =	vand.u32 $0xFFFFFC00, v36;
	v25 =	vld.idx.msk [tilespmem:v34+s3+$0x0], $0xffff  }
0x583: {  	_ =	sdelay $0x3  }
0x584: {  	v17 =	vld.idx.msk [tilespmem:v28+s23+$0x0], $0xffff  }
0x585: {  	v18 =	vor.u32 v20, v31;
	v47 =	vor.u32 v33, v32;
	v29 =	vld.idx.msk [tilespmem:v29+s23+$0x0], $0xffff  }
0x586: {  	v48 =	vand.u32 $0x7F, v26;
	v49 =	vshll.u32 v26, $0x3;
	v50 =	vshll.u32 v27, $0x3  }
0x587: {  	v26 =	vand.u32 $0xFFFFFC00, v49;
	v51 =	vand.u32 $0x7F, v27;
	v32 =	vand.u32 $0xFFFFFC00, v50  }
0x588: {  	v52 =	vor.u32 v20, v47;
	v26 =	vor.u32 v26, v48;
	v27 =	vor.u32 v32, v51  }
0x589: {  	v26 =	vor.u32 v21, v26;
	v53 =	vor.u32 v21, v27;
	v54 =	vshll.u32 v17, $0x3  }
0x58a: {  	v17 =	vand.u32 $0x7F, v17;
	v55 =	vshll.u32 v29, $0x3;
	v27 =	vand.u32 $0xFFFFFC00, v54  }
0x58b: {  	v15 =	vld.idx.msk [tilespmem:v15+s29+$0x0], $0xffff;
	v56 =	vand.u32 $0x7F, v29;
	v28 =	vand.u32 $0xFFFFFC00, v55;
	v17 =	vor.u32 v27, v17  }
0x58c: {  	v14 =	vld.idx.msk [tilespmem:v14+s29+$0x0], $0xffff;
	v27 =	vor.u32 v28, v56;
	v17 =	vor.u32 v23, v17  }
0x58d: {  	v18 =	vld.idx.msk [tilespmem:v18+s3+$0x0], $0xffff;
	v57 =	vor.u32 v23, v27  }
0x58e: {  	v20 =	vld.idx.msk [tilespmem:v52+s3+$0x0], $0xffff  }
0x58f: {  	v26 =	vld.idx.msk [tilespmem:v26+s3+$0x0], $0xffff  }
0x590: {  	v21 =	vld.idx.msk [tilespmem:v53+s3+$0x0], $0xffff  }
0x591: {  	v58 =	vnsel vm0, $0x0, v30;
	v24 =	vmul.f32 v25, v24;
	v17 =	vld.idx.msk [tilespmem:v17+s3+$0x0], $0xffff  }
0x592: {  	vm12 =	vmmov $0x3ff;
	v22 =	vmul.f32 v58, v22;
	v23 =	vld.idx.msk [tilespmem:v57+s3+$0x0], $0xffff  }
0x593: {  	v16 =	vld.idx.msk [tilespmem:v16+s29+$0x0], $0xffff;
	v24 =	vnsel vm12, $0x0, v24;
	v18 =	vmul.f32 v20, v18  }
0x594: {  	vm13 =	vmmov $0x3ff;
	v12 =	vadd.f32 v22, v12;
	v15 =	vmul.f32 v24, v15  }
0x595: {  	v19 =	vld.idx.msk [tilespmem:v19+s29+$0x0], $0xffff;
	v18 =	vnsel vm13, $0x0, v18;
	v59 =	vmul.f32 v21, v26  }
0x596: {  	vm14 =	vmmov $0x3ff;
	v12 =	vadd.f32 v15, v12;
	v14 =	vmul.f32 v18, v14  }
0x597: {  	v60 =	vnsel vm14, $0x0, v59;
	v17 =	vmul.f32 v23, v17  }
0x598: {  	vm15 =	vmmov $0x3ff;
	v12 =	vadd.f32 v14, v12;
	v61 =	vmul.f32 v60, v16  }
0x599: {  	v62 =	vnsel vm15, $0x0, v17  }
0x59a: {  	v12 =	vadd.f32 v61, v12;
	v63 =	vmul.f32 v62, v19;
	_ =	sdelay $0x1  }
0x59b: {  	v12 =	vadd.f32 v63, v12;
	_ =	sdelay $0x1  }
0x59c: {  	s1 =	sld [smem:$0x7FB];
	v11 =	vmul.f32 v12, v11  }
0x59d: {  	[tilespmem:$0x17580] =	vst v13  }
0x59e: {  	s4 =	simm.s32 $0x16D80;
	[tilespmem:$0x17600] =	vst v11  }
0x59f: {  	[hbm4b:s1+s3] =	stream.linear.scatter [tilespmem:s4], [sflag:$0x2], $0x800, $0x38;
	[tilespmem:$0x17680] =	vst v63  }
0x5a0: {  	_ =	swait.ge [sflag:s2], $0x800  }
0x5a1: {  	s25 =	sld [smem:$0x7FC]  }
0x5a2: {  	[sflag:s2] =	ssyncset.done $0x0  }
0x5a3: {  	s26 =	simm.s32 $0x17580;
	[sflag:s2] =	ssyncadd.s32 $0xFFFFF800  }
0x5a4: {  	[hbm4b:s25+s3] =	stream.linear.scatter [tilespmem:s26], [sflag:$0x2], $0x100, $0x38;
	[tilespmem:$0x17680] =	vst v63  }
0x5a5: {  	_ =	swait.ge [sflag:s2], $0x100  }
0x5a6: {  	s31 =	sld [smem:$0x7FD];
	_ =	sdelay $0x1  }
0x5a7: {  	s0 =	sadd.s32 $0x1, s0  }
0x5a8: {  	p0 =	sne.s32 s0, s31  }
.Ltmp9:
0x5a9: {  	_ = 	snop;
	(pc) =	sbr.rel @p0 .LBB2_1-.Ltmp9, $3  }
0x5aa: {  	_ =	sdelay $0x1  }
0x5ab: {  	[sflag:s2] =	ssyncset.done $0x0  }
0x5ac: {  	[sflag:s2] =	ssyncadd.s32 $0xFFFFFF00  }
0x5ad: {  	_ =	sfence.sel $0x180000  }
0x5ae: {  	[bflag:$0x0] =	sbarrier.arrive $0xFFFF  }
0x5af: {  	_ =	strace $0x90000047  }
0x5b0: {  	s0 =	stileid.u32;
	[bflag:$0x2] =	sbarrier.arrive $0xFFFF  }
0x5b1: {  	p0 =	sne.s32 s0, $0x0;
	s0 =	rddreg [dreg:$0x7]  }
0x5b2: {  	s0 =	sadd.s32 @!p0 $0x100000, s0  }
0x5b3: {  	[sflag:s0] =	ssyncadd.tile.s32 @!p0 $0x1;
	_ =	shalt  }
.Lfunc_end2:
_tile_overlayer_lowered:
.L_overlay_start_2:
0x5b4: {  	(tag) =	ssettag $0x2  }
0x5b5: {  	s0 =	rddreg [dreg:$0x0];
	s2 =	stileid.u32  }
0x5b6: {  	s1 =	rddreg [dreg:$0x1];
	p0 =	sne.s32 s2, $0x0  }
0x5b7: {  	s3 =	rddreg [dreg:$0x2];
	[bflag:$0x3] =	sbarrier.arrive $0xFFFF;
	s2 =	simm.s32 @!p0 $0x1C02  }
0x5b8: {  	[timem:s3], [sflag:s2] =	dma.local @!p0 [hbm:s0], s1  }
0x5b9: {  	s0 =	simm.s32 @!p0 $0x2  }
0x5ba: {  	_ =	swait.ge @!p0 [sflag:s0], s1  }
0x5bb: {  	s1 =	ssub.s32 @!p0 $0x0, s1;
	[sflag:s0] =	ssyncset.done @!p0 $0x0  }
0x5bc: {  	[sflag:s0] =	ssyncadd.s32 @!p0 s1  }
0x5bd: {  	[bflag:$0x3] =	sbarrier.arrive $0xFFFF  }
0x5be: {  	_ =	shalt  }

</sc_bundles>
